<compile_context>
chip_gen: v7x
topology: tpu7x:2x2x1
jax: 0.10.2.dev20260603
libtpu: 0.0.44.dev20260713+nightly
codegen_flags: <defaults>
</compile_context>

<pallas_src>
import functools

import jax
import jax.numpy as jnp
from jax import lax
from jax.experimental import pallas as pl
from jax.experimental.pallas import tpu as pltpu
from jax.experimental.pallas import tpu_sc as plsc

N = 10000
E = 320000
D = 128
DH = D // 2

NC = 2
NS = 16
NW = NC * NS

EPW = E // NW
K = 125
NCHUNK = EPW // K
RING = 5
LOOKAHEAD = 3
ZW = 1000
NZB = N // ZW
CH = 200

_mesh = plsc.VectorSubcoreMesh(core_axis_name="c", subcore_axis_name="s")


@functools.partial(
    pl.kernel,
    out_type=jax.ShapeDtypeStruct((NC, NZB, 1, ZW), jnp.float32),
    mesh=_mesh,
    scratch_types=[
        pltpu.VMEM((NCHUNK, K), jnp.int32),
        pltpu.VMEM((128,), jnp.float32),
        pltpu.VMEM((ZW,), jnp.float32),
        pltpu.VMEM_SHARED((N,), jnp.float32),
    ],
    compiler_params=pltpu.CompilerParams(use_tc_tiling_on_sc=False),
)
def _deg_partials(ei_hbm, degp_hbm, dst_v, ones_v, zb_v, deg_sh):
    c = lax.axis_index("c")
    s = lax.axis_index("s")
    w = c * NS + s
    zeros16 = jnp.zeros((16,), jnp.float32)
    ones16 = jnp.ones((16,), jnp.float32)

    def fill_ones(i, _):
        ones_v[pl.ds(i * 16, 16)] = ones16
        return 0

    lax.fori_loop(0, 128 // 16, fill_ones, 0)

    def fill_zb(i, _):
        zb_v[pl.ds(i * 16, 16)] = zeros16
        return 0

    lax.fori_loop(0, ZW // 16, fill_zb, 0)

    @pl.when(s < NZB)
    def _():
        pltpu.sync_copy(zb_v, deg_sh.at[pl.ds(s * ZW, ZW)])

    pltpu.sync_copy(ei_hbm.at[1, w], dst_v)
    plsc.subcore_barrier()

    def count_body(j, _):
        pltpu.sync_copy(ones_v.at[pl.ds(0, K)], deg_sh.at[dst_v.at[j]],
                        add=True)
        return 0

    lax.fori_loop(0, NCHUNK, count_body, 0)
    plsc.subcore_barrier()

    @pl.when(s < NZB)
    def _():
        pltpu.sync_copy(deg_sh.at[pl.ds(s * ZW, ZW)], zb_v)
        pltpu.sync_copy(zb_v, degp_hbm.at[c, s, 0])


@functools.partial(
    pl.kernel,
    out_type=jax.ShapeDtypeStruct((NC, 2, N, DH), jnp.float32),
    mesh=_mesh,
    scratch_types=[
        pltpu.VMEM((NCHUNK, K), jnp.int32),
        pltpu.VMEM((NCHUNK, K), jnp.int32),
        pltpu.VMEM((RING, K, DH), jnp.float32),
        pltpu.VMEM((CH, DH), jnp.float32),
        pltpu.VMEM((CH, DH), jnp.float32),
        pltpu.VMEM_SHARED((N, DH), jnp.float32),
        pltpu.SemaphoreType.DMA((RING,)),
        pltpu.SemaphoreType.DMA((RING,)),
    ],
    compiler_params=pltpu.CompilerParams(use_tc_tiling_on_sc=False),
)
def _edge_segsum(yl_hbm, yh_hbm, ei_hbm, out_hbm,
                 src_v, dst_v, rows_v, zbuf, wbuf, acc_sh, gsem, ssem):
    c = lax.axis_index("c")
    s = lax.axis_index("s")
    w = c * NS + s
    zeros16 = jnp.zeros((16,), jnp.float32)

    def zbuf_body(i, _):
        zbuf[i // (DH // 16), pl.ds((i % (DH // 16)) * 16, 16)] = zeros16
        return 0

    lax.fori_loop(0, CH * (DH // 16), zbuf_body, 0)
    pltpu.sync_copy(ei_hbm.at[0, w], src_v)
    pltpu.sync_copy(ei_hbm.at[1, w], dst_v)

    for h, y_hbm in enumerate((yl_hbm, yh_hbm)):
        @pl.when(s < NZB)
        def _():
            def zero_acc(t, _):
                pltpu.sync_copy(zbuf, acc_sh.at[pl.ds(s * ZW + t * CH, CH)])
                return 0

            lax.fori_loop(0, ZW // CH, zero_acc, 0)

        plsc.subcore_barrier()

        for p in range(LOOKAHEAD):
            pltpu.async_copy(y_hbm.at[src_v.at[p]], rows_v.at[p],
                             gsem.at[p])

        def edge_block(blk, _):
            for p in range(RING):
                j = RING * blk + p
                pltpu.make_async_copy(y_hbm.at[src_v.at[j]],
                                      rows_v.at[p], gsem.at[p]).wait()
                pltpu.async_copy(rows_v.at[p], acc_sh.at[dst_v.at[j]],
                                 ssem.at[p], add=True)
                q = (p + LOOKAHEAD) % RING
                jn = j + LOOKAHEAD

                @pl.when(jn < NCHUNK)
                def _(p=p, q=q, j=j, jn=jn):
                    @pl.when(jn >= RING)
                    def _():
                        pltpu.make_async_copy(
                            rows_v.at[q],
                            acc_sh.at[dst_v.at[0]],
                            ssem.at[q]).wait()

                    pltpu.async_copy(y_hbm.at[src_v.at[jn]], rows_v.at[q],
                                     gsem.at[q])
            return 0

        lax.fori_loop(0, NCHUNK // RING, edge_block, 0)
        for j in range(NCHUNK - RING, NCHUNK):
            b = j % RING
            pltpu.make_async_copy(rows_v.at[b], acc_sh.at[dst_v.at[0]],
                                  ssem.at[b]).wait()
        plsc.subcore_barrier()

        @pl.when(s < NZB)
        def _():
            def write_body(t, _):
                r0 = s * ZW + t * CH
                pltpu.sync_copy(acc_sh.at[pl.ds(r0, CH)], wbuf)
                pltpu.sync_copy(wbuf, out_hbm.at[c, h, pl.ds(r0, CH)])
                return 0

            lax.fori_loop(0, ZW // CH, write_body, 0)

        plsc.subcore_barrier()


BR = 1000


def _dinv_block(degp_blk):
    deg = 1.0 + degp_blk[0, 0, 0] + degp_blk[1, 0, 0]
    return lax.rsqrt(deg)[:, None]


def _acc_block(acc_blk):
    return jnp.concatenate(
        [acc_blk[0, 0] + acc_blk[1, 0], acc_blk[0, 1] + acc_blk[1, 1]],
        axis=1)


def _split_out(y, ys_ref):
    ys_ref[0] = y[:, :DH]
    ys_ref[1] = y[:, DH:]


def _y1_body(x_ref, w_ref, degp_ref, y_ref, ys_ref):
    dinv = _dinv_block(degp_ref[...])
    y = jnp.dot(x_ref[...], w_ref[...],
                preferred_element_type=jnp.float32) * dinv
    y_ref[...] = y
    _split_out(y, ys_ref)


def _y2_body(acc_ref, y1_ref, w_ref, degp_ref, y2_ref, ys_ref):
    dinv = _dinv_block(degp_ref[...])
    h = jax.nn.relu((_acc_block(acc_ref[...]) + y1_ref[...]) * dinv)
    y2 = jnp.dot(h, w_ref[...], preferred_element_type=jnp.float32) * dinv
    y2_ref[...] = y2
    _split_out(y2, ys_ref)


def _out_body(acc_ref, y2_ref, degp_ref, o_ref):
    dinv = _dinv_block(degp_ref[...])
    o_ref[...] = (_acc_block(acc_ref[...]) + y2_ref[...]) * dinv


_row_spec = pl.BlockSpec((BR, D), lambda i: (i, 0))
_w_spec = pl.BlockSpec((D, D), lambda i: (0, 0))
_degp_spec = pl.BlockSpec((NC, 1, 1, ZW), lambda i: (0, i, 0, 0))
_acc_spec = pl.BlockSpec((NC, 2, BR, DH), lambda i: (0, 0, i, 0))
_ys_spec = pl.BlockSpec((2, BR, DH), lambda i: (0, i, 0))
_grid = (N // BR,)
_row_out = jax.ShapeDtypeStruct((N, D), jnp.float32)
_ys_out = jax.ShapeDtypeStruct((2, N, DH), jnp.float32)

_y1_call = pl.pallas_call(
    _y1_body, grid=_grid,
    in_specs=[_row_spec, _w_spec, _degp_spec],
    out_specs=[_row_spec, _ys_spec], out_shape=[_row_out, _ys_out])

_y2_call = pl.pallas_call(
    _y2_body, grid=_grid,
    in_specs=[_acc_spec, _row_spec, _w_spec, _degp_spec],
    out_specs=[_row_spec, _ys_spec], out_shape=[_row_out, _ys_out])

_out_call = pl.pallas_call(
    _out_body, grid=_grid,
    in_specs=[_acc_spec, _row_spec, _degp_spec],
    out_specs=_row_spec, out_shape=_row_out)


def kernel(x, edge_index, W1, W2):
    ei = edge_index.reshape(2, NW, NCHUNK, K)

    degp = _deg_partials(ei)
    y1, y1s = _y1_call(x, W1, degp)
    acc1 = _edge_segsum(y1s[0], y1s[1], ei)
    y2, y2s = _y2_call(acc1, y1, W2, degp)
    acc2 = _edge_segsum(y2s[0], y2s[1], ei)
    return _out_call(acc2, y2, degp)

# --- scband reference (transcript-rebuilt; emitter-appended) ---
"""Pipeline reference for scband-gat-71880572666191 (READ-ONLY COPY).

The authoritative reference and input builder live on the scoring server;
editing this copy changes nothing except your own understanding.
"""

import jax, jax.numpy as jnp
import numpy as np

N = 10000
E = 320000
D = 128


def gcn_conv(x, edge_index, W):
    # GCNConv with add_self_loops=True, symmetric normalization, bias=False
    n = x.shape[0]
    loop = jnp.arange(n, dtype=edge_index.dtype)
    src = jnp.concatenate([edge_index[0], loop])
    dst = jnp.concatenate([edge_index[1], loop])
    deg = jnp.zeros((n,), x.dtype).at[dst].add(jnp.ones_like(src, x.dtype))
    dinv = jnp.where(deg > 0, deg ** -0.5, 0.0)
    norm = dinv[src] * dinv[dst]
    xw = x @ W
    msgs = jnp.take(xw, src, axis=0) * norm[:, None]
    out = jnp.zeros_like(xw).at[dst].add(msgs)
    return out


def setup_inputs(seed: int = 0) -> dict:
    key = jax.random.key(seed)
    k1, k2, k3, k4 = jax.random.split(key, 4)
    x = jax.random.normal(k1, (N, D), dtype=jnp.float32)
    edge_index = jax.random.randint(k2, (2, E), 0, N, dtype=jnp.int32)
    # GCNConv linear weights (glorot-ish scale), bias=False
    W1 = jax.random.normal(k3, (D, D), dtype=jnp.float32) * (1.0 / np.sqrt(D))
    W2 = jax.random.normal(k4, (D, D), dtype=jnp.float32) * (1.0 / np.sqrt(D))
    return {"x": x, "edge_index": edge_index, "W1": W1, "W2": W2}


def reference(x, edge_index, W1, W2):
    # eval mode: dropout(p=0.1) is identity
    h = gcn_conv(x, edge_index, W1)
    h = jax.nn.relu(h)
    out = gcn_conv(h, edge_index, W2)
    return out

if __name__ == "__main__":
    import jax
    _d = setup_inputs()
    print(jax.jit(kernel)(*tuple(_d.values())))

</pallas_src>

<mosaic_0001>
#map = affine_map<(d0, d1) -> (0, 0, 0, 0)>
module attributes {stable_mosaic.version = 14 : i64} {
  func.func @_deg_partials(%arg0: i32, %arg1: i32, %arg2: memref<2x32x80x125xi32, #tpu.memory_space<hbm>>, %arg3: memref<2x10x1x1000xf32, #tpu.memory_space<hbm>>, %arg4: memref<80x125xi32, #tpu.memory_space<vmem>>, %arg5: memref<128xf32, #tpu.memory_space<vmem>>, %arg6: memref<1000xf32, #tpu.memory_space<vmem>>, %arg7: memref<10000xf32, #tpu.memory_space<vmem_shared>>) attributes {dimension_semantics = [#tpu.dimension_semantics<core_parallel>, #tpu.dimension_semantics<subcore_parallel>], iteration_bounds = array<i64: 2, 16>, scalar_prefetch = 0 : i64, scratch_operands = 4 : i64, tpu.core_type = #tpu.core_type<sc_vector_subcore>, window_params = [{transform_indices = #map}, {transform_indices = #map}]} {
    %mul3A = arith.constant 16 : i32
    %mul3A_0 = arith.muli %arg0, %mul3A : i32
    %add3A = arith.addi %mul3A_0, %arg1 : i32
    %broadcast_in_dim3A = arith.constant 0.000000e+00 : f32
    %broadcast_in_dim3A_1 = vector.broadcast %broadcast_in_dim3A : f32 to vector<16xf32>
    %broadcast_in_dim3A_2 = arith.constant 1.000000e+00 : f32
    %broadcast_in_dim3A_3 = vector.broadcast %broadcast_in_dim3A_2 : f32 to vector<16xf32>
    %scan3A = arith.constant 0 : i32
    %scan3A_4 = arith.constant 0 : i32
    %scan3A_5 = arith.constant 8 : i32
    %scan3A_6 = arith.addi %scan3A_4, %scan3A_5 : i32
    %scan3A_7 = arith.constant 1 : i32
    %scan3A_8 = scf.for %scan3A_32 = %scan3A_4 to %scan3A_6 step %scan3A_7 iter_args(%scan3A_33 = %scan3A) -> (i32)  : i32 {
      %mul3A_34 = arith.constant 16 : i32
      %mul3A_35 = arith.muli %scan3A_32, %mul3A_34 : i32
      %swap3A = arith.index_cast %mul3A_35 : i32 to index
      %swap3A_36 = tpu.vector_load %arg5[%swap3A] {strides = array<i32>} : memref<128xf32, #tpu.memory_space<vmem>>, vector<16xf32>,
      %swap3A_37 = vector.shape_cast %swap3A_36 : vector<16xf32> to vector<16xf32>
      %swap3A_38 = vector.shape_cast %broadcast_in_dim3A_3 : vector<16xf32> to vector<16xf32>
      tpu.vector_store %arg5[%swap3A], %swap3A_38 {strides = array<i32>} : memref<128xf32, #tpu.memory_space<vmem>>, vector<16xf32>,
      %scan3A_39 = arith.constant 0 : i32
      scf.yield %scan3A_39 : i32
    }
    %scan3A_9 = arith.constant 8 : i32
    %scan3A_10 = arith.constant 0 : i32
    %scan3A_11 = arith.constant 0 : i32
    %scan3A_12 = arith.constant 62 : i32
    %scan3A_13 = arith.addi %scan3A_11, %scan3A_12 : i32
    %scan3A_14 = arith.constant 1 : i32
    %scan3A_15 = scf.for %scan3A_32 = %scan3A_11 to %scan3A_13 step %scan3A_14 iter_args(%scan3A_33 = %scan3A_10) -> (i32)  : i32 {
      %mul3A_34 = arith.constant 16 : i32
      %mul3A_35 = arith.muli %scan3A_32, %mul3A_34 : i32
      %swap3A = arith.index_cast %mul3A_35 : i32 to index
      %swap3A_36 = tpu.vector_load %arg6[%swap3A] {strides = array<i32>} : memref<1000xf32, #tpu.memory_space<vmem>>, vector<16xf32>,
      %swap3A_37 = vector.shape_cast %swap3A_36 : vector<16xf32> to vector<16xf32>
      %swap3A_38 = vector.shape_cast %broadcast_in_dim3A_1 : vector<16xf32> to vector<16xf32>
      tpu.vector_store %arg6[%swap3A], %swap3A_38 {strides = array<i32>} : memref<1000xf32, #tpu.memory_space<vmem>>, vector<16xf32>,
      %scan3A_39 = arith.constant 0 : i32
      scf.yield %scan3A_39 : i32
    }
    %scan3A_16 = arith.constant 62 : i32
    %lt3A = arith.constant 10 : i32
    %lt3A_17 = arith.cmpi slt, %arg1, %lt3A : i32
    %convert_element_type3A = arith.extui %lt3A_17 : i1 to i32
    %cond3A = arith.constant 0 : i32
    %cond3A_18 = arith.cmpi ne, %convert_element_type3A, %cond3A : i32
    scf.if %cond3A_18 {
      %mul3A_32 = arith.constant 1000 : i32
      %mul3A_33 = arith.muli %arg1, %mul3A_32 : i32
      "tpu.region"() ({
        %run_scoped3A_34 = tpu.sem_alloc : memref<!tpu.dma_semaphore, #tpu.memory_space<semaphore_mem>>
        %dma_start3A = tpu.memref_slice %arg7[%mul3A_33] : memref<10000xf32, #tpu.memory_space<vmem_shared>> -> memref<1000xf32, #tpu.memory_space<vmem_shared>>
        %dma_start3A_35 = tpu.memref_slice %arg7[%mul3A_33] : memref<10000xf32, #tpu.memory_space<vmem_shared>> -> memref<1000xf32, #tpu.memory_space<vmem_shared>>
        tpu.enqueue_dma source(%arg6 : memref<1000xf32, #tpu.memory_space<vmem>>) target(%dma_start3A_35 : memref<1000xf32, #tpu.memory_space<vmem_shared>>) target_semaphore(%run_scoped3A_34 : memref<!tpu.dma_semaphore, #tpu.memory_space<semaphore_mem>>)
        %dma_wait3A = tpu.memref_slice %arg7[%mul3A_33] : memref<10000xf32, #tpu.memory_space<vmem_shared>> -> memref<1000xf32, #tpu.memory_space<vmem_shared>>
        %dma_wait3A_36 = tpu.memref_slice %arg7[%mul3A_33] : memref<10000xf32, #tpu.memory_space<vmem_shared>> -> memref<1000xf32, #tpu.memory_space<vmem_shared>>
        tpu.wait_dma2 semaphore(%run_scoped3A_34 : memref<!tpu.dma_semaphore, #tpu.memory_space<semaphore_mem>>) src(%arg6 : memref<1000xf32, #tpu.memory_space<vmem>>) dst(%dma_wait3A_36 : memref<1000xf32, #tpu.memory_space<vmem_shared>>)
        tpu.yield
      }) : () -> ()
    } else {
    }
    %run_scoped3A = arith.constant 1 : i32
    "tpu.region"() ({
      %run_scoped3A_32 = tpu.sem_alloc : memref<!tpu.dma_semaphore, #tpu.memory_space<semaphore_mem>>
      %dma_start3A = arith.constant 0 : i32
      %dma_start3A_33 = arith.constant 0 : i32
      %dma_start3A_34 = tpu.memref_slice %arg2[%run_scoped3A, %add3A, %dma_start3A, %dma_start3A_33] : memref<2x32x80x125xi32, #tpu.memory_space<hbm>> -> memref<1x1x80x125xi32, #tpu.memory_space<hbm>>
      %dma_start3A_35 = tpu.memref_squeeze %dma_start3A_34 : memref<1x1x80x125xi32, #tpu.memory_space<hbm>> -> memref<80x125xi32, #tpu.memory_space<hbm>>
      %dma_start3A_36 = arith.constant 0 : i32
      %dma_start3A_37 = arith.constant 0 : i32
      %dma_start3A_38 = tpu.memref_slice %arg2[%run_scoped3A, %add3A, %dma_start3A_36, %dma_start3A_37] : memref<2x32x80x125xi32, #tpu.memory_space<hbm>> -> memref<1x1x80x125xi32, #tpu.memory_space<hbm>>
      %dma_start3A_39 = tpu.memref_squeeze %dma_start3A_38 : memref<1x1x80x125xi32, #tpu.memory_space<hbm>> -> memref<80x125xi32, #tpu.memory_space<hbm>>
      tpu.enqueue_dma source(%dma_start3A_39 : memref<80x125xi32, #tpu.memory_space<hbm>>) target(%arg4 : memref<80x125xi32, #tpu.memory_space<vmem>>) target_semaphore(%run_scoped3A_32 : memref<!tpu.dma_semaphore, #tpu.memory_space<semaphore_mem>>)
      %dma_wait3A = arith.constant 0 : i32
      %dma_wait3A_40 = arith.constant 0 : i32
      %dma_wait3A_41 = tpu.memref_slice %arg2[%run_scoped3A, %add3A, %dma_wait3A, %dma_wait3A_40] : memref<2x32x80x125xi32, #tpu.memory_space<hbm>> -> memref<1x1x80x125xi32, #tpu.memory_space<hbm>>
      %dma_wait3A_42 = tpu.memref_squeeze %dma_wait3A_41 : memref<1x1x80x125xi32, #tpu.memory_space<hbm>> -> memref<80x125xi32, #tpu.memory_space<hbm>>
      %dma_wait3A_43 = arith.constant 0 : i32
      %dma_wait3A_44 = arith.constant 0 : i32
      %dma_wait3A_45 = tpu.memref_slice %arg2[%run_scoped3A, %add3A, %dma_wait3A_43, %dma_wait3A_44] : memref<2x32x80x125xi32, #tpu.memory_space<hbm>> -> memref<1x1x80x125xi32, #tpu.memory_space<hbm>>
      %dma_wait3A_46 = tpu.memref_squeeze %dma_wait3A_45 : memref<1x1x80x125xi32, #tpu.memory_space<hbm>> -> memref<80x125xi32, #tpu.memory_space<hbm>>
      tpu.wait_dma2 semaphore(%run_scoped3A_32 : memref<!tpu.dma_semaphore, #tpu.memory_space<semaphore_mem>>) src(%dma_wait3A_46 : memref<80x125xi32, #tpu.memory_space<hbm>>) dst(%arg4 : memref<80x125xi32, #tpu.memory_space<vmem>>)
      tpu.yield
    }) : () -> ()
    %barrier3A = arith.constant 0 : index
    tpu.barrier barrier_id(%barrier3A)
    %scan3A_19 = arith.constant 0 : i32
    %scan3A_20 = arith.constant 0 : i32
    %scan3A_21 = arith.constant 80 : i32
    %scan3A_22 = arith.addi %scan3A_20, %scan3A_21 : i32
    %scan3A_23 = arith.constant 1 : i32
    %scan3A_24 = scf.for %scan3A_32 = %scan3A_20 to %scan3A_22 step %scan3A_23 iter_args(%scan3A_33 = %scan3A_19) -> (i32)  : i32 {
      "tpu.region"() ({
        %run_scoped3A_35 = tpu.sem_alloc : memref<!tpu.dma_semaphore, #tpu.memory_space<semaphore_mem>>
        %dma_start3A = arith.constant 0 : i32
        %dma_start3A_36 = tpu.memref_slice %arg5[%dma_start3A] : memref<128xf32, #tpu.memory_space<vmem>> -> memref<125xf32, #tpu.memory_space<vmem>>
        %dma_start3A_37 = arith.constant 0 : i32
        %dma_start3A_38 = tpu.memref_slice %arg4[%scan3A_32, %dma_start3A_37] : memref<80x125xi32, #tpu.memory_space<vmem>> -> memref<1x125xi32, #tpu.memory_space<vmem>>
        %dma_start3A_39 = tpu.memref_squeeze %dma_start3A_38 : memref<1x125xi32, #tpu.memory_space<vmem>> -> memref<125xi32, #tpu.memory_space<vmem>>
        %dma_start3A_40 = arith.constant 0 : i32
        %dma_start3A_41 = tpu.memref_slice %arg7[%dma_start3A_40] : memref<10000xf32, #tpu.memory_space<vmem_shared>> -> memref<10000xf32, #tpu.memory_space<vmem_shared>>
        tpu.enqueue_indirect_dma source(%dma_start3A_36 : memref<125xf32, #tpu.memory_space<vmem>>) target(%dma_start3A_41 : memref<10000xf32, #tpu.memory_space<vmem_shared>>) offsets(%dma_start3A_39 : memref<125xi32, #tpu.memory_space<vmem>>) semaphore(%run_scoped3A_35 : memref<!tpu.dma_semaphore, #tpu.memory_space<semaphore_mem>>) {add = true}
        %dma_wait3A = arith.constant 0 : i32
        %dma_wait3A_42 = tpu.memref_slice %arg5[%dma_wait3A] : memref<128xf32, #tpu.memory_space<vmem>> -> memref<125xf32, #tpu.memory_space<vmem>>
        %dma_wait3A_43 = arith.constant 0 : i32
        %dma_wait3A_44 = tpu.memref_slice %arg4[%scan3A_32, %dma_wait3A_43] : memref<80x125xi32, #tpu.memory_space<vmem>> -> memref<1x125xi32, #tpu.memory_space<vmem>>
        %dma_wait3A_45 = tpu.memref_squeeze %dma_wait3A_44 : memref<1x125xi32, #tpu.memory_space<vmem>> -> memref<125xi32, #tpu.memory_space<vmem>>
        %dma_wait3A_46 = arith.constant 0 : i32
        %dma_wait3A_47 = tpu.memref_slice %arg7[%dma_wait3A_46] : memref<10000xf32, #tpu.memory_space<vmem_shared>> -> memref<10000xf32, #tpu.memory_space<vmem_shared>>
        tpu.wait_indirect_dma semaphore(%run_scoped3A_35 : memref<!tpu.dma_semaphore, #tpu.memory_space<semaphore_mem>>) src(%dma_wait3A_42 : memref<125xf32, #tpu.memory_space<vmem>>) dst(%dma_wait3A_47 : memref<10000xf32, #tpu.memory_space<vmem_shared>>)
        tpu.yield
      }) : () -> ()
      %scan3A_34 = arith.constant 0 : i32
      scf.yield %scan3A_34 : i32
    }
    %scan3A_25 = arith.constant 80 : i32
    %barrier3A_26 = arith.constant 0 : index
    tpu.barrier barrier_id(%barrier3A_26)
    %lt3A_27 = arith.constant 10 : i32
    %lt3A_28 = arith.cmpi slt, %arg1, %lt3A_27 : i32
    %convert_element_type3A_29 = arith.extui %lt3A_28 : i1 to i32
    %cond3A_30 = arith.constant 0 : i32
    %cond3A_31 = arith.cmpi ne, %convert_element_type3A_29, %cond3A_30 : i32
    scf.if %cond3A_31 {
      %mul3A_32 = arith.constant 1000 : i32
      %mul3A_33 = arith.muli %arg1, %mul3A_32 : i32
      "tpu.region"() ({
        %run_scoped3A_35 = tpu.sem_alloc : memref<!tpu.dma_semaphore, #tpu.memory_space<semaphore_mem>>
        %dma_start3A = tpu.memref_slice %arg7[%mul3A_33] : memref<10000xf32, #tpu.memory_space<vmem_shared>> -> memref<1000xf32, #tpu.memory_space<vmem_shared>>
        %dma_start3A_36 = tpu.memref_slice %arg7[%mul3A_33] : memref<10000xf32, #tpu.memory_space<vmem_shared>> -> memref<1000xf32, #tpu.memory_space<vmem_shared>>
        tpu.enqueue_dma source(%dma_start3A_36 : memref<1000xf32, #tpu.memory_space<vmem_shared>>) target(%arg6 : memref<1000xf32, #tpu.memory_space<vmem>>) target_semaphore(%run_scoped3A_35 : memref<!tpu.dma_semaphore, #tpu.memory_space<semaphore_mem>>)
        %dma_wait3A = tpu.memref_slice %arg7[%mul3A_33] : memref<10000xf32, #tpu.memory_space<vmem_shared>> -> memref<1000xf32, #tpu.memory_space<vmem_shared>>
        %dma_wait3A_37 = tpu.memref_slice %arg7[%mul3A_33] : memref<10000xf32, #tpu.memory_space<vmem_shared>> -> memref<1000xf32, #tpu.memory_space<vmem_shared>>
        tpu.wait_dma2 semaphore(%run_scoped3A_35 : memref<!tpu.dma_semaphore, #tpu.memory_space<semaphore_mem>>) src(%dma_wait3A_37 : memref<1000xf32, #tpu.memory_space<vmem_shared>>) dst(%arg6 : memref<1000xf32, #tpu.memory_space<vmem>>)
        tpu.yield
      }) : () -> ()
      %run_scoped3A_34 = arith.constant 0 : i32
      "tpu.region"() ({
        %run_scoped3A_35 = tpu.sem_alloc : memref<!tpu.dma_semaphore, #tpu.memory_space<semaphore_mem>>
        %dma_start3A = arith.constant 0 : i32
        %dma_start3A_36 = tpu.memref_slice %arg3[%arg0, %arg1, %run_scoped3A_34, %dma_start3A] : memref<2x10x1x1000xf32, #tpu.memory_space<hbm>> -> memref<1x1x1x1000xf32, #tpu.memory_space<hbm>>
        %dma_start3A_37 = tpu.memref_squeeze %dma_start3A_36 : memref<1x1x1x1000xf32, #tpu.memory_space<hbm>> -> memref<1000xf32, #tpu.memory_space<hbm>>
        %dma_start3A_38 = arith.constant 0 : i32
        %dma_start3A_39 = tpu.memref_slice %arg3[%arg0, %arg1, %run_scoped3A_34, %dma_start3A_38] : memref<2x10x1x1000xf32, #tpu.memory_space<hbm>> -> memref<1x1x1x1000xf32, #tpu.memory_space<hbm>>
        %dma_start3A_40 = tpu.memref_squeeze %dma_start3A_39 : memref<1x1x1x1000xf32, #tpu.memory_space<hbm>> -> memref<1000xf32, #tpu.memory_space<hbm>>
        tpu.enqueue_dma source(%arg6 : memref<1000xf32, #tpu.memory_space<vmem>>) target(%dma_start3A_40 : memref<1000xf32, #tpu.memory_space<hbm>>) target_semaphore(%run_scoped3A_35 : memref<!tpu.dma_semaphore, #tpu.memory_space<semaphore_mem>>)
        %dma_wait3A = arith.constant 0 : i32
        %dma_wait3A_41 = tpu.memref_slice %arg3[%arg0, %arg1, %run_scoped3A_34, %dma_wait3A] : memref<2x10x1x1000xf32, #tpu.memory_space<hbm>> -> memref<1x1x1x1000xf32, #tpu.memory_space<hbm>>
        %dma_wait3A_42 = tpu.memref_squeeze %dma_wait3A_41 : memref<1x1x1x1000xf32, #tpu.memory_space<hbm>> -> memref<1000xf32, #tpu.memory_space<hbm>>
        %dma_wait3A_43 = arith.constant 0 : i32
        %dma_wait3A_44 = tpu.memref_slice %arg3[%arg0, %arg1, %run_scoped3A_34, %dma_wait3A_43] : memref<2x10x1x1000xf32, #tpu.memory_space<hbm>> -> memref<1x1x1x1000xf32, #tpu.memory_space<hbm>>
        %dma_wait3A_45 = tpu.memref_squeeze %dma_wait3A_44 : memref<1x1x1x1000xf32, #tpu.memory_space<hbm>> -> memref<1000xf32, #tpu.memory_space<hbm>>
        tpu.wait_dma2 semaphore(%run_scoped3A_35 : memref<!tpu.dma_semaphore, #tpu.memory_space<semaphore_mem>>) src(%arg6 : memref<1000xf32, #tpu.memory_space<vmem>>) dst(%dma_wait3A_45 : memref<1000xf32, #tpu.memory_space<hbm>>)
        tpu.yield
      }) : () -> ()
    } else {
    }
    return
  }
}

#map = affine_map<(d0, d1) -> (0, 0)>
#map1 = affine_map<(d0, d1) -> (0, 0, 0, 0)>
module attributes {stable_mosaic.version = 14 : i64} {
  func.func @_edge_segsum(%arg0: i32, %arg1: i32, %arg2: memref<10000x64xf32, #tpu.memory_space<hbm>>, %arg3: memref<10000x64xf32, #tpu.memory_space<hbm>>, %arg4: memref<2x32x80x125xi32, #tpu.memory_space<hbm>>, %arg5: memref<2x2x10000x64xf32, #tpu.memory_space<hbm>>, %arg6: memref<80x125xi32, #tpu.memory_space<vmem>>, %arg7: memref<80x125xi32, #tpu.memory_space<vmem>>, %arg8: memref<5x125x64xf32, #tpu.memory_space<vmem>>, %arg9: memref<200x64xf32, #tpu.memory_space<vmem>>, %arg10: memref<200x64xf32, #tpu.memory_space<vmem>>, %arg11: memref<10000x64xf32, #tpu.memory_space<vmem_shared>>, %arg12: memref<5x!tpu.dma_semaphore, #tpu.memory_space<semaphore_mem>>, %arg13: memref<5x!tpu.dma_semaphore, #tpu.memory_space<semaphore_mem>>) attributes {dimension_semantics = [#tpu.dimension_semantics<core_parallel>, #tpu.dimension_semantics<subcore_parallel>], iteration_bounds = array<i64: 2, 16>, scalar_prefetch = 0 : i64, scratch_operands = 8 : i64, tpu.core_type = #tpu.core_type<sc_vector_subcore>, window_params = [{transform_indices = #map}, {transform_indices = #map}, {transform_indices = #map1}, {transform_indices = #map1}]} {
    %mul3A = arith.constant 16 : i32
    %mul3A_0 = arith.muli %arg0, %mul3A : i32
    %add3A = arith.addi %mul3A_0, %arg1 : i32
    %broadcast_in_dim3A = arith.constant 0.000000e+00 : f32
    %broadcast_in_dim3A_1 = vector.broadcast %broadcast_in_dim3A : f32 to vector<16xf32>
    %scan3A = arith.constant 0 : i32
    %scan3A_2 = arith.constant 0 : i32
    %scan3A_3 = arith.constant 800 : i32
    %scan3A_4 = arith.addi %scan3A_2, %scan3A_3 : i32
    %scan3A_5 = arith.constant 1 : i32
    %scan3A_6 = scf.for %scan3A_283 = %scan3A_2 to %scan3A_4 step %scan3A_5 iter_args(%scan3A_284 = %scan3A) -> (i32)  : i32 {
      %jit3A = arith.constant 4 : i32
      %div3A = arith.divsi %scan3A_283, %jit3A : i32
      %sign3A = arith.constant 0 : i32
      %sign3A_285 = arith.cmpi sgt, %scan3A_283, %sign3A : i32
      %sign3A_286 = arith.extui %sign3A_285 : i1 to i32
      %sign3A_287 = arith.constant 0 : i32
      %sign3A_288 = arith.cmpi slt, %scan3A_283, %sign3A_287 : i32
      %sign3A_289 = arith.extui %sign3A_288 : i1 to i32
      %sign3A_290 = arith.subi %sign3A_286, %sign3A_289 : i32
      %sign3A_291 = arith.constant 0 : i32
      %sign3A_292 = arith.cmpi sgt, %jit3A, %sign3A_291 : i32
      %sign3A_293 = arith.extui %sign3A_292 : i1 to i32
      %sign3A_294 = arith.constant 0 : i32
      %sign3A_295 = arith.cmpi slt, %jit3A, %sign3A_294 : i32
      %sign3A_296 = arith.extui %sign3A_295 : i1 to i32
      %sign3A_297 = arith.subi %sign3A_293, %sign3A_296 : i32
      %ne3A = arith.cmpi ne, %sign3A_290, %sign3A_297 : i32
      %rem3A = arith.remsi %scan3A_283, %jit3A : i32
      %ne3A_298 = arith.constant 0 : i32
      %ne3A_299 = arith.cmpi ne, %rem3A, %ne3A_298 : i32
      %and3A = arith.andi %ne3A, %ne3A_299 : i1
      %sub3A = arith.constant 1 : i32
      %sub3A_300 = arith.subi %div3A, %sub3A : i32
      %select_n3A = arith.select %and3A, %sub3A_300, %div3A : i32
      %jit3A_301 = arith.constant 4 : i32
      %eq3A = arith.constant 0 : i32
      %eq3A_302 = arith.cmpi eq, %jit3A_301, %eq3A : i32
      %jit3A_303 = arith.constant 1 : i32
      %select_n3A_304 = arith.select %eq3A_302, %jit3A_303, %jit3A_301 : i32
      %rem3A_305 = arith.remsi %scan3A_283, %select_n3A_304 : i32
      %ne3A_306 = arith.constant 0 : i32
      %ne3A_307 = arith.cmpi ne, %rem3A_305, %ne3A_306 : i32
      %lt3A_308 = arith.constant 0 : i32
      %lt3A_309 = arith.cmpi slt, %rem3A_305, %lt3A_308 : i32
      %lt3A_310 = arith.constant 0 : i32
      %lt3A_311 = arith.cmpi slt, %select_n3A_304, %lt3A_310 : i32
      %ne3A_312 = arith.xori %lt3A_309, %lt3A_311 : i1
      %and3A_313 = arith.andi %ne3A_312, %ne3A_307 : i1
      %add3A_314 = arith.addi %rem3A_305, %select_n3A_304 : i32
      %select_n3A_315 = arith.select %and3A_313, %add3A_314, %rem3A_305 : i32
      %mul3A_316 = arith.constant 16 : i32
      %mul3A_317 = arith.muli %select_n3A_315, %mul3A_316 : i32
      %swap3A = arith.index_cast %select_n3A : i32 to index
      %swap3A_318 = arith.index_cast %mul3A_317 : i32 to index
      %swap3A_319 = tpu.vector_load %arg9[%swap3A, %swap3A_318] {strides = array<i32>} : memref<200x64xf32, #tpu.memory_space<vmem>>, vector<1x16xf32>,
      %swap3A_320 = vector.shape_cast %swap3A_319 : vector<1x16xf32> to vector<16xf32>
      %swap3A_321 = vector.shape_cast %broadcast_in_dim3A_1 : vector<16xf32> to vector<1x16xf32>
      tpu.vector_store %arg9[%swap3A, %swap3A_318], %swap3A_321 {strides = array<i32>} : memref<200x64xf32, #tpu.memory_space<vmem>>, vector<1x16xf32>,
      %scan3A_322 = arith.constant 0 : i32
      scf.yield %scan3A_322 : i32
    }
    %scan3A_7 = arith.constant 800 : i32
    %run_scoped3A = arith.constant 0 : i32
    "tpu.region"() ({
      %run_scoped3A_283 = tpu.sem_alloc : memref<!tpu.dma_semaphore, #tpu.memory_space<semaphore_mem>>
      %dma_start3A_284 = arith.constant 0 : i32
      %dma_start3A_285 = arith.constant 0 : i32
      %dma_start3A_286 = tpu.memref_slice %arg4[%run_scoped3A, %add3A, %dma_start3A_284, %dma_start3A_285] : memref<2x32x80x125xi32, #tpu.memory_space<hbm>> -> memref<1x1x80x125xi32, #tpu.memory_space<hbm>>
      %dma_start3A_287 = tpu.memref_squeeze %dma_start3A_286 : memref<1x1x80x125xi32, #tpu.memory_space<hbm>> -> memref<80x125xi32, #tpu.memory_space<hbm>>
      %dma_start3A_288 = arith.constant 0 : i32
      %dma_start3A_289 = arith.constant 0 : i32
      %dma_start3A_290 = tpu.memref_slice %arg4[%run_scoped3A, %add3A, %dma_start3A_288, %dma_start3A_289] : memref<2x32x80x125xi32, #tpu.memory_space<hbm>> -> memref<1x1x80x125xi32, #tpu.memory_space<hbm>>
      %dma_start3A_291 = tpu.memref_squeeze %dma_start3A_290 : memref<1x1x80x125xi32, #tpu.memory_space<hbm>> -> memref<80x125xi32, #tpu.memory_space<hbm>>
      tpu.enqueue_dma source(%dma_start3A_291 : memref<80x125xi32, #tpu.memory_space<hbm>>) target(%arg6 : memref<80x125xi32, #tpu.memory_space<vmem>>) target_semaphore(%run_scoped3A_283 : memref<!tpu.dma_semaphore, #tpu.memory_space<semaphore_mem>>)
      %dma_wait3A_292 = arith.constant 0 : i32
      %dma_wait3A_293 = arith.constant 0 : i32
      %dma_wait3A_294 = tpu.memref_slice %arg4[%run_scoped3A, %add3A, %dma_wait3A_292, %dma_wait3A_293] : memref<2x32x80x125xi32, #tpu.memory_space<hbm>> -> memref<1x1x80x125xi32, #tpu.memory_space<hbm>>
      %dma_wait3A_295 = tpu.memref_squeeze %dma_wait3A_294 : memref<1x1x80x125xi32, #tpu.memory_space<hbm>> -> memref<80x125xi32, #tpu.memory_space<hbm>>
      %dma_wait3A_296 = arith.constant 0 : i32
      %dma_wait3A_297 = arith.constant 0 : i32
      %dma_wait3A_298 = tpu.memref_slice %arg4[%run_scoped3A, %add3A, %dma_wait3A_296, %dma_wait3A_297] : memref<2x32x80x125xi32, #tpu.memory_space<hbm>> -> memref<1x1x80x125xi32, #tpu.memory_space<hbm>>
      %dma_wait3A_299 = tpu.memref_squeeze %dma_wait3A_298 : memref<1x1x80x125xi32, #tpu.memory_space<hbm>> -> memref<80x125xi32, #tpu.memory_space<hbm>>
      tpu.wait_dma2 semaphore(%run_scoped3A_283 : memref<!tpu.dma_semaphore, #tpu.memory_space<semaphore_mem>>) src(%dma_wait3A_299 : memref<80x125xi32, #tpu.memory_space<hbm>>) dst(%arg6 : memref<80x125xi32, #tpu.memory_space<vmem>>)
      tpu.yield
    }) : () -> ()
    %run_scoped3A_8 = arith.constant 1 : i32
    "tpu.region"() ({
      %run_scoped3A_283 = tpu.sem_alloc : memref<!tpu.dma_semaphore, #tpu.memory_space<semaphore_mem>>
      %dma_start3A_284 = arith.constant 0 : i32
      %dma_start3A_285 = arith.constant 0 : i32
      %dma_start3A_286 = tpu.memref_slice %arg4[%run_scoped3A_8, %add3A, %dma_start3A_284, %dma_start3A_285] : memref<2x32x80x125xi32, #tpu.memory_space<hbm>> -> memref<1x1x80x125xi32, #tpu.memory_space<hbm>>
      %dma_start3A_287 = tpu.memref_squeeze %dma_start3A_286 : memref<1x1x80x125xi32, #tpu.memory_space<hbm>> -> memref<80x125xi32, #tpu.memory_space<hbm>>
      %dma_start3A_288 = arith.constant 0 : i32
      %dma_start3A_289 = arith.constant 0 : i32
      %dma_start3A_290 = tpu.memref_slice %arg4[%run_scoped3A_8, %add3A, %dma_start3A_288, %dma_start3A_289] : memref<2x32x80x125xi32, #tpu.memory_space<hbm>> -> memref<1x1x80x125xi32, #tpu.memory_space<hbm>>
      %dma_start3A_291 = tpu.memref_squeeze %dma_start3A_290 : memref<1x1x80x125xi32, #tpu.memory_space<hbm>> -> memref<80x125xi32, #tpu.memory_space<hbm>>
      tpu.enqueue_dma source(%dma_start3A_291 : memref<80x125xi32, #tpu.memory_space<hbm>>) target(%arg7 : memref<80x125xi32, #tpu.memory_space<vmem>>) target_semaphore(%run_scoped3A_283 : memref<!tpu.dma_semaphore, #tpu.memory_space<semaphore_mem>>)
      %dma_wait3A_292 = arith.constant 0 : i32
      %dma_wait3A_293 = arith.constant 0 : i32
      %dma_wait3A_294 = tpu.memref_slice %arg4[%run_scoped3A_8, %add3A, %dma_wait3A_292, %dma_wait3A_293] : memref<2x32x80x125xi32, #tpu.memory_space<hbm>> -> memref<1x1x80x125xi32, #tpu.memory_space<hbm>>
      %dma_wait3A_295 = tpu.memref_squeeze %dma_wait3A_294 : memref<1x1x80x125xi32, #tpu.memory_space<hbm>> -> memref<80x125xi32, #tpu.memory_space<hbm>>
      %dma_wait3A_296 = arith.constant 0 : i32
      %dma_wait3A_297 = arith.constant 0 : i32
      %dma_wait3A_298 = tpu.memref_slice %arg4[%run_scoped3A_8, %add3A, %dma_wait3A_296, %dma_wait3A_297] : memref<2x32x80x125xi32, #tpu.memory_space<hbm>> -> memref<1x1x80x125xi32, #tpu.memory_space<hbm>>
      %dma_wait3A_299 = tpu.memref_squeeze %dma_wait3A_298 : memref<1x1x80x125xi32, #tpu.memory_space<hbm>> -> memref<80x125xi32, #tpu.memory_space<hbm>>
      tpu.wait_dma2 semaphore(%run_scoped3A_283 : memref<!tpu.dma_semaphore, #tpu.memory_space<semaphore_mem>>) src(%dma_wait3A_299 : memref<80x125xi32, #tpu.memory_space<hbm>>) dst(%arg7 : memref<80x125xi32, #tpu.memory_space<vmem>>)
      tpu.yield
    }) : () -> ()
    %lt3A = arith.constant 10 : i32
    %lt3A_9 = arith.cmpi slt, %arg1, %lt3A : i32
    %convert_element_type3A = arith.extui %lt3A_9 : i1 to i32
    %cond3A = arith.constant 0 : i32
    %cond3A_10 = arith.cmpi ne, %convert_element_type3A, %cond3A : i32
    scf.if %cond3A_10 {
      %scan3A_283 = arith.constant 0 : i32
      %scan3A_284 = arith.constant 0 : i32
      %scan3A_285 = arith.constant 5 : i32
      %scan3A_286 = arith.addi %scan3A_284, %scan3A_285 : i32
      %scan3A_287 = arith.constant 1 : i32
      %scan3A_288 = scf.for %scan3A_290 = %scan3A_284 to %scan3A_286 step %scan3A_287 iter_args(%scan3A_291 = %scan3A_283) -> (i32)  : i32 {
        %mul3A_292 = arith.constant 1000 : i32
        %mul3A_293 = arith.muli %arg1, %mul3A_292 : i32
        %mul3A_294 = arith.constant 200 : i32
        %mul3A_295 = arith.muli %scan3A_290, %mul3A_294 : i32
        %add3A_296 = arith.addi %mul3A_293, %mul3A_295 : i32
        "tpu.region"() ({
          %run_scoped3A_298 = tpu.sem_alloc : memref<!tpu.dma_semaphore, #tpu.memory_space<semaphore_mem>>
          %dma_start3A_299 = arith.constant 0 : i32
          %dma_start3A_300 = tpu.memref_slice %arg11[%add3A_296, %dma_start3A_299] : memref<10000x64xf32, #tpu.memory_space<vmem_shared>> -> memref<200x64xf32, #tpu.memory_space<vmem_shared>>
          %dma_start3A_301 = arith.constant 0 : i32
          %dma_start3A_302 = tpu.memref_slice %arg11[%add3A_296, %dma_start3A_301] : memref<10000x64xf32, #tpu.memory_space<vmem_shared>> -> memref<200x64xf32, #tpu.memory_space<vmem_shared>>
          tpu.enqueue_dma source(%arg9 : memref<200x64xf32, #tpu.memory_space<vmem>>) target(%dma_start3A_302 : memref<200x64xf32, #tpu.memory_space<vmem_shared>>) target_semaphore(%run_scoped3A_298 : memref<!tpu.dma_semaphore, #tpu.memory_space<semaphore_mem>>)
          %dma_wait3A_303 = arith.constant 0 : i32
          %dma_wait3A_304 = tpu.memref_slice %arg11[%add3A_296, %dma_wait3A_303] : memref<10000x64xf32, #tpu.memory_space<vmem_shared>> -> memref<200x64xf32, #tpu.memory_space<vmem_shared>>
          %dma_wait3A_305 = arith.constant 0 : i32
          %dma_wait3A_306 = tpu.memref_slice %arg11[%add3A_296, %dma_wait3A_305] : memref<10000x64xf32, #tpu.memory_space<vmem_shared>> -> memref<200x64xf32, #tpu.memory_space<vmem_shared>>
          tpu.wait_dma2 semaphore(%run_scoped3A_298 : memref<!tpu.dma_semaphore, #tpu.memory_space<semaphore_mem>>) src(%arg9 : memref<200x64xf32, #tpu.memory_space<vmem>>) dst(%dma_wait3A_306 : memref<200x64xf32, #tpu.memory_space<vmem_shared>>)
          tpu.yield
        }) : () -> ()
        %scan3A_297 = arith.constant 0 : i32
        scf.yield %scan3A_297 : i32
      }
      %scan3A_289 = arith.constant 5 : i32
    } else {
    }
    %barrier3A = arith.constant 0 : index
    tpu.barrier barrier_id(%barrier3A)
    %dma_start3A = arith.constant 0 : i32
    %dma_start3A_11 = arith.constant 0 : i32
    %dma_start3A_12 = arith.constant 0 : i32
    %dma_start3A_13 = arith.constant 0 : i32
    %dma_start3A_14 = arith.constant 0 : i32
    %dma_start3A_15 = tpu.memref_slice %arg8[%dma_start3A_11, %dma_start3A_13, %dma_start3A_14] : memref<5x125x64xf32, #tpu.memory_space<vmem>> -> memref<1x125x64xf32, #tpu.memory_space<vmem>>
    %dma_start3A_16 = tpu.memref_squeeze %dma_start3A_15 : memref<1x125x64xf32, #tpu.memory_space<vmem>> -> memref<125x64xf32, #tpu.memory_space<vmem>>
    %dma_start3A_17 = arith.constant 0 : i32
    %dma_start3A_18 = tpu.memref_slice %arg6[%dma_start3A, %dma_start3A_17] : memref<80x125xi32, #tpu.memory_space<vmem>> -> memref<1x125xi32, #tpu.memory_space<vmem>>
    %dma_start3A_19 = tpu.memref_squeeze %dma_start3A_18 : memref<1x125xi32, #tpu.memory_space<vmem>> -> memref<125xi32, #tpu.memory_space<vmem>>
    %dma_start3A_20 = arith.constant 0 : i32
    %dma_start3A_21 = arith.constant 0 : i32
    %dma_start3A_22 = tpu.memref_slice %arg2[%dma_start3A_20, %dma_start3A_21] : memref<10000x64xf32, #tpu.memory_space<hbm>> -> memref<10000x64xf32, #tpu.memory_space<hbm>>
    %dma_start3A_23 = tpu.memref_slice %arg12[%dma_start3A_12] : memref<5x!tpu.dma_semaphore, #tpu.memory_space<semaphore_mem>> -> memref<1x!tpu.dma_semaphore, #tpu.memory_space<semaphore_mem>>
    %dma_start3A_24 = tpu.memref_squeeze %dma_start3A_23 : memref<1x!tpu.dma_semaphore, #tpu.memory_space<semaphore_mem>> -> memref<!tpu.dma_semaphore, #tpu.memory_space<semaphore_mem>>
    tpu.enqueue_indirect_dma source(%dma_start3A_22 : memref<10000x64xf32, #tpu.memory_space<hbm>>) target(%dma_start3A_16 : memref<125x64xf32, #tpu.memory_space<vmem>>) offsets(%dma_start3A_19 : memref<125xi32, #tpu.memory_space<vmem>>) semaphore(%dma_start3A_24 : memref<!tpu.dma_semaphore, #tpu.memory_space<semaphore_mem>>)
    %dma_start3A_25 = arith.constant 1 : i32
    %dma_start3A_26 = arith.constant 1 : i32
    %dma_start3A_27 = arith.constant 1 : i32
    %dma_start3A_28 = arith.constant 0 : i32
    %dma_start3A_29 = arith.constant 0 : i32
    %dma_start3A_30 = tpu.memref_slice %arg8[%dma_start3A_26, %dma_start3A_28, %dma_start3A_29] : memref<5x125x64xf32, #tpu.memory_space<vmem>> -> memref<1x125x64xf32, #tpu.memory_space<vmem>>
    %dma_start3A_31 = tpu.memref_squeeze %dma_start3A_30 : memref<1x125x64xf32, #tpu.memory_space<vmem>> -> memref<125x64xf32, #tpu.memory_space<vmem>>
    %dma_start3A_32 = arith.constant 0 : i32
    %dma_start3A_33 = tpu.memref_slice %arg6[%dma_start3A_25, %dma_start3A_32] : memref<80x125xi32, #tpu.memory_space<vmem>> -> memref<1x125xi32, #tpu.memory_space<vmem>>
    %dma_start3A_34 = tpu.memref_squeeze %dma_start3A_33 : memref<1x125xi32, #tpu.memory_space<vmem>> -> memref<125xi32, #tpu.memory_space<vmem>>
    %dma_start3A_35 = arith.constant 0 : i32
    %dma_start3A_36 = arith.constant 0 : i32
    %dma_start3A_37 = tpu.memref_slice %arg2[%dma_start3A_35, %dma_start3A_36] : memref<10000x64xf32, #tpu.memory_space<hbm>> -> memref<10000x64xf32, #tpu.memory_space<hbm>>
    %dma_start3A_38 = tpu.memref_slice %arg12[%dma_start3A_27] : memref<5x!tpu.dma_semaphore, #tpu.memory_space<semaphore_mem>> -> memref<1x!tpu.dma_semaphore, #tpu.memory_space<semaphore_mem>>
    %dma_start3A_39 = tpu.memref_squeeze %dma_start3A_38 : memref<1x!tpu.dma_semaphore, #tpu.memory_space<semaphore_mem>> -> memref<!tpu.dma_semaphore, #tpu.memory_space<semaphore_mem>>
    tpu.enqueue_indirect_dma source(%dma_start3A_37 : memref<10000x64xf32, #tpu.memory_space<hbm>>) target(%dma_start3A_31 : memref<125x64xf32, #tpu.memory_space<vmem>>) offsets(%dma_start3A_34 : memref<125xi32, #tpu.memory_space<vmem>>) semaphore(%dma_start3A_39 : memref<!tpu.dma_semaphore, #tpu.memory_space<semaphore_mem>>)
    %dma_start3A_40 = arith.constant 2 : i32
    %dma_start3A_41 = arith.constant 2 : i32
    %dma_start3A_42 = arith.constant 2 : i32
    %dma_start3A_43 = arith.constant 0 : i32
    %dma_start3A_44 = arith.constant 0 : i32
    %dma_start3A_45 = tpu.memref_slice %arg8[%dma_start3A_41, %dma_start3A_43, %dma_start3A_44] : memref<5x125x64xf32, #tpu.memory_space<vmem>> -> memref<1x125x64xf32, #tpu.memory_space<vmem>>
    %dma_start3A_46 = tpu.memref_squeeze %dma_start3A_45 : memref<1x125x64xf32, #tpu.memory_space<vmem>> -> memref<125x64xf32, #tpu.memory_space<vmem>>
    %dma_start3A_47 = arith.constant 0 : i32
    %dma_start3A_48 = tpu.memref_slice %arg6[%dma_start3A_40, %dma_start3A_47] : memref<80x125xi32, #tpu.memory_space<vmem>> -> memref<1x125xi32, #tpu.memory_space<vmem>>
    %dma_start3A_49 = tpu.memref_squeeze %dma_start3A_48 : memref<1x125xi32, #tpu.memory_space<vmem>> -> memref<125xi32, #tpu.memory_space<vmem>>
    %dma_start3A_50 = arith.constant 0 : i32
    %dma_start3A_51 = arith.constant 0 : i32
    %dma_start3A_52 = tpu.memref_slice %arg2[%dma_start3A_50, %dma_start3A_51] : memref<10000x64xf32, #tpu.memory_space<hbm>> -> memref<10000x64xf32, #tpu.memory_space<hbm>>
    %dma_start3A_53 = tpu.memref_slice %arg12[%dma_start3A_42] : memref<5x!tpu.dma_semaphore, #tpu.memory_space<semaphore_mem>> -> memref<1x!tpu.dma_semaphore, #tpu.memory_space<semaphore_mem>>
    %dma_start3A_54 = tpu.memref_squeeze %dma_start3A_53 : memref<1x!tpu.dma_semaphore, #tpu.memory_space<semaphore_mem>> -> memref<!tpu.dma_semaphore, #tpu.memory_space<semaphore_mem>>
    tpu.enqueue_indirect_dma source(%dma_start3A_52 : memref<10000x64xf32, #tpu.memory_space<hbm>>) target(%dma_start3A_46 : memref<125x64xf32, #tpu.memory_space<vmem>>) offsets(%dma_start3A_49 : memref<125xi32, #tpu.memory_space<vmem>>) semaphore(%dma_start3A_54 : memref<!tpu.dma_semaphore, #tpu.memory_space<semaphore_mem>>)
    %scan3A_55 = arith.constant 0 : i32
    %scan3A_56 = arith.constant 0 : i32
    %scan3A_57 = arith.constant 16 : i32
    %scan3A_58 = arith.addi %scan3A_56, %scan3A_57 : i32
    %scan3A_59 = arith.constant 1 : i32
    %scan3A_60 = scf.for %scan3A_283 = %scan3A_56 to %scan3A_58 step %scan3A_59 iter_args(%scan3A_284 = %scan3A_55) -> (i32)  : i32 {
      %mul3A_285 = arith.constant 5 : i32
      %mul3A_286 = arith.muli %mul3A_285, %scan3A_283 : i32
      %add3A_287 = arith.constant 0 : i32
      %add3A_288 = arith.addi %mul3A_286, %add3A_287 : i32
      %dma_wait3A_289 = arith.constant 0 : i32
      %dma_wait3A_290 = arith.constant 0 : i32
      %dma_wait3A_291 = arith.constant 0 : i32
      %dma_wait3A_292 = arith.constant 0 : i32
      %dma_wait3A_293 = tpu.memref_slice %arg8[%dma_wait3A_289, %dma_wait3A_291, %dma_wait3A_292] : memref<5x125x64xf32, #tpu.memory_space<vmem>> -> memref<1x125x64xf32, #tpu.memory_space<vmem>>
      %dma_wait3A_294 = tpu.memref_squeeze %dma_wait3A_293 : memref<1x125x64xf32, #tpu.memory_space<vmem>> -> memref<125x64xf32, #tpu.memory_space<vmem>>
      %dma_wait3A_295 = arith.constant 0 : i32
      %dma_wait3A_296 = tpu.memref_slice %arg6[%add3A_288, %dma_wait3A_295] : memref<80x125xi32, #tpu.memory_space<vmem>> -> memref<1x125xi32, #tpu.memory_space<vmem>>
      %dma_wait3A_297 = tpu.memref_squeeze %dma_wait3A_296 : memref<1x125xi32, #tpu.memory_space<vmem>> -> memref<125xi32, #tpu.memory_space<vmem>>
      %dma_wait3A_298 = arith.constant 0 : i32
      %dma_wait3A_299 = arith.constant 0 : i32
      %dma_wait3A_300 = tpu.memref_slice %arg2[%dma_wait3A_298, %dma_wait3A_299] : memref<10000x64xf32, #tpu.memory_space<hbm>> -> memref<10000x64xf32, #tpu.memory_space<hbm>>
      %dma_wait3A_301 = tpu.memref_slice %arg12[%dma_wait3A_290] : memref<5x!tpu.dma_semaphore, #tpu.memory_space<semaphore_mem>> -> memref<1x!tpu.dma_semaphore, #tpu.memory_space<semaphore_mem>>
      %dma_wait3A_302 = tpu.memref_squeeze %dma_wait3A_301 : memref<1x!tpu.dma_semaphore, #tpu.memory_space<semaphore_mem>> -> memref<!tpu.dma_semaphore, #tpu.memory_space<semaphore_mem>>
      tpu.wait_indirect_dma semaphore(%dma_wait3A_302 : memref<!tpu.dma_semaphore, #tpu.memory_space<semaphore_mem>>) src(%dma_wait3A_300 : memref<10000x64xf32, #tpu.memory_space<hbm>>) dst(%dma_wait3A_294 : memref<125x64xf32, #tpu.memory_space<vmem>>)
      %dma_start3A_303 = arith.constant 0 : i32
      %dma_start3A_304 = arith.constant 0 : i32
      %dma_start3A_305 = arith.constant 0 : i32
      %dma_start3A_306 = arith.constant 0 : i32
      %dma_start3A_307 = tpu.memref_slice %arg8[%dma_start3A_303, %dma_start3A_305, %dma_start3A_306] : memref<5x125x64xf32, #tpu.memory_space<vmem>> -> memref<1x125x64xf32, #tpu.memory_space<vmem>>
      %dma_start3A_308 = tpu.memref_squeeze %dma_start3A_307 : memref<1x125x64xf32, #tpu.memory_space<vmem>> -> memref<125x64xf32, #tpu.memory_space<vmem>>
      %dma_start3A_309 = arith.constant 0 : i32
      %dma_start3A_310 = tpu.memref_slice %arg7[%add3A_288, %dma_start3A_309] : memref<80x125xi32, #tpu.memory_space<vmem>> -> memref<1x125xi32, #tpu.memory_space<vmem>>
      %dma_start3A_311 = tpu.memref_squeeze %dma_start3A_310 : memref<1x125xi32, #tpu.memory_space<vmem>> -> memref<125xi32, #tpu.memory_space<vmem>>
      %dma_start3A_312 = arith.constant 0 : i32
      %dma_start3A_313 = arith.constant 0 : i32
      %dma_start3A_314 = tpu.memref_slice %arg11[%dma_start3A_312, %dma_start3A_313] : memref<10000x64xf32, #tpu.memory_space<vmem_shared>> -> memref<10000x64xf32, #tpu.memory_space<vmem_shared>>
      %dma_start3A_315 = tpu.memref_slice %arg13[%dma_start3A_304] : memref<5x!tpu.dma_semaphore, #tpu.memory_space<semaphore_mem>> -> memref<1x!tpu.dma_semaphore, #tpu.memory_space<semaphore_mem>>
      %dma_start3A_316 = tpu.memref_squeeze %dma_start3A_315 : memref<1x!tpu.dma_semaphore, #tpu.memory_space<semaphore_mem>> -> memref<!tpu.dma_semaphore, #tpu.memory_space<semaphore_mem>>
      tpu.enqueue_indirect_dma source(%dma_start3A_308 : memref<125x64xf32, #tpu.memory_space<vmem>>) target(%dma_start3A_314 : memref<10000x64xf32, #tpu.memory_space<vmem_shared>>) offsets(%dma_start3A_311 : memref<125xi32, #tpu.memory_space<vmem>>) semaphore(%dma_start3A_316 : memref<!tpu.dma_semaphore, #tpu.memory_space<semaphore_mem>>) {add = true}
      %add3A_317 = arith.constant 3 : i32
      %add3A_318 = arith.addi %add3A_288, %add3A_317 : i32
      %lt3A_319 = arith.constant 80 : i32
      %lt3A_320 = arith.cmpi slt, %add3A_318, %lt3A_319 : i32
      %convert_element_type3A_321 = arith.extui %lt3A_320 : i1 to i32
      %cond3A_322 = arith.constant 0 : i32
      %cond3A_323 = arith.cmpi ne, %convert_element_type3A_321, %cond3A_322 : i32
      scf.if %cond3A_323 {
        %ge3A = arith.constant 5 : i32
        %ge3A_481 = arith.cmpi sge, %add3A_318, %ge3A : i32
        %convert_element_type3A_482 = arith.extui %ge3A_481 : i1 to i32
        %cond3A_483 = arith.constant 0 : i32
        %cond3A_484 = arith.cmpi ne, %convert_element_type3A_482, %cond3A_483 : i32
        scf.if %cond3A_484 {
          %dma_wait3A_499 = arith.constant 3 : i32
          %dma_wait3A_500 = arith.constant 0 : i32
          %dma_wait3A_501 = arith.constant 3 : i32
          %dma_wait3A_502 = arith.constant 0 : i32
          %dma_wait3A_503 = arith.constant 0 : i32
          %dma_wait3A_504 = tpu.memref_slice %arg8[%dma_wait3A_499, %dma_wait3A_502, %dma_wait3A_503] : memref<5x125x64xf32, #tpu.memory_space<vmem>> -> memref<1x125x64xf32, #tpu.memory_space<vmem>>
          %dma_wait3A_505 = tpu.memref_squeeze %dma_wait3A_504 : memref<1x125x64xf32, #tpu.memory_space<vmem>> -> memref<125x64xf32, #tpu.memory_space<vmem>>
          %dma_wait3A_506 = arith.constant 0 : i32
          %dma_wait3A_507 = tpu.memref_slice %arg7[%dma_wait3A_500, %dma_wait3A_506] : memref<80x125xi32, #tpu.memory_space<vmem>> -> memref<1x125xi32, #tpu.memory_space<vmem>>
          %dma_wait3A_508 = tpu.memref_squeeze %dma_wait3A_507 : memref<1x125xi32, #tpu.memory_space<vmem>> -> memref<125xi32, #tpu.memory_space<vmem>>
          %dma_wait3A_509 = arith.constant 0 : i32
          %dma_wait3A_510 = arith.constant 0 : i32
          %dma_wait3A_511 = tpu.memref_slice %arg11[%dma_wait3A_509, %dma_wait3A_510] : memref<10000x64xf32, #tpu.memory_space<vmem_shared>> -> memref<10000x64xf32, #tpu.memory_space<vmem_shared>>
          %dma_wait3A_512 = tpu.memref_slice %arg13[%dma_wait3A_501] : memref<5x!tpu.dma_semaphore, #tpu.memory_space<semaphore_mem>> -> memref<1x!tpu.dma_semaphore, #tpu.memory_space<semaphore_mem>>
          %dma_wait3A_513 = tpu.memref_squeeze %dma_wait3A_512 : memref<1x!tpu.dma_semaphore, #tpu.memory_space<semaphore_mem>> -> memref<!tpu.dma_semaphore, #tpu.memory_space<semaphore_mem>>
          tpu.wait_indirect_dma semaphore(%dma_wait3A_513 : memref<!tpu.dma_semaphore, #tpu.memory_space<semaphore_mem>>) src(%dma_wait3A_505 : memref<125x64xf32, #tpu.memory_space<vmem>>) dst(%dma_wait3A_511 : memref<10000x64xf32, #tpu.memory_space<vmem_shared>>)
        } else {
        }
        %dma_start3A_485 = arith.constant 3 : i32
        %dma_start3A_486 = arith.constant 3 : i32
        %dma_start3A_487 = arith.constant 0 : i32
        %dma_start3A_488 = arith.constant 0 : i32
        %dma_start3A_489 = tpu.memref_slice %arg8[%dma_start3A_485, %dma_start3A_487, %dma_start3A_488] : memref<5x125x64xf32, #tpu.memory_space<vmem>> -> memref<1x125x64xf32, #tpu.memory_space<vmem>>
        %dma_start3A_490 = tpu.memref_squeeze %dma_start3A_489 : memref<1x125x64xf32, #tpu.memory_space<vmem>> -> memref<125x64xf32, #tpu.memory_space<vmem>>
        %dma_start3A_491 = arith.constant 0 : i32
        %dma_start3A_492 = tpu.memref_slice %arg6[%add3A_318, %dma_start3A_491] : memref<80x125xi32, #tpu.memory_space<vmem>> -> memref<1x125xi32, #tpu.memory_space<vmem>>
        %dma_start3A_493 = tpu.memref_squeeze %dma_start3A_492 : memref<1x125xi32, #tpu.memory_space<vmem>> -> memref<125xi32, #tpu.memory_space<vmem>>
        %dma_start3A_494 = arith.constant 0 : i32
        %dma_start3A_495 = arith.constant 0 : i32
        %dma_start3A_496 = tpu.memref_slice %arg2[%dma_start3A_494, %dma_start3A_495] : memref<10000x64xf32, #tpu.memory_space<hbm>> -> memref<10000x64xf32, #tpu.memory_space<hbm>>
        %dma_start3A_497 = tpu.memref_slice %arg12[%dma_start3A_486] : memref<5x!tpu.dma_semaphore, #tpu.memory_space<semaphore_mem>> -> memref<1x!tpu.dma_semaphore, #tpu.memory_space<semaphore_mem>>
        %dma_start3A_498 = tpu.memref_squeeze %dma_start3A_497 : memref<1x!tpu.dma_semaphore, #tpu.memory_space<semaphore_mem>> -> memref<!tpu.dma_semaphore, #tpu.memory_space<semaphore_mem>>
        tpu.enqueue_indirect_dma source(%dma_start3A_496 : memref<10000x64xf32, #tpu.memory_space<hbm>>) target(%dma_start3A_490 : memref<125x64xf32, #tpu.memory_space<vmem>>) offsets(%dma_start3A_493 : memref<125xi32, #tpu.memory_space<vmem>>) semaphore(%dma_start3A_498 : memref<!tpu.dma_semaphore, #tpu.memory_space<semaphore_mem>>)
      } else {
      }
      %mul3A_324 = arith.constant 5 : i32
      %mul3A_325 = arith.muli %mul3A_324, %scan3A_283 : i32
      %add3A_326 = arith.constant 1 : i32
      %add3A_327 = arith.addi %mul3A_325, %add3A_326 : i32
      %dma_wait3A_328 = arith.constant 1 : i32
      %dma_wait3A_329 = arith.constant 1 : i32
      %dma_wait3A_330 = arith.constant 0 : i32
      %dma_wait3A_331 = arith.constant 0 : i32
      %dma_wait3A_332 = tpu.memref_slice %arg8[%dma_wait3A_328, %dma_wait3A_330, %dma_wait3A_331] : memref<5x125x64xf32, #tpu.memory_space<vmem>> -> memref<1x125x64xf32, #tpu.memory_space<vmem>>
      %dma_wait3A_333 = tpu.memref_squeeze %dma_wait3A_332 : memref<1x125x64xf32, #tpu.memory_space<vmem>> -> memref<125x64xf32, #tpu.memory_space<vmem>>
      %dma_wait3A_334 = arith.constant 0 : i32
      %dma_wait3A_335 = tpu.memref_slice %arg6[%add3A_327, %dma_wait3A_334] : memref<80x125xi32, #tpu.memory_space<vmem>> -> memref<1x125xi32, #tpu.memory_space<vmem>>
      %dma_wait3A_336 = tpu.memref_squeeze %dma_wait3A_335 : memref<1x125xi32, #tpu.memory_space<vmem>> -> memref<125xi32, #tpu.memory_space<vmem>>
      %dma_wait3A_337 = arith.constant 0 : i32
      %dma_wait3A_338 = arith.constant 0 : i32
      %dma_wait3A_339 = tpu.memref_slice %arg2[%dma_wait3A_337, %dma_wait3A_338] : memref<10000x64xf32, #tpu.memory_space<hbm>> -> memref<10000x64xf32, #tpu.memory_space<hbm>>
      %dma_wait3A_340 = tpu.memref_slice %arg12[%dma_wait3A_329] : memref<5x!tpu.dma_semaphore, #tpu.memory_space<semaphore_mem>> -> memref<1x!tpu.dma_semaphore, #tpu.memory_space<semaphore_mem>>
      %dma_wait3A_341 = tpu.memref_squeeze %dma_wait3A_340 : memref<1x!tpu.dma_semaphore, #tpu.memory_space<semaphore_mem>> -> memref<!tpu.dma_semaphore, #tpu.memory_space<semaphore_mem>>
      tpu.wait_indirect_dma semaphore(%dma_wait3A_341 : memref<!tpu.dma_semaphore, #tpu.memory_space<semaphore_mem>>) src(%dma_wait3A_339 : memref<10000x64xf32, #tpu.memory_space<hbm>>) dst(%dma_wait3A_333 : memref<125x64xf32, #tpu.memory_space<vmem>>)
      %dma_start3A_342 = arith.constant 1 : i32
      %dma_start3A_343 = arith.constant 1 : i32
      %dma_start3A_344 = arith.constant 0 : i32
      %dma_start3A_345 = arith.constant 0 : i32
      %dma_start3A_346 = tpu.memref_slice %arg8[%dma_start3A_342, %dma_start3A_344, %dma_start3A_345] : memref<5x125x64xf32, #tpu.memory_space<vmem>> -> memref<1x125x64xf32, #tpu.memory_space<vmem>>
      %dma_start3A_347 = tpu.memref_squeeze %dma_start3A_346 : memref<1x125x64xf32, #tpu.memory_space<vmem>> -> memref<125x64xf32, #tpu.memory_space<vmem>>
      %dma_start3A_348 = arith.constant 0 : i32
      %dma_start3A_349 = tpu.memref_slice %arg7[%add3A_327, %dma_start3A_348] : memref<80x125xi32, #tpu.memory_space<vmem>> -> memref<1x125xi32, #tpu.memory_space<vmem>>
      %dma_start3A_350 = tpu.memref_squeeze %dma_start3A_349 : memref<1x125xi32, #tpu.memory_space<vmem>> -> memref<125xi32, #tpu.memory_space<vmem>>
      %dma_start3A_351 = arith.constant 0 : i32
      %dma_start3A_352 = arith.constant 0 : i32
      %dma_start3A_353 = tpu.memref_slice %arg11[%dma_start3A_351, %dma_start3A_352] : memref<10000x64xf32, #tpu.memory_space<vmem_shared>> -> memref<10000x64xf32, #tpu.memory_space<vmem_shared>>
      %dma_start3A_354 = tpu.memref_slice %arg13[%dma_start3A_343] : memref<5x!tpu.dma_semaphore, #tpu.memory_space<semaphore_mem>> -> memref<1x!tpu.dma_semaphore, #tpu.memory_space<semaphore_mem>>
      %dma_start3A_355 = tpu.memref_squeeze %dma_start3A_354 : memref<1x!tpu.dma_semaphore, #tpu.memory_space<semaphore_mem>> -> memref<!tpu.dma_semaphore, #tpu.memory_space<semaphore_mem>>
      tpu.enqueue_indirect_dma source(%dma_start3A_347 : memref<125x64xf32, #tpu.memory_space<vmem>>) target(%dma_start3A_353 : memref<10000x64xf32, #tpu.memory_space<vmem_shared>>) offsets(%dma_start3A_350 : memref<125xi32, #tpu.memory_space<vmem>>) semaphore(%dma_start3A_355 : memref<!tpu.dma_semaphore, #tpu.memory_space<semaphore_mem>>) {add = true}
      %add3A_356 = arith.constant 3 : i32
      %add3A_357 = arith.addi %add3A_327, %add3A_356 : i32
      %lt3A_358 = arith.constant 80 : i32
      %lt3A_359 = arith.cmpi slt, %add3A_357, %lt3A_358 : i32
      %convert_element_type3A_360 = arith.extui %lt3A_359 : i1 to i32
      %cond3A_361 = arith.constant 0 : i32
      %cond3A_362 = arith.cmpi ne, %convert_element_type3A_360, %cond3A_361 : i32
      scf.if %cond3A_362 {
        %ge3A = arith.constant 5 : i32
        %ge3A_481 = arith.cmpi sge, %add3A_357, %ge3A : i32
        %convert_element_type3A_482 = arith.extui %ge3A_481 : i1 to i32
        %cond3A_483 = arith.constant 0 : i32
        %cond3A_484 = arith.cmpi ne, %convert_element_type3A_482, %cond3A_483 : i32
        scf.if %cond3A_484 {
          %dma_wait3A_499 = arith.constant 4 : i32
          %dma_wait3A_500 = arith.constant 0 : i32
          %dma_wait3A_501 = arith.constant 4 : i32
          %dma_wait3A_502 = arith.constant 0 : i32
          %dma_wait3A_503 = arith.constant 0 : i32
          %dma_wait3A_504 = tpu.memref_slice %arg8[%dma_wait3A_499, %dma_wait3A_502, %dma_wait3A_503] : memref<5x125x64xf32, #tpu.memory_space<vmem>> -> memref<1x125x64xf32, #tpu.memory_space<vmem>>
          %dma_wait3A_505 = tpu.memref_squeeze %dma_wait3A_504 : memref<1x125x64xf32, #tpu.memory_space<vmem>> -> memref<125x64xf32, #tpu.memory_space<vmem>>
          %dma_wait3A_506 = arith.constant 0 : i32
          %dma_wait3A_507 = tpu.memref_slice %arg7[%dma_wait3A_500, %dma_wait3A_506] : memref<80x125xi32, #tpu.memory_space<vmem>> -> memref<1x125xi32, #tpu.memory_space<vmem>>
          %dma_wait3A_508 = tpu.memref_squeeze %dma_wait3A_507 : memref<1x125xi32, #tpu.memory_space<vmem>> -> memref<125xi32, #tpu.memory_space<vmem>>
          %dma_wait3A_509 = arith.constant 0 : i32
          %dma_wait3A_510 = arith.constant 0 : i32
          %dma_wait3A_511 = tpu.memref_slice %arg11[%dma_wait3A_509, %dma_wait3A_510] : memref<10000x64xf32, #tpu.memory_space<vmem_shared>> -> memref<10000x64xf32, #tpu.memory_space<vmem_shared>>
          %dma_wait3A_512 = tpu.memref_slice %arg13[%dma_wait3A_501] : memref<5x!tpu.dma_semaphore, #tpu.memory_space<semaphore_mem>> -> memref<1x!tpu.dma_semaphore, #tpu.memory_space<semaphore_mem>>
          %dma_wait3A_513 = tpu.memref_squeeze %dma_wait3A_512 : memref<1x!tpu.dma_semaphore, #tpu.memory_space<semaphore_mem>> -> memref<!tpu.dma_semaphore, #tpu.memory_space<semaphore_mem>>
          tpu.wait_indirect_dma semaphore(%dma_wait3A_513 : memref<!tpu.dma_semaphore, #tpu.memory_space<semaphore_mem>>) src(%dma_wait3A_505 : memref<125x64xf32, #tpu.memory_space<vmem>>) dst(%dma_wait3A_511 : memref<10000x64xf32, #tpu.memory_space<vmem_shared>>)
        } else {
        }
        %dma_start3A_485 = arith.constant 4 : i32
        %dma_start3A_486 = arith.constant 4 : i32
        %dma_start3A_487 = arith.constant 0 : i32
        %dma_start3A_488 = arith.constant 0 : i32
        %dma_start3A_489 = tpu.memref_slice %arg8[%dma_start3A_485, %dma_start3A_487, %dma_start3A_488] : memref<5x125x64xf32, #tpu.memory_space<vmem>> -> memref<1x125x64xf32, #tpu.memory_space<vmem>>
        %dma_start3A_490 = tpu.memref_squeeze %dma_start3A_489 : memref<1x125x64xf32, #tpu.memory_space<vmem>> -> memref<125x64xf32, #tpu.memory_space<vmem>>
        %dma_start3A_491 = arith.constant 0 : i32
        %dma_start3A_492 = tpu.memref_slice %arg6[%add3A_357, %dma_start3A_491] : memref<80x125xi32, #tpu.memory_space<vmem>> -> memref<1x125xi32, #tpu.memory_space<vmem>>
        %dma_start3A_493 = tpu.memref_squeeze %dma_start3A_492 : memref<1x125xi32, #tpu.memory_space<vmem>> -> memref<125xi32, #tpu.memory_space<vmem>>
        %dma_start3A_494 = arith.constant 0 : i32
        %dma_start3A_495 = arith.constant 0 : i32
        %dma_start3A_496 = tpu.memref_slice %arg2[%dma_start3A_494, %dma_start3A_495] : memref<10000x64xf32, #tpu.memory_space<hbm>> -> memref<10000x64xf32, #tpu.memory_space<hbm>>
        %dma_start3A_497 = tpu.memref_slice %arg12[%dma_start3A_486] : memref<5x!tpu.dma_semaphore, #tpu.memory_space<semaphore_mem>> -> memref<1x!tpu.dma_semaphore, #tpu.memory_space<semaphore_mem>>
        %dma_start3A_498 = tpu.memref_squeeze %dma_start3A_497 : memref<1x!tpu.dma_semaphore, #tpu.memory_space<semaphore_mem>> -> memref<!tpu.dma_semaphore, #tpu.memory_space<semaphore_mem>>
        tpu.enqueue_indirect_dma source(%dma_start3A_496 : memref<10000x64xf32, #tpu.memory_space<hbm>>) target(%dma_start3A_490 : memref<125x64xf32, #tpu.memory_space<vmem>>) offsets(%dma_start3A_493 : memref<125xi32, #tpu.memory_space<vmem>>) semaphore(%dma_start3A_498 : memref<!tpu.dma_semaphore, #tpu.memory_space<semaphore_mem>>)
      } else {
      }
      %mul3A_363 = arith.constant 5 : i32
      %mul3A_364 = arith.muli %mul3A_363, %scan3A_283 : i32
      %add3A_365 = arith.constant 2 : i32
      %add3A_366 = arith.addi %mul3A_364, %add3A_365 : i32
      %dma_wait3A_367 = arith.constant 2 : i32
      %dma_wait3A_368 = arith.constant 2 : i32
      %dma_wait3A_369 = arith.constant 0 : i32
      %dma_wait3A_370 = arith.constant 0 : i32
      %dma_wait3A_371 = tpu.memref_slice %arg8[%dma_wait3A_367, %dma_wait3A_369, %dma_wait3A_370] : memref<5x125x64xf32, #tpu.memory_space<vmem>> -> memref<1x125x64xf32, #tpu.memory_space<vmem>>
      %dma_wait3A_372 = tpu.memref_squeeze %dma_wait3A_371 : memref<1x125x64xf32, #tpu.memory_space<vmem>> -> memref<125x64xf32, #tpu.memory_space<vmem>>
      %dma_wait3A_373 = arith.constant 0 : i32
      %dma_wait3A_374 = tpu.memref_slice %arg6[%add3A_366, %dma_wait3A_373] : memref<80x125xi32, #tpu.memory_space<vmem>> -> memref<1x125xi32, #tpu.memory_space<vmem>>
      %dma_wait3A_375 = tpu.memref_squeeze %dma_wait3A_374 : memref<1x125xi32, #tpu.memory_space<vmem>> -> memref<125xi32, #tpu.memory_space<vmem>>
      %dma_wait3A_376 = arith.constant 0 : i32
      %dma_wait3A_377 = arith.constant 0 : i32
      %dma_wait3A_378 = tpu.memref_slice %arg2[%dma_wait3A_376, %dma_wait3A_377] : memref<10000x64xf32, #tpu.memory_space<hbm>> -> memref<10000x64xf32, #tpu.memory_space<hbm>>
      %dma_wait3A_379 = tpu.memref_slice %arg12[%dma_wait3A_368] : memref<5x!tpu.dma_semaphore, #tpu.memory_space<semaphore_mem>> -> memref<1x!tpu.dma_semaphore, #tpu.memory_space<semaphore_mem>>
      %dma_wait3A_380 = tpu.memref_squeeze %dma_wait3A_379 : memref<1x!tpu.dma_semaphore, #tpu.memory_space<semaphore_mem>> -> memref<!tpu.dma_semaphore, #tpu.memory_space<semaphore_mem>>
      tpu.wait_indirect_dma semaphore(%dma_wait3A_380 : memref<!tpu.dma_semaphore, #tpu.memory_space<semaphore_mem>>) src(%dma_wait3A_378 : memref<10000x64xf32, #tpu.memory_space<hbm>>) dst(%dma_wait3A_372 : memref<125x64xf32, #tpu.memory_space<vmem>>)
      %dma_start3A_381 = arith.constant 2 : i32
      %dma_start3A_382 = arith.constant 2 : i32
      %dma_start3A_383 = arith.constant 0 : i32
      %dma_start3A_384 = arith.constant 0 : i32
      %dma_start3A_385 = tpu.memref_slice %arg8[%dma_start3A_381, %dma_start3A_383, %dma_start3A_384] : memref<5x125x64xf32, #tpu.memory_space<vmem>> -> memref<1x125x64xf32, #tpu.memory_space<vmem>>
      %dma_start3A_386 = tpu.memref_squeeze %dma_start3A_385 : memref<1x125x64xf32, #tpu.memory_space<vmem>> -> memref<125x64xf32, #tpu.memory_space<vmem>>
      %dma_start3A_387 = arith.constant 0 : i32
      %dma_start3A_388 = tpu.memref_slice %arg7[%add3A_366, %dma_start3A_387] : memref<80x125xi32, #tpu.memory_space<vmem>> -> memref<1x125xi32, #tpu.memory_space<vmem>>
      %dma_start3A_389 = tpu.memref_squeeze %dma_start3A_388 : memref<1x125xi32, #tpu.memory_space<vmem>> -> memref<125xi32, #tpu.memory_space<vmem>>
      %dma_start3A_390 = arith.constant 0 : i32
      %dma_start3A_391 = arith.constant 0 : i32
      %dma_start3A_392 = tpu.memref_slice %arg11[%dma_start3A_390, %dma_start3A_391] : memref<10000x64xf32, #tpu.memory_space<vmem_shared>> -> memref<10000x64xf32, #tpu.memory_space<vmem_shared>>
      %dma_start3A_393 = tpu.memref_slice %arg13[%dma_start3A_382] : memref<5x!tpu.dma_semaphore, #tpu.memory_space<semaphore_mem>> -> memref<1x!tpu.dma_semaphore, #tpu.memory_space<semaphore_mem>>
      %dma_start3A_394 = tpu.memref_squeeze %dma_start3A_393 : memref<1x!tpu.dma_semaphore, #tpu.memory_space<semaphore_mem>> -> memref<!tpu.dma_semaphore, #tpu.memory_space<semaphore_mem>>
      tpu.enqueue_indirect_dma source(%dma_start3A_386 : memref<125x64xf32, #tpu.memory_space<vmem>>) target(%dma_start3A_392 : memref<10000x64xf32, #tpu.memory_space<vmem_shared>>) offsets(%dma_start3A_389 : memref<125xi32, #tpu.memory_space<vmem>>) semaphore(%dma_start3A_394 : memref<!tpu.dma_semaphore, #tpu.memory_space<semaphore_mem>>) {add = true}
      %add3A_395 = arith.constant 3 : i32
      %add3A_396 = arith.addi %add3A_366, %add3A_395 : i32
      %lt3A_397 = arith.constant 80 : i32
      %lt3A_398 = arith.cmpi slt, %add3A_396, %lt3A_397 : i32
      %convert_element_type3A_399 = arith.extui %lt3A_398 : i1 to i32
      %cond3A_400 = arith.constant 0 : i32
      %cond3A_401 = arith.cmpi ne, %convert_element_type3A_399, %cond3A_400 : i32
      scf.if %cond3A_401 {
        %ge3A = arith.constant 5 : i32
        %ge3A_481 = arith.cmpi sge, %add3A_396, %ge3A : i32
        %convert_element_type3A_482 = arith.extui %ge3A_481 : i1 to i32
        %cond3A_483 = arith.constant 0 : i32
        %cond3A_484 = arith.cmpi ne, %convert_element_type3A_482, %cond3A_483 : i32
        scf.if %cond3A_484 {
          %dma_wait3A_499 = arith.constant 0 : i32
          %dma_wait3A_500 = arith.constant 0 : i32
          %dma_wait3A_501 = arith.constant 0 : i32
          %dma_wait3A_502 = arith.constant 0 : i32
          %dma_wait3A_503 = arith.constant 0 : i32
          %dma_wait3A_504 = tpu.memref_slice %arg8[%dma_wait3A_499, %dma_wait3A_502, %dma_wait3A_503] : memref<5x125x64xf32, #tpu.memory_space<vmem>> -> memref<1x125x64xf32, #tpu.memory_space<vmem>>
          %dma_wait3A_505 = tpu.memref_squeeze %dma_wait3A_504 : memref<1x125x64xf32, #tpu.memory_space<vmem>> -> memref<125x64xf32, #tpu.memory_space<vmem>>
          %dma_wait3A_506 = arith.constant 0 : i32
          %dma_wait3A_507 = tpu.memref_slice %arg7[%dma_wait3A_500, %dma_wait3A_506] : memref<80x125xi32, #tpu.memory_space<vmem>> -> memref<1x125xi32, #tpu.memory_space<vmem>>
          %dma_wait3A_508 = tpu.memref_squeeze %dma_wait3A_507 : memref<1x125xi32, #tpu.memory_space<vmem>> -> memref<125xi32, #tpu.memory_space<vmem>>
          %dma_wait3A_509 = arith.constant 0 : i32
          %dma_wait3A_510 = arith.constant 0 : i32
          %dma_wait3A_511 = tpu.memref_slice %arg11[%dma_wait3A_509, %dma_wait3A_510] : memref<10000x64xf32, #tpu.memory_space<vmem_shared>> -> memref<10000x64xf32, #tpu.memory_space<vmem_shared>>
          %dma_wait3A_512 = tpu.memref_slice %arg13[%dma_wait3A_501] : memref<5x!tpu.dma_semaphore, #tpu.memory_space<semaphore_mem>> -> memref<1x!tpu.dma_semaphore, #tpu.memory_space<semaphore_mem>>
          %dma_wait3A_513 = tpu.memref_squeeze %dma_wait3A_512 : memref<1x!tpu.dma_semaphore, #tpu.memory_space<semaphore_mem>> -> memref<!tpu.dma_semaphore, #tpu.memory_space<semaphore_mem>>
          tpu.wait_indirect_dma semaphore(%dma_wait3A_513 : memref<!tpu.dma_semaphore, #tpu.memory_space<semaphore_mem>>) src(%dma_wait3A_505 : memref<125x64xf32, #tpu.memory_space<vmem>>) dst(%dma_wait3A_511 : memref<10000x64xf32, #tpu.memory_space<vmem_shared>>)
        } else {
        }
        %dma_start3A_485 = arith.constant 0 : i32
        %dma_start3A_486 = arith.constant 0 : i32
        %dma_start3A_487 = arith.constant 0 : i32
        %dma_start3A_488 = arith.constant 0 : i32
        %dma_start3A_489 = tpu.memref_slice %arg8[%dma_start3A_485, %dma_start3A_487, %dma_start3A_488] : memref<5x125x64xf32, #tpu.memory_space<vmem>> -> memref<1x125x64xf32, #tpu.memory_space<vmem>>
        %dma_start3A_490 = tpu.memref_squeeze %dma_start3A_489 : memref<1x125x64xf32, #tpu.memory_space<vmem>> -> memref<125x64xf32, #tpu.memory_space<vmem>>
        %dma_start3A_491 = arith.constant 0 : i32
        %dma_start3A_492 = tpu.memref_slice %arg6[%add3A_396, %dma_start3A_491] : memref<80x125xi32, #tpu.memory_space<vmem>> -> memref<1x125xi32, #tpu.memory_space<vmem>>
        %dma_start3A_493 = tpu.memref_squeeze %dma_start3A_492 : memref<1x125xi32, #tpu.memory_space<vmem>> -> memref<125xi32, #tpu.memory_space<vmem>>
        %dma_start3A_494 = arith.constant 0 : i32
        %dma_start3A_495 = arith.constant 0 : i32
        %dma_start3A_496 = tpu.memref_slice %arg2[%dma_start3A_494, %dma_start3A_495] : memref<10000x64xf32, #tpu.memory_space<hbm>> -> memref<10000x64xf32, #tpu.memory_space<hbm>>
        %dma_start3A_497 = tpu.memref_slice %arg12[%dma_start3A_486] : memref<5x!tpu.dma_semaphore, #tpu.memory_space<semaphore_mem>> -> memref<1x!tpu.dma_semaphore, #tpu.memory_space<semaphore_mem>>
        %dma_start3A_498 = tpu.memref_squeeze %dma_start3A_497 : memref<1x!tpu.dma_semaphore, #tpu.memory_space<semaphore_mem>> -> memref<!tpu.dma_semaphore, #tpu.memory_space<semaphore_mem>>
        tpu.enqueue_indirect_dma source(%dma_start3A_496 : memref<10000x64xf32, #tpu.memory_space<hbm>>) target(%dma_start3A_490 : memref<125x64xf32, #tpu.memory_space<vmem>>) offsets(%dma_start3A_493 : memref<125xi32, #tpu.memory_space<vmem>>) semaphore(%dma_start3A_498 : memref<!tpu.dma_semaphore, #tpu.memory_space<semaphore_mem>>)
      } else {
      }
      %mul3A_402 = arith.constant 5 : i32
      %mul3A_403 = arith.muli %mul3A_402, %scan3A_283 : i32
      %add3A_404 = arith.constant 3 : i32
      %add3A_405 = arith.addi %mul3A_403, %add3A_404 : i32
      %dma_wait3A_406 = arith.constant 3 : i32
      %dma_wait3A_407 = arith.constant 3 : i32
      %dma_wait3A_408 = arith.constant 0 : i32
      %dma_wait3A_409 = arith.constant 0 : i32
      %dma_wait3A_410 = tpu.memref_slice %arg8[%dma_wait3A_406, %dma_wait3A_408, %dma_wait3A_409] : memref<5x125x64xf32, #tpu.memory_space<vmem>> -> memref<1x125x64xf32, #tpu.memory_space<vmem>>
      %dma_wait3A_411 = tpu.memref_squeeze %dma_wait3A_410 : memref<1x125x64xf32, #tpu.memory_space<vmem>> -> memref<125x64xf32, #tpu.memory_space<vmem>>
      %dma_wait3A_412 = arith.constant 0 : i32
      %dma_wait3A_413 = tpu.memref_slice %arg6[%add3A_405, %dma_wait3A_412] : memref<80x125xi32, #tpu.memory_space<vmem>> -> memref<1x125xi32, #tpu.memory_space<vmem>>
      %dma_wait3A_414 = tpu.memref_squeeze %dma_wait3A_413 : memref<1x125xi32, #tpu.memory_space<vmem>> -> memref<125xi32, #tpu.memory_space<vmem>>
      %dma_wait3A_415 = arith.constant 0 : i32
      %dma_wait3A_416 = arith.constant 0 : i32
      %dma_wait3A_417 = tpu.memref_slice %arg2[%dma_wait3A_415, %dma_wait3A_416] : memref<10000x64xf32, #tpu.memory_space<hbm>> -> memref<10000x64xf32, #tpu.memory_space<hbm>>
      %dma_wait3A_418 = tpu.memref_slice %arg12[%dma_wait3A_407] : memref<5x!tpu.dma_semaphore, #tpu.memory_space<semaphore_mem>> -> memref<1x!tpu.dma_semaphore, #tpu.memory_space<semaphore_mem>>
      %dma_wait3A_419 = tpu.memref_squeeze %dma_wait3A_418 : memref<1x!tpu.dma_semaphore, #tpu.memory_space<semaphore_mem>> -> memref<!tpu.dma_semaphore, #tpu.memory_space<semaphore_mem>>
      tpu.wait_indirect_dma semaphore(%dma_wait3A_419 : memref<!tpu.dma_semaphore, #tpu.memory_space<semaphore_mem>>) src(%dma_wait3A_417 : memref<10000x64xf32, #tpu.memory_space<hbm>>) dst(%dma_wait3A_411 : memref<125x64xf32, #tpu.memory_space<vmem>>)
      %dma_start3A_420 = arith.constant 3 : i32
      %dma_start3A_421 = arith.constant 3 : i32
      %dma_start3A_422 = arith.constant 0 : i32
      %dma_start3A_423 = arith.constant 0 : i32
      %dma_start3A_424 = tpu.memref_slice %arg8[%dma_start3A_420, %dma_start3A_422, %dma_start3A_423] : memref<5x125x64xf32, #tpu.memory_space<vmem>> -> memref<1x125x64xf32, #tpu.memory_space<vmem>>
      %dma_start3A_425 = tpu.memref_squeeze %dma_start3A_424 : memref<1x125x64xf32, #tpu.memory_space<vmem>> -> memref<125x64xf32, #tpu.memory_space<vmem>>
      %dma_start3A_426 = arith.constant 0 : i32
      %dma_start3A_427 = tpu.memref_slice %arg7[%add3A_405, %dma_start3A_426] : memref<80x125xi32, #tpu.memory_space<vmem>> -> memref<1x125xi32, #tpu.memory_space<vmem>>
      %dma_start3A_428 = tpu.memref_squeeze %dma_start3A_427 : memref<1x125xi32, #tpu.memory_space<vmem>> -> memref<125xi32, #tpu.memory_space<vmem>>
      %dma_start3A_429 = arith.constant 0 : i32
      %dma_start3A_430 = arith.constant 0 : i32
      %dma_start3A_431 = tpu.memref_slice %arg11[%dma_start3A_429, %dma_start3A_430] : memref<10000x64xf32, #tpu.memory_space<vmem_shared>> -> memref<10000x64xf32, #tpu.memory_space<vmem_shared>>
      %dma_start3A_432 = tpu.memref_slice %arg13[%dma_start3A_421] : memref<5x!tpu.dma_semaphore, #tpu.memory_space<semaphore_mem>> -> memref<1x!tpu.dma_semaphore, #tpu.memory_space<semaphore_mem>>
      %dma_start3A_433 = tpu.memref_squeeze %dma_start3A_432 : memref<1x!tpu.dma_semaphore, #tpu.memory_space<semaphore_mem>> -> memref<!tpu.dma_semaphore, #tpu.memory_space<semaphore_mem>>
      tpu.enqueue_indirect_dma source(%dma_start3A_425 : memref<125x64xf32, #tpu.memory_space<vmem>>) target(%dma_start3A_431 : memref<10000x64xf32, #tpu.memory_space<vmem_shared>>) offsets(%dma_start3A_428 : memref<125xi32, #tpu.memory_space<vmem>>) semaphore(%dma_start3A_433 : memref<!tpu.dma_semaphore, #tpu.memory_space<semaphore_mem>>) {add = true}
      %add3A_434 = arith.constant 3 : i32
      %add3A_435 = arith.addi %add3A_405, %add3A_434 : i32
      %lt3A_436 = arith.constant 80 : i32
      %lt3A_437 = arith.cmpi slt, %add3A_435, %lt3A_436 : i32
      %convert_element_type3A_438 = arith.extui %lt3A_437 : i1 to i32
      %cond3A_439 = arith.constant 0 : i32
      %cond3A_440 = arith.cmpi ne, %convert_element_type3A_438, %cond3A_439 : i32
      scf.if %cond3A_440 {
        %ge3A = arith.constant 5 : i32
        %ge3A_481 = arith.cmpi sge, %add3A_435, %ge3A : i32
        %convert_element_type3A_482 = arith.extui %ge3A_481 : i1 to i32
        %cond3A_483 = arith.constant 0 : i32
        %cond3A_484 = arith.cmpi ne, %convert_element_type3A_482, %cond3A_483 : i32
        scf.if %cond3A_484 {
          %dma_wait3A_499 = arith.constant 1 : i32
          %dma_wait3A_500 = arith.constant 0 : i32
          %dma_wait3A_501 = arith.constant 1 : i32
          %dma_wait3A_502 = arith.constant 0 : i32
          %dma_wait3A_503 = arith.constant 0 : i32
          %dma_wait3A_504 = tpu.memref_slice %arg8[%dma_wait3A_499, %dma_wait3A_502, %dma_wait3A_503] : memref<5x125x64xf32, #tpu.memory_space<vmem>> -> memref<1x125x64xf32, #tpu.memory_space<vmem>>
          %dma_wait3A_505 = tpu.memref_squeeze %dma_wait3A_504 : memref<1x125x64xf32, #tpu.memory_space<vmem>> -> memref<125x64xf32, #tpu.memory_space<vmem>>
          %dma_wait3A_506 = arith.constant 0 : i32
          %dma_wait3A_507 = tpu.memref_slice %arg7[%dma_wait3A_500, %dma_wait3A_506] : memref<80x125xi32, #tpu.memory_space<vmem>> -> memref<1x125xi32, #tpu.memory_space<vmem>>
          %dma_wait3A_508 = tpu.memref_squeeze %dma_wait3A_507 : memref<1x125xi32, #tpu.memory_space<vmem>> -> memref<125xi32, #tpu.memory_space<vmem>>
          %dma_wait3A_509 = arith.constant 0 : i32
          %dma_wait3A_510 = arith.constant 0 : i32
          %dma_wait3A_511 = tpu.memref_slice %arg11[%dma_wait3A_509, %dma_wait3A_510] : memref<10000x64xf32, #tpu.memory_space<vmem_shared>> -> memref<10000x64xf32, #tpu.memory_space<vmem_shared>>
          %dma_wait3A_512 = tpu.memref_slice %arg13[%dma_wait3A_501] : memref<5x!tpu.dma_semaphore, #tpu.memory_space<semaphore_mem>> -> memref<1x!tpu.dma_semaphore, #tpu.memory_space<semaphore_mem>>
          %dma_wait3A_513 = tpu.memref_squeeze %dma_wait3A_512 : memref<1x!tpu.dma_semaphore, #tpu.memory_space<semaphore_mem>> -> memref<!tpu.dma_semaphore, #tpu.memory_space<semaphore_mem>>
          tpu.wait_indirect_dma semaphore(%dma_wait3A_513 : memref<!tpu.dma_semaphore, #tpu.memory_space<semaphore_mem>>) src(%dma_wait3A_505 : memref<125x64xf32, #tpu.memory_space<vmem>>) dst(%dma_wait3A_511 : memref<10000x64xf32, #tpu.memory_space<vmem_shared>>)
        } else {
        }
        %dma_start3A_485 = arith.constant 1 : i32
        %dma_start3A_486 = arith.constant 1 : i32
        %dma_start3A_487 = arith.constant 0 : i32
        %dma_start3A_488 = arith.constant 0 : i32
        %dma_start3A_489 = tpu.memref_slice %arg8[%dma_start3A_485, %dma_start3A_487, %dma_start3A_488] : memref<5x125x64xf32, #tpu.memory_space<vmem>> -> memref<1x125x64xf32, #tpu.memory_space<vmem>>
        %dma_start3A_490 = tpu.memref_squeeze %dma_start3A_489 : memref<1x125x64xf32, #tpu.memory_space<vmem>> -> memref<125x64xf32, #tpu.memory_space<vmem>>
        %dma_start3A_491 = arith.constant 0 : i32
        %dma_start3A_492 = tpu.memref_slice %arg6[%add3A_435, %dma_start3A_491] : memref<80x125xi32, #tpu.memory_space<vmem>> -> memref<1x125xi32, #tpu.memory_space<vmem>>
        %dma_start3A_493 = tpu.memref_squeeze %dma_start3A_492 : memref<1x125xi32, #tpu.memory_space<vmem>> -> memref<125xi32, #tpu.memory_space<vmem>>
        %dma_start3A_494 = arith.constant 0 : i32
        %dma_start3A_495 = arith.constant 0 : i32
        %dma_start3A_496 = tpu.memref_slice %arg2[%dma_start3A_494, %dma_start3A_495] : memref<10000x64xf32, #tpu.memory_space<hbm>> -> memref<10000x64xf32, #tpu.memory_space<hbm>>
        %dma_start3A_497 = tpu.memref_slice %arg12[%dma_start3A_486] : memref<5x!tpu.dma_semaphore, #tpu.memory_space<semaphore_mem>> -> memref<1x!tpu.dma_semaphore, #tpu.memory_space<semaphore_mem>>
        %dma_start3A_498 = tpu.memref_squeeze %dma_start3A_497 : memref<1x!tpu.dma_semaphore, #tpu.memory_space<semaphore_mem>> -> memref<!tpu.dma_semaphore, #tpu.memory_space<semaphore_mem>>
        tpu.enqueue_indirect_dma source(%dma_start3A_496 : memref<10000x64xf32, #tpu.memory_space<hbm>>) target(%dma_start3A_490 : memref<125x64xf32, #tpu.memory_space<vmem>>) offsets(%dma_start3A_493 : memref<125xi32, #tpu.memory_space<vmem>>) semaphore(%dma_start3A_498 : memref<!tpu.dma_semaphore, #tpu.memory_space<semaphore_mem>>)
      } else {
      }
      %mul3A_441 = arith.constant 5 : i32
      %mul3A_442 = arith.muli %mul3A_441, %scan3A_283 : i32
      %add3A_443 = arith.constant 4 : i32
      %add3A_444 = arith.addi %mul3A_442, %add3A_443 : i32
      %dma_wait3A_445 = arith.constant 4 : i32
      %dma_wait3A_446 = arith.constant 4 : i32
      %dma_wait3A_447 = arith.constant 0 : i32
      %dma_wait3A_448 = arith.constant 0 : i32
      %dma_wait3A_449 = tpu.memref_slice %arg8[%dma_wait3A_445, %dma_wait3A_447, %dma_wait3A_448] : memref<5x125x64xf32, #tpu.memory_space<vmem>> -> memref<1x125x64xf32, #tpu.memory_space<vmem>>
      %dma_wait3A_450 = tpu.memref_squeeze %dma_wait3A_449 : memref<1x125x64xf32, #tpu.memory_space<vmem>> -> memref<125x64xf32, #tpu.memory_space<vmem>>
      %dma_wait3A_451 = arith.constant 0 : i32
      %dma_wait3A_452 = tpu.memref_slice %arg6[%add3A_444, %dma_wait3A_451] : memref<80x125xi32, #tpu.memory_space<vmem>> -> memref<1x125xi32, #tpu.memory_space<vmem>>
      %dma_wait3A_453 = tpu.memref_squeeze %dma_wait3A_452 : memref<1x125xi32, #tpu.memory_space<vmem>> -> memref<125xi32, #tpu.memory_space<vmem>>
      %dma_wait3A_454 = arith.constant 0 : i32
      %dma_wait3A_455 = arith.constant 0 : i32
      %dma_wait3A_456 = tpu.memref_slice %arg2[%dma_wait3A_454, %dma_wait3A_455] : memref<10000x64xf32, #tpu.memory_space<hbm>> -> memref<10000x64xf32, #tpu.memory_space<hbm>>
      %dma_wait3A_457 = tpu.memref_slice %arg12[%dma_wait3A_446] : memref<5x!tpu.dma_semaphore, #tpu.memory_space<semaphore_mem>> -> memref<1x!tpu.dma_semaphore, #tpu.memory_space<semaphore_mem>>
      %dma_wait3A_458 = tpu.memref_squeeze %dma_wait3A_457 : memref<1x!tpu.dma_semaphore, #tpu.memory_space<semaphore_mem>> -> memref<!tpu.dma_semaphore, #tpu.memory_space<semaphore_mem>>
      tpu.wait_indirect_dma semaphore(%dma_wait3A_458 : memref<!tpu.dma_semaphore, #tpu.memory_space<semaphore_mem>>) src(%dma_wait3A_456 : memref<10000x64xf32, #tpu.memory_space<hbm>>) dst(%dma_wait3A_450 : memref<125x64xf32, #tpu.memory_space<vmem>>)
      %dma_start3A_459 = arith.constant 4 : i32
      %dma_start3A_460 = arith.constant 4 : i32
      %dma_start3A_461 = arith.constant 0 : i32
      %dma_start3A_462 = arith.constant 0 : i32
      %dma_start3A_463 = tpu.memref_slice %arg8[%dma_start3A_459, %dma_start3A_461, %dma_start3A_462] : memref<5x125x64xf32, #tpu.memory_space<vmem>> -> memref<1x125x64xf32, #tpu.memory_space<vmem>>
      %dma_start3A_464 = tpu.memref_squeeze %dma_start3A_463 : memref<1x125x64xf32, #tpu.memory_space<vmem>> -> memref<125x64xf32, #tpu.memory_space<vmem>>
      %dma_start3A_465 = arith.constant 0 : i32
      %dma_start3A_466 = tpu.memref_slice %arg7[%add3A_444, %dma_start3A_465] : memref<80x125xi32, #tpu.memory_space<vmem>> -> memref<1x125xi32, #tpu.memory_space<vmem>>
      %dma_start3A_467 = tpu.memref_squeeze %dma_start3A_466 : memref<1x125xi32, #tpu.memory_space<vmem>> -> memref<125xi32, #tpu.memory_space<vmem>>
      %dma_start3A_468 = arith.constant 0 : i32
      %dma_start3A_469 = arith.constant 0 : i32
      %dma_start3A_470 = tpu.memref_slice %arg11[%dma_start3A_468, %dma_start3A_469] : memref<10000x64xf32, #tpu.memory_space<vmem_shared>> -> memref<10000x64xf32, #tpu.memory_space<vmem_shared>>
      %dma_start3A_471 = tpu.memref_slice %arg13[%dma_start3A_460] : memref<5x!tpu.dma_semaphore, #tpu.memory_space<semaphore_mem>> -> memref<1x!tpu.dma_semaphore, #tpu.memory_space<semaphore_mem>>
      %dma_start3A_472 = tpu.memref_squeeze %dma_start3A_471 : memref<1x!tpu.dma_semaphore, #tpu.memory_space<semaphore_mem>> -> memref<!tpu.dma_semaphore, #tpu.memory_space<semaphore_mem>>
      tpu.enqueue_indirect_dma source(%dma_start3A_464 : memref<125x64xf32, #tpu.memory_space<vmem>>) target(%dma_start3A_470 : memref<10000x64xf32, #tpu.memory_space<vmem_shared>>) offsets(%dma_start3A_467 : memref<125xi32, #tpu.memory_space<vmem>>) semaphore(%dma_start3A_472 : memref<!tpu.dma_semaphore, #tpu.memory_space<semaphore_mem>>) {add = true}
      %add3A_473 = arith.constant 3 : i32
      %add3A_474 = arith.addi %add3A_444, %add3A_473 : i32
      %lt3A_475 = arith.constant 80 : i32
      %lt3A_476 = arith.cmpi slt, %add3A_474, %lt3A_475 : i32
      %convert_element_type3A_477 = arith.extui %lt3A_476 : i1 to i32
      %cond3A_478 = arith.constant 0 : i32
      %cond3A_479 = arith.cmpi ne, %convert_element_type3A_477, %cond3A_478 : i32
      scf.if %cond3A_479 {
        %ge3A = arith.constant 5 : i32
        %ge3A_481 = arith.cmpi sge, %add3A_474, %ge3A : i32
        %convert_element_type3A_482 = arith.extui %ge3A_481 : i1 to i32
        %cond3A_483 = arith.constant 0 : i32
        %cond3A_484 = arith.cmpi ne, %convert_element_type3A_482, %cond3A_483 : i32
        scf.if %cond3A_484 {
          %dma_wait3A_499 = arith.constant 2 : i32
          %dma_wait3A_500 = arith.constant 0 : i32
          %dma_wait3A_501 = arith.constant 2 : i32
          %dma_wait3A_502 = arith.constant 0 : i32
          %dma_wait3A_503 = arith.constant 0 : i32
          %dma_wait3A_504 = tpu.memref_slice %arg8[%dma_wait3A_499, %dma_wait3A_502, %dma_wait3A_503] : memref<5x125x64xf32, #tpu.memory_space<vmem>> -> memref<1x125x64xf32, #tpu.memory_space<vmem>>
          %dma_wait3A_505 = tpu.memref_squeeze %dma_wait3A_504 : memref<1x125x64xf32, #tpu.memory_space<vmem>> -> memref<125x64xf32, #tpu.memory_space<vmem>>
          %dma_wait3A_506 = arith.constant 0 : i32
          %dma_wait3A_507 = tpu.memref_slice %arg7[%dma_wait3A_500, %dma_wait3A_506] : memref<80x125xi32, #tpu.memory_space<vmem>> -> memref<1x125xi32, #tpu.memory_space<vmem>>
          %dma_wait3A_508 = tpu.memref_squeeze %dma_wait3A_507 : memref<1x125xi32, #tpu.memory_space<vmem>> -> memref<125xi32, #tpu.memory_space<vmem>>
          %dma_wait3A_509 = arith.constant 0 : i32
          %dma_wait3A_510 = arith.constant 0 : i32
          %dma_wait3A_511 = tpu.memref_slice %arg11[%dma_wait3A_509, %dma_wait3A_510] : memref<10000x64xf32, #tpu.memory_space<vmem_shared>> -> memref<10000x64xf32, #tpu.memory_space<vmem_shared>>
          %dma_wait3A_512 = tpu.memref_slice %arg13[%dma_wait3A_501] : memref<5x!tpu.dma_semaphore, #tpu.memory_space<semaphore_mem>> -> memref<1x!tpu.dma_semaphore, #tpu.memory_space<semaphore_mem>>
          %dma_wait3A_513 = tpu.memref_squeeze %dma_wait3A_512 : memref<1x!tpu.dma_semaphore, #tpu.memory_space<semaphore_mem>> -> memref<!tpu.dma_semaphore, #tpu.memory_space<semaphore_mem>>
          tpu.wait_indirect_dma semaphore(%dma_wait3A_513 : memref<!tpu.dma_semaphore, #tpu.memory_space<semaphore_mem>>) src(%dma_wait3A_505 : memref<125x64xf32, #tpu.memory_space<vmem>>) dst(%dma_wait3A_511 : memref<10000x64xf32, #tpu.memory_space<vmem_shared>>)
        } else {
        }
        %dma_start3A_485 = arith.constant 2 : i32
        %dma_start3A_486 = arith.constant 2 : i32
        %dma_start3A_487 = arith.constant 0 : i32
        %dma_start3A_488 = arith.constant 0 : i32
        %dma_start3A_489 = tpu.memref_slice %arg8[%dma_start3A_485, %dma_start3A_487, %dma_start3A_488] : memref<5x125x64xf32, #tpu.memory_space<vmem>> -> memref<1x125x64xf32, #tpu.memory_space<vmem>>
        %dma_start3A_490 = tpu.memref_squeeze %dma_start3A_489 : memref<1x125x64xf32, #tpu.memory_space<vmem>> -> memref<125x64xf32, #tpu.memory_space<vmem>>
        %dma_start3A_491 = arith.constant 0 : i32
        %dma_start3A_492 = tpu.memref_slice %arg6[%add3A_474, %dma_start3A_491] : memref<80x125xi32, #tpu.memory_space<vmem>> -> memref<1x125xi32, #tpu.memory_space<vmem>>
        %dma_start3A_493 = tpu.memref_squeeze %dma_start3A_492 : memref<1x125xi32, #tpu.memory_space<vmem>> -> memref<125xi32, #tpu.memory_space<vmem>>
        %dma_start3A_494 = arith.constant 0 : i32
        %dma_start3A_495 = arith.constant 0 : i32
        %dma_start3A_496 = tpu.memref_slice %arg2[%dma_start3A_494, %dma_start3A_495] : memref<10000x64xf32, #tpu.memory_space<hbm>> -> memref<10000x64xf32, #tpu.memory_space<hbm>>
        %dma_start3A_497 = tpu.memref_slice %arg12[%dma_start3A_486] : memref<5x!tpu.dma_semaphore, #tpu.memory_space<semaphore_mem>> -> memref<1x!tpu.dma_semaphore, #tpu.memory_space<semaphore_mem>>
        %dma_start3A_498 = tpu.memref_squeeze %dma_start3A_497 : memref<1x!tpu.dma_semaphore, #tpu.memory_space<semaphore_mem>> -> memref<!tpu.dma_semaphore, #tpu.memory_space<semaphore_mem>>
        tpu.enqueue_indirect_dma source(%dma_start3A_496 : memref<10000x64xf32, #tpu.memory_space<hbm>>) target(%dma_start3A_490 : memref<125x64xf32, #tpu.memory_space<vmem>>) offsets(%dma_start3A_493 : memref<125xi32, #tpu.memory_space<vmem>>) semaphore(%dma_start3A_498 : memref<!tpu.dma_semaphore, #tpu.memory_space<semaphore_mem>>)
      } else {
      }
      %scan3A_480 = arith.constant 0 : i32
      scf.yield %scan3A_480 : i32
    }
    %scan3A_61 = arith.constant 16 : i32
    %dma_wait3A = arith.constant 0 : i32
    %dma_wait3A_62 = arith.constant 0 : i32
    %dma_wait3A_63 = arith.constant 0 : i32
    %dma_wait3A_64 = arith.constant 0 : i32
    %dma_wait3A_65 = arith.constant 0 : i32
    %dma_wait3A_66 = tpu.memref_slice %arg8[%dma_wait3A, %dma_wait3A_64, %dma_wait3A_65] : memref<5x125x64xf32, #tpu.memory_space<vmem>> -> memref<1x125x64xf32, #tpu.memory_space<vmem>>
    %dma_wait3A_67 = tpu.memref_squeeze %dma_wait3A_66 : memref<1x125x64xf32, #tpu.memory_space<vmem>> -> memref<125x64xf32, #tpu.memory_space<vmem>>
    %dma_wait3A_68 = arith.constant 0 : i32
    %dma_wait3A_69 = tpu.memref_slice %arg7[%dma_wait3A_62, %dma_wait3A_68] : memref<80x125xi32, #tpu.memory_space<vmem>> -> memref<1x125xi32, #tpu.memory_space<vmem>>
    %dma_wait3A_70 = tpu.memref_squeeze %dma_wait3A_69 : memref<1x125xi32, #tpu.memory_space<vmem>> -> memref<125xi32, #tpu.memory_space<vmem>>
    %dma_wait3A_71 = arith.constant 0 : i32
    %dma_wait3A_72 = arith.constant 0 : i32
    %dma_wait3A_73 = tpu.memref_slice %arg11[%dma_wait3A_71, %dma_wait3A_72] : memref<10000x64xf32, #tpu.memory_space<vmem_shared>> -> memref<10000x64xf32, #tpu.memory_space<vmem_shared>>
    %dma_wait3A_74 = tpu.memref_slice %arg13[%dma_wait3A_63] : memref<5x!tpu.dma_semaphore, #tpu.memory_space<semaphore_mem>> -> memref<1x!tpu.dma_semaphore, #tpu.memory_space<semaphore_mem>>
    %dma_wait3A_75 = tpu.memref_squeeze %dma_wait3A_74 : memref<1x!tpu.dma_semaphore, #tpu.memory_space<semaphore_mem>> -> memref<!tpu.dma_semaphore, #tpu.memory_space<semaphore_mem>>
    tpu.wait_indirect_dma semaphore(%dma_wait3A_75 : memref<!tpu.dma_semaphore, #tpu.memory_space<semaphore_mem>>) src(%dma_wait3A_67 : memref<125x64xf32, #tpu.memory_space<vmem>>) dst(%dma_wait3A_73 : memref<10000x64xf32, #tpu.memory_space<vmem_shared>>)
    %dma_wait3A_76 = arith.constant 1 : i32
    %dma_wait3A_77 = arith.constant 0 : i32
    %dma_wait3A_78 = arith.constant 1 : i32
    %dma_wait3A_79 = arith.constant 0 : i32
    %dma_wait3A_80 = arith.constant 0 : i32
    %dma_wait3A_81 = tpu.memref_slice %arg8[%dma_wait3A_76, %dma_wait3A_79, %dma_wait3A_80] : memref<5x125x64xf32, #tpu.memory_space<vmem>> -> memref<1x125x64xf32, #tpu.memory_space<vmem>>
    %dma_wait3A_82 = tpu.memref_squeeze %dma_wait3A_81 : memref<1x125x64xf32, #tpu.memory_space<vmem>> -> memref<125x64xf32, #tpu.memory_space<vmem>>
    %dma_wait3A_83 = arith.constant 0 : i32
    %dma_wait3A_84 = tpu.memref_slice %arg7[%dma_wait3A_77, %dma_wait3A_83] : memref<80x125xi32, #tpu.memory_space<vmem>> -> memref<1x125xi32, #tpu.memory_space<vmem>>
    %dma_wait3A_85 = tpu.memref_squeeze %dma_wait3A_84 : memref<1x125xi32, #tpu.memory_space<vmem>> -> memref<125xi32, #tpu.memory_space<vmem>>
    %dma_wait3A_86 = arith.constant 0 : i32
    %dma_wait3A_87 = arith.constant 0 : i32
    %dma_wait3A_88 = tpu.memref_slice %arg11[%dma_wait3A_86, %dma_wait3A_87] : memref<10000x64xf32, #tpu.memory_space<vmem_shared>> -> memref<10000x64xf32, #tpu.memory_space<vmem_shared>>
    %dma_wait3A_89 = tpu.memref_slice %arg13[%dma_wait3A_78] : memref<5x!tpu.dma_semaphore, #tpu.memory_space<semaphore_mem>> -> memref<1x!tpu.dma_semaphore, #tpu.memory_space<semaphore_mem>>
    %dma_wait3A_90 = tpu.memref_squeeze %dma_wait3A_89 : memref<1x!tpu.dma_semaphore, #tpu.memory_space<semaphore_mem>> -> memref<!tpu.dma_semaphore, #tpu.memory_space<semaphore_mem>>
    tpu.wait_indirect_dma semaphore(%dma_wait3A_90 : memref<!tpu.dma_semaphore, #tpu.memory_space<semaphore_mem>>) src(%dma_wait3A_82 : memref<125x64xf32, #tpu.memory_space<vmem>>) dst(%dma_wait3A_88 : memref<10000x64xf32, #tpu.memory_space<vmem_shared>>)
    %dma_wait3A_91 = arith.constant 2 : i32
    %dma_wait3A_92 = arith.constant 0 : i32
    %dma_wait3A_93 = arith.constant 2 : i32
    %dma_wait3A_94 = arith.constant 0 : i32
    %dma_wait3A_95 = arith.constant 0 : i32
    %dma_wait3A_96 = tpu.memref_slice %arg8[%dma_wait3A_91, %dma_wait3A_94, %dma_wait3A_95] : memref<5x125x64xf32, #tpu.memory_space<vmem>> -> memref<1x125x64xf32, #tpu.memory_space<vmem>>
    %dma_wait3A_97 = tpu.memref_squeeze %dma_wait3A_96 : memref<1x125x64xf32, #tpu.memory_space<vmem>> -> memref<125x64xf32, #tpu.memory_space<vmem>>
    %dma_wait3A_98 = arith.constant 0 : i32
    %dma_wait3A_99 = tpu.memref_slice %arg7[%dma_wait3A_92, %dma_wait3A_98] : memref<80x125xi32, #tpu.memory_space<vmem>> -> memref<1x125xi32, #tpu.memory_space<vmem>>
    %dma_wait3A_100 = tpu.memref_squeeze %dma_wait3A_99 : memref<1x125xi32, #tpu.memory_space<vmem>> -> memref<125xi32, #tpu.memory_space<vmem>>
    %dma_wait3A_101 = arith.constant 0 : i32
    %dma_wait3A_102 = arith.constant 0 : i32
    %dma_wait3A_103 = tpu.memref_slice %arg11[%dma_wait3A_101, %dma_wait3A_102] : memref<10000x64xf32, #tpu.memory_space<vmem_shared>> -> memref<10000x64xf32, #tpu.memory_space<vmem_shared>>
    %dma_wait3A_104 = tpu.memref_slice %arg13[%dma_wait3A_93] : memref<5x!tpu.dma_semaphore, #tpu.memory_space<semaphore_mem>> -> memref<1x!tpu.dma_semaphore, #tpu.memory_space<semaphore_mem>>
    %dma_wait3A_105 = tpu.memref_squeeze %dma_wait3A_104 : memref<1x!tpu.dma_semaphore, #tpu.memory_space<semaphore_mem>> -> memref<!tpu.dma_semaphore, #tpu.memory_space<semaphore_mem>>
    tpu.wait_indirect_dma semaphore(%dma_wait3A_105 : memref<!tpu.dma_semaphore, #tpu.memory_space<semaphore_mem>>) src(%dma_wait3A_97 : memref<125x64xf32, #tpu.memory_space<vmem>>) dst(%dma_wait3A_103 : memref<10000x64xf32, #tpu.memory_space<vmem_shared>>)
    %dma_wait3A_106 = arith.constant 3 : i32
    %dma_wait3A_107 = arith.constant 0 : i32
    %dma_wait3A_108 = arith.constant 3 : i32
    %dma_wait3A_109 = arith.constant 0 : i32
    %dma_wait3A_110 = arith.constant 0 : i32
    %dma_wait3A_111 = tpu.memref_slice %arg8[%dma_wait3A_106, %dma_wait3A_109, %dma_wait3A_110] : memref<5x125x64xf32, #tpu.memory_space<vmem>> -> memref<1x125x64xf32, #tpu.memory_space<vmem>>
    %dma_wait3A_112 = tpu.memref_squeeze %dma_wait3A_111 : memref<1x125x64xf32, #tpu.memory_space<vmem>> -> memref<125x64xf32, #tpu.memory_space<vmem>>
    %dma_wait3A_113 = arith.constant 0 : i32
    %dma_wait3A_114 = tpu.memref_slice %arg7[%dma_wait3A_107, %dma_wait3A_113] : memref<80x125xi32, #tpu.memory_space<vmem>> -> memref<1x125xi32, #tpu.memory_space<vmem>>
    %dma_wait3A_115 = tpu.memref_squeeze %dma_wait3A_114 : memref<1x125xi32, #tpu.memory_space<vmem>> -> memref<125xi32, #tpu.memory_space<vmem>>
    %dma_wait3A_116 = arith.constant 0 : i32
    %dma_wait3A_117 = arith.constant 0 : i32
    %dma_wait3A_118 = tpu.memref_slice %arg11[%dma_wait3A_116, %dma_wait3A_117] : memref<10000x64xf32, #tpu.memory_space<vmem_shared>> -> memref<10000x64xf32, #tpu.memory_space<vmem_shared>>
    %dma_wait3A_119 = tpu.memref_slice %arg13[%dma_wait3A_108] : memref<5x!tpu.dma_semaphore, #tpu.memory_space<semaphore_mem>> -> memref<1x!tpu.dma_semaphore, #tpu.memory_space<semaphore_mem>>
    %dma_wait3A_120 = tpu.memref_squeeze %dma_wait3A_119 : memref<1x!tpu.dma_semaphore, #tpu.memory_space<semaphore_mem>> -> memref<!tpu.dma_semaphore, #tpu.memory_space<semaphore_mem>>
    tpu.wait_indirect_dma semaphore(%dma_wait3A_120 : memref<!tpu.dma_semaphore, #tpu.memory_space<semaphore_mem>>) src(%dma_wait3A_112 : memref<125x64xf32, #tpu.memory_space<vmem>>) dst(%dma_wait3A_118 : memref<10000x64xf32, #tpu.memory_space<vmem_shared>>)
    %dma_wait3A_121 = arith.constant 4 : i32
    %dma_wait3A_122 = arith.constant 0 : i32
    %dma_wait3A_123 = arith.constant 4 : i32
    %dma_wait3A_124 = arith.constant 0 : i32
    %dma_wait3A_125 = arith.constant 0 : i32
    %dma_wait3A_126 = tpu.memref_slice %arg8[%dma_wait3A_121, %dma_wait3A_124, %dma_wait3A_125] : memref<5x125x64xf32, #tpu.memory_space<vmem>> -> memref<1x125x64xf32, #tpu.memory_space<vmem>>
    %dma_wait3A_127 = tpu.memref_squeeze %dma_wait3A_126 : memref<1x125x64xf32, #tpu.memory_space<vmem>> -> memref<125x64xf32, #tpu.memory_space<vmem>>
    %dma_wait3A_128 = arith.constant 0 : i32
    %dma_wait3A_129 = tpu.memref_slice %arg7[%dma_wait3A_122, %dma_wait3A_128] : memref<80x125xi32, #tpu.memory_space<vmem>> -> memref<1x125xi32, #tpu.memory_space<vmem>>
    %dma_wait3A_130 = tpu.memref_squeeze %dma_wait3A_129 : memref<1x125xi32, #tpu.memory_space<vmem>> -> memref<125xi32, #tpu.memory_space<vmem>>
    %dma_wait3A_131 = arith.constant 0 : i32
    %dma_wait3A_132 = arith.constant 0 : i32
    %dma_wait3A_133 = tpu.memref_slice %arg11[%dma_wait3A_131, %dma_wait3A_132] : memref<10000x64xf32, #tpu.memory_space<vmem_shared>> -> memref<10000x64xf32, #tpu.memory_space<vmem_shared>>
    %dma_wait3A_134 = tpu.memref_slice %arg13[%dma_wait3A_123] : memref<5x!tpu.dma_semaphore, #tpu.memory_space<semaphore_mem>> -> memref<1x!tpu.dma_semaphore, #tpu.memory_space<semaphore_mem>>
    %dma_wait3A_135 = tpu.memref_squeeze %dma_wait3A_134 : memref<1x!tpu.dma_semaphore, #tpu.memory_space<semaphore_mem>> -> memref<!tpu.dma_semaphore, #tpu.memory_space<semaphore_mem>>
    tpu.wait_indirect_dma semaphore(%dma_wait3A_135 : memref<!tpu.dma_semaphore, #tpu.memory_space<semaphore_mem>>) src(%dma_wait3A_127 : memref<125x64xf32, #tpu.memory_space<vmem>>) dst(%dma_wait3A_133 : memref<10000x64xf32, #tpu.memory_space<vmem_shared>>)
    %barrier3A_136 = arith.constant 0 : index
    tpu.barrier barrier_id(%barrier3A_136)
    %lt3A_137 = arith.constant 10 : i32
    %lt3A_138 = arith.cmpi slt, %arg1, %lt3A_137 : i32
    %convert_element_type3A_139 = arith.extui %lt3A_138 : i1 to i32
    %cond3A_140 = arith.constant 0 : i32
    %cond3A_141 = arith.cmpi ne, %convert_element_type3A_139, %cond3A_140 : i32
    scf.if %cond3A_141 {
      %scan3A_283 = arith.constant 0 : i32
      %scan3A_284 = arith.constant 0 : i32
      %scan3A_285 = arith.constant 5 : i32
      %scan3A_286 = arith.addi %scan3A_284, %scan3A_285 : i32
      %scan3A_287 = arith.constant 1 : i32
      %scan3A_288 = scf.for %scan3A_290 = %scan3A_284 to %scan3A_286 step %scan3A_287 iter_args(%scan3A_291 = %scan3A_283) -> (i32)  : i32 {
        %mul3A_292 = arith.constant 1000 : i32
        %mul3A_293 = arith.muli %arg1, %mul3A_292 : i32
        %mul3A_294 = arith.constant 200 : i32
        %mul3A_295 = arith.muli %scan3A_290, %mul3A_294 : i32
        %add3A_296 = arith.addi %mul3A_293, %mul3A_295 : i32
        "tpu.region"() ({
          %run_scoped3A_299 = tpu.sem_alloc : memref<!tpu.dma_semaphore, #tpu.memory_space<semaphore_mem>>
          %dma_start3A_300 = arith.constant 0 : i32
          %dma_start3A_301 = tpu.memref_slice %arg11[%add3A_296, %dma_start3A_300] : memref<10000x64xf32, #tpu.memory_space<vmem_shared>> -> memref<200x64xf32, #tpu.memory_space<vmem_shared>>
          %dma_start3A_302 = arith.constant 0 : i32
          %dma_start3A_303 = tpu.memref_slice %arg11[%add3A_296, %dma_start3A_302] : memref<10000x64xf32, #tpu.memory_space<vmem_shared>> -> memref<200x64xf32, #tpu.memory_space<vmem_shared>>
          tpu.enqueue_dma source(%dma_start3A_303 : memref<200x64xf32, #tpu.memory_space<vmem_shared>>) target(%arg10 : memref<200x64xf32, #tpu.memory_space<vmem>>) target_semaphore(%run_scoped3A_299 : memref<!tpu.dma_semaphore, #tpu.memory_space<semaphore_mem>>)
          %dma_wait3A_304 = arith.constant 0 : i32
          %dma_wait3A_305 = tpu.memref_slice %arg11[%add3A_296, %dma_wait3A_304] : memref<10000x64xf32, #tpu.memory_space<vmem_shared>> -> memref<200x64xf32, #tpu.memory_space<vmem_shared>>
          %dma_wait3A_306 = arith.constant 0 : i32
          %dma_wait3A_307 = tpu.memref_slice %arg11[%add3A_296, %dma_wait3A_306] : memref<10000x64xf32, #tpu.memory_space<vmem_shared>> -> memref<200x64xf32, #tpu.memory_space<vmem_shared>>
          tpu.wait_dma2 semaphore(%run_scoped3A_299 : memref<!tpu.dma_semaphore, #tpu.memory_space<semaphore_mem>>) src(%dma_wait3A_307 : memref<200x64xf32, #tpu.memory_space<vmem_shared>>) dst(%arg10 : memref<200x64xf32, #tpu.memory_space<vmem>>)
          tpu.yield
        }) : () -> ()
        %run_scoped3A_297 = arith.constant 0 : i32
        "tpu.region"() ({
          %run_scoped3A_299 = tpu.sem_alloc : memref<!tpu.dma_semaphore, #tpu.memory_space<semaphore_mem>>
          %dma_start3A_300 = arith.constant 0 : i32
          %dma_start3A_301 = tpu.memref_slice %arg5[%arg0, %run_scoped3A_297, %add3A_296, %dma_start3A_300] : memref<2x2x10000x64xf32, #tpu.memory_space<hbm>> -> memref<1x1x200x64xf32, #tpu.memory_space<hbm>>
          %dma_start3A_302 = tpu.memref_squeeze %dma_start3A_301 : memref<1x1x200x64xf32, #tpu.memory_space<hbm>> -> memref<200x64xf32, #tpu.memory_space<hbm>>
          %dma_start3A_303 = arith.constant 0 : i32
          %dma_start3A_304 = tpu.memref_slice %arg5[%arg0, %run_scoped3A_297, %add3A_296, %dma_start3A_303] : memref<2x2x10000x64xf32, #tpu.memory_space<hbm>> -> memref<1x1x200x64xf32, #tpu.memory_space<hbm>>
          %dma_start3A_305 = tpu.memref_squeeze %dma_start3A_304 : memref<1x1x200x64xf32, #tpu.memory_space<hbm>> -> memref<200x64xf32, #tpu.memory_space<hbm>>
          tpu.enqueue_dma source(%arg10 : memref<200x64xf32, #tpu.memory_space<vmem>>) target(%dma_start3A_305 : memref<200x64xf32, #tpu.memory_space<hbm>>) target_semaphore(%run_scoped3A_299 : memref<!tpu.dma_semaphore, #tpu.memory_space<semaphore_mem>>)
          %dma_wait3A_306 = arith.constant 0 : i32
          %dma_wait3A_307 = tpu.memref_slice %arg5[%arg0, %run_scoped3A_297, %add3A_296, %dma_wait3A_306] : memref<2x2x10000x64xf32, #tpu.memory_space<hbm>> -> memref<1x1x200x64xf32, #tpu.memory_space<hbm>>
          %dma_wait3A_308 = tpu.memref_squeeze %dma_wait3A_307 : memref<1x1x200x64xf32, #tpu.memory_space<hbm>> -> memref<200x64xf32, #tpu.memory_space<hbm>>
          %dma_wait3A_309 = arith.constant 0 : i32
          %dma_wait3A_310 = tpu.memref_slice %arg5[%arg0, %run_scoped3A_297, %add3A_296, %dma_wait3A_309] : memref<2x2x10000x64xf32, #tpu.memory_space<hbm>> -> memref<1x1x200x64xf32, #tpu.memory_space<hbm>>
          %dma_wait3A_311 = tpu.memref_squeeze %dma_wait3A_310 : memref<1x1x200x64xf32, #tpu.memory_space<hbm>> -> memref<200x64xf32, #tpu.memory_space<hbm>>
          tpu.wait_dma2 semaphore(%run_scoped3A_299 : memref<!tpu.dma_semaphore, #tpu.memory_space<semaphore_mem>>) src(%arg10 : memref<200x64xf32, #tpu.memory_space<vmem>>) dst(%dma_wait3A_311 : memref<200x64xf32, #tpu.memory_space<hbm>>)
          tpu.yield
        }) : () -> ()
        %scan3A_298 = arith.constant 0 : i32
        scf.yield %scan3A_298 : i32
      }
      %scan3A_289 = arith.constant 5 : i32
    } else {
    }
    %barrier3A_142 = arith.constant 0 : index
    tpu.barrier barrier_id(%barrier3A_142)
    %lt3A_143 = arith.constant 10 : i32
    %lt3A_144 = arith.cmpi slt, %arg1, %lt3A_143 : i32
    %convert_element_type3A_145 = arith.extui %lt3A_144 : i1 to i32
    %cond3A_146 = arith.constant 0 : i32
    %cond3A_147 = arith.cmpi ne, %convert_element_type3A_145, %cond3A_146 : i32
    scf.if %cond3A_147 {
      %scan3A_283 = arith.constant 0 : i32
      %scan3A_284 = arith.constant 0 : i32
      %scan3A_285 = arith.constant 5 : i32
      %scan3A_286 = arith.addi %scan3A_284, %scan3A_285 : i32
      %scan3A_287 = arith.constant 1 : i32
      %scan3A_288 = scf.for %scan3A_290 = %scan3A_284 to %scan3A_286 step %scan3A_287 iter_args(%scan3A_291 = %scan3A_283) -> (i32)  : i32 {
        %mul3A_292 = arith.constant 1000 : i32
        %mul3A_293 = arith.muli %arg1, %mul3A_292 : i32
        %mul3A_294 = arith.constant 200 : i32
        %mul3A_295 = arith.muli %scan3A_290, %mul3A_294 : i32
        %add3A_296 = arith.addi %mul3A_293, %mul3A_295 : i32
        "tpu.region"() ({
          %run_scoped3A_298 = tpu.sem_alloc : memref<!tpu.dma_semaphore, #tpu.memory_space<semaphore_mem>>
          %dma_start3A_299 = arith.constant 0 : i32
          %dma_start3A_300 = tpu.memref_slice %arg11[%add3A_296, %dma_start3A_299] : memref<10000x64xf32, #tpu.memory_space<vmem_shared>> -> memref<200x64xf32, #tpu.memory_space<vmem_shared>>
          %dma_start3A_301 = arith.constant 0 : i32
          %dma_start3A_302 = tpu.memref_slice %arg11[%add3A_296, %dma_start3A_301] : memref<10000x64xf32, #tpu.memory_space<vmem_shared>> -> memref<200x64xf32, #tpu.memory_space<vmem_shared>>
          tpu.enqueue_dma source(%arg9 : memref<200x64xf32, #tpu.memory_space<vmem>>) target(%dma_start3A_302 : memref<200x64xf32, #tpu.memory_space<vmem_shared>>) target_semaphore(%run_scoped3A_298 : memref<!tpu.dma_semaphore, #tpu.memory_space<semaphore_mem>>)
          %dma_wait3A_303 = arith.constant 0 : i32
          %dma_wait3A_304 = tpu.memref_slice %arg11[%add3A_296, %dma_wait3A_303] : memref<10000x64xf32, #tpu.memory_space<vmem_shared>> -> memref<200x64xf32, #tpu.memory_space<vmem_shared>>
          %dma_wait3A_305 = arith.constant 0 : i32
          %dma_wait3A_306 = tpu.memref_slice %arg11[%add3A_296, %dma_wait3A_305] : memref<10000x64xf32, #tpu.memory_space<vmem_shared>> -> memref<200x64xf32, #tpu.memory_space<vmem_shared>>
          tpu.wait_dma2 semaphore(%run_scoped3A_298 : memref<!tpu.dma_semaphore, #tpu.memory_space<semaphore_mem>>) src(%arg9 : memref<200x64xf32, #tpu.memory_space<vmem>>) dst(%dma_wait3A_306 : memref<200x64xf32, #tpu.memory_space<vmem_shared>>)
          tpu.yield
        }) : () -> ()
        %scan3A_297 = arith.constant 0 : i32
        scf.yield %scan3A_297 : i32
      }
      %scan3A_289 = arith.constant 5 : i32
    } else {
    }
    %barrier3A_148 = arith.constant 0 : index
    tpu.barrier barrier_id(%barrier3A_148)
    %dma_start3A_149 = arith.constant 0 : i32
    %dma_start3A_150 = arith.constant 0 : i32
    %dma_start3A_151 = arith.constant 0 : i32
    %dma_start3A_152 = arith.constant 0 : i32
    %dma_start3A_153 = arith.constant 0 : i32
    %dma_start3A_154 = tpu.memref_slice %arg8[%dma_start3A_150, %dma_start3A_152, %dma_start3A_153] : memref<5x125x64xf32, #tpu.memory_space<vmem>> -> memref<1x125x64xf32, #tpu.memory_space<vmem>>
    %dma_start3A_155 = tpu.memref_squeeze %dma_start3A_154 : memref<1x125x64xf32, #tpu.memory_space<vmem>> -> memref<125x64xf32, #tpu.memory_space<vmem>>
    %dma_start3A_156 = arith.constant 0 : i32
    %dma_start3A_157 = tpu.memref_slice %arg6[%dma_start3A_149, %dma_start3A_156] : memref<80x125xi32, #tpu.memory_space<vmem>> -> memref<1x125xi32, #tpu.memory_space<vmem>>
    %dma_start3A_158 = tpu.memref_squeeze %dma_start3A_157 : memref<1x125xi32, #tpu.memory_space<vmem>> -> memref<125xi32, #tpu.memory_space<vmem>>
    %dma_start3A_159 = arith.constant 0 : i32
    %dma_start3A_160 = arith.constant 0 : i32
    %dma_start3A_161 = tpu.memref_slice %arg3[%dma_start3A_159, %dma_start3A_160] : memref<10000x64xf32, #tpu.memory_space<hbm>> -> memref<10000x64xf32, #tpu.memory_space<hbm>>
    %dma_start3A_162 = tpu.memref_slice %arg12[%dma_start3A_151] : memref<5x!tpu.dma_semaphore, #tpu.memory_space<semaphore_mem>> -> memref<1x!tpu.dma_semaphore, #tpu.memory_space<semaphore_mem>>
    %dma_start3A_163 = tpu.memref_squeeze %dma_start3A_162 : memref<1x!tpu.dma_semaphore, #tpu.memory_space<semaphore_mem>> -> memref<!tpu.dma_semaphore, #tpu.memory_space<semaphore_mem>>
    tpu.enqueue_indirect_dma source(%dma_start3A_161 : memref<10000x64xf32, #tpu.memory_space<hbm>>) target(%dma_start3A_155 : memref<125x64xf32, #tpu.memory_space<vmem>>) offsets(%dma_start3A_158 : memref<125xi32, #tpu.memory_space<vmem>>) semaphore(%dma_start3A_163 : memref<!tpu.dma_semaphore, #tpu.memory_space<semaphore_mem>>)
    %dma_start3A_164 = arith.constant 1 : i32
    %dma_start3A_165 = arith.constant 1 : i32
    %dma_start3A_166 = arith.constant 1 : i32
    %dma_start3A_167 = arith.constant 0 : i32
    %dma_start3A_168 = arith.constant 0 : i32
    %dma_start3A_169 = tpu.memref_slice %arg8[%dma_start3A_165, %dma_start3A_167, %dma_start3A_168] : memref<5x125x64xf32, #tpu.memory_space<vmem>> -> memref<1x125x64xf32, #tpu.memory_space<vmem>>
    %dma_start3A_170 = tpu.memref_squeeze %dma_start3A_169 : memref<1x125x64xf32, #tpu.memory_space<vmem>> -> memref<125x64xf32, #tpu.memory_space<vmem>>
    %dma_start3A_171 = arith.constant 0 : i32
    %dma_start3A_172 = tpu.memref_slice %arg6[%dma_start3A_164, %dma_start3A_171] : memref<80x125xi32, #tpu.memory_space<vmem>> -> memref<1x125xi32, #tpu.memory_space<vmem>>
    %dma_start3A_173 = tpu.memref_squeeze %dma_start3A_172 : memref<1x125xi32, #tpu.memory_space<vmem>> -> memref<125xi32, #tpu.memory_space<vmem>>
    %dma_start3A_174 = arith.constant 0 : i32
    %dma_start3A_175 = arith.constant 0 : i32
    %dma_start3A_176 = tpu.memref_slice %arg3[%dma_start3A_174, %dma_start3A_175] : memref<10000x64xf32, #tpu.memory_space<hbm>> -> memref<10000x64xf32, #tpu.memory_space<hbm>>
    %dma_start3A_177 = tpu.memref_slice %arg12[%dma_start3A_166] : memref<5x!tpu.dma_semaphore, #tpu.memory_space<semaphore_mem>> -> memref<1x!tpu.dma_semaphore, #tpu.memory_space<semaphore_mem>>
    %dma_start3A_178 = tpu.memref_squeeze %dma_start3A_177 : memref<1x!tpu.dma_semaphore, #tpu.memory_space<semaphore_mem>> -> memref<!tpu.dma_semaphore, #tpu.memory_space<semaphore_mem>>
    tpu.enqueue_indirect_dma source(%dma_start3A_176 : memref<10000x64xf32, #tpu.memory_space<hbm>>) target(%dma_start3A_170 : memref<125x64xf32, #tpu.memory_space<vmem>>) offsets(%dma_start3A_173 : memref<125xi32, #tpu.memory_space<vmem>>) semaphore(%dma_start3A_178 : memref<!tpu.dma_semaphore, #tpu.memory_space<semaphore_mem>>)
    %dma_start3A_179 = arith.constant 2 : i32
    %dma_start3A_180 = arith.constant 2 : i32
    %dma_start3A_181 = arith.constant 2 : i32
    %dma_start3A_182 = arith.constant 0 : i32
    %dma_start3A_183 = arith.constant 0 : i32
    %dma_start3A_184 = tpu.memref_slice %arg8[%dma_start3A_180, %dma_start3A_182, %dma_start3A_183] : memref<5x125x64xf32, #tpu.memory_space<vmem>> -> memref<1x125x64xf32, #tpu.memory_space<vmem>>
    %dma_start3A_185 = tpu.memref_squeeze %dma_start3A_184 : memref<1x125x64xf32, #tpu.memory_space<vmem>> -> memref<125x64xf32, #tpu.memory_space<vmem>>
    %dma_start3A_186 = arith.constant 0 : i32
    %dma_start3A_187 = tpu.memref_slice %arg6[%dma_start3A_179, %dma_start3A_186] : memref<80x125xi32, #tpu.memory_space<vmem>> -> memref<1x125xi32, #tpu.memory_space<vmem>>
    %dma_start3A_188 = tpu.memref_squeeze %dma_start3A_187 : memref<1x125xi32, #tpu.memory_space<vmem>> -> memref<125xi32, #tpu.memory_space<vmem>>
    %dma_start3A_189 = arith.constant 0 : i32
    %dma_start3A_190 = arith.constant 0 : i32
    %dma_start3A_191 = tpu.memref_slice %arg3[%dma_start3A_189, %dma_start3A_190] : memref<10000x64xf32, #tpu.memory_space<hbm>> -> memref<10000x64xf32, #tpu.memory_space<hbm>>
    %dma_start3A_192 = tpu.memref_slice %arg12[%dma_start3A_181] : memref<5x!tpu.dma_semaphore, #tpu.memory_space<semaphore_mem>> -> memref<1x!tpu.dma_semaphore, #tpu.memory_space<semaphore_mem>>
    %dma_start3A_193 = tpu.memref_squeeze %dma_start3A_192 : memref<1x!tpu.dma_semaphore, #tpu.memory_space<semaphore_mem>> -> memref<!tpu.dma_semaphore, #tpu.memory_space<semaphore_mem>>
    tpu.enqueue_indirect_dma source(%dma_start3A_191 : memref<10000x64xf32, #tpu.memory_space<hbm>>) target(%dma_start3A_185 : memref<125x64xf32, #tpu.memory_space<vmem>>) offsets(%dma_start3A_188 : memref<125xi32, #tpu.memory_space<vmem>>) semaphore(%dma_start3A_193 : memref<!tpu.dma_semaphore, #tpu.memory_space<semaphore_mem>>)
    %scan3A_194 = arith.constant 0 : i32
    %scan3A_195 = arith.constant 0 : i32
    %scan3A_196 = arith.constant 16 : i32
    %scan3A_197 = arith.addi %scan3A_195, %scan3A_196 : i32
    %scan3A_198 = arith.constant 1 : i32
    %scan3A_199 = scf.for %scan3A_283 = %scan3A_195 to %scan3A_197 step %scan3A_198 iter_args(%scan3A_284 = %scan3A_194) -> (i32)  : i32 {
      %mul3A_285 = arith.constant 5 : i32
      %mul3A_286 = arith.muli %mul3A_285, %scan3A_283 : i32
      %add3A_287 = arith.constant 0 : i32
      %add3A_288 = arith.addi %mul3A_286, %add3A_287 : i32
      %dma_wait3A_289 = arith.constant 0 : i32
      %dma_wait3A_290 = arith.constant 0 : i32
      %dma_wait3A_291 = arith.constant 0 : i32
      %dma_wait3A_292 = arith.constant 0 : i32
      %dma_wait3A_293 = tpu.memref_slice %arg8[%dma_wait3A_289, %dma_wait3A_291, %dma_wait3A_292] : memref<5x125x64xf32, #tpu.memory_space<vmem>> -> memref<1x125x64xf32, #tpu.memory_space<vmem>>
      %dma_wait3A_294 = tpu.memref_squeeze %dma_wait3A_293 : memref<1x125x64xf32, #tpu.memory_space<vmem>> -> memref<125x64xf32, #tpu.memory_space<vmem>>
      %dma_wait3A_295 = arith.constant 0 : i32
      %dma_wait3A_296 = tpu.memref_slice %arg6[%add3A_288, %dma_wait3A_295] : memref<80x125xi32, #tpu.memory_space<vmem>> -> memref<1x125xi32, #tpu.memory_space<vmem>>
      %dma_wait3A_297 = tpu.memref_squeeze %dma_wait3A_296 : memref<1x125xi32, #tpu.memory_space<vmem>> -> memref<125xi32, #tpu.memory_space<vmem>>
      %dma_wait3A_298 = arith.constant 0 : i32
      %dma_wait3A_299 = arith.constant 0 : i32
      %dma_wait3A_300 = tpu.memref_slice %arg3[%dma_wait3A_298, %dma_wait3A_299] : memref<10000x64xf32, #tpu.memory_space<hbm>> -> memref<10000x64xf32, #tpu.memory_space<hbm>>
      %dma_wait3A_301 = tpu.memref_slice %arg12[%dma_wait3A_290] : memref<5x!tpu.dma_semaphore, #tpu.memory_space<semaphore_mem>> -> memref<1x!tpu.dma_semaphore, #tpu.memory_space<semaphore_mem>>
      %dma_wait3A_302 = tpu.memref_squeeze %dma_wait3A_301 : memref<1x!tpu.dma_semaphore, #tpu.memory_space<semaphore_mem>> -> memref<!tpu.dma_semaphore, #tpu.memory_space<semaphore_mem>>
      tpu.wait_indirect_dma semaphore(%dma_wait3A_302 : memref<!tpu.dma_semaphore, #tpu.memory_space<semaphore_mem>>) src(%dma_wait3A_300 : memref<10000x64xf32, #tpu.memory_space<hbm>>) dst(%dma_wait3A_294 : memref<125x64xf32, #tpu.memory_space<vmem>>)
      %dma_start3A_303 = arith.constant 0 : i32
      %dma_start3A_304 = arith.constant 0 : i32
      %dma_start3A_305 = arith.constant 0 : i32
      %dma_start3A_306 = arith.constant 0 : i32
      %dma_start3A_307 = tpu.memref_slice %arg8[%dma_start3A_303, %dma_start3A_305, %dma_start3A_306] : memref<5x125x64xf32, #tpu.memory_space<vmem>> -> memref<1x125x64xf32, #tpu.memory_space<vmem>>
      %dma_start3A_308 = tpu.memref_squeeze %dma_start3A_307 : memref<1x125x64xf32, #tpu.memory_space<vmem>> -> memref<125x64xf32, #tpu.memory_space<vmem>>
      %dma_start3A_309 = arith.constant 0 : i32
      %dma_start3A_310 = tpu.memref_slice %arg7[%add3A_288, %dma_start3A_309] : memref<80x125xi32, #tpu.memory_space<vmem>> -> memref<1x125xi32, #tpu.memory_space<vmem>>
      %dma_start3A_311 = tpu.memref_squeeze %dma_start3A_310 : memref<1x125xi32, #tpu.memory_space<vmem>> -> memref<125xi32, #tpu.memory_space<vmem>>
      %dma_start3A_312 = arith.constant 0 : i32
      %dma_start3A_313 = arith.constant 0 : i32
      %dma_start3A_314 = tpu.memref_slice %arg11[%dma_start3A_312, %dma_start3A_313] : memref<10000x64xf32, #tpu.memory_space<vmem_shared>> -> memref<10000x64xf32, #tpu.memory_space<vmem_shared>>
      %dma_start3A_315 = tpu.memref_slice %arg13[%dma_start3A_304] : memref<5x!tpu.dma_semaphore, #tpu.memory_space<semaphore_mem>> -> memref<1x!tpu.dma_semaphore, #tpu.memory_space<semaphore_mem>>
      %dma_start3A_316 = tpu.memref_squeeze %dma_start3A_315 : memref<1x!tpu.dma_semaphore, #tpu.memory_space<semaphore_mem>> -> memref<!tpu.dma_semaphore, #tpu.memory_space<semaphore_mem>>
      tpu.enqueue_indirect_dma source(%dma_start3A_308 : memref<125x64xf32, #tpu.memory_space<vmem>>) target(%dma_start3A_314 : memref<10000x64xf32, #tpu.memory_space<vmem_shared>>) offsets(%dma_start3A_311 : memref<125xi32, #tpu.memory_space<vmem>>) semaphore(%dma_start3A_316 : memref<!tpu.dma_semaphore, #tpu.memory_space<semaphore_mem>>) {add = true}
      %add3A_317 = arith.constant 3 : i32
      %add3A_318 = arith.addi %add3A_288, %add3A_317 : i32
      %lt3A_319 = arith.constant 80 : i32
      %lt3A_320 = arith.cmpi slt, %add3A_318, %lt3A_319 : i32
      %convert_element_type3A_321 = arith.extui %lt3A_320 : i1 to i32
      %cond3A_322 = arith.constant 0 : i32
      %cond3A_323 = arith.cmpi ne, %convert_element_type3A_321, %cond3A_322 : i32
      scf.if %cond3A_323 {
        %ge3A = arith.constant 5 : i32
        %ge3A_481 = arith.cmpi sge, %add3A_318, %ge3A : i32
        %convert_element_type3A_482 = arith.extui %ge3A_481 : i1 to i32
        %cond3A_483 = arith.constant 0 : i32
        %cond3A_484 = arith.cmpi ne, %convert_element_type3A_482, %cond3A_483 : i32
        scf.if %cond3A_484 {
          %dma_wait3A_499 = arith.constant 3 : i32
          %dma_wait3A_500 = arith.constant 0 : i32
          %dma_wait3A_501 = arith.constant 3 : i32
          %dma_wait3A_502 = arith.constant 0 : i32
          %dma_wait3A_503 = arith.constant 0 : i32
          %dma_wait3A_504 = tpu.memref_slice %arg8[%dma_wait3A_499, %dma_wait3A_502, %dma_wait3A_503] : memref<5x125x64xf32, #tpu.memory_space<vmem>> -> memref<1x125x64xf32, #tpu.memory_space<vmem>>
          %dma_wait3A_505 = tpu.memref_squeeze %dma_wait3A_504 : memref<1x125x64xf32, #tpu.memory_space<vmem>> -> memref<125x64xf32, #tpu.memory_space<vmem>>
          %dma_wait3A_506 = arith.constant 0 : i32
          %dma_wait3A_507 = tpu.memref_slice %arg7[%dma_wait3A_500, %dma_wait3A_506] : memref<80x125xi32, #tpu.memory_space<vmem>> -> memref<1x125xi32, #tpu.memory_space<vmem>>
          %dma_wait3A_508 = tpu.memref_squeeze %dma_wait3A_507 : memref<1x125xi32, #tpu.memory_space<vmem>> -> memref<125xi32, #tpu.memory_space<vmem>>
          %dma_wait3A_509 = arith.constant 0 : i32
          %dma_wait3A_510 = arith.constant 0 : i32
          %dma_wait3A_511 = tpu.memref_slice %arg11[%dma_wait3A_509, %dma_wait3A_510] : memref<10000x64xf32, #tpu.memory_space<vmem_shared>> -> memref<10000x64xf32, #tpu.memory_space<vmem_shared>>
          %dma_wait3A_512 = tpu.memref_slice %arg13[%dma_wait3A_501] : memref<5x!tpu.dma_semaphore, #tpu.memory_space<semaphore_mem>> -> memref<1x!tpu.dma_semaphore, #tpu.memory_space<semaphore_mem>>
          %dma_wait3A_513 = tpu.memref_squeeze %dma_wait3A_512 : memref<1x!tpu.dma_semaphore, #tpu.memory_space<semaphore_mem>> -> memref<!tpu.dma_semaphore, #tpu.memory_space<semaphore_mem>>
          tpu.wait_indirect_dma semaphore(%dma_wait3A_513 : memref<!tpu.dma_semaphore, #tpu.memory_space<semaphore_mem>>) src(%dma_wait3A_505 : memref<125x64xf32, #tpu.memory_space<vmem>>) dst(%dma_wait3A_511 : memref<10000x64xf32, #tpu.memory_space<vmem_shared>>)
        } else {
        }
        %dma_start3A_485 = arith.constant 3 : i32
        %dma_start3A_486 = arith.constant 3 : i32
        %dma_start3A_487 = arith.constant 0 : i32
        %dma_start3A_488 = arith.constant 0 : i32
        %dma_start3A_489 = tpu.memref_slice %arg8[%dma_start3A_485, %dma_start3A_487, %dma_start3A_488] : memref<5x125x64xf32, #tpu.memory_space<vmem>> -> memref<1x125x64xf32, #tpu.memory_space<vmem>>
        %dma_start3A_490 = tpu.memref_squeeze %dma_start3A_489 : memref<1x125x64xf32, #tpu.memory_space<vmem>> -> memref<125x64xf32, #tpu.memory_space<vmem>>
        %dma_start3A_491 = arith.constant 0 : i32
        %dma_start3A_492 = tpu.memref_slice %arg6[%add3A_318, %dma_start3A_491] : memref<80x125xi32, #tpu.memory_space<vmem>> -> memref<1x125xi32, #tpu.memory_space<vmem>>
        %dma_start3A_493 = tpu.memref_squeeze %dma_start3A_492 : memref<1x125xi32, #tpu.memory_space<vmem>> -> memref<125xi32, #tpu.memory_space<vmem>>
        %dma_start3A_494 = arith.constant 0 : i32
        %dma_start3A_495 = arith.constant 0 : i32
        %dma_start3A_496 = tpu.memref_slice %arg3[%dma_start3A_494, %dma_start3A_495] : memref<10000x64xf32, #tpu.memory_space<hbm>> -> memref<10000x64xf32, #tpu.memory_space<hbm>>
        %dma_start3A_497 = tpu.memref_slice %arg12[%dma_start3A_486] : memref<5x!tpu.dma_semaphore, #tpu.memory_space<semaphore_mem>> -> memref<1x!tpu.dma_semaphore, #tpu.memory_space<semaphore_mem>>
        %dma_start3A_498 = tpu.memref_squeeze %dma_start3A_497 : memref<1x!tpu.dma_semaphore, #tpu.memory_space<semaphore_mem>> -> memref<!tpu.dma_semaphore, #tpu.memory_space<semaphore_mem>>
        tpu.enqueue_indirect_dma source(%dma_start3A_496 : memref<10000x64xf32, #tpu.memory_space<hbm>>) target(%dma_start3A_490 : memref<125x64xf32, #tpu.memory_space<vmem>>) offsets(%dma_start3A_493 : memref<125xi32, #tpu.memory_space<vmem>>) semaphore(%dma_start3A_498 : memref<!tpu.dma_semaphore, #tpu.memory_space<semaphore_mem>>)
      } else {
      }
      %mul3A_324 = arith.constant 5 : i32
      %mul3A_325 = arith.muli %mul3A_324, %scan3A_283 : i32
      %add3A_326 = arith.constant 1 : i32
      %add3A_327 = arith.addi %mul3A_325, %add3A_326 : i32
      %dma_wait3A_328 = arith.constant 1 : i32
      %dma_wait3A_329 = arith.constant 1 : i32
      %dma_wait3A_330 = arith.constant 0 : i32
      %dma_wait3A_331 = arith.constant 0 : i32
      %dma_wait3A_332 = tpu.memref_slice %arg8[%dma_wait3A_328, %dma_wait3A_330, %dma_wait3A_331] : memref<5x125x64xf32, #tpu.memory_space<vmem>> -> memref<1x125x64xf32, #tpu.memory_space<vmem>>
      %dma_wait3A_333 = tpu.memref_squeeze %dma_wait3A_332 : memref<1x125x64xf32, #tpu.memory_space<vmem>> -> memref<125x64xf32, #tpu.memory_space<vmem>>
      %dma_wait3A_334 = arith.constant 0 : i32
      %dma_wait3A_335 = tpu.memref_slice %arg6[%add3A_327, %dma_wait3A_334] : memref<80x125xi32, #tpu.memory_space<vmem>> -> memref<1x125xi32, #tpu.memory_space<vmem>>
      %dma_wait3A_336 = tpu.memref_squeeze %dma_wait3A_335 : memref<1x125xi32, #tpu.memory_space<vmem>> -> memref<125xi32, #tpu.memory_space<vmem>>
      %dma_wait3A_337 = arith.constant 0 : i32
      %dma_wait3A_338 = arith.constant 0 : i32
      %dma_wait3A_339 = tpu.memref_slice %arg3[%dma_wait3A_337, %dma_wait3A_338] : memref<10000x64xf32, #tpu.memory_space<hbm>> -> memref<10000x64xf32, #tpu.memory_space<hbm>>
      %dma_wait3A_340 = tpu.memref_slice %arg12[%dma_wait3A_329] : memref<5x!tpu.dma_semaphore, #tpu.memory_space<semaphore_mem>> -> memref<1x!tpu.dma_semaphore, #tpu.memory_space<semaphore_mem>>
      %dma_wait3A_341 = tpu.memref_squeeze %dma_wait3A_340 : memref<1x!tpu.dma_semaphore, #tpu.memory_space<semaphore_mem>> -> memref<!tpu.dma_semaphore, #tpu.memory_space<semaphore_mem>>
      tpu.wait_indirect_dma semaphore(%dma_wait3A_341 : memref<!tpu.dma_semaphore, #tpu.memory_space<semaphore_mem>>) src(%dma_wait3A_339 : memref<10000x64xf32, #tpu.memory_space<hbm>>) dst(%dma_wait3A_333 : memref<125x64xf32, #tpu.memory_space<vmem>>)
      %dma_start3A_342 = arith.constant 1 : i32
      %dma_start3A_343 = arith.constant 1 : i32
      %dma_start3A_344 = arith.constant 0 : i32
      %dma_start3A_345 = arith.constant 0 : i32
      %dma_start3A_346 = tpu.memref_slice %arg8[%dma_start3A_342, %dma_start3A_344, %dma_start3A_345] : memref<5x125x64xf32, #tpu.memory_space<vmem>> -> memref<1x125x64xf32, #tpu.memory_space<vmem>>
      %dma_start3A_347 = tpu.memref_squeeze %dma_start3A_346 : memref<1x125x64xf32, #tpu.memory_space<vmem>> -> memref<125x64xf32, #tpu.memory_space<vmem>>
      %dma_start3A_348 = arith.constant 0 : i32
      %dma_start3A_349 = tpu.memref_slice %arg7[%add3A_327, %dma_start3A_348] : memref<80x125xi32, #tpu.memory_space<vmem>> -> memref<1x125xi32, #tpu.memory_space<vmem>>
      %dma_start3A_350 = tpu.memref_squeeze %dma_start3A_349 : memref<1x125xi32, #tpu.memory_space<vmem>> -> memref<125xi32, #tpu.memory_space<vmem>>
      %dma_start3A_351 = arith.constant 0 : i32
      %dma_start3A_352 = arith.constant 0 : i32
      %dma_start3A_353 = tpu.memref_slice %arg11[%dma_start3A_351, %dma_start3A_352] : memref<10000x64xf32, #tpu.memory_space<vmem_shared>> -> memref<10000x64xf32, #tpu.memory_space<vmem_shared>>
      %dma_start3A_354 = tpu.memref_slice %arg13[%dma_start3A_343] : memref<5x!tpu.dma_semaphore, #tpu.memory_space<semaphore_mem>> -> memref<1x!tpu.dma_semaphore, #tpu.memory_space<semaphore_mem>>
      %dma_start3A_355 = tpu.memref_squeeze %dma_start3A_354 : memref<1x!tpu.dma_semaphore, #tpu.memory_space<semaphore_mem>> -> memref<!tpu.dma_semaphore, #tpu.memory_space<semaphore_mem>>
      tpu.enqueue_indirect_dma source(%dma_start3A_347 : memref<125x64xf32, #tpu.memory_space<vmem>>) target(%dma_start3A_353 : memref<10000x64xf32, #tpu.memory_space<vmem_shared>>) offsets(%dma_start3A_350 : memref<125xi32, #tpu.memory_space<vmem>>) semaphore(%dma_start3A_355 : memref<!tpu.dma_semaphore, #tpu.memory_space<semaphore_mem>>) {add = true}
      %add3A_356 = arith.constant 3 : i32
      %add3A_357 = arith.addi %add3A_327, %add3A_356 : i32
      %lt3A_358 = arith.constant 80 : i32
      %lt3A_359 = arith.cmpi slt, %add3A_357, %lt3A_358 : i32
      %convert_element_type3A_360 = arith.extui %lt3A_359 : i1 to i32
      %cond3A_361 = arith.constant 0 : i32
      %cond3A_362 = arith.cmpi ne, %convert_element_type3A_360, %cond3A_361 : i32
      scf.if %cond3A_362 {
        %ge3A = arith.constant 5 : i32
        %ge3A_481 = arith.cmpi sge, %add3A_357, %ge3A : i32
        %convert_element_type3A_482 = arith.extui %ge3A_481 : i1 to i32
        %cond3A_483 = arith.constant 0 : i32
        %cond3A_484 = arith.cmpi ne, %convert_element_type3A_482, %cond3A_483 : i32
        scf.if %cond3A_484 {
          %dma_wait3A_499 = arith.constant 4 : i32
          %dma_wait3A_500 = arith.constant 0 : i32
          %dma_wait3A_501 = arith.constant 4 : i32
          %dma_wait3A_502 = arith.constant 0 : i32
          %dma_wait3A_503 = arith.constant 0 : i32
          %dma_wait3A_504 = tpu.memref_slice %arg8[%dma_wait3A_499, %dma_wait3A_502, %dma_wait3A_503] : memref<5x125x64xf32, #tpu.memory_space<vmem>> -> memref<1x125x64xf32, #tpu.memory_space<vmem>>
          %dma_wait3A_505 = tpu.memref_squeeze %dma_wait3A_504 : memref<1x125x64xf32, #tpu.memory_space<vmem>> -> memref<125x64xf32, #tpu.memory_space<vmem>>
          %dma_wait3A_506 = arith.constant 0 : i32
          %dma_wait3A_507 = tpu.memref_slice %arg7[%dma_wait3A_500, %dma_wait3A_506] : memref<80x125xi32, #tpu.memory_space<vmem>> -> memref<1x125xi32, #tpu.memory_space<vmem>>
          %dma_wait3A_508 = tpu.memref_squeeze %dma_wait3A_507 : memref<1x125xi32, #tpu.memory_space<vmem>> -> memref<125xi32, #tpu.memory_space<vmem>>
          %dma_wait3A_509 = arith.constant 0 : i32
          %dma_wait3A_510 = arith.constant 0 : i32
          %dma_wait3A_511 = tpu.memref_slice %arg11[%dma_wait3A_509, %dma_wait3A_510] : memref<10000x64xf32, #tpu.memory_space<vmem_shared>> -> memref<10000x64xf32, #tpu.memory_space<vmem_shared>>
          %dma_wait3A_512 = tpu.memref_slice %arg13[%dma_wait3A_501] : memref<5x!tpu.dma_semaphore, #tpu.memory_space<semaphore_mem>> -> memref<1x!tpu.dma_semaphore, #tpu.memory_space<semaphore_mem>>
          %dma_wait3A_513 = tpu.memref_squeeze %dma_wait3A_512 : memref<1x!tpu.dma_semaphore, #tpu.memory_space<semaphore_mem>> -> memref<!tpu.dma_semaphore, #tpu.memory_space<semaphore_mem>>
          tpu.wait_indirect_dma semaphore(%dma_wait3A_513 : memref<!tpu.dma_semaphore, #tpu.memory_space<semaphore_mem>>) src(%dma_wait3A_505 : memref<125x64xf32, #tpu.memory_space<vmem>>) dst(%dma_wait3A_511 : memref<10000x64xf32, #tpu.memory_space<vmem_shared>>)
        } else {
        }
        %dma_start3A_485 = arith.constant 4 : i32
        %dma_start3A_486 = arith.constant 4 : i32
        %dma_start3A_487 = arith.constant 0 : i32
        %dma_start3A_488 = arith.constant 0 : i32
        %dma_start3A_489 = tpu.memref_slice %arg8[%dma_start3A_485, %dma_start3A_487, %dma_start3A_488] : memref<5x125x64xf32, #tpu.memory_space<vmem>> -> memref<1x125x64xf32, #tpu.memory_space<vmem>>
        %dma_start3A_490 = tpu.memref_squeeze %dma_start3A_489 : memref<1x125x64xf32, #tpu.memory_space<vmem>> -> memref<125x64xf32, #tpu.memory_space<vmem>>
        %dma_start3A_491 = arith.constant 0 : i32
        %dma_start3A_492 = tpu.memref_slice %arg6[%add3A_357, %dma_start3A_491] : memref<80x125xi32, #tpu.memory_space<vmem>> -> memref<1x125xi32, #tpu.memory_space<vmem>>
        %dma_start3A_493 = tpu.memref_squeeze %dma_start3A_492 : memref<1x125xi32, #tpu.memory_space<vmem>> -> memref<125xi32, #tpu.memory_space<vmem>>
        %dma_start3A_494 = arith.constant 0 : i32
        %dma_start3A_495 = arith.constant 0 : i32
        %dma_start3A_496 = tpu.memref_slice %arg3[%dma_start3A_494, %dma_start3A_495] : memref<10000x64xf32, #tpu.memory_space<hbm>> -> memref<10000x64xf32, #tpu.memory_space<hbm>>
        %dma_start3A_497 = tpu.memref_slice %arg12[%dma_start3A_486] : memref<5x!tpu.dma_semaphore, #tpu.memory_space<semaphore_mem>> -> memref<1x!tpu.dma_semaphore, #tpu.memory_space<semaphore_mem>>
        %dma_start3A_498 = tpu.memref_squeeze %dma_start3A_497 : memref<1x!tpu.dma_semaphore, #tpu.memory_space<semaphore_mem>> -> memref<!tpu.dma_semaphore, #tpu.memory_space<semaphore_mem>>
        tpu.enqueue_indirect_dma source(%dma_start3A_496 : memref<10000x64xf32, #tpu.memory_space<hbm>>) target(%dma_start3A_490 : memref<125x64xf32, #tpu.memory_space<vmem>>) offsets(%dma_start3A_493 : memref<125xi32, #tpu.memory_space<vmem>>) semaphore(%dma_start3A_498 : memref<!tpu.dma_semaphore, #tpu.memory_space<semaphore_mem>>)
      } else {
      }
      %mul3A_363 = arith.constant 5 : i32
      %mul3A_364 = arith.muli %mul3A_363, %scan3A_283 : i32
      %add3A_365 = arith.constant 2 : i32
      %add3A_366 = arith.addi %mul3A_364, %add3A_365 : i32
      %dma_wait3A_367 = arith.constant 2 : i32
      %dma_wait3A_368 = arith.constant 2 : i32
      %dma_wait3A_369 = arith.constant 0 : i32
      %dma_wait3A_370 = arith.constant 0 : i32
      %dma_wait3A_371 = tpu.memref_slice %arg8[%dma_wait3A_367, %dma_wait3A_369, %dma_wait3A_370] : memref<5x125x64xf32, #tpu.memory_space<vmem>> -> memref<1x125x64xf32, #tpu.memory_space<vmem>>
      %dma_wait3A_372 = tpu.memref_squeeze %dma_wait3A_371 : memref<1x125x64xf32, #tpu.memory_space<vmem>> -> memref<125x64xf32, #tpu.memory_space<vmem>>
      %dma_wait3A_373 = arith.constant 0 : i32
      %dma_wait3A_374 = tpu.memref_slice %arg6[%add3A_366, %dma_wait3A_373] : memref<80x125xi32, #tpu.memory_space<vmem>> -> memref<1x125xi32, #tpu.memory_space<vmem>>
      %dma_wait3A_375 = tpu.memref_squeeze %dma_wait3A_374 : memref<1x125xi32, #tpu.memory_space<vmem>> -> memref<125xi32, #tpu.memory_space<vmem>>
      %dma_wait3A_376 = arith.constant 0 : i32
      %dma_wait3A_377 = arith.constant 0 : i32
      %dma_wait3A_378 = tpu.memref_slice %arg3[%dma_wait3A_376, %dma_wait3A_377] : memref<10000x64xf32, #tpu.memory_space<hbm>> -> memref<10000x64xf32, #tpu.memory_space<hbm>>
      %dma_wait3A_379 = tpu.memref_slice %arg12[%dma_wait3A_368] : memref<5x!tpu.dma_semaphore, #tpu.memory_space<semaphore_mem>> -> memref<1x!tpu.dma_semaphore, #tpu.memory_space<semaphore_mem>>
      %dma_wait3A_380 = tpu.memref_squeeze %dma_wait3A_379 : memref<1x!tpu.dma_semaphore, #tpu.memory_space<semaphore_mem>> -> memref<!tpu.dma_semaphore, #tpu.memory_space<semaphore_mem>>
      tpu.wait_indirect_dma semaphore(%dma_wait3A_380 : memref<!tpu.dma_semaphore, #tpu.memory_space<semaphore_mem>>) src(%dma_wait3A_378 : memref<10000x64xf32, #tpu.memory_space<hbm>>) dst(%dma_wait3A_372 : memref<125x64xf32, #tpu.memory_space<vmem>>)
      %dma_start3A_381 = arith.constant 2 : i32
      %dma_start3A_382 = arith.constant 2 : i32
      %dma_start3A_383 = arith.constant 0 : i32
      %dma_start3A_384 = arith.constant 0 : i32
      %dma_start3A_385 = tpu.memref_slice %arg8[%dma_start3A_381, %dma_start3A_383, %dma_start3A_384] : memref<5x125x64xf32, #tpu.memory_space<vmem>> -> memref<1x125x64xf32, #tpu.memory_space<vmem>>
      %dma_start3A_386 = tpu.memref_squeeze %dma_start3A_385 : memref<1x125x64xf32, #tpu.memory_space<vmem>> -> memref<125x64xf32, #tpu.memory_space<vmem>>
      %dma_start3A_387 = arith.constant 0 : i32
      %dma_start3A_388 = tpu.memref_slice %arg7[%add3A_366, %dma_start3A_387] : memref<80x125xi32, #tpu.memory_space<vmem>> -> memref<1x125xi32, #tpu.memory_space<vmem>>
      %dma_start3A_389 = tpu.memref_squeeze %dma_start3A_388 : memref<1x125xi32, #tpu.memory_space<vmem>> -> memref<125xi32, #tpu.memory_space<vmem>>
      %dma_start3A_390 = arith.constant 0 : i32
      %dma_start3A_391 = arith.constant 0 : i32
      %dma_start3A_392 = tpu.memref_slice %arg11[%dma_start3A_390, %dma_start3A_391] : memref<10000x64xf32, #tpu.memory_space<vmem_shared>> -> memref<10000x64xf32, #tpu.memory_space<vmem_shared>>
      %dma_start3A_393 = tpu.memref_slice %arg13[%dma_start3A_382] : memref<5x!tpu.dma_semaphore, #tpu.memory_space<semaphore_mem>> -> memref<1x!tpu.dma_semaphore, #tpu.memory_space<semaphore_mem>>
      %dma_start3A_394 = tpu.memref_squeeze %dma_start3A_393 : memref<1x!tpu.dma_semaphore, #tpu.memory_space<semaphore_mem>> -> memref<!tpu.dma_semaphore, #tpu.memory_space<semaphore_mem>>
      tpu.enqueue_indirect_dma source(%dma_start3A_386 : memref<125x64xf32, #tpu.memory_space<vmem>>) target(%dma_start3A_392 : memref<10000x64xf32, #tpu.memory_space<vmem_shared>>) offsets(%dma_start3A_389 : memref<125xi32, #tpu.memory_space<vmem>>) semaphore(%dma_start3A_394 : memref<!tpu.dma_semaphore, #tpu.memory_space<semaphore_mem>>) {add = true}
      %add3A_395 = arith.constant 3 : i32
      %add3A_396 = arith.addi %add3A_366, %add3A_395 : i32
      %lt3A_397 = arith.constant 80 : i32
      %lt3A_398 = arith.cmpi slt, %add3A_396, %lt3A_397 : i32
      %convert_element_type3A_399 = arith.extui %lt3A_398 : i1 to i32
      %cond3A_400 = arith.constant 0 : i32
      %cond3A_401 = arith.cmpi ne, %convert_element_type3A_399, %cond3A_400 : i32
      scf.if %cond3A_401 {
        %ge3A = arith.constant 5 : i32
        %ge3A_481 = arith.cmpi sge, %add3A_396, %ge3A : i32
        %convert_element_type3A_482 = arith.extui %ge3A_481 : i1 to i32
        %cond3A_483 = arith.constant 0 : i32
        %cond3A_484 = arith.cmpi ne, %convert_element_type3A_482, %cond3A_483 : i32
        scf.if %cond3A_484 {
          %dma_wait3A_499 = arith.constant 0 : i32
          %dma_wait3A_500 = arith.constant 0 : i32
          %dma_wait3A_501 = arith.constant 0 : i32
          %dma_wait3A_502 = arith.constant 0 : i32
          %dma_wait3A_503 = arith.constant 0 : i32
          %dma_wait3A_504 = tpu.memref_slice %arg8[%dma_wait3A_499, %dma_wait3A_502, %dma_wait3A_503] : memref<5x125x64xf32, #tpu.memory_space<vmem>> -> memref<1x125x64xf32, #tpu.memory_space<vmem>>
          %dma_wait3A_505 = tpu.memref_squeeze %dma_wait3A_504 : memref<1x125x64xf32, #tpu.memory_space<vmem>> -> memref<125x64xf32, #tpu.memory_space<vmem>>
          %dma_wait3A_506 = arith.constant 0 : i32
          %dma_wait3A_507 = tpu.memref_slice %arg7[%dma_wait3A_500, %dma_wait3A_506] : memref<80x125xi32, #tpu.memory_space<vmem>> -> memref<1x125xi32, #tpu.memory_space<vmem>>
          %dma_wait3A_508 = tpu.memref_squeeze %dma_wait3A_507 : memref<1x125xi32, #tpu.memory_space<vmem>> -> memref<125xi32, #tpu.memory_space<vmem>>
          %dma_wait3A_509 = arith.constant 0 : i32
          %dma_wait3A_510 = arith.constant 0 : i32
          %dma_wait3A_511 = tpu.memref_slice %arg11[%dma_wait3A_509, %dma_wait3A_510] : memref<10000x64xf32, #tpu.memory_space<vmem_shared>> -> memref<10000x64xf32, #tpu.memory_space<vmem_shared>>
          %dma_wait3A_512 = tpu.memref_slice %arg13[%dma_wait3A_501] : memref<5x!tpu.dma_semaphore, #tpu.memory_space<semaphore_mem>> -> memref<1x!tpu.dma_semaphore, #tpu.memory_space<semaphore_mem>>
          %dma_wait3A_513 = tpu.memref_squeeze %dma_wait3A_512 : memref<1x!tpu.dma_semaphore, #tpu.memory_space<semaphore_mem>> -> memref<!tpu.dma_semaphore, #tpu.memory_space<semaphore_mem>>
          tpu.wait_indirect_dma semaphore(%dma_wait3A_513 : memref<!tpu.dma_semaphore, #tpu.memory_space<semaphore_mem>>) src(%dma_wait3A_505 : memref<125x64xf32, #tpu.memory_space<vmem>>) dst(%dma_wait3A_511 : memref<10000x64xf32, #tpu.memory_space<vmem_shared>>)
        } else {
        }
        %dma_start3A_485 = arith.constant 0 : i32
        %dma_start3A_486 = arith.constant 0 : i32
        %dma_start3A_487 = arith.constant 0 : i32
        %dma_start3A_488 = arith.constant 0 : i32
        %dma_start3A_489 = tpu.memref_slice %arg8[%dma_start3A_485, %dma_start3A_487, %dma_start3A_488] : memref<5x125x64xf32, #tpu.memory_space<vmem>> -> memref<1x125x64xf32, #tpu.memory_space<vmem>>
        %dma_start3A_490 = tpu.memref_squeeze %dma_start3A_489 : memref<1x125x64xf32, #tpu.memory_space<vmem>> -> memref<125x64xf32, #tpu.memory_space<vmem>>
        %dma_start3A_491 = arith.constant 0 : i32
        %dma_start3A_492 = tpu.memref_slice %arg6[%add3A_396, %dma_start3A_491] : memref<80x125xi32, #tpu.memory_space<vmem>> -> memref<1x125xi32, #tpu.memory_space<vmem>>
        %dma_start3A_493 = tpu.memref_squeeze %dma_start3A_492 : memref<1x125xi32, #tpu.memory_space<vmem>> -> memref<125xi32, #tpu.memory_space<vmem>>
        %dma_start3A_494 = arith.constant 0 : i32
        %dma_start3A_495 = arith.constant 0 : i32
        %dma_start3A_496 = tpu.memref_slice %arg3[%dma_start3A_494, %dma_start3A_495] : memref<10000x64xf32, #tpu.memory_space<hbm>> -> memref<10000x64xf32, #tpu.memory_space<hbm>>
        %dma_start3A_497 = tpu.memref_slice %arg12[%dma_start3A_486] : memref<5x!tpu.dma_semaphore, #tpu.memory_space<semaphore_mem>> -> memref<1x!tpu.dma_semaphore, #tpu.memory_space<semaphore_mem>>
        %dma_start3A_498 = tpu.memref_squeeze %dma_start3A_497 : memref<1x!tpu.dma_semaphore, #tpu.memory_space<semaphore_mem>> -> memref<!tpu.dma_semaphore, #tpu.memory_space<semaphore_mem>>
        tpu.enqueue_indirect_dma source(%dma_start3A_496 : memref<10000x64xf32, #tpu.memory_space<hbm>>) target(%dma_start3A_490 : memref<125x64xf32, #tpu.memory_space<vmem>>) offsets(%dma_start3A_493 : memref<125xi32, #tpu.memory_space<vmem>>) semaphore(%dma_start3A_498 : memref<!tpu.dma_semaphore, #tpu.memory_space<semaphore_mem>>)
      } else {
      }
      %mul3A_402 = arith.constant 5 : i32
      %mul3A_403 = arith.muli %mul3A_402, %scan3A_283 : i32
      %add3A_404 = arith.constant 3 : i32
      %add3A_405 = arith.addi %mul3A_403, %add3A_404 : i32
      %dma_wait3A_406 = arith.constant 3 : i32
      %dma_wait3A_407 = arith.constant 3 : i32
      %dma_wait3A_408 = arith.constant 0 : i32
      %dma_wait3A_409 = arith.constant 0 : i32
      %dma_wait3A_410 = tpu.memref_slice %arg8[%dma_wait3A_406, %dma_wait3A_408, %dma_wait3A_409] : memref<5x125x64xf32, #tpu.memory_space<vmem>> -> memref<1x125x64xf32, #tpu.memory_space<vmem>>
      %dma_wait3A_411 = tpu.memref_squeeze %dma_wait3A_410 : memref<1x125x64xf32, #tpu.memory_space<vmem>> -> memref<125x64xf32, #tpu.memory_space<vmem>>
      %dma_wait3A_412 = arith.constant 0 : i32
      %dma_wait3A_413 = tpu.memref_slice %arg6[%add3A_405, %dma_wait3A_412] : memref<80x125xi32, #tpu.memory_space<vmem>> -> memref<1x125xi32, #tpu.memory_space<vmem>>
      %dma_wait3A_414 = tpu.memref_squeeze %dma_wait3A_413 : memref<1x125xi32, #tpu.memory_space<vmem>> -> memref<125xi32, #tpu.memory_space<vmem>>
      %dma_wait3A_415 = arith.constant 0 : i32
      %dma_wait3A_416 = arith.constant 0 : i32
      %dma_wait3A_417 = tpu.memref_slice %arg3[%dma_wait3A_415, %dma_wait3A_416] : memref<10000x64xf32, #tpu.memory_space<hbm>> -> memref<10000x64xf32, #tpu.memory_space<hbm>>
      %dma_wait3A_418 = tpu.memref_slice %arg12[%dma_wait3A_407] : memref<5x!tpu.dma_semaphore, #tpu.memory_space<semaphore_mem>> -> memref<1x!tpu.dma_semaphore, #tpu.memory_space<semaphore_mem>>
      %dma_wait3A_419 = tpu.memref_squeeze %dma_wait3A_418 : memref<1x!tpu.dma_semaphore, #tpu.memory_space<semaphore_mem>> -> memref<!tpu.dma_semaphore, #tpu.memory_space<semaphore_mem>>
      tpu.wait_indirect_dma semaphore(%dma_wait3A_419 : memref<!tpu.dma_semaphore, #tpu.memory_space<semaphore_mem>>) src(%dma_wait3A_417 : memref<10000x64xf32, #tpu.memory_space<hbm>>) dst(%dma_wait3A_411 : memref<125x64xf32, #tpu.memory_space<vmem>>)
      %dma_start3A_420 = arith.constant 3 : i32
      %dma_start3A_421 = arith.constant 3 : i32
      %dma_start3A_422 = arith.constant 0 : i32
      %dma_start3A_423 = arith.constant 0 : i32
      %dma_start3A_424 = tpu.memref_slice %arg8[%dma_start3A_420, %dma_start3A_422, %dma_start3A_423] : memref<5x125x64xf32, #tpu.memory_space<vmem>> -> memref<1x125x64xf32, #tpu.memory_space<vmem>>
      %dma_start3A_425 = tpu.memref_squeeze %dma_start3A_424 : memref<1x125x64xf32, #tpu.memory_space<vmem>> -> memref<125x64xf32, #tpu.memory_space<vmem>>
      %dma_start3A_426 = arith.constant 0 : i32
      %dma_start3A_427 = tpu.memref_slice %arg7[%add3A_405, %dma_start3A_426] : memref<80x125xi32, #tpu.memory_space<vmem>> -> memref<1x125xi32, #tpu.memory_space<vmem>>
      %dma_start3A_428 = tpu.memref_squeeze %dma_start3A_427 : memref<1x125xi32, #tpu.memory_space<vmem>> -> memref<125xi32, #tpu.memory_space<vmem>>
      %dma_start3A_429 = arith.constant 0 : i32
      %dma_start3A_430 = arith.constant 0 : i32
      %dma_start3A_431 = tpu.memref_slice %arg11[%dma_start3A_429, %dma_start3A_430] : memref<10000x64xf32, #tpu.memory_space<vmem_shared>> -> memref<10000x64xf32, #tpu.memory_space<vmem_shared>>
      %dma_start3A_432 = tpu.memref_slice %arg13[%dma_start3A_421] : memref<5x!tpu.dma_semaphore, #tpu.memory_space<semaphore_mem>> -> memref<1x!tpu.dma_semaphore, #tpu.memory_space<semaphore_mem>>
      %dma_start3A_433 = tpu.memref_squeeze %dma_start3A_432 : memref<1x!tpu.dma_semaphore, #tpu.memory_space<semaphore_mem>> -> memref<!tpu.dma_semaphore, #tpu.memory_space<semaphore_mem>>
      tpu.enqueue_indirect_dma source(%dma_start3A_425 : memref<125x64xf32, #tpu.memory_space<vmem>>) target(%dma_start3A_431 : memref<10000x64xf32, #tpu.memory_space<vmem_shared>>) offsets(%dma_start3A_428 : memref<125xi32, #tpu.memory_space<vmem>>) semaphore(%dma_start3A_433 : memref<!tpu.dma_semaphore, #tpu.memory_space<semaphore_mem>>) {add = true}
      %add3A_434 = arith.constant 3 : i32
      %add3A_435 = arith.addi %add3A_405, %add3A_434 : i32
      %lt3A_436 = arith.constant 80 : i32
      %lt3A_437 = arith.cmpi slt, %add3A_435, %lt3A_436 : i32
      %convert_element_type3A_438 = arith.extui %lt3A_437 : i1 to i32
      %cond3A_439 = arith.constant 0 : i32
      %cond3A_440 = arith.cmpi ne, %convert_element_type3A_438, %cond3A_439 : i32
      scf.if %cond3A_440 {
        %ge3A = arith.constant 5 : i32
        %ge3A_481 = arith.cmpi sge, %add3A_435, %ge3A : i32
        %convert_element_type3A_482 = arith.extui %ge3A_481 : i1 to i32
        %cond3A_483 = arith.constant 0 : i32
        %cond3A_484 = arith.cmpi ne, %convert_element_type3A_482, %cond3A_483 : i32
        scf.if %cond3A_484 {
          %dma_wait3A_499 = arith.constant 1 : i32
          %dma_wait3A_500 = arith.constant 0 : i32
          %dma_wait3A_501 = arith.constant 1 : i32
          %dma_wait3A_502 = arith.constant 0 : i32
          %dma_wait3A_503 = arith.constant 0 : i32
          %dma_wait3A_504 = tpu.memref_slice %arg8[%dma_wait3A_499, %dma_wait3A_502, %dma_wait3A_503] : memref<5x125x64xf32, #tpu.memory_space<vmem>> -> memref<1x125x64xf32, #tpu.memory_space<vmem>>
          %dma_wait3A_505 = tpu.memref_squeeze %dma_wait3A_504 : memref<1x125x64xf32, #tpu.memory_space<vmem>> -> memref<125x64xf32, #tpu.memory_space<vmem>>
          %dma_wait3A_506 = arith.constant 0 : i32
          %dma_wait3A_507 = tpu.memref_slice %arg7[%dma_wait3A_500, %dma_wait3A_506] : memref<80x125xi32, #tpu.memory_space<vmem>> -> memref<1x125xi32, #tpu.memory_space<vmem>>
          %dma_wait3A_508 = tpu.memref_squeeze %dma_wait3A_507 : memref<1x125xi32, #tpu.memory_space<vmem>> -> memref<125xi32, #tpu.memory_space<vmem>>
          %dma_wait3A_509 = arith.constant 0 : i32
          %dma_wait3A_510 = arith.constant 0 : i32
          %dma_wait3A_511 = tpu.memref_slice %arg11[%dma_wait3A_509, %dma_wait3A_510] : memref<10000x64xf32, #tpu.memory_space<vmem_shared>> -> memref<10000x64xf32, #tpu.memory_space<vmem_shared>>
          %dma_wait3A_512 = tpu.memref_slice %arg13[%dma_wait3A_501] : memref<5x!tpu.dma_semaphore, #tpu.memory_space<semaphore_mem>> -> memref<1x!tpu.dma_semaphore, #tpu.memory_space<semaphore_mem>>
          %dma_wait3A_513 = tpu.memref_squeeze %dma_wait3A_512 : memref<1x!tpu.dma_semaphore, #tpu.memory_space<semaphore_mem>> -> memref<!tpu.dma_semaphore, #tpu.memory_space<semaphore_mem>>
          tpu.wait_indirect_dma semaphore(%dma_wait3A_513 : memref<!tpu.dma_semaphore, #tpu.memory_space<semaphore_mem>>) src(%dma_wait3A_505 : memref<125x64xf32, #tpu.memory_space<vmem>>) dst(%dma_wait3A_511 : memref<10000x64xf32, #tpu.memory_space<vmem_shared>>)
        } else {
        }
        %dma_start3A_485 = arith.constant 1 : i32
        %dma_start3A_486 = arith.constant 1 : i32
        %dma_start3A_487 = arith.constant 0 : i32
        %dma_start3A_488 = arith.constant 0 : i32
        %dma_start3A_489 = tpu.memref_slice %arg8[%dma_start3A_485, %dma_start3A_487, %dma_start3A_488] : memref<5x125x64xf32, #tpu.memory_space<vmem>> -> memref<1x125x64xf32, #tpu.memory_space<vmem>>
        %dma_start3A_490 = tpu.memref_squeeze %dma_start3A_489 : memref<1x125x64xf32, #tpu.memory_space<vmem>> -> memref<125x64xf32, #tpu.memory_space<vmem>>
        %dma_start3A_491 = arith.constant 0 : i32
        %dma_start3A_492 = tpu.memref_slice %arg6[%add3A_435, %dma_start3A_491] : memref<80x125xi32, #tpu.memory_space<vmem>> -> memref<1x125xi32, #tpu.memory_space<vmem>>
        %dma_start3A_493 = tpu.memref_squeeze %dma_start3A_492 : memref<1x125xi32, #tpu.memory_space<vmem>> -> memref<125xi32, #tpu.memory_space<vmem>>
        %dma_start3A_494 = arith.constant 0 : i32
        %dma_start3A_495 = arith.constant 0 : i32
        %dma_start3A_496 = tpu.memref_slice %arg3[%dma_start3A_494, %dma_start3A_495] : memref<10000x64xf32, #tpu.memory_space<hbm>> -> memref<10000x64xf32, #tpu.memory_space<hbm>>
        %dma_start3A_497 = tpu.memref_slice %arg12[%dma_start3A_486] : memref<5x!tpu.dma_semaphore, #tpu.memory_space<semaphore_mem>> -> memref<1x!tpu.dma_semaphore, #tpu.memory_space<semaphore_mem>>
        %dma_start3A_498 = tpu.memref_squeeze %dma_start3A_497 : memref<1x!tpu.dma_semaphore, #tpu.memory_space<semaphore_mem>> -> memref<!tpu.dma_semaphore, #tpu.memory_space<semaphore_mem>>
        tpu.enqueue_indirect_dma source(%dma_start3A_496 : memref<10000x64xf32, #tpu.memory_space<hbm>>) target(%dma_start3A_490 : memref<125x64xf32, #tpu.memory_space<vmem>>) offsets(%dma_start3A_493 : memref<125xi32, #tpu.memory_space<vmem>>) semaphore(%dma_start3A_498 : memref<!tpu.dma_semaphore, #tpu.memory_space<semaphore_mem>>)
      } else {
      }
      %mul3A_441 = arith.constant 5 : i32
      %mul3A_442 = arith.muli %mul3A_441, %scan3A_283 : i32
      %add3A_443 = arith.constant 4 : i32
      %add3A_444 = arith.addi %mul3A_442, %add3A_443 : i32
      %dma_wait3A_445 = arith.constant 4 : i32
      %dma_wait3A_446 = arith.constant 4 : i32
      %dma_wait3A_447 = arith.constant 0 : i32
      %dma_wait3A_448 = arith.constant 0 : i32
      %dma_wait3A_449 = tpu.memref_slice %arg8[%dma_wait3A_445, %dma_wait3A_447, %dma_wait3A_448] : memref<5x125x64xf32, #tpu.memory_space<vmem>> -> memref<1x125x64xf32, #tpu.memory_space<vmem>>
      %dma_wait3A_450 = tpu.memref_squeeze %dma_wait3A_449 : memref<1x125x64xf32, #tpu.memory_space<vmem>> -> memref<125x64xf32, #tpu.memory_space<vmem>>
      %dma_wait3A_451 = arith.constant 0 : i32
      %dma_wait3A_452 = tpu.memref_slice %arg6[%add3A_444, %dma_wait3A_451] : memref<80x125xi32, #tpu.memory_space<vmem>> -> memref<1x125xi32, #tpu.memory_space<vmem>>
      %dma_wait3A_453 = tpu.memref_squeeze %dma_wait3A_452 : memref<1x125xi32, #tpu.memory_space<vmem>> -> memref<125xi32, #tpu.memory_space<vmem>>
      %dma_wait3A_454 = arith.constant 0 : i32
      %dma_wait3A_455 = arith.constant 0 : i32
      %dma_wait3A_456 = tpu.memref_slice %arg3[%dma_wait3A_454, %dma_wait3A_455] : memref<10000x64xf32, #tpu.memory_space<hbm>> -> memref<10000x64xf32, #tpu.memory_space<hbm>>
      %dma_wait3A_457 = tpu.memref_slice %arg12[%dma_wait3A_446] : memref<5x!tpu.dma_semaphore, #tpu.memory_space<semaphore_mem>> -> memref<1x!tpu.dma_semaphore, #tpu.memory_space<semaphore_mem>>
      %dma_wait3A_458 = tpu.memref_squeeze %dma_wait3A_457 : memref<1x!tpu.dma_semaphore, #tpu.memory_space<semaphore_mem>> -> memref<!tpu.dma_semaphore, #tpu.memory_space<semaphore_mem>>
      tpu.wait_indirect_dma semaphore(%dma_wait3A_458 : memref<!tpu.dma_semaphore, #tpu.memory_space<semaphore_mem>>) src(%dma_wait3A_456 : memref<10000x64xf32, #tpu.memory_space<hbm>>) dst(%dma_wait3A_450 : memref<125x64xf32, #tpu.memory_space<vmem>>)
      %dma_start3A_459 = arith.constant 4 : i32
      %dma_start3A_460 = arith.constant 4 : i32
      %dma_start3A_461 = arith.constant 0 : i32
      %dma_start3A_462 = arith.constant 0 : i32
      %dma_start3A_463 = tpu.memref_slice %arg8[%dma_start3A_459, %dma_start3A_461, %dma_start3A_462] : memref<5x125x64xf32, #tpu.memory_space<vmem>> -> memref<1x125x64xf32, #tpu.memory_space<vmem>>
      %dma_start3A_464 = tpu.memref_squeeze %dma_start3A_463 : memref<1x125x64xf32, #tpu.memory_space<vmem>> -> memref<125x64xf32, #tpu.memory_space<vmem>>
      %dma_start3A_465 = arith.constant 0 : i32
      %dma_start3A_466 = tpu.memref_slice %arg7[%add3A_444, %dma_start3A_465] : memref<80x125xi32, #tpu.memory_space<vmem>> -> memref<1x125xi32, #tpu.memory_space<vmem>>
      %dma_start3A_467 = tpu.memref_squeeze %dma_start3A_466 : memref<1x125xi32, #tpu.memory_space<vmem>> -> memref<125xi32, #tpu.memory_space<vmem>>
      %dma_start3A_468 = arith.constant 0 : i32
      %dma_start3A_469 = arith.constant 0 : i32
      %dma_start3A_470 = tpu.memref_slice %arg11[%dma_start3A_468, %dma_start3A_469] : memref<10000x64xf32, #tpu.memory_space<vmem_shared>> -> memref<10000x64xf32, #tpu.memory_space<vmem_shared>>
      %dma_start3A_471 = tpu.memref_slice %arg13[%dma_start3A_460] : memref<5x!tpu.dma_semaphore, #tpu.memory_space<semaphore_mem>> -> memref<1x!tpu.dma_semaphore, #tpu.memory_space<semaphore_mem>>
      %dma_start3A_472 = tpu.memref_squeeze %dma_start3A_471 : memref<1x!tpu.dma_semaphore, #tpu.memory_space<semaphore_mem>> -> memref<!tpu.dma_semaphore, #tpu.memory_space<semaphore_mem>>
      tpu.enqueue_indirect_dma source(%dma_start3A_464 : memref<125x64xf32, #tpu.memory_space<vmem>>) target(%dma_start3A_470 : memref<10000x64xf32, #tpu.memory_space<vmem_shared>>) offsets(%dma_start3A_467 : memref<125xi32, #tpu.memory_space<vmem>>) semaphore(%dma_start3A_472 : memref<!tpu.dma_semaphore, #tpu.memory_space<semaphore_mem>>) {add = true}
      %add3A_473 = arith.constant 3 : i32
      %add3A_474 = arith.addi %add3A_444, %add3A_473 : i32
      %lt3A_475 = arith.constant 80 : i32
      %lt3A_476 = arith.cmpi slt, %add3A_474, %lt3A_475 : i32
      %convert_element_type3A_477 = arith.extui %lt3A_476 : i1 to i32
      %cond3A_478 = arith.constant 0 : i32
      %cond3A_479 = arith.cmpi ne, %convert_element_type3A_477, %cond3A_478 : i32
      scf.if %cond3A_479 {
        %ge3A = arith.constant 5 : i32
        %ge3A_481 = arith.cmpi sge, %add3A_474, %ge3A : i32
        %convert_element_type3A_482 = arith.extui %ge3A_481 : i1 to i32
        %cond3A_483 = arith.constant 0 : i32
        %cond3A_484 = arith.cmpi ne, %convert_element_type3A_482, %cond3A_483 : i32
        scf.if %cond3A_484 {
          %dma_wait3A_499 = arith.constant 2 : i32
          %dma_wait3A_500 = arith.constant 0 : i32
          %dma_wait3A_501 = arith.constant 2 : i32
          %dma_wait3A_502 = arith.constant 0 : i32
          %dma_wait3A_503 = arith.constant 0 : i32
          %dma_wait3A_504 = tpu.memref_slice %arg8[%dma_wait3A_499, %dma_wait3A_502, %dma_wait3A_503] : memref<5x125x64xf32, #tpu.memory_space<vmem>> -> memref<1x125x64xf32, #tpu.memory_space<vmem>>
          %dma_wait3A_505 = tpu.memref_squeeze %dma_wait3A_504 : memref<1x125x64xf32, #tpu.memory_space<vmem>> -> memref<125x64xf32, #tpu.memory_space<vmem>>
          %dma_wait3A_506 = arith.constant 0 : i32
          %dma_wait3A_507 = tpu.memref_slice %arg7[%dma_wait3A_500, %dma_wait3A_506] : memref<80x125xi32, #tpu.memory_space<vmem>> -> memref<1x125xi32, #tpu.memory_space<vmem>>
          %dma_wait3A_508 = tpu.memref_squeeze %dma_wait3A_507 : memref<1x125xi32, #tpu.memory_space<vmem>> -> memref<125xi32, #tpu.memory_space<vmem>>
          %dma_wait3A_509 = arith.constant 0 : i32
          %dma_wait3A_510 = arith.constant 0 : i32
          %dma_wait3A_511 = tpu.memref_slice %arg11[%dma_wait3A_509, %dma_wait3A_510] : memref<10000x64xf32, #tpu.memory_space<vmem_shared>> -> memref<10000x64xf32, #tpu.memory_space<vmem_shared>>
          %dma_wait3A_512 = tpu.memref_slice %arg13[%dma_wait3A_501] : memref<5x!tpu.dma_semaphore, #tpu.memory_space<semaphore_mem>> -> memref<1x!tpu.dma_semaphore, #tpu.memory_space<semaphore_mem>>
          %dma_wait3A_513 = tpu.memref_squeeze %dma_wait3A_512 : memref<1x!tpu.dma_semaphore, #tpu.memory_space<semaphore_mem>> -> memref<!tpu.dma_semaphore, #tpu.memory_space<semaphore_mem>>
          tpu.wait_indirect_dma semaphore(%dma_wait3A_513 : memref<!tpu.dma_semaphore, #tpu.memory_space<semaphore_mem>>) src(%dma_wait3A_505 : memref<125x64xf32, #tpu.memory_space<vmem>>) dst(%dma_wait3A_511 : memref<10000x64xf32, #tpu.memory_space<vmem_shared>>)
        } else {
        }
        %dma_start3A_485 = arith.constant 2 : i32
        %dma_start3A_486 = arith.constant 2 : i32
        %dma_start3A_487 = arith.constant 0 : i32
        %dma_start3A_488 = arith.constant 0 : i32
        %dma_start3A_489 = tpu.memref_slice %arg8[%dma_start3A_485, %dma_start3A_487, %dma_start3A_488] : memref<5x125x64xf32, #tpu.memory_space<vmem>> -> memref<1x125x64xf32, #tpu.memory_space<vmem>>
        %dma_start3A_490 = tpu.memref_squeeze %dma_start3A_489 : memref<1x125x64xf32, #tpu.memory_space<vmem>> -> memref<125x64xf32, #tpu.memory_space<vmem>>
        %dma_start3A_491 = arith.constant 0 : i32
        %dma_start3A_492 = tpu.memref_slice %arg6[%add3A_474, %dma_start3A_491] : memref<80x125xi32, #tpu.memory_space<vmem>> -> memref<1x125xi32, #tpu.memory_space<vmem>>
        %dma_start3A_493 = tpu.memref_squeeze %dma_start3A_492 : memref<1x125xi32, #tpu.memory_space<vmem>> -> memref<125xi32, #tpu.memory_space<vmem>>
        %dma_start3A_494 = arith.constant 0 : i32
        %dma_start3A_495 = arith.constant 0 : i32
        %dma_start3A_496 = tpu.memref_slice %arg3[%dma_start3A_494, %dma_start3A_495] : memref<10000x64xf32, #tpu.memory_space<hbm>> -> memref<10000x64xf32, #tpu.memory_space<hbm>>
        %dma_start3A_497 = tpu.memref_slice %arg12[%dma_start3A_486] : memref<5x!tpu.dma_semaphore, #tpu.memory_space<semaphore_mem>> -> memref<1x!tpu.dma_semaphore, #tpu.memory_space<semaphore_mem>>
        %dma_start3A_498 = tpu.memref_squeeze %dma_start3A_497 : memref<1x!tpu.dma_semaphore, #tpu.memory_space<semaphore_mem>> -> memref<!tpu.dma_semaphore, #tpu.memory_space<semaphore_mem>>
        tpu.enqueue_indirect_dma source(%dma_start3A_496 : memref<10000x64xf32, #tpu.memory_space<hbm>>) target(%dma_start3A_490 : memref<125x64xf32, #tpu.memory_space<vmem>>) offsets(%dma_start3A_493 : memref<125xi32, #tpu.memory_space<vmem>>) semaphore(%dma_start3A_498 : memref<!tpu.dma_semaphore, #tpu.memory_space<semaphore_mem>>)
      } else {
      }
      %scan3A_480 = arith.constant 0 : i32
      scf.yield %scan3A_480 : i32
    }
    %scan3A_200 = arith.constant 16 : i32
    %dma_wait3A_201 = arith.constant 0 : i32
    %dma_wait3A_202 = arith.constant 0 : i32
    %dma_wait3A_203 = arith.constant 0 : i32
    %dma_wait3A_204 = arith.constant 0 : i32
    %dma_wait3A_205 = arith.constant 0 : i32
    %dma_wait3A_206 = tpu.memref_slice %arg8[%dma_wait3A_201, %dma_wait3A_204, %dma_wait3A_205] : memref<5x125x64xf32, #tpu.memory_space<vmem>> -> memref<1x125x64xf32, #tpu.memory_space<vmem>>
    %dma_wait3A_207 = tpu.memref_squeeze %dma_wait3A_206 : memref<1x125x64xf32, #tpu.memory_space<vmem>> -> memref<125x64xf32, #tpu.memory_space<vmem>>
    %dma_wait3A_208 = arith.constant 0 : i32
    %dma_wait3A_209 = tpu.memref_slice %arg7[%dma_wait3A_202, %dma_wait3A_208] : memref<80x125xi32, #tpu.memory_space<vmem>> -> memref<1x125xi32, #tpu.memory_space<vmem>>
    %dma_wait3A_210 = tpu.memref_squeeze %dma_wait3A_209 : memref<1x125xi32, #tpu.memory_space<vmem>> -> memref<125xi32, #tpu.memory_space<vmem>>
    %dma_wait3A_211 = arith.constant 0 : i32
    %dma_wait3A_212 = arith.constant 0 : i32
    %dma_wait3A_213 = tpu.memref_slice %arg11[%dma_wait3A_211, %dma_wait3A_212] : memref<10000x64xf32, #tpu.memory_space<vmem_shared>> -> memref<10000x64xf32, #tpu.memory_space<vmem_shared>>
    %dma_wait3A_214 = tpu.memref_slice %arg13[%dma_wait3A_203] : memref<5x!tpu.dma_semaphore, #tpu.memory_space<semaphore_mem>> -> memref<1x!tpu.dma_semaphore, #tpu.memory_space<semaphore_mem>>
    %dma_wait3A_215 = tpu.memref_squeeze %dma_wait3A_214 : memref<1x!tpu.dma_semaphore, #tpu.memory_space<semaphore_mem>> -> memref<!tpu.dma_semaphore, #tpu.memory_space<semaphore_mem>>
    tpu.wait_indirect_dma semaphore(%dma_wait3A_215 : memref<!tpu.dma_semaphore, #tpu.memory_space<semaphore_mem>>) src(%dma_wait3A_207 : memref<125x64xf32, #tpu.memory_space<vmem>>) dst(%dma_wait3A_213 : memref<10000x64xf32, #tpu.memory_space<vmem_shared>>)
    %dma_wait3A_216 = arith.constant 1 : i32
    %dma_wait3A_217 = arith.constant 0 : i32
    %dma_wait3A_218 = arith.constant 1 : i32
    %dma_wait3A_219 = arith.constant 0 : i32
    %dma_wait3A_220 = arith.constant 0 : i32
    %dma_wait3A_221 = tpu.memref_slice %arg8[%dma_wait3A_216, %dma_wait3A_219, %dma_wait3A_220] : memref<5x125x64xf32, #tpu.memory_space<vmem>> -> memref<1x125x64xf32, #tpu.memory_space<vmem>>
    %dma_wait3A_222 = tpu.memref_squeeze %dma_wait3A_221 : memref<1x125x64xf32, #tpu.memory_space<vmem>> -> memref<125x64xf32, #tpu.memory_space<vmem>>
    %dma_wait3A_223 = arith.constant 0 : i32
    %dma_wait3A_224 = tpu.memref_slice %arg7[%dma_wait3A_217, %dma_wait3A_223] : memref<80x125xi32, #tpu.memory_space<vmem>> -> memref<1x125xi32, #tpu.memory_space<vmem>>
    %dma_wait3A_225 = tpu.memref_squeeze %dma_wait3A_224 : memref<1x125xi32, #tpu.memory_space<vmem>> -> memref<125xi32, #tpu.memory_space<vmem>>
    %dma_wait3A_226 = arith.constant 0 : i32
    %dma_wait3A_227 = arith.constant 0 : i32
    %dma_wait3A_228 = tpu.memref_slice %arg11[%dma_wait3A_226, %dma_wait3A_227] : memref<10000x64xf32, #tpu.memory_space<vmem_shared>> -> memref<10000x64xf32, #tpu.memory_space<vmem_shared>>
    %dma_wait3A_229 = tpu.memref_slice %arg13[%dma_wait3A_218] : memref<5x!tpu.dma_semaphore, #tpu.memory_space<semaphore_mem>> -> memref<1x!tpu.dma_semaphore, #tpu.memory_space<semaphore_mem>>
    %dma_wait3A_230 = tpu.memref_squeeze %dma_wait3A_229 : memref<1x!tpu.dma_semaphore, #tpu.memory_space<semaphore_mem>> -> memref<!tpu.dma_semaphore, #tpu.memory_space<semaphore_mem>>
    tpu.wait_indirect_dma semaphore(%dma_wait3A_230 : memref<!tpu.dma_semaphore, #tpu.memory_space<semaphore_mem>>) src(%dma_wait3A_222 : memref<125x64xf32, #tpu.memory_space<vmem>>) dst(%dma_wait3A_228 : memref<10000x64xf32, #tpu.memory_space<vmem_shared>>)
    %dma_wait3A_231 = arith.constant 2 : i32
    %dma_wait3A_232 = arith.constant 0 : i32
    %dma_wait3A_233 = arith.constant 2 : i32
    %dma_wait3A_234 = arith.constant 0 : i32
    %dma_wait3A_235 = arith.constant 0 : i32
    %dma_wait3A_236 = tpu.memref_slice %arg8[%dma_wait3A_231, %dma_wait3A_234, %dma_wait3A_235] : memref<5x125x64xf32, #tpu.memory_space<vmem>> -> memref<1x125x64xf32, #tpu.memory_space<vmem>>
    %dma_wait3A_237 = tpu.memref_squeeze %dma_wait3A_236 : memref<1x125x64xf32, #tpu.memory_space<vmem>> -> memref<125x64xf32, #tpu.memory_space<vmem>>
    %dma_wait3A_238 = arith.constant 0 : i32
    %dma_wait3A_239 = tpu.memref_slice %arg7[%dma_wait3A_232, %dma_wait3A_238] : memref<80x125xi32, #tpu.memory_space<vmem>> -> memref<1x125xi32, #tpu.memory_space<vmem>>
    %dma_wait3A_240 = tpu.memref_squeeze %dma_wait3A_239 : memref<1x125xi32, #tpu.memory_space<vmem>> -> memref<125xi32, #tpu.memory_space<vmem>>
    %dma_wait3A_241 = arith.constant 0 : i32
    %dma_wait3A_242 = arith.constant 0 : i32
    %dma_wait3A_243 = tpu.memref_slice %arg11[%dma_wait3A_241, %dma_wait3A_242] : memref<10000x64xf32, #tpu.memory_space<vmem_shared>> -> memref<10000x64xf32, #tpu.memory_space<vmem_shared>>
    %dma_wait3A_244 = tpu.memref_slice %arg13[%dma_wait3A_233] : memref<5x!tpu.dma_semaphore, #tpu.memory_space<semaphore_mem>> -> memref<1x!tpu.dma_semaphore, #tpu.memory_space<semaphore_mem>>
    %dma_wait3A_245 = tpu.memref_squeeze %dma_wait3A_244 : memref<1x!tpu.dma_semaphore, #tpu.memory_space<semaphore_mem>> -> memref<!tpu.dma_semaphore, #tpu.memory_space<semaphore_mem>>
    tpu.wait_indirect_dma semaphore(%dma_wait3A_245 : memref<!tpu.dma_semaphore, #tpu.memory_space<semaphore_mem>>) src(%dma_wait3A_237 : memref<125x64xf32, #tpu.memory_space<vmem>>) dst(%dma_wait3A_243 : memref<10000x64xf32, #tpu.memory_space<vmem_shared>>)
    %dma_wait3A_246 = arith.constant 3 : i32
    %dma_wait3A_247 = arith.constant 0 : i32
    %dma_wait3A_248 = arith.constant 3 : i32
    %dma_wait3A_249 = arith.constant 0 : i32
    %dma_wait3A_250 = arith.constant 0 : i32
    %dma_wait3A_251 = tpu.memref_slice %arg8[%dma_wait3A_246, %dma_wait3A_249, %dma_wait3A_250] : memref<5x125x64xf32, #tpu.memory_space<vmem>> -> memref<1x125x64xf32, #tpu.memory_space<vmem>>
    %dma_wait3A_252 = tpu.memref_squeeze %dma_wait3A_251 : memref<1x125x64xf32, #tpu.memory_space<vmem>> -> memref<125x64xf32, #tpu.memory_space<vmem>>
    %dma_wait3A_253 = arith.constant 0 : i32
    %dma_wait3A_254 = tpu.memref_slice %arg7[%dma_wait3A_247, %dma_wait3A_253] : memref<80x125xi32, #tpu.memory_space<vmem>> -> memref<1x125xi32, #tpu.memory_space<vmem>>
    %dma_wait3A_255 = tpu.memref_squeeze %dma_wait3A_254 : memref<1x125xi32, #tpu.memory_space<vmem>> -> memref<125xi32, #tpu.memory_space<vmem>>
    %dma_wait3A_256 = arith.constant 0 : i32
    %dma_wait3A_257 = arith.constant 0 : i32
    %dma_wait3A_258 = tpu.memref_slice %arg11[%dma_wait3A_256, %dma_wait3A_257] : memref<10000x64xf32, #tpu.memory_space<vmem_shared>> -> memref<10000x64xf32, #tpu.memory_space<vmem_shared>>
    %dma_wait3A_259 = tpu.memref_slice %arg13[%dma_wait3A_248] : memref<5x!tpu.dma_semaphore, #tpu.memory_space<semaphore_mem>> -> memref<1x!tpu.dma_semaphore, #tpu.memory_space<semaphore_mem>>
    %dma_wait3A_260 = tpu.memref_squeeze %dma_wait3A_259 : memref<1x!tpu.dma_semaphore, #tpu.memory_space<semaphore_mem>> -> memref<!tpu.dma_semaphore, #tpu.memory_space<semaphore_mem>>
    tpu.wait_indirect_dma semaphore(%dma_wait3A_260 : memref<!tpu.dma_semaphore, #tpu.memory_space<semaphore_mem>>) src(%dma_wait3A_252 : memref<125x64xf32, #tpu.memory_space<vmem>>) dst(%dma_wait3A_258 : memref<10000x64xf32, #tpu.memory_space<vmem_shared>>)
    %dma_wait3A_261 = arith.constant 4 : i32
    %dma_wait3A_262 = arith.constant 0 : i32
    %dma_wait3A_263 = arith.constant 4 : i32
    %dma_wait3A_264 = arith.constant 0 : i32
    %dma_wait3A_265 = arith.constant 0 : i32
    %dma_wait3A_266 = tpu.memref_slice %arg8[%dma_wait3A_261, %dma_wait3A_264, %dma_wait3A_265] : memref<5x125x64xf32, #tpu.memory_space<vmem>> -> memref<1x125x64xf32, #tpu.memory_space<vmem>>
    %dma_wait3A_267 = tpu.memref_squeeze %dma_wait3A_266 : memref<1x125x64xf32, #tpu.memory_space<vmem>> -> memref<125x64xf32, #tpu.memory_space<vmem>>
    %dma_wait3A_268 = arith.constant 0 : i32
    %dma_wait3A_269 = tpu.memref_slice %arg7[%dma_wait3A_262, %dma_wait3A_268] : memref<80x125xi32, #tpu.memory_space<vmem>> -> memref<1x125xi32, #tpu.memory_space<vmem>>
    %dma_wait3A_270 = tpu.memref_squeeze %dma_wait3A_269 : memref<1x125xi32, #tpu.memory_space<vmem>> -> memref<125xi32, #tpu.memory_space<vmem>>
    %dma_wait3A_271 = arith.constant 0 : i32
    %dma_wait3A_272 = arith.constant 0 : i32
    %dma_wait3A_273 = tpu.memref_slice %arg11[%dma_wait3A_271, %dma_wait3A_272] : memref<10000x64xf32, #tpu.memory_space<vmem_shared>> -> memref<10000x64xf32, #tpu.memory_space<vmem_shared>>
    %dma_wait3A_274 = tpu.memref_slice %arg13[%dma_wait3A_263] : memref<5x!tpu.dma_semaphore, #tpu.memory_space<semaphore_mem>> -> memref<1x!tpu.dma_semaphore, #tpu.memory_space<semaphore_mem>>
    %dma_wait3A_275 = tpu.memref_squeeze %dma_wait3A_274 : memref<1x!tpu.dma_semaphore, #tpu.memory_space<semaphore_mem>> -> memref<!tpu.dma_semaphore, #tpu.memory_space<semaphore_mem>>
    tpu.wait_indirect_dma semaphore(%dma_wait3A_275 : memref<!tpu.dma_semaphore, #tpu.memory_space<semaphore_mem>>) src(%dma_wait3A_267 : memref<125x64xf32, #tpu.memory_space<vmem>>) dst(%dma_wait3A_273 : memref<10000x64xf32, #tpu.memory_space<vmem_shared>>)
    %barrier3A_276 = arith.constant 0 : index
    tpu.barrier barrier_id(%barrier3A_276)
    %lt3A_277 = arith.constant 10 : i32
    %lt3A_278 = arith.cmpi slt, %arg1, %lt3A_277 : i32
    %convert_element_type3A_279 = arith.extui %lt3A_278 : i1 to i32
    %cond3A_280 = arith.constant 0 : i32
    %cond3A_281 = arith.cmpi ne, %convert_element_type3A_279, %cond3A_280 : i32
    scf.if %cond3A_281 {
      %scan3A_283 = arith.constant 0 : i32
      %scan3A_284 = arith.constant 0 : i32
      %scan3A_285 = arith.constant 5 : i32
      %scan3A_286 = arith.addi %scan3A_284, %scan3A_285 : i32
      %scan3A_287 = arith.constant 1 : i32
      %scan3A_288 = scf.for %scan3A_290 = %scan3A_284 to %scan3A_286 step %scan3A_287 iter_args(%scan3A_291 = %scan3A_283) -> (i32)  : i32 {
        %mul3A_292 = arith.constant 1000 : i32
        %mul3A_293 = arith.muli %arg1, %mul3A_292 : i32
        %mul3A_294 = arith.constant 200 : i32
        %mul3A_295 = arith.muli %scan3A_290, %mul3A_294 : i32
        %add3A_296 = arith.addi %mul3A_293, %mul3A_295 : i32
        "tpu.region"() ({
          %run_scoped3A_299 = tpu.sem_alloc : memref<!tpu.dma_semaphore, #tpu.memory_space<semaphore_mem>>
          %dma_start3A_300 = arith.constant 0 : i32
          %dma_start3A_301 = tpu.memref_slice %arg11[%add3A_296, %dma_start3A_300] : memref<10000x64xf32, #tpu.memory_space<vmem_shared>> -> memref<200x64xf32, #tpu.memory_space<vmem_shared>>
          %dma_start3A_302 = arith.constant 0 : i32
          %dma_start3A_303 = tpu.memref_slice %arg11[%add3A_296, %dma_start3A_302] : memref<10000x64xf32, #tpu.memory_space<vmem_shared>> -> memref<200x64xf32, #tpu.memory_space<vmem_shared>>
          tpu.enqueue_dma source(%dma_start3A_303 : memref<200x64xf32, #tpu.memory_space<vmem_shared>>) target(%arg10 : memref<200x64xf32, #tpu.memory_space<vmem>>) target_semaphore(%run_scoped3A_299 : memref<!tpu.dma_semaphore, #tpu.memory_space<semaphore_mem>>)
          %dma_wait3A_304 = arith.constant 0 : i32
          %dma_wait3A_305 = tpu.memref_slice %arg11[%add3A_296, %dma_wait3A_304] : memref<10000x64xf32, #tpu.memory_space<vmem_shared>> -> memref<200x64xf32, #tpu.memory_space<vmem_shared>>
          %dma_wait3A_306 = arith.constant 0 : i32
          %dma_wait3A_307 = tpu.memref_slice %arg11[%add3A_296, %dma_wait3A_306] : memref<10000x64xf32, #tpu.memory_space<vmem_shared>> -> memref<200x64xf32, #tpu.memory_space<vmem_shared>>
          tpu.wait_dma2 semaphore(%run_scoped3A_299 : memref<!tpu.dma_semaphore, #tpu.memory_space<semaphore_mem>>) src(%dma_wait3A_307 : memref<200x64xf32, #tpu.memory_space<vmem_shared>>) dst(%arg10 : memref<200x64xf32, #tpu.memory_space<vmem>>)
          tpu.yield
        }) : () -> ()
        %run_scoped3A_297 = arith.constant 1 : i32
        "tpu.region"() ({
          %run_scoped3A_299 = tpu.sem_alloc : memref<!tpu.dma_semaphore, #tpu.memory_space<semaphore_mem>>
          %dma_start3A_300 = arith.constant 0 : i32
          %dma_start3A_301 = tpu.memref_slice %arg5[%arg0, %run_scoped3A_297, %add3A_296, %dma_start3A_300] : memref<2x2x10000x64xf32, #tpu.memory_space<hbm>> -> memref<1x1x200x64xf32, #tpu.memory_space<hbm>>
          %dma_start3A_302 = tpu.memref_squeeze %dma_start3A_301 : memref<1x1x200x64xf32, #tpu.memory_space<hbm>> -> memref<200x64xf32, #tpu.memory_space<hbm>>
          %dma_start3A_303 = arith.constant 0 : i32
          %dma_start3A_304 = tpu.memref_slice %arg5[%arg0, %run_scoped3A_297, %add3A_296, %dma_start3A_303] : memref<2x2x10000x64xf32, #tpu.memory_space<hbm>> -> memref<1x1x200x64xf32, #tpu.memory_space<hbm>>
          %dma_start3A_305 = tpu.memref_squeeze %dma_start3A_304 : memref<1x1x200x64xf32, #tpu.memory_space<hbm>> -> memref<200x64xf32, #tpu.memory_space<hbm>>
          tpu.enqueue_dma source(%arg10 : memref<200x64xf32, #tpu.memory_space<vmem>>) target(%dma_start3A_305 : memref<200x64xf32, #tpu.memory_space<hbm>>) target_semaphore(%run_scoped3A_299 : memref<!tpu.dma_semaphore, #tpu.memory_space<semaphore_mem>>)
          %dma_wait3A_306 = arith.constant 0 : i32
          %dma_wait3A_307 = tpu.memref_slice %arg5[%arg0, %run_scoped3A_297, %add3A_296, %dma_wait3A_306] : memref<2x2x10000x64xf32, #tpu.memory_space<hbm>> -> memref<1x1x200x64xf32, #tpu.memory_space<hbm>>
          %dma_wait3A_308 = tpu.memref_squeeze %dma_wait3A_307 : memref<1x1x200x64xf32, #tpu.memory_space<hbm>> -> memref<200x64xf32, #tpu.memory_space<hbm>>
          %dma_wait3A_309 = arith.constant 0 : i32
          %dma_wait3A_310 = tpu.memref_slice %arg5[%arg0, %run_scoped3A_297, %add3A_296, %dma_wait3A_309] : memref<2x2x10000x64xf32, #tpu.memory_space<hbm>> -> memref<1x1x200x64xf32, #tpu.memory_space<hbm>>
          %dma_wait3A_311 = tpu.memref_squeeze %dma_wait3A_310 : memref<1x1x200x64xf32, #tpu.memory_space<hbm>> -> memref<200x64xf32, #tpu.memory_space<hbm>>
          tpu.wait_dma2 semaphore(%run_scoped3A_299 : memref<!tpu.dma_semaphore, #tpu.memory_space<semaphore_mem>>) src(%arg10 : memref<200x64xf32, #tpu.memory_space<vmem>>) dst(%dma_wait3A_311 : memref<200x64xf32, #tpu.memory_space<hbm>>)
          tpu.yield
        }) : () -> ()
        %scan3A_298 = arith.constant 0 : i32
        scf.yield %scan3A_298 : i32
      }
      %scan3A_289 = arith.constant 5 : i32
    } else {
    }
    %barrier3A_282 = arith.constant 0 : index
    tpu.barrier barrier_id(%barrier3A_282)
    return
  }
}

#map = affine_map<(d0, d1) -> (0, 0)>
#map1 = affine_map<(d0, d1) -> (0, 0, 0, 0)>
module attributes {stable_mosaic.version = 14 : i64} {
  func.func @_edge_segsum(%arg0: i32, %arg1: i32, %arg2: memref<10000x64xf32, #tpu.memory_space<hbm>>, %arg3: memref<10000x64xf32, #tpu.memory_space<hbm>>, %arg4: memref<2x32x80x125xi32, #tpu.memory_space<hbm>>, %arg5: memref<2x2x10000x64xf32, #tpu.memory_space<hbm>>, %arg6: memref<80x125xi32, #tpu.memory_space<vmem>>, %arg7: memref<80x125xi32, #tpu.memory_space<vmem>>, %arg8: memref<5x125x64xf32, #tpu.memory_space<vmem>>, %arg9: memref<200x64xf32, #tpu.memory_space<vmem>>, %arg10: memref<200x64xf32, #tpu.memory_space<vmem>>, %arg11: memref<10000x64xf32, #tpu.memory_space<vmem_shared>>, %arg12: memref<5x!tpu.dma_semaphore, #tpu.memory_space<semaphore_mem>>, %arg13: memref<5x!tpu.dma_semaphore, #tpu.memory_space<semaphore_mem>>) attributes {dimension_semantics = [#tpu.dimension_semantics<core_parallel>, #tpu.dimension_semantics<subcore_parallel>], iteration_bounds = array<i64: 2, 16>, scalar_prefetch = 0 : i64, scratch_operands = 8 : i64, tpu.core_type = #tpu.core_type<sc_vector_subcore>, window_params = [{transform_indices = #map}, {transform_indices = #map}, {transform_indices = #map1}, {transform_indices = #map1}]} {
    %mul3A = arith.constant 16 : i32
    %mul3A_0 = arith.muli %arg0, %mul3A : i32
    %add3A = arith.addi %mul3A_0, %arg1 : i32
    %broadcast_in_dim3A = arith.constant 0.000000e+00 : f32
    %broadcast_in_dim3A_1 = vector.broadcast %broadcast_in_dim3A : f32 to vector<16xf32>
    %scan3A = arith.constant 0 : i32
    %scan3A_2 = arith.constant 0 : i32
    %scan3A_3 = arith.constant 800 : i32
    %scan3A_4 = arith.addi %scan3A_2, %scan3A_3 : i32
    %scan3A_5 = arith.constant 1 : i32
    %scan3A_6 = scf.for %scan3A_283 = %scan3A_2 to %scan3A_4 step %scan3A_5 iter_args(%scan3A_284 = %scan3A) -> (i32)  : i32 {
      %jit3A = arith.constant 4 : i32
      %div3A = arith.divsi %scan3A_283, %jit3A : i32
      %sign3A = arith.constant 0 : i32
      %sign3A_285 = arith.cmpi sgt, %scan3A_283, %sign3A : i32
      %sign3A_286 = arith.extui %sign3A_285 : i1 to i32
      %sign3A_287 = arith.constant 0 : i32
      %sign3A_288 = arith.cmpi slt, %scan3A_283, %sign3A_287 : i32
      %sign3A_289 = arith.extui %sign3A_288 : i1 to i32
      %sign3A_290 = arith.subi %sign3A_286, %sign3A_289 : i32
      %sign3A_291 = arith.constant 0 : i32
      %sign3A_292 = arith.cmpi sgt, %jit3A, %sign3A_291 : i32
      %sign3A_293 = arith.extui %sign3A_292 : i1 to i32
      %sign3A_294 = arith.constant 0 : i32
      %sign3A_295 = arith.cmpi slt, %jit3A, %sign3A_294 : i32
      %sign3A_296 = arith.extui %sign3A_295 : i1 to i32
      %sign3A_297 = arith.subi %sign3A_293, %sign3A_296 : i32
      %ne3A = arith.cmpi ne, %sign3A_290, %sign3A_297 : i32
      %rem3A = arith.remsi %scan3A_283, %jit3A : i32
      %ne3A_298 = arith.constant 0 : i32
      %ne3A_299 = arith.cmpi ne, %rem3A, %ne3A_298 : i32
      %and3A = arith.andi %ne3A, %ne3A_299 : i1
      %sub3A = arith.constant 1 : i32
      %sub3A_300 = arith.subi %div3A, %sub3A : i32
      %select_n3A = arith.select %and3A, %sub3A_300, %div3A : i32
      %jit3A_301 = arith.constant 4 : i32
      %eq3A = arith.constant 0 : i32
      %eq3A_302 = arith.cmpi eq, %jit3A_301, %eq3A : i32
      %jit3A_303 = arith.constant 1 : i32
      %select_n3A_304 = arith.select %eq3A_302, %jit3A_303, %jit3A_301 : i32
      %rem3A_305 = arith.remsi %scan3A_283, %select_n3A_304 : i32
      %ne3A_306 = arith.constant 0 : i32
      %ne3A_307 = arith.cmpi ne, %rem3A_305, %ne3A_306 : i32
      %lt3A_308 = arith.constant 0 : i32
      %lt3A_309 = arith.cmpi slt, %rem3A_305, %lt3A_308 : i32
      %lt3A_310 = arith.constant 0 : i32
      %lt3A_311 = arith.cmpi slt, %select_n3A_304, %lt3A_310 : i32
      %ne3A_312 = arith.xori %lt3A_309, %lt3A_311 : i1
      %and3A_313 = arith.andi %ne3A_312, %ne3A_307 : i1
      %add3A_314 = arith.addi %rem3A_305, %select_n3A_304 : i32
      %select_n3A_315 = arith.select %and3A_313, %add3A_314, %rem3A_305 : i32
      %mul3A_316 = arith.constant 16 : i32
      %mul3A_317 = arith.muli %select_n3A_315, %mul3A_316 : i32
      %swap3A = arith.index_cast %select_n3A : i32 to index
      %swap3A_318 = arith.index_cast %mul3A_317 : i32 to index
      %swap3A_319 = tpu.vector_load %arg9[%swap3A, %swap3A_318] {strides = array<i32>} : memref<200x64xf32, #tpu.memory_space<vmem>>, vector<1x16xf32>,
      %swap3A_320 = vector.shape_cast %swap3A_319 : vector<1x16xf32> to vector<16xf32>
      %swap3A_321 = vector.shape_cast %broadcast_in_dim3A_1 : vector<16xf32> to vector<1x16xf32>
      tpu.vector_store %arg9[%swap3A, %swap3A_318], %swap3A_321 {strides = array<i32>} : memref<200x64xf32, #tpu.memory_space<vmem>>, vector<1x16xf32>,
      %scan3A_322 = arith.constant 0 : i32
      scf.yield %scan3A_322 : i32
    }
    %scan3A_7 = arith.constant 800 : i32
    %run_scoped3A = arith.constant 0 : i32
    "tpu.region"() ({
      %run_scoped3A_283 = tpu.sem_alloc : memref<!tpu.dma_semaphore, #tpu.memory_space<semaphore_mem>>
      %dma_start3A_284 = arith.constant 0 : i32
      %dma_start3A_285 = arith.constant 0 : i32
      %dma_start3A_286 = tpu.memref_slice %arg4[%run_scoped3A, %add3A, %dma_start3A_284, %dma_start3A_285] : memref<2x32x80x125xi32, #tpu.memory_space<hbm>> -> memref<1x1x80x125xi32, #tpu.memory_space<hbm>>
      %dma_start3A_287 = tpu.memref_squeeze %dma_start3A_286 : memref<1x1x80x125xi32, #tpu.memory_space<hbm>> -> memref<80x125xi32, #tpu.memory_space<hbm>>
      %dma_start3A_288 = arith.constant 0 : i32
      %dma_start3A_289 = arith.constant 0 : i32
      %dma_start3A_290 = tpu.memref_slice %arg4[%run_scoped3A, %add3A, %dma_start3A_288, %dma_start3A_289] : memref<2x32x80x125xi32, #tpu.memory_space<hbm>> -> memref<1x1x80x125xi32, #tpu.memory_space<hbm>>
      %dma_start3A_291 = tpu.memref_squeeze %dma_start3A_290 : memref<1x1x80x125xi32, #tpu.memory_space<hbm>> -> memref<80x125xi32, #tpu.memory_space<hbm>>
      tpu.enqueue_dma source(%dma_start3A_291 : memref<80x125xi32, #tpu.memory_space<hbm>>) target(%arg6 : memref<80x125xi32, #tpu.memory_space<vmem>>) target_semaphore(%run_scoped3A_283 : memref<!tpu.dma_semaphore, #tpu.memory_space<semaphore_mem>>)
      %dma_wait3A_292 = arith.constant 0 : i32
      %dma_wait3A_293 = arith.constant 0 : i32
      %dma_wait3A_294 = tpu.memref_slice %arg4[%run_scoped3A, %add3A, %dma_wait3A_292, %dma_wait3A_293] : memref<2x32x80x125xi32, #tpu.memory_space<hbm>> -> memref<1x1x80x125xi32, #tpu.memory_space<hbm>>
      %dma_wait3A_295 = tpu.memref_squeeze %dma_wait3A_294 : memref<1x1x80x125xi32, #tpu.memory_space<hbm>> -> memref<80x125xi32, #tpu.memory_space<hbm>>
      %dma_wait3A_296 = arith.constant 0 : i32
      %dma_wait3A_297 = arith.constant 0 : i32
      %dma_wait3A_298 = tpu.memref_slice %arg4[%run_scoped3A, %add3A, %dma_wait3A_296, %dma_wait3A_297] : memref<2x32x80x125xi32, #tpu.memory_space<hbm>> -> memref<1x1x80x125xi32, #tpu.memory_space<hbm>>
      %dma_wait3A_299 = tpu.memref_squeeze %dma_wait3A_298 : memref<1x1x80x125xi32, #tpu.memory_space<hbm>> -> memref<80x125xi32, #tpu.memory_space<hbm>>
      tpu.wait_dma2 semaphore(%run_scoped3A_283 : memref<!tpu.dma_semaphore, #tpu.memory_space<semaphore_mem>>) src(%dma_wait3A_299 : memref<80x125xi32, #tpu.memory_space<hbm>>) dst(%arg6 : memref<80x125xi32, #tpu.memory_space<vmem>>)
      tpu.yield
    }) : () -> ()
    %run_scoped3A_8 = arith.constant 1 : i32
    "tpu.region"() ({
      %run_scoped3A_283 = tpu.sem_alloc : memref<!tpu.dma_semaphore, #tpu.memory_space<semaphore_mem>>
      %dma_start3A_284 = arith.constant 0 : i32
      %dma_start3A_285 = arith.constant 0 : i32
      %dma_start3A_286 = tpu.memref_slice %arg4[%run_scoped3A_8, %add3A, %dma_start3A_284, %dma_start3A_285] : memref<2x32x80x125xi32, #tpu.memory_space<hbm>> -> memref<1x1x80x125xi32, #tpu.memory_space<hbm>>
      %dma_start3A_287 = tpu.memref_squeeze %dma_start3A_286 : memref<1x1x80x125xi32, #tpu.memory_space<hbm>> -> memref<80x125xi32, #tpu.memory_space<hbm>>
      %dma_start3A_288 = arith.constant 0 : i32
      %dma_start3A_289 = arith.constant 0 : i32
      %dma_start3A_290 = tpu.memref_slice %arg4[%run_scoped3A_8, %add3A, %dma_start3A_288, %dma_start3A_289] : memref<2x32x80x125xi32, #tpu.memory_space<hbm>> -> memref<1x1x80x125xi32, #tpu.memory_space<hbm>>
      %dma_start3A_291 = tpu.memref_squeeze %dma_start3A_290 : memref<1x1x80x125xi32, #tpu.memory_space<hbm>> -> memref<80x125xi32, #tpu.memory_space<hbm>>
      tpu.enqueue_dma source(%dma_start3A_291 : memref<80x125xi32, #tpu.memory_space<hbm>>) target(%arg7 : memref<80x125xi32, #tpu.memory_space<vmem>>) target_semaphore(%run_scoped3A_283 : memref<!tpu.dma_semaphore, #tpu.memory_space<semaphore_mem>>)
      %dma_wait3A_292 = arith.constant 0 : i32
      %dma_wait3A_293 = arith.constant 0 : i32
      %dma_wait3A_294 = tpu.memref_slice %arg4[%run_scoped3A_8, %add3A, %dma_wait3A_292, %dma_wait3A_293] : memref<2x32x80x125xi32, #tpu.memory_space<hbm>> -> memref<1x1x80x125xi32, #tpu.memory_space<hbm>>
      %dma_wait3A_295 = tpu.memref_squeeze %dma_wait3A_294 : memref<1x1x80x125xi32, #tpu.memory_space<hbm>> -> memref<80x125xi32, #tpu.memory_space<hbm>>
      %dma_wait3A_296 = arith.constant 0 : i32
      %dma_wait3A_297 = arith.constant 0 : i32
      %dma_wait3A_298 = tpu.memref_slice %arg4[%run_scoped3A_8, %add3A, %dma_wait3A_296, %dma_wait3A_297] : memref<2x32x80x125xi32, #tpu.memory_space<hbm>> -> memref<1x1x80x125xi32, #tpu.memory_space<hbm>>
      %dma_wait3A_299 = tpu.memref_squeeze %dma_wait3A_298 : memref<1x1x80x125xi32, #tpu.memory_space<hbm>> -> memref<80x125xi32, #tpu.memory_space<hbm>>
      tpu.wait_dma2 semaphore(%run_scoped3A_283 : memref<!tpu.dma_semaphore, #tpu.memory_space<semaphore_mem>>) src(%dma_wait3A_299 : memref<80x125xi32, #tpu.memory_space<hbm>>) dst(%arg7 : memref<80x125xi32, #tpu.memory_space<vmem>>)
      tpu.yield
    }) : () -> ()
    %lt3A = arith.constant 10 : i32
    %lt3A_9 = arith.cmpi slt, %arg1, %lt3A : i32
    %convert_element_type3A = arith.extui %lt3A_9 : i1 to i32
    %cond3A = arith.constant 0 : i32
    %cond3A_10 = arith.cmpi ne, %convert_element_type3A, %cond3A : i32
    scf.if %cond3A_10 {
      %scan3A_283 = arith.constant 0 : i32
      %scan3A_284 = arith.constant 0 : i32
      %scan3A_285 = arith.constant 5 : i32
      %scan3A_286 = arith.addi %scan3A_284, %scan3A_285 : i32
      %scan3A_287 = arith.constant 1 : i32
      %scan3A_288 = scf.for %scan3A_290 = %scan3A_284 to %scan3A_286 step %scan3A_287 iter_args(%scan3A_291 = %scan3A_283) -> (i32)  : i32 {
        %mul3A_292 = arith.constant 1000 : i32
        %mul3A_293 = arith.muli %arg1, %mul3A_292 : i32
        %mul3A_294 = arith.constant 200 : i32
        %mul3A_295 = arith.muli %scan3A_290, %mul3A_294 : i32
        %add3A_296 = arith.addi %mul3A_293, %mul3A_295 : i32
        "tpu.region"() ({
          %run_scoped3A_298 = tpu.sem_alloc : memref<!tpu.dma_semaphore, #tpu.memory_space<semaphore_mem>>
          %dma_start3A_299 = arith.constant 0 : i32
          %dma_start3A_300 = tpu.memref_slice %arg11[%add3A_296, %dma_start3A_299] : memref<10000x64xf32, #tpu.memory_space<vmem_shared>> -> memref<200x64xf32, #tpu.memory_space<vmem_shared>>
          %dma_start3A_301 = arith.constant 0 : i32
          %dma_start3A_302 = tpu.memref_slice %arg11[%add3A_296, %dma_start3A_301] : memref<10000x64xf32, #tpu.memory_space<vmem_shared>> -> memref<200x64xf32, #tpu.memory_space<vmem_shared>>
          tpu.enqueue_dma source(%arg9 : memref<200x64xf32, #tpu.memory_space<vmem>>) target(%dma_start3A_302 : memref<200x64xf32, #tpu.memory_space<vmem_shared>>) target_semaphore(%run_scoped3A_298 : memref<!tpu.dma_semaphore, #tpu.memory_space<semaphore_mem>>)
          %dma_wait3A_303 = arith.constant 0 : i32
          %dma_wait3A_304 = tpu.memref_slice %arg11[%add3A_296, %dma_wait3A_303] : memref<10000x64xf32, #tpu.memory_space<vmem_shared>> -> memref<200x64xf32, #tpu.memory_space<vmem_shared>>
          %dma_wait3A_305 = arith.constant 0 : i32
          %dma_wait3A_306 = tpu.memref_slice %arg11[%add3A_296, %dma_wait3A_305] : memref<10000x64xf32, #tpu.memory_space<vmem_shared>> -> memref<200x64xf32, #tpu.memory_space<vmem_shared>>
          tpu.wait_dma2 semaphore(%run_scoped3A_298 : memref<!tpu.dma_semaphore, #tpu.memory_space<semaphore_mem>>) src(%arg9 : memref<200x64xf32, #tpu.memory_space<vmem>>) dst(%dma_wait3A_306 : memref<200x64xf32, #tpu.memory_space<vmem_shared>>)
          tpu.yield
        }) : () -> ()
        %scan3A_297 = arith.constant 0 : i32
        scf.yield %scan3A_297 : i32
      }
      %scan3A_289 = arith.constant 5 : i32
    } else {
    }
    %barrier3A = arith.constant 0 : index
    tpu.barrier barrier_id(%barrier3A)
    %dma_start3A = arith.constant 0 : i32
    %dma_start3A_11 = arith.constant 0 : i32
    %dma_start3A_12 = arith.constant 0 : i32
    %dma_start3A_13 = arith.constant 0 : i32
    %dma_start3A_14 = arith.constant 0 : i32
    %dma_start3A_15 = tpu.memref_slice %arg8[%dma_start3A_11, %dma_start3A_13, %dma_start3A_14] : memref<5x125x64xf32, #tpu.memory_space<vmem>> -> memref<1x125x64xf32, #tpu.memory_space<vmem>>
    %dma_start3A_16 = tpu.memref_squeeze %dma_start3A_15 : memref<1x125x64xf32, #tpu.memory_space<vmem>> -> memref<125x64xf32, #tpu.memory_space<vmem>>
    %dma_start3A_17 = arith.constant 0 : i32
    %dma_start3A_18 = tpu.memref_slice %arg6[%dma_start3A, %dma_start3A_17] : memref<80x125xi32, #tpu.memory_space<vmem>> -> memref<1x125xi32, #tpu.memory_space<vmem>>
    %dma_start3A_19 = tpu.memref_squeeze %dma_start3A_18 : memref<1x125xi32, #tpu.memory_space<vmem>> -> memref<125xi32, #tpu.memory_space<vmem>>
    %dma_start3A_20 = arith.constant 0 : i32
    %dma_start3A_21 = arith.constant 0 : i32
    %dma_start3A_22 = tpu.memref_slice %arg2[%dma_start3A_20, %dma_start3A_21] : memref<10000x64xf32, #tpu.memory_space<hbm>> -> memref<10000x64xf32, #tpu.memory_space<hbm>>
    %dma_start3A_23 = tpu.memref_slice %arg12[%dma_start3A_12] : memref<5x!tpu.dma_semaphore, #tpu.memory_space<semaphore_mem>> -> memref<1x!tpu.dma_semaphore, #tpu.memory_space<semaphore_mem>>
    %dma_start3A_24 = tpu.memref_squeeze %dma_start3A_23 : memref<1x!tpu.dma_semaphore, #tpu.memory_space<semaphore_mem>> -> memref<!tpu.dma_semaphore, #tpu.memory_space<semaphore_mem>>
    tpu.enqueue_indirect_dma source(%dma_start3A_22 : memref<10000x64xf32, #tpu.memory_space<hbm>>) target(%dma_start3A_16 : memref<125x64xf32, #tpu.memory_space<vmem>>) offsets(%dma_start3A_19 : memref<125xi32, #tpu.memory_space<vmem>>) semaphore(%dma_start3A_24 : memref<!tpu.dma_semaphore, #tpu.memory_space<semaphore_mem>>)
    %dma_start3A_25 = arith.constant 1 : i32
    %dma_start3A_26 = arith.constant 1 : i32
    %dma_start3A_27 = arith.constant 1 : i32
    %dma_start3A_28 = arith.constant 0 : i32
    %dma_start3A_29 = arith.constant 0 : i32
    %dma_start3A_30 = tpu.memref_slice %arg8[%dma_start3A_26, %dma_start3A_28, %dma_start3A_29] : memref<5x125x64xf32, #tpu.memory_space<vmem>> -> memref<1x125x64xf32, #tpu.memory_space<vmem>>
    %dma_start3A_31 = tpu.memref_squeeze %dma_start3A_30 : memref<1x125x64xf32, #tpu.memory_space<vmem>> -> memref<125x64xf32, #tpu.memory_space<vmem>>
    %dma_start3A_32 = arith.constant 0 : i32
    %dma_start3A_33 = tpu.memref_slice %arg6[%dma_start3A_25, %dma_start3A_32] : memref<80x125xi32, #tpu.memory_space<vmem>> -> memref<1x125xi32, #tpu.memory_space<vmem>>
    %dma_start3A_34 = tpu.memref_squeeze %dma_start3A_33 : memref<1x125xi32, #tpu.memory_space<vmem>> -> memref<125xi32, #tpu.memory_space<vmem>>
    %dma_start3A_35 = arith.constant 0 : i32
    %dma_start3A_36 = arith.constant 0 : i32
    %dma_start3A_37 = tpu.memref_slice %arg2[%dma_start3A_35, %dma_start3A_36] : memref<10000x64xf32, #tpu.memory_space<hbm>> -> memref<10000x64xf32, #tpu.memory_space<hbm>>
    %dma_start3A_38 = tpu.memref_slice %arg12[%dma_start3A_27] : memref<5x!tpu.dma_semaphore, #tpu.memory_space<semaphore_mem>> -> memref<1x!tpu.dma_semaphore, #tpu.memory_space<semaphore_mem>>
    %dma_start3A_39 = tpu.memref_squeeze %dma_start3A_38 : memref<1x!tpu.dma_semaphore, #tpu.memory_space<semaphore_mem>> -> memref<!tpu.dma_semaphore, #tpu.memory_space<semaphore_mem>>
    tpu.enqueue_indirect_dma source(%dma_start3A_37 : memref<10000x64xf32, #tpu.memory_space<hbm>>) target(%dma_start3A_31 : memref<125x64xf32, #tpu.memory_space<vmem>>) offsets(%dma_start3A_34 : memref<125xi32, #tpu.memory_space<vmem>>) semaphore(%dma_start3A_39 : memref<!tpu.dma_semaphore, #tpu.memory_space<semaphore_mem>>)
    %dma_start3A_40 = arith.constant 2 : i32
    %dma_start3A_41 = arith.constant 2 : i32
    %dma_start3A_42 = arith.constant 2 : i32
    %dma_start3A_43 = arith.constant 0 : i32
    %dma_start3A_44 = arith.constant 0 : i32
    %dma_start3A_45 = tpu.memref_slice %arg8[%dma_start3A_41, %dma_start3A_43, %dma_start3A_44] : memref<5x125x64xf32, #tpu.memory_space<vmem>> -> memref<1x125x64xf32, #tpu.memory_space<vmem>>
    %dma_start3A_46 = tpu.memref_squeeze %dma_start3A_45 : memref<1x125x64xf32, #tpu.memory_space<vmem>> -> memref<125x64xf32, #tpu.memory_space<vmem>>
    %dma_start3A_47 = arith.constant 0 : i32
    %dma_start3A_48 = tpu.memref_slice %arg6[%dma_start3A_40, %dma_start3A_47] : memref<80x125xi32, #tpu.memory_space<vmem>> -> memref<1x125xi32, #tpu.memory_space<vmem>>
    %dma_start3A_49 = tpu.memref_squeeze %dma_start3A_48 : memref<1x125xi32, #tpu.memory_space<vmem>> -> memref<125xi32, #tpu.memory_space<vmem>>
    %dma_start3A_50 = arith.constant 0 : i32
    %dma_start3A_51 = arith.constant 0 : i32
    %dma_start3A_52 = tpu.memref_slice %arg2[%dma_start3A_50, %dma_start3A_51] : memref<10000x64xf32, #tpu.memory_space<hbm>> -> memref<10000x64xf32, #tpu.memory_space<hbm>>
    %dma_start3A_53 = tpu.memref_slice %arg12[%dma_start3A_42] : memref<5x!tpu.dma_semaphore, #tpu.memory_space<semaphore_mem>> -> memref<1x!tpu.dma_semaphore, #tpu.memory_space<semaphore_mem>>
    %dma_start3A_54 = tpu.memref_squeeze %dma_start3A_53 : memref<1x!tpu.dma_semaphore, #tpu.memory_space<semaphore_mem>> -> memref<!tpu.dma_semaphore, #tpu.memory_space<semaphore_mem>>
    tpu.enqueue_indirect_dma source(%dma_start3A_52 : memref<10000x64xf32, #tpu.memory_space<hbm>>) target(%dma_start3A_46 : memref<125x64xf32, #tpu.memory_space<vmem>>) offsets(%dma_start3A_49 : memref<125xi32, #tpu.memory_space<vmem>>) semaphore(%dma_start3A_54 : memref<!tpu.dma_semaphore, #tpu.memory_space<semaphore_mem>>)
    %scan3A_55 = arith.constant 0 : i32
    %scan3A_56 = arith.constant 0 : i32
    %scan3A_57 = arith.constant 16 : i32
    %scan3A_58 = arith.addi %scan3A_56, %scan3A_57 : i32
    %scan3A_59 = arith.constant 1 : i32
    %scan3A_60 = scf.for %scan3A_283 = %scan3A_56 to %scan3A_58 step %scan3A_59 iter_args(%scan3A_284 = %scan3A_55) -> (i32)  : i32 {
      %mul3A_285 = arith.constant 5 : i32
      %mul3A_286 = arith.muli %mul3A_285, %scan3A_283 : i32
      %add3A_287 = arith.constant 0 : i32
      %add3A_288 = arith.addi %mul3A_286, %add3A_287 : i32
      %dma_wait3A_289 = arith.constant 0 : i32
      %dma_wait3A_290 = arith.constant 0 : i32
      %dma_wait3A_291 = arith.constant 0 : i32
      %dma_wait3A_292 = arith.constant 0 : i32
      %dma_wait3A_293 = tpu.memref_slice %arg8[%dma_wait3A_289, %dma_wait3A_291, %dma_wait3A_292] : memref<5x125x64xf32, #tpu.memory_space<vmem>> -> memref<1x125x64xf32, #tpu.memory_space<vmem>>
      %dma_wait3A_294 = tpu.memref_squeeze %dma_wait3A_293 : memref<1x125x64xf32, #tpu.memory_space<vmem>> -> memref<125x64xf32, #tpu.memory_space<vmem>>
      %dma_wait3A_295 = arith.constant 0 : i32
      %dma_wait3A_296 = tpu.memref_slice %arg6[%add3A_288, %dma_wait3A_295] : memref<80x125xi32, #tpu.memory_space<vmem>> -> memref<1x125xi32, #tpu.memory_space<vmem>>
      %dma_wait3A_297 = tpu.memref_squeeze %dma_wait3A_296 : memref<1x125xi32, #tpu.memory_space<vmem>> -> memref<125xi32, #tpu.memory_space<vmem>>
      %dma_wait3A_298 = arith.constant 0 : i32
      %dma_wait3A_299 = arith.constant 0 : i32
      %dma_wait3A_300 = tpu.memref_slice %arg2[%dma_wait3A_298, %dma_wait3A_299] : memref<10000x64xf32, #tpu.memory_space<hbm>> -> memref<10000x64xf32, #tpu.memory_space<hbm>>
      %dma_wait3A_301 = tpu.memref_slice %arg12[%dma_wait3A_290] : memref<5x!tpu.dma_semaphore, #tpu.memory_space<semaphore_mem>> -> memref<1x!tpu.dma_semaphore, #tpu.memory_space<semaphore_mem>>
      %dma_wait3A_302 = tpu.memref_squeeze %dma_wait3A_301 : memref<1x!tpu.dma_semaphore, #tpu.memory_space<semaphore_mem>> -> memref<!tpu.dma_semaphore, #tpu.memory_space<semaphore_mem>>
      tpu.wait_indirect_dma semaphore(%dma_wait3A_302 : memref<!tpu.dma_semaphore, #tpu.memory_space<semaphore_mem>>) src(%dma_wait3A_300 : memref<10000x64xf32, #tpu.memory_space<hbm>>) dst(%dma_wait3A_294 : memref<125x64xf32, #tpu.memory_space<vmem>>)
      %dma_start3A_303 = arith.constant 0 : i32
      %dma_start3A_304 = arith.constant 0 : i32
      %dma_start3A_305 = arith.constant 0 : i32
      %dma_start3A_306 = arith.constant 0 : i32
      %dma_start3A_307 = tpu.memref_slice %arg8[%dma_start3A_303, %dma_start3A_305, %dma_start3A_306] : memref<5x125x64xf32, #tpu.memory_space<vmem>> -> memref<1x125x64xf32, #tpu.memory_space<vmem>>
      %dma_start3A_308 = tpu.memref_squeeze %dma_start3A_307 : memref<1x125x64xf32, #tpu.memory_space<vmem>> -> memref<125x64xf32, #tpu.memory_space<vmem>>
      %dma_start3A_309 = arith.constant 0 : i32
      %dma_start3A_310 = tpu.memref_slice %arg7[%add3A_288, %dma_start3A_309] : memref<80x125xi32, #tpu.memory_space<vmem>> -> memref<1x125xi32, #tpu.memory_space<vmem>>
      %dma_start3A_311 = tpu.memref_squeeze %dma_start3A_310 : memref<1x125xi32, #tpu.memory_space<vmem>> -> memref<125xi32, #tpu.memory_space<vmem>>
      %dma_start3A_312 = arith.constant 0 : i32
      %dma_start3A_313 = arith.constant 0 : i32
      %dma_start3A_314 = tpu.memref_slice %arg11[%dma_start3A_312, %dma_start3A_313] : memref<10000x64xf32, #tpu.memory_space<vmem_shared>> -> memref<10000x64xf32, #tpu.memory_space<vmem_shared>>
      %dma_start3A_315 = tpu.memref_slice %arg13[%dma_start3A_304] : memref<5x!tpu.dma_semaphore, #tpu.memory_space<semaphore_mem>> -> memref<1x!tpu.dma_semaphore, #tpu.memory_space<semaphore_mem>>
      %dma_start3A_316 = tpu.memref_squeeze %dma_start3A_315 : memref<1x!tpu.dma_semaphore, #tpu.memory_space<semaphore_mem>> -> memref<!tpu.dma_semaphore, #tpu.memory_space<semaphore_mem>>
      tpu.enqueue_indirect_dma source(%dma_start3A_308 : memref<125x64xf32, #tpu.memory_space<vmem>>) target(%dma_start3A_314 : memref<10000x64xf32, #tpu.memory_space<vmem_shared>>) offsets(%dma_start3A_311 : memref<125xi32, #tpu.memory_space<vmem>>) semaphore(%dma_start3A_316 : memref<!tpu.dma_semaphore, #tpu.memory_space<semaphore_mem>>) {add = true}
      %add3A_317 = arith.constant 3 : i32
      %add3A_318 = arith.addi %add3A_288, %add3A_317 : i32
      %lt3A_319 = arith.constant 80 : i32
      %lt3A_320 = arith.cmpi slt, %add3A_318, %lt3A_319 : i32
      %convert_element_type3A_321 = arith.extui %lt3A_320 : i1 to i32
      %cond3A_322 = arith.constant 0 : i32
      %cond3A_323 = arith.cmpi ne, %convert_element_type3A_321, %cond3A_322 : i32
      scf.if %cond3A_323 {
        %ge3A = arith.constant 5 : i32
        %ge3A_481 = arith.cmpi sge, %add3A_318, %ge3A : i32
        %convert_element_type3A_482 = arith.extui %ge3A_481 : i1 to i32
        %cond3A_483 = arith.constant 0 : i32
        %cond3A_484 = arith.cmpi ne, %convert_element_type3A_482, %cond3A_483 : i32
        scf.if %cond3A_484 {
          %dma_wait3A_499 = arith.constant 3 : i32
          %dma_wait3A_500 = arith.constant 0 : i32
          %dma_wait3A_501 = arith.constant 3 : i32
          %dma_wait3A_502 = arith.constant 0 : i32
          %dma_wait3A_503 = arith.constant 0 : i32
          %dma_wait3A_504 = tpu.memref_slice %arg8[%dma_wait3A_499, %dma_wait3A_502, %dma_wait3A_503] : memref<5x125x64xf32, #tpu.memory_space<vmem>> -> memref<1x125x64xf32, #tpu.memory_space<vmem>>
          %dma_wait3A_505 = tpu.memref_squeeze %dma_wait3A_504 : memref<1x125x64xf32, #tpu.memory_space<vmem>> -> memref<125x64xf32, #tpu.memory_space<vmem>>
          %dma_wait3A_506 = arith.constant 0 : i32
          %dma_wait3A_507 = tpu.memref_slice %arg7[%dma_wait3A_500, %dma_wait3A_506] : memref<80x125xi32, #tpu.memory_space<vmem>> -> memref<1x125xi32, #tpu.memory_space<vmem>>
          %dma_wait3A_508 = tpu.memref_squeeze %dma_wait3A_507 : memref<1x125xi32, #tpu.memory_space<vmem>> -> memref<125xi32, #tpu.memory_space<vmem>>
          %dma_wait3A_509 = arith.constant 0 : i32
          %dma_wait3A_510 = arith.constant 0 : i32
          %dma_wait3A_511 = tpu.memref_slice %arg11[%dma_wait3A_509, %dma_wait3A_510] : memref<10000x64xf32, #tpu.memory_space<vmem_shared>> -> memref<10000x64xf32, #tpu.memory_space<vmem_shared>>
          %dma_wait3A_512 = tpu.memref_slice %arg13[%dma_wait3A_501] : memref<5x!tpu.dma_semaphore, #tpu.memory_space<semaphore_mem>> -> memref<1x!tpu.dma_semaphore, #tpu.memory_space<semaphore_mem>>
          %dma_wait3A_513 = tpu.memref_squeeze %dma_wait3A_512 : memref<1x!tpu.dma_semaphore, #tpu.memory_space<semaphore_mem>> -> memref<!tpu.dma_semaphore, #tpu.memory_space<semaphore_mem>>
          tpu.wait_indirect_dma semaphore(%dma_wait3A_513 : memref<!tpu.dma_semaphore, #tpu.memory_space<semaphore_mem>>) src(%dma_wait3A_505 : memref<125x64xf32, #tpu.memory_space<vmem>>) dst(%dma_wait3A_511 : memref<10000x64xf32, #tpu.memory_space<vmem_shared>>)
        } else {
        }
        %dma_start3A_485 = arith.constant 3 : i32
        %dma_start3A_486 = arith.constant 3 : i32
        %dma_start3A_487 = arith.constant 0 : i32
        %dma_start3A_488 = arith.constant 0 : i32
        %dma_start3A_489 = tpu.memref_slice %arg8[%dma_start3A_485, %dma_start3A_487, %dma_start3A_488] : memref<5x125x64xf32, #tpu.memory_space<vmem>> -> memref<1x125x64xf32, #tpu.memory_space<vmem>>
        %dma_start3A_490 = tpu.memref_squeeze %dma_start3A_489 : memref<1x125x64xf32, #tpu.memory_space<vmem>> -> memref<125x64xf32, #tpu.memory_space<vmem>>
        %dma_start3A_491 = arith.constant 0 : i32
        %dma_start3A_492 = tpu.memref_slice %arg6[%add3A_318, %dma_start3A_491] : memref<80x125xi32, #tpu.memory_space<vmem>> -> memref<1x125xi32, #tpu.memory_space<vmem>>
        %dma_start3A_493 = tpu.memref_squeeze %dma_start3A_492 : memref<1x125xi32, #tpu.memory_space<vmem>> -> memref<125xi32, #tpu.memory_space<vmem>>
        %dma_start3A_494 = arith.constant 0 : i32
        %dma_start3A_495 = arith.constant 0 : i32
        %dma_start3A_496 = tpu.memref_slice %arg2[%dma_start3A_494, %dma_start3A_495] : memref<10000x64xf32, #tpu.memory_space<hbm>> -> memref<10000x64xf32, #tpu.memory_space<hbm>>
        %dma_start3A_497 = tpu.memref_slice %arg12[%dma_start3A_486] : memref<5x!tpu.dma_semaphore, #tpu.memory_space<semaphore_mem>> -> memref<1x!tpu.dma_semaphore, #tpu.memory_space<semaphore_mem>>
        %dma_start3A_498 = tpu.memref_squeeze %dma_start3A_497 : memref<1x!tpu.dma_semaphore, #tpu.memory_space<semaphore_mem>> -> memref<!tpu.dma_semaphore, #tpu.memory_space<semaphore_mem>>
        tpu.enqueue_indirect_dma source(%dma_start3A_496 : memref<10000x64xf32, #tpu.memory_space<hbm>>) target(%dma_start3A_490 : memref<125x64xf32, #tpu.memory_space<vmem>>) offsets(%dma_start3A_493 : memref<125xi32, #tpu.memory_space<vmem>>) semaphore(%dma_start3A_498 : memref<!tpu.dma_semaphore, #tpu.memory_space<semaphore_mem>>)
      } else {
      }
      %mul3A_324 = arith.constant 5 : i32
      %mul3A_325 = arith.muli %mul3A_324, %scan3A_283 : i32
      %add3A_326 = arith.constant 1 : i32
      %add3A_327 = arith.addi %mul3A_325, %add3A_326 : i32
      %dma_wait3A_328 = arith.constant 1 : i32
      %dma_wait3A_329 = arith.constant 1 : i32
      %dma_wait3A_330 = arith.constant 0 : i32
      %dma_wait3A_331 = arith.constant 0 : i32
      %dma_wait3A_332 = tpu.memref_slice %arg8[%dma_wait3A_328, %dma_wait3A_330, %dma_wait3A_331] : memref<5x125x64xf32, #tpu.memory_space<vmem>> -> memref<1x125x64xf32, #tpu.memory_space<vmem>>
      %dma_wait3A_333 = tpu.memref_squeeze %dma_wait3A_332 : memref<1x125x64xf32, #tpu.memory_space<vmem>> -> memref<125x64xf32, #tpu.memory_space<vmem>>
      %dma_wait3A_334 = arith.constant 0 : i32
      %dma_wait3A_335 = tpu.memref_slice %arg6[%add3A_327, %dma_wait3A_334] : memref<80x125xi32, #tpu.memory_space<vmem>> -> memref<1x125xi32, #tpu.memory_space<vmem>>
      %dma_wait3A_336 = tpu.memref_squeeze %dma_wait3A_335 : memref<1x125xi32, #tpu.memory_space<vmem>> -> memref<125xi32, #tpu.memory_space<vmem>>
      %dma_wait3A_337 = arith.constant 0 : i32
      %dma_wait3A_338 = arith.constant 0 : i32
      %dma_wait3A_339 = tpu.memref_slice %arg2[%dma_wait3A_337, %dma_wait3A_338] : memref<10000x64xf32, #tpu.memory_space<hbm>> -> memref<10000x64xf32, #tpu.memory_space<hbm>>
      %dma_wait3A_340 = tpu.memref_slice %arg12[%dma_wait3A_329] : memref<5x!tpu.dma_semaphore, #tpu.memory_space<semaphore_mem>> -> memref<1x!tpu.dma_semaphore, #tpu.memory_space<semaphore_mem>>
      %dma_wait3A_341 = tpu.memref_squeeze %dma_wait3A_340 : memref<1x!tpu.dma_semaphore, #tpu.memory_space<semaphore_mem>> -> memref<!tpu.dma_semaphore, #tpu.memory_space<semaphore_mem>>
      tpu.wait_indirect_dma semaphore(%dma_wait3A_341 : memref<!tpu.dma_semaphore, #tpu.memory_space<semaphore_mem>>) src(%dma_wait3A_339 : memref<10000x64xf32, #tpu.memory_space<hbm>>) dst(%dma_wait3A_333 : memref<125x64xf32, #tpu.memory_space<vmem>>)
      %dma_start3A_342 = arith.constant 1 : i32
      %dma_start3A_343 = arith.constant 1 : i32
      %dma_start3A_344 = arith.constant 0 : i32
      %dma_start3A_345 = arith.constant 0 : i32
      %dma_start3A_346 = tpu.memref_slice %arg8[%dma_start3A_342, %dma_start3A_344, %dma_start3A_345] : memref<5x125x64xf32, #tpu.memory_space<vmem>> -> memref<1x125x64xf32, #tpu.memory_space<vmem>>
      %dma_start3A_347 = tpu.memref_squeeze %dma_start3A_346 : memref<1x125x64xf32, #tpu.memory_space<vmem>> -> memref<125x64xf32, #tpu.memory_space<vmem>>
      %dma_start3A_348 = arith.constant 0 : i32
      %dma_start3A_349 = tpu.memref_slice %arg7[%add3A_327, %dma_start3A_348] : memref<80x125xi32, #tpu.memory_space<vmem>> -> memref<1x125xi32, #tpu.memory_space<vmem>>
      %dma_start3A_350 = tpu.memref_squeeze %dma_start3A_349 : memref<1x125xi32, #tpu.memory_space<vmem>> -> memref<125xi32, #tpu.memory_space<vmem>>
      %dma_start3A_351 = arith.constant 0 : i32
      %dma_start3A_352 = arith.constant 0 : i32
      %dma_start3A_353 = tpu.memref_slice %arg11[%dma_start3A_351, %dma_start3A_352] : memref<10000x64xf32, #tpu.memory_space<vmem_shared>> -> memref<10000x64xf32, #tpu.memory_space<vmem_shared>>
      %dma_start3A_354 = tpu.memref_slice %arg13[%dma_start3A_343] : memref<5x!tpu.dma_semaphore, #tpu.memory_space<semaphore_mem>> -> memref<1x!tpu.dma_semaphore, #tpu.memory_space<semaphore_mem>>
      %dma_start3A_355 = tpu.memref_squeeze %dma_start3A_354 : memref<1x!tpu.dma_semaphore, #tpu.memory_space<semaphore_mem>> -> memref<!tpu.dma_semaphore, #tpu.memory_space<semaphore_mem>>
      tpu.enqueue_indirect_dma source(%dma_start3A_347 : memref<125x64xf32, #tpu.memory_space<vmem>>) target(%dma_start3A_353 : memref<10000x64xf32, #tpu.memory_space<vmem_shared>>) offsets(%dma_start3A_350 : memref<125xi32, #tpu.memory_space<vmem>>) semaphore(%dma_start3A_355 : memref<!tpu.dma_semaphore, #tpu.memory_space<semaphore_mem>>) {add = true}
      %add3A_356 = arith.constant 3 : i32
      %add3A_357 = arith.addi %add3A_327, %add3A_356 : i32
      %lt3A_358 = arith.constant 80 : i32
      %lt3A_359 = arith.cmpi slt, %add3A_357, %lt3A_358 : i32
      %convert_element_type3A_360 = arith.extui %lt3A_359 : i1 to i32
      %cond3A_361 = arith.constant 0 : i32
      %cond3A_362 = arith.cmpi ne, %convert_element_type3A_360, %cond3A_361 : i32
      scf.if %cond3A_362 {
        %ge3A = arith.constant 5 : i32
        %ge3A_481 = arith.cmpi sge, %add3A_357, %ge3A : i32
        %convert_element_type3A_482 = arith.extui %ge3A_481 : i1 to i32
        %cond3A_483 = arith.constant 0 : i32
        %cond3A_484 = arith.cmpi ne, %convert_element_type3A_482, %cond3A_483 : i32
        scf.if %cond3A_484 {
          %dma_wait3A_499 = arith.constant 4 : i32
          %dma_wait3A_500 = arith.constant 0 : i32
          %dma_wait3A_501 = arith.constant 4 : i32
          %dma_wait3A_502 = arith.constant 0 : i32
          %dma_wait3A_503 = arith.constant 0 : i32
          %dma_wait3A_504 = tpu.memref_slice %arg8[%dma_wait3A_499, %dma_wait3A_502, %dma_wait3A_503] : memref<5x125x64xf32, #tpu.memory_space<vmem>> -> memref<1x125x64xf32, #tpu.memory_space<vmem>>
          %dma_wait3A_505 = tpu.memref_squeeze %dma_wait3A_504 : memref<1x125x64xf32, #tpu.memory_space<vmem>> -> memref<125x64xf32, #tpu.memory_space<vmem>>
          %dma_wait3A_506 = arith.constant 0 : i32
          %dma_wait3A_507 = tpu.memref_slice %arg7[%dma_wait3A_500, %dma_wait3A_506] : memref<80x125xi32, #tpu.memory_space<vmem>> -> memref<1x125xi32, #tpu.memory_space<vmem>>
          %dma_wait3A_508 = tpu.memref_squeeze %dma_wait3A_507 : memref<1x125xi32, #tpu.memory_space<vmem>> -> memref<125xi32, #tpu.memory_space<vmem>>
          %dma_wait3A_509 = arith.constant 0 : i32
          %dma_wait3A_510 = arith.constant 0 : i32
          %dma_wait3A_511 = tpu.memref_slice %arg11[%dma_wait3A_509, %dma_wait3A_510] : memref<10000x64xf32, #tpu.memory_space<vmem_shared>> -> memref<10000x64xf32, #tpu.memory_space<vmem_shared>>
          %dma_wait3A_512 = tpu.memref_slice %arg13[%dma_wait3A_501] : memref<5x!tpu.dma_semaphore, #tpu.memory_space<semaphore_mem>> -> memref<1x!tpu.dma_semaphore, #tpu.memory_space<semaphore_mem>>
          %dma_wait3A_513 = tpu.memref_squeeze %dma_wait3A_512 : memref<1x!tpu.dma_semaphore, #tpu.memory_space<semaphore_mem>> -> memref<!tpu.dma_semaphore, #tpu.memory_space<semaphore_mem>>
          tpu.wait_indirect_dma semaphore(%dma_wait3A_513 : memref<!tpu.dma_semaphore, #tpu.memory_space<semaphore_mem>>) src(%dma_wait3A_505 : memref<125x64xf32, #tpu.memory_space<vmem>>) dst(%dma_wait3A_511 : memref<10000x64xf32, #tpu.memory_space<vmem_shared>>)
        } else {
        }
        %dma_start3A_485 = arith.constant 4 : i32
        %dma_start3A_486 = arith.constant 4 : i32
        %dma_start3A_487 = arith.constant 0 : i32
        %dma_start3A_488 = arith.constant 0 : i32
        %dma_start3A_489 = tpu.memref_slice %arg8[%dma_start3A_485, %dma_start3A_487, %dma_start3A_488] : memref<5x125x64xf32, #tpu.memory_space<vmem>> -> memref<1x125x64xf32, #tpu.memory_space<vmem>>
        %dma_start3A_490 = tpu.memref_squeeze %dma_start3A_489 : memref<1x125x64xf32, #tpu.memory_space<vmem>> -> memref<125x64xf32, #tpu.memory_space<vmem>>
        %dma_start3A_491 = arith.constant 0 : i32
        %dma_start3A_492 = tpu.memref_slice %arg6[%add3A_357, %dma_start3A_491] : memref<80x125xi32, #tpu.memory_space<vmem>> -> memref<1x125xi32, #tpu.memory_space<vmem>>
        %dma_start3A_493 = tpu.memref_squeeze %dma_start3A_492 : memref<1x125xi32, #tpu.memory_space<vmem>> -> memref<125xi32, #tpu.memory_space<vmem>>
        %dma_start3A_494 = arith.constant 0 : i32
        %dma_start3A_495 = arith.constant 0 : i32
        %dma_start3A_496 = tpu.memref_slice %arg2[%dma_start3A_494, %dma_start3A_495] : memref<10000x64xf32, #tpu.memory_space<hbm>> -> memref<10000x64xf32, #tpu.memory_space<hbm>>
        %dma_start3A_497 = tpu.memref_slice %arg12[%dma_start3A_486] : memref<5x!tpu.dma_semaphore, #tpu.memory_space<semaphore_mem>> -> memref<1x!tpu.dma_semaphore, #tpu.memory_space<semaphore_mem>>
        %dma_start3A_498 = tpu.memref_squeeze %dma_start3A_497 : memref<1x!tpu.dma_semaphore, #tpu.memory_space<semaphore_mem>> -> memref<!tpu.dma_semaphore, #tpu.memory_space<semaphore_mem>>
        tpu.enqueue_indirect_dma source(%dma_start3A_496 : memref<10000x64xf32, #tpu.memory_space<hbm>>) target(%dma_start3A_490 : memref<125x64xf32, #tpu.memory_space<vmem>>) offsets(%dma_start3A_493 : memref<125xi32, #tpu.memory_space<vmem>>) semaphore(%dma_start3A_498 : memref<!tpu.dma_semaphore, #tpu.memory_space<semaphore_mem>>)
      } else {
      }
      %mul3A_363 = arith.constant 5 : i32
      %mul3A_364 = arith.muli %mul3A_363, %scan3A_283 : i32
      %add3A_365 = arith.constant 2 : i32
      %add3A_366 = arith.addi %mul3A_364, %add3A_365 : i32
      %dma_wait3A_367 = arith.constant 2 : i32
      %dma_wait3A_368 = arith.constant 2 : i32
      %dma_wait3A_369 = arith.constant 0 : i32
      %dma_wait3A_370 = arith.constant 0 : i32
      %dma_wait3A_371 = tpu.memref_slice %arg8[%dma_wait3A_367, %dma_wait3A_369, %dma_wait3A_370] : memref<5x125x64xf32, #tpu.memory_space<vmem>> -> memref<1x125x64xf32, #tpu.memory_space<vmem>>
      %dma_wait3A_372 = tpu.memref_squeeze %dma_wait3A_371 : memref<1x125x64xf32, #tpu.memory_space<vmem>> -> memref<125x64xf32, #tpu.memory_space<vmem>>
      %dma_wait3A_373 = arith.constant 0 : i32
      %dma_wait3A_374 = tpu.memref_slice %arg6[%add3A_366, %dma_wait3A_373] : memref<80x125xi32, #tpu.memory_space<vmem>> -> memref<1x125xi32, #tpu.memory_space<vmem>>
      %dma_wait3A_375 = tpu.memref_squeeze %dma_wait3A_374 : memref<1x125xi32, #tpu.memory_space<vmem>> -> memref<125xi32, #tpu.memory_space<vmem>>
      %dma_wait3A_376 = arith.constant 0 : i32
      %dma_wait3A_377 = arith.constant 0 : i32
      %dma_wait3A_378 = tpu.memref_slice %arg2[%dma_wait3A_376, %dma_wait3A_377] : memref<10000x64xf32, #tpu.memory_space<hbm>> -> memref<10000x64xf32, #tpu.memory_space<hbm>>
      %dma_wait3A_379 = tpu.memref_slice %arg12[%dma_wait3A_368] : memref<5x!tpu.dma_semaphore, #tpu.memory_space<semaphore_mem>> -> memref<1x!tpu.dma_semaphore, #tpu.memory_space<semaphore_mem>>
      %dma_wait3A_380 = tpu.memref_squeeze %dma_wait3A_379 : memref<1x!tpu.dma_semaphore, #tpu.memory_space<semaphore_mem>> -> memref<!tpu.dma_semaphore, #tpu.memory_space<semaphore_mem>>
      tpu.wait_indirect_dma semaphore(%dma_wait3A_380 : memref<!tpu.dma_semaphore, #tpu.memory_space<semaphore_mem>>) src(%dma_wait3A_378 : memref<10000x64xf32, #tpu.memory_space<hbm>>) dst(%dma_wait3A_372 : memref<125x64xf32, #tpu.memory_space<vmem>>)
      %dma_start3A_381 = arith.constant 2 : i32
      %dma_start3A_382 = arith.constant 2 : i32
      %dma_start3A_383 = arith.constant 0 : i32
      %dma_start3A_384 = arith.constant 0 : i32
      %dma_start3A_385 = tpu.memref_slice %arg8[%dma_start3A_381, %dma_start3A_383, %dma_start3A_384] : memref<5x125x64xf32, #tpu.memory_space<vmem>> -> memref<1x125x64xf32, #tpu.memory_space<vmem>>
      %dma_start3A_386 = tpu.memref_squeeze %dma_start3A_385 : memref<1x125x64xf32, #tpu.memory_space<vmem>> -> memref<125x64xf32, #tpu.memory_space<vmem>>
      %dma_start3A_387 = arith.constant 0 : i32
      %dma_start3A_388 = tpu.memref_slice %arg7[%add3A_366, %dma_start3A_387] : memref<80x125xi32, #tpu.memory_space<vmem>> -> memref<1x125xi32, #tpu.memory_space<vmem>>
      %dma_start3A_389 = tpu.memref_squeeze %dma_start3A_388 : memref<1x125xi32, #tpu.memory_space<vmem>> -> memref<125xi32, #tpu.memory_space<vmem>>
      %dma_start3A_390 = arith.constant 0 : i32
      %dma_start3A_391 = arith.constant 0 : i32
      %dma_start3A_392 = tpu.memref_slice %arg11[%dma_start3A_390, %dma_start3A_391] : memref<10000x64xf32, #tpu.memory_space<vmem_shared>> -> memref<10000x64xf32, #tpu.memory_space<vmem_shared>>
      %dma_start3A_393 = tpu.memref_slice %arg13[%dma_start3A_382] : memref<5x!tpu.dma_semaphore, #tpu.memory_space<semaphore_mem>> -> memref<1x!tpu.dma_semaphore, #tpu.memory_space<semaphore_mem>>
      %dma_start3A_394 = tpu.memref_squeeze %dma_start3A_393 : memref<1x!tpu.dma_semaphore, #tpu.memory_space<semaphore_mem>> -> memref<!tpu.dma_semaphore, #tpu.memory_space<semaphore_mem>>
      tpu.enqueue_indirect_dma source(%dma_start3A_386 : memref<125x64xf32, #tpu.memory_space<vmem>>) target(%dma_start3A_392 : memref<10000x64xf32, #tpu.memory_space<vmem_shared>>) offsets(%dma_start3A_389 : memref<125xi32, #tpu.memory_space<vmem>>) semaphore(%dma_start3A_394 : memref<!tpu.dma_semaphore, #tpu.memory_space<semaphore_mem>>) {add = true}
      %add3A_395 = arith.constant 3 : i32
      %add3A_396 = arith.addi %add3A_366, %add3A_395 : i32
      %lt3A_397 = arith.constant 80 : i32
      %lt3A_398 = arith.cmpi slt, %add3A_396, %lt3A_397 : i32
      %convert_element_type3A_399 = arith.extui %lt3A_398 : i1 to i32
      %cond3A_400 = arith.constant 0 : i32
      %cond3A_401 = arith.cmpi ne, %convert_element_type3A_399, %cond3A_400 : i32
      scf.if %cond3A_401 {
        %ge3A = arith.constant 5 : i32
        %ge3A_481 = arith.cmpi sge, %add3A_396, %ge3A : i32
        %convert_element_type3A_482 = arith.extui %ge3A_481 : i1 to i32
        %cond3A_483 = arith.constant 0 : i32
        %cond3A_484 = arith.cmpi ne, %convert_element_type3A_482, %cond3A_483 : i32
        scf.if %cond3A_484 {
          %dma_wait3A_499 = arith.constant 0 : i32
          %dma_wait3A_500 = arith.constant 0 : i32
          %dma_wait3A_501 = arith.constant 0 : i32
          %dma_wait3A_502 = arith.constant 0 : i32
          %dma_wait3A_503 = arith.constant 0 : i32
          %dma_wait3A_504 = tpu.memref_slice %arg8[%dma_wait3A_499, %dma_wait3A_502, %dma_wait3A_503] : memref<5x125x64xf32, #tpu.memory_space<vmem>> -> memref<1x125x64xf32, #tpu.memory_space<vmem>>
          %dma_wait3A_505 = tpu.memref_squeeze %dma_wait3A_504 : memref<1x125x64xf32, #tpu.memory_space<vmem>> -> memref<125x64xf32, #tpu.memory_space<vmem>>
          %dma_wait3A_506 = arith.constant 0 : i32
          %dma_wait3A_507 = tpu.memref_slice %arg7[%dma_wait3A_500, %dma_wait3A_506] : memref<80x125xi32, #tpu.memory_space<vmem>> -> memref<1x125xi32, #tpu.memory_space<vmem>>
          %dma_wait3A_508 = tpu.memref_squeeze %dma_wait3A_507 : memref<1x125xi32, #tpu.memory_space<vmem>> -> memref<125xi32, #tpu.memory_space<vmem>>
          %dma_wait3A_509 = arith.constant 0 : i32
          %dma_wait3A_510 = arith.constant 0 : i32
          %dma_wait3A_511 = tpu.memref_slice %arg11[%dma_wait3A_509, %dma_wait3A_510] : memref<10000x64xf32, #tpu.memory_space<vmem_shared>> -> memref<10000x64xf32, #tpu.memory_space<vmem_shared>>
          %dma_wait3A_512 = tpu.memref_slice %arg13[%dma_wait3A_501] : memref<5x!tpu.dma_semaphore, #tpu.memory_space<semaphore_mem>> -> memref<1x!tpu.dma_semaphore, #tpu.memory_space<semaphore_mem>>
          %dma_wait3A_513 = tpu.memref_squeeze %dma_wait3A_512 : memref<1x!tpu.dma_semaphore, #tpu.memory_space<semaphore_mem>> -> memref<!tpu.dma_semaphore, #tpu.memory_space<semaphore_mem>>
          tpu.wait_indirect_dma semaphore(%dma_wait3A_513 : memref<!tpu.dma_semaphore, #tpu.memory_space<semaphore_mem>>) src(%dma_wait3A_505 : memref<125x64xf32, #tpu.memory_space<vmem>>) dst(%dma_wait3A_511 : memref<10000x64xf32, #tpu.memory_space<vmem_shared>>)
        } else {
        }
        %dma_start3A_485 = arith.constant 0 : i32
        %dma_start3A_486 = arith.constant 0 : i32
        %dma_start3A_487 = arith.constant 0 : i32
        %dma_start3A_488 = arith.constant 0 : i32
        %dma_start3A_489 = tpu.memref_slice %arg8[%dma_start3A_485, %dma_start3A_487, %dma_start3A_488] : memref<5x125x64xf32, #tpu.memory_space<vmem>> -> memref<1x125x64xf32, #tpu.memory_space<vmem>>
        %dma_start3A_490 = tpu.memref_squeeze %dma_start3A_489 : memref<1x125x64xf32, #tpu.memory_space<vmem>> -> memref<125x64xf32, #tpu.memory_space<vmem>>
        %dma_start3A_491 = arith.constant 0 : i32
        %dma_start3A_492 = tpu.memref_slice %arg6[%add3A_396, %dma_start3A_491] : memref<80x125xi32, #tpu.memory_space<vmem>> -> memref<1x125xi32, #tpu.memory_space<vmem>>
        %dma_start3A_493 = tpu.memref_squeeze %dma_start3A_492 : memref<1x125xi32, #tpu.memory_space<vmem>> -> memref<125xi32, #tpu.memory_space<vmem>>
        %dma_start3A_494 = arith.constant 0 : i32
        %dma_start3A_495 = arith.constant 0 : i32
        %dma_start3A_496 = tpu.memref_slice %arg2[%dma_start3A_494, %dma_start3A_495] : memref<10000x64xf32, #tpu.memory_space<hbm>> -> memref<10000x64xf32, #tpu.memory_space<hbm>>
        %dma_start3A_497 = tpu.memref_slice %arg12[%dma_start3A_486] : memref<5x!tpu.dma_semaphore, #tpu.memory_space<semaphore_mem>> -> memref<1x!tpu.dma_semaphore, #tpu.memory_space<semaphore_mem>>
        %dma_start3A_498 = tpu.memref_squeeze %dma_start3A_497 : memref<1x!tpu.dma_semaphore, #tpu.memory_space<semaphore_mem>> -> memref<!tpu.dma_semaphore, #tpu.memory_space<semaphore_mem>>
        tpu.enqueue_indirect_dma source(%dma_start3A_496 : memref<10000x64xf32, #tpu.memory_space<hbm>>) target(%dma_start3A_490 : memref<125x64xf32, #tpu.memory_space<vmem>>) offsets(%dma_start3A_493 : memref<125xi32, #tpu.memory_space<vmem>>) semaphore(%dma_start3A_498 : memref<!tpu.dma_semaphore, #tpu.memory_space<semaphore_mem>>)
      } else {
      }
      %mul3A_402 = arith.constant 5 : i32
      %mul3A_403 = arith.muli %mul3A_402, %scan3A_283 : i32
      %add3A_404 = arith.constant 3 : i32
      %add3A_405 = arith.addi %mul3A_403, %add3A_404 : i32
      %dma_wait3A_406 = arith.constant 3 : i32
      %dma_wait3A_407 = arith.constant 3 : i32
      %dma_wait3A_408 = arith.constant 0 : i32
      %dma_wait3A_409 = arith.constant 0 : i32
      %dma_wait3A_410 = tpu.memref_slice %arg8[%dma_wait3A_406, %dma_wait3A_408, %dma_wait3A_409] : memref<5x125x64xf32, #tpu.memory_space<vmem>> -> memref<1x125x64xf32, #tpu.memory_space<vmem>>
      %dma_wait3A_411 = tpu.memref_squeeze %dma_wait3A_410 : memref<1x125x64xf32, #tpu.memory_space<vmem>> -> memref<125x64xf32, #tpu.memory_space<vmem>>
      %dma_wait3A_412 = arith.constant 0 : i32
      %dma_wait3A_413 = tpu.memref_slice %arg6[%add3A_405, %dma_wait3A_412] : memref<80x125xi32, #tpu.memory_space<vmem>> -> memref<1x125xi32, #tpu.memory_space<vmem>>
      %dma_wait3A_414 = tpu.memref_squeeze %dma_wait3A_413 : memref<1x125xi32, #tpu.memory_space<vmem>> -> memref<125xi32, #tpu.memory_space<vmem>>
      %dma_wait3A_415 = arith.constant 0 : i32
      %dma_wait3A_416 = arith.constant 0 : i32
      %dma_wait3A_417 = tpu.memref_slice %arg2[%dma_wait3A_415, %dma_wait3A_416] : memref<10000x64xf32, #tpu.memory_space<hbm>> -> memref<10000x64xf32, #tpu.memory_space<hbm>>
      %dma_wait3A_418 = tpu.memref_slice %arg12[%dma_wait3A_407] : memref<5x!tpu.dma_semaphore, #tpu.memory_space<semaphore_mem>> -> memref<1x!tpu.dma_semaphore, #tpu.memory_space<semaphore_mem>>
      %dma_wait3A_419 = tpu.memref_squeeze %dma_wait3A_418 : memref<1x!tpu.dma_semaphore, #tpu.memory_space<semaphore_mem>> -> memref<!tpu.dma_semaphore, #tpu.memory_space<semaphore_mem>>
      tpu.wait_indirect_dma semaphore(%dma_wait3A_419 : memref<!tpu.dma_semaphore, #tpu.memory_space<semaphore_mem>>) src(%dma_wait3A_417 : memref<10000x64xf32, #tpu.memory_space<hbm>>) dst(%dma_wait3A_411 : memref<125x64xf32, #tpu.memory_space<vmem>>)
      %dma_start3A_420 = arith.constant 3 : i32
      %dma_start3A_421 = arith.constant 3 : i32
      %dma_start3A_422 = arith.constant 0 : i32
      %dma_start3A_423 = arith.constant 0 : i32
      %dma_start3A_424 = tpu.memref_slice %arg8[%dma_start3A_420, %dma_start3A_422, %dma_start3A_423] : memref<5x125x64xf32, #tpu.memory_space<vmem>> -> memref<1x125x64xf32, #tpu.memory_space<vmem>>
      %dma_start3A_425 = tpu.memref_squeeze %dma_start3A_424 : memref<1x125x64xf32, #tpu.memory_space<vmem>> -> memref<125x64xf32, #tpu.memory_space<vmem>>
      %dma_start3A_426 = arith.constant 0 : i32
      %dma_start3A_427 = tpu.memref_slice %arg7[%add3A_405, %dma_start3A_426] : memref<80x125xi32, #tpu.memory_space<vmem>> -> memref<1x125xi32, #tpu.memory_space<vmem>>
      %dma_start3A_428 = tpu.memref_squeeze %dma_start3A_427 : memref<1x125xi32, #tpu.memory_space<vmem>> -> memref<125xi32, #tpu.memory_space<vmem>>
      %dma_start3A_429 = arith.constant 0 : i32
      %dma_start3A_430 = arith.constant 0 : i32
      %dma_start3A_431 = tpu.memref_slice %arg11[%dma_start3A_429, %dma_start3A_430] : memref<10000x64xf32, #tpu.memory_space<vmem_shared>> -> memref<10000x64xf32, #tpu.memory_space<vmem_shared>>
      %dma_start3A_432 = tpu.memref_slice %arg13[%dma_start3A_421] : memref<5x!tpu.dma_semaphore, #tpu.memory_space<semaphore_mem>> -> memref<1x!tpu.dma_semaphore, #tpu.memory_space<semaphore_mem>>
      %dma_start3A_433 = tpu.memref_squeeze %dma_start3A_432 : memref<1x!tpu.dma_semaphore, #tpu.memory_space<semaphore_mem>> -> memref<!tpu.dma_semaphore, #tpu.memory_space<semaphore_mem>>
      tpu.enqueue_indirect_dma source(%dma_start3A_425 : memref<125x64xf32, #tpu.memory_space<vmem>>) target(%dma_start3A_431 : memref<10000x64xf32, #tpu.memory_space<vmem_shared>>) offsets(%dma_start3A_428 : memref<125xi32, #tpu.memory_space<vmem>>) semaphore(%dma_start3A_433 : memref<!tpu.dma_semaphore, #tpu.memory_space<semaphore_mem>>) {add = true}
      %add3A_434 = arith.constant 3 : i32
      %add3A_435 = arith.addi %add3A_405, %add3A_434 : i32
      %lt3A_436 = arith.constant 80 : i32
      %lt3A_437 = arith.cmpi slt, %add3A_435, %lt3A_436 : i32
      %convert_element_type3A_438 = arith.extui %lt3A_437 : i1 to i32
      %cond3A_439 = arith.constant 0 : i32
      %cond3A_440 = arith.cmpi ne, %convert_element_type3A_438, %cond3A_439 : i32
      scf.if %cond3A_440 {
        %ge3A = arith.constant 5 : i32
        %ge3A_481 = arith.cmpi sge, %add3A_435, %ge3A : i32
        %convert_element_type3A_482 = arith.extui %ge3A_481 : i1 to i32
        %cond3A_483 = arith.constant 0 : i32
        %cond3A_484 = arith.cmpi ne, %convert_element_type3A_482, %cond3A_483 : i32
        scf.if %cond3A_484 {
          %dma_wait3A_499 = arith.constant 1 : i32
          %dma_wait3A_500 = arith.constant 0 : i32
          %dma_wait3A_501 = arith.constant 1 : i32
          %dma_wait3A_502 = arith.constant 0 : i32
          %dma_wait3A_503 = arith.constant 0 : i32
          %dma_wait3A_504 = tpu.memref_slice %arg8[%dma_wait3A_499, %dma_wait3A_502, %dma_wait3A_503] : memref<5x125x64xf32, #tpu.memory_space<vmem>> -> memref<1x125x64xf32, #tpu.memory_space<vmem>>
          %dma_wait3A_505 = tpu.memref_squeeze %dma_wait3A_504 : memref<1x125x64xf32, #tpu.memory_space<vmem>> -> memref<125x64xf32, #tpu.memory_space<vmem>>
          %dma_wait3A_506 = arith.constant 0 : i32
          %dma_wait3A_507 = tpu.memref_slice %arg7[%dma_wait3A_500, %dma_wait3A_506] : memref<80x125xi32, #tpu.memory_space<vmem>> -> memref<1x125xi32, #tpu.memory_space<vmem>>
          %dma_wait3A_508 = tpu.memref_squeeze %dma_wait3A_507 : memref<1x125xi32, #tpu.memory_space<vmem>> -> memref<125xi32, #tpu.memory_space<vmem>>
          %dma_wait3A_509 = arith.constant 0 : i32
          %dma_wait3A_510 = arith.constant 0 : i32
          %dma_wait3A_511 = tpu.memref_slice %arg11[%dma_wait3A_509, %dma_wait3A_510] : memref<10000x64xf32, #tpu.memory_space<vmem_shared>> -> memref<10000x64xf32, #tpu.memory_space<vmem_shared>>
          %dma_wait3A_512 = tpu.memref_slice %arg13[%dma_wait3A_501] : memref<5x!tpu.dma_semaphore, #tpu.memory_space<semaphore_mem>> -> memref<1x!tpu.dma_semaphore, #tpu.memory_space<semaphore_mem>>
          %dma_wait3A_513 = tpu.memref_squeeze %dma_wait3A_512 : memref<1x!tpu.dma_semaphore, #tpu.memory_space<semaphore_mem>> -> memref<!tpu.dma_semaphore, #tpu.memory_space<semaphore_mem>>
          tpu.wait_indirect_dma semaphore(%dma_wait3A_513 : memref<!tpu.dma_semaphore, #tpu.memory_space<semaphore_mem>>) src(%dma_wait3A_505 : memref<125x64xf32, #tpu.memory_space<vmem>>) dst(%dma_wait3A_511 : memref<10000x64xf32, #tpu.memory_space<vmem_shared>>)
        } else {
        }
        %dma_start3A_485 = arith.constant 1 : i32
        %dma_start3A_486 = arith.constant 1 : i32
        %dma_start3A_487 = arith.constant 0 : i32
        %dma_start3A_488 = arith.constant 0 : i32
        %dma_start3A_489 = tpu.memref_slice %arg8[%dma_start3A_485, %dma_start3A_487, %dma_start3A_488] : memref<5x125x64xf32, #tpu.memory_space<vmem>> -> memref<1x125x64xf32, #tpu.memory_space<vmem>>
        %dma_start3A_490 = tpu.memref_squeeze %dma_start3A_489 : memref<1x125x64xf32, #tpu.memory_space<vmem>> -> memref<125x64xf32, #tpu.memory_space<vmem>>
        %dma_start3A_491 = arith.constant 0 : i32
        %dma_start3A_492 = tpu.memref_slice %arg6[%add3A_435, %dma_start3A_491] : memref<80x125xi32, #tpu.memory_space<vmem>> -> memref<1x125xi32, #tpu.memory_space<vmem>>
        %dma_start3A_493 = tpu.memref_squeeze %dma_start3A_492 : memref<1x125xi32, #tpu.memory_space<vmem>> -> memref<125xi32, #tpu.memory_space<vmem>>
        %dma_start3A_494 = arith.constant 0 : i32
        %dma_start3A_495 = arith.constant 0 : i32
        %dma_start3A_496 = tpu.memref_slice %arg2[%dma_start3A_494, %dma_start3A_495] : memref<10000x64xf32, #tpu.memory_space<hbm>> -> memref<10000x64xf32, #tpu.memory_space<hbm>>
        %dma_start3A_497 = tpu.memref_slice %arg12[%dma_start3A_486] : memref<5x!tpu.dma_semaphore, #tpu.memory_space<semaphore_mem>> -> memref<1x!tpu.dma_semaphore, #tpu.memory_space<semaphore_mem>>
        %dma_start3A_498 = tpu.memref_squeeze %dma_start3A_497 : memref<1x!tpu.dma_semaphore, #tpu.memory_space<semaphore_mem>> -> memref<!tpu.dma_semaphore, #tpu.memory_space<semaphore_mem>>
        tpu.enqueue_indirect_dma source(%dma_start3A_496 : memref<10000x64xf32, #tpu.memory_space<hbm>>) target(%dma_start3A_490 : memref<125x64xf32, #tpu.memory_space<vmem>>) offsets(%dma_start3A_493 : memref<125xi32, #tpu.memory_space<vmem>>) semaphore(%dma_start3A_498 : memref<!tpu.dma_semaphore, #tpu.memory_space<semaphore_mem>>)
      } else {
      }
      %mul3A_441 = arith.constant 5 : i32
      %mul3A_442 = arith.muli %mul3A_441, %scan3A_283 : i32
      %add3A_443 = arith.constant 4 : i32
      %add3A_444 = arith.addi %mul3A_442, %add3A_443 : i32
      %dma_wait3A_445 = arith.constant 4 : i32
      %dma_wait3A_446 = arith.constant 4 : i32
      %dma_wait3A_447 = arith.constant 0 : i32
      %dma_wait3A_448 = arith.constant 0 : i32
      %dma_wait3A_449 = tpu.memref_slice %arg8[%dma_wait3A_445, %dma_wait3A_447, %dma_wait3A_448] : memref<5x125x64xf32, #tpu.memory_space<vmem>> -> memref<1x125x64xf32, #tpu.memory_space<vmem>>
      %dma_wait3A_450 = tpu.memref_squeeze %dma_wait3A_449 : memref<1x125x64xf32, #tpu.memory_space<vmem>> -> memref<125x64xf32, #tpu.memory_space<vmem>>
      %dma_wait3A_451 = arith.constant 0 : i32
      %dma_wait3A_452 = tpu.memref_slice %arg6[%add3A_444, %dma_wait3A_451] : memref<80x125xi32, #tpu.memory_space<vmem>> -> memref<1x125xi32, #tpu.memory_space<vmem>>
      %dma_wait3A_453 = tpu.memref_squeeze %dma_wait3A_452 : memref<1x125xi32, #tpu.memory_space<vmem>> -> memref<125xi32, #tpu.memory_space<vmem>>
      %dma_wait3A_454 = arith.constant 0 : i32
      %dma_wait3A_455 = arith.constant 0 : i32
      %dma_wait3A_456 = tpu.memref_slice %arg2[%dma_wait3A_454, %dma_wait3A_455] : memref<10000x64xf32, #tpu.memory_space<hbm>> -> memref<10000x64xf32, #tpu.memory_space<hbm>>
      %dma_wait3A_457 = tpu.memref_slice %arg12[%dma_wait3A_446] : memref<5x!tpu.dma_semaphore, #tpu.memory_space<semaphore_mem>> -> memref<1x!tpu.dma_semaphore, #tpu.memory_space<semaphore_mem>>
      %dma_wait3A_458 = tpu.memref_squeeze %dma_wait3A_457 : memref<1x!tpu.dma_semaphore, #tpu.memory_space<semaphore_mem>> -> memref<!tpu.dma_semaphore, #tpu.memory_space<semaphore_mem>>
      tpu.wait_indirect_dma semaphore(%dma_wait3A_458 : memref<!tpu.dma_semaphore, #tpu.memory_space<semaphore_mem>>) src(%dma_wait3A_456 : memref<10000x64xf32, #tpu.memory_space<hbm>>) dst(%dma_wait3A_450 : memref<125x64xf32, #tpu.memory_space<vmem>>)
      %dma_start3A_459 = arith.constant 4 : i32
      %dma_start3A_460 = arith.constant 4 : i32
      %dma_start3A_461 = arith.constant 0 : i32
      %dma_start3A_462 = arith.constant 0 : i32
      %dma_start3A_463 = tpu.memref_slice %arg8[%dma_start3A_459, %dma_start3A_461, %dma_start3A_462] : memref<5x125x64xf32, #tpu.memory_space<vmem>> -> memref<1x125x64xf32, #tpu.memory_space<vmem>>
      %dma_start3A_464 = tpu.memref_squeeze %dma_start3A_463 : memref<1x125x64xf32, #tpu.memory_space<vmem>> -> memref<125x64xf32, #tpu.memory_space<vmem>>
      %dma_start3A_465 = arith.constant 0 : i32
      %dma_start3A_466 = tpu.memref_slice %arg7[%add3A_444, %dma_start3A_465] : memref<80x125xi32, #tpu.memory_space<vmem>> -> memref<1x125xi32, #tpu.memory_space<vmem>>
      %dma_start3A_467 = tpu.memref_squeeze %dma_start3A_466 : memref<1x125xi32, #tpu.memory_space<vmem>> -> memref<125xi32, #tpu.memory_space<vmem>>
      %dma_start3A_468 = arith.constant 0 : i32
      %dma_start3A_469 = arith.constant 0 : i32
      %dma_start3A_470 = tpu.memref_slice %arg11[%dma_start3A_468, %dma_start3A_469] : memref<10000x64xf32, #tpu.memory_space<vmem_shared>> -> memref<10000x64xf32, #tpu.memory_space<vmem_shared>>
      %dma_start3A_471 = tpu.memref_slice %arg13[%dma_start3A_460] : memref<5x!tpu.dma_semaphore, #tpu.memory_space<semaphore_mem>> -> memref<1x!tpu.dma_semaphore, #tpu.memory_space<semaphore_mem>>
      %dma_start3A_472 = tpu.memref_squeeze %dma_start3A_471 : memref<1x!tpu.dma_semaphore, #tpu.memory_space<semaphore_mem>> -> memref<!tpu.dma_semaphore, #tpu.memory_space<semaphore_mem>>
      tpu.enqueue_indirect_dma source(%dma_start3A_464 : memref<125x64xf32, #tpu.memory_space<vmem>>) target(%dma_start3A_470 : memref<10000x64xf32, #tpu.memory_space<vmem_shared>>) offsets(%dma_start3A_467 : memref<125xi32, #tpu.memory_space<vmem>>) semaphore(%dma_start3A_472 : memref<!tpu.dma_semaphore, #tpu.memory_space<semaphore_mem>>) {add = true}
      %add3A_473 = arith.constant 3 : i32
      %add3A_474 = arith.addi %add3A_444, %add3A_473 : i32
      %lt3A_475 = arith.constant 80 : i32
      %lt3A_476 = arith.cmpi slt, %add3A_474, %lt3A_475 : i32
      %convert_element_type3A_477 = arith.extui %lt3A_476 : i1 to i32
      %cond3A_478 = arith.constant 0 : i32
      %cond3A_479 = arith.cmpi ne, %convert_element_type3A_477, %cond3A_478 : i32
      scf.if %cond3A_479 {
        %ge3A = arith.constant 5 : i32
        %ge3A_481 = arith.cmpi sge, %add3A_474, %ge3A : i32
        %convert_element_type3A_482 = arith.extui %ge3A_481 : i1 to i32
        %cond3A_483 = arith.constant 0 : i32
        %cond3A_484 = arith.cmpi ne, %convert_element_type3A_482, %cond3A_483 : i32
        scf.if %cond3A_484 {
          %dma_wait3A_499 = arith.constant 2 : i32
          %dma_wait3A_500 = arith.constant 0 : i32
          %dma_wait3A_501 = arith.constant 2 : i32
          %dma_wait3A_502 = arith.constant 0 : i32
          %dma_wait3A_503 = arith.constant 0 : i32
          %dma_wait3A_504 = tpu.memref_slice %arg8[%dma_wait3A_499, %dma_wait3A_502, %dma_wait3A_503] : memref<5x125x64xf32, #tpu.memory_space<vmem>> -> memref<1x125x64xf32, #tpu.memory_space<vmem>>
          %dma_wait3A_505 = tpu.memref_squeeze %dma_wait3A_504 : memref<1x125x64xf32, #tpu.memory_space<vmem>> -> memref<125x64xf32, #tpu.memory_space<vmem>>
          %dma_wait3A_506 = arith.constant 0 : i32
          %dma_wait3A_507 = tpu.memref_slice %arg7[%dma_wait3A_500, %dma_wait3A_506] : memref<80x125xi32, #tpu.memory_space<vmem>> -> memref<1x125xi32, #tpu.memory_space<vmem>>
          %dma_wait3A_508 = tpu.memref_squeeze %dma_wait3A_507 : memref<1x125xi32, #tpu.memory_space<vmem>> -> memref<125xi32, #tpu.memory_space<vmem>>
          %dma_wait3A_509 = arith.constant 0 : i32
          %dma_wait3A_510 = arith.constant 0 : i32
          %dma_wait3A_511 = tpu.memref_slice %arg11[%dma_wait3A_509, %dma_wait3A_510] : memref<10000x64xf32, #tpu.memory_space<vmem_shared>> -> memref<10000x64xf32, #tpu.memory_space<vmem_shared>>
          %dma_wait3A_512 = tpu.memref_slice %arg13[%dma_wait3A_501] : memref<5x!tpu.dma_semaphore, #tpu.memory_space<semaphore_mem>> -> memref<1x!tpu.dma_semaphore, #tpu.memory_space<semaphore_mem>>
          %dma_wait3A_513 = tpu.memref_squeeze %dma_wait3A_512 : memref<1x!tpu.dma_semaphore, #tpu.memory_space<semaphore_mem>> -> memref<!tpu.dma_semaphore, #tpu.memory_space<semaphore_mem>>
          tpu.wait_indirect_dma semaphore(%dma_wait3A_513 : memref<!tpu.dma_semaphore, #tpu.memory_space<semaphore_mem>>) src(%dma_wait3A_505 : memref<125x64xf32, #tpu.memory_space<vmem>>) dst(%dma_wait3A_511 : memref<10000x64xf32, #tpu.memory_space<vmem_shared>>)
        } else {
        }
        %dma_start3A_485 = arith.constant 2 : i32
        %dma_start3A_486 = arith.constant 2 : i32
        %dma_start3A_487 = arith.constant 0 : i32
        %dma_start3A_488 = arith.constant 0 : i32
        %dma_start3A_489 = tpu.memref_slice %arg8[%dma_start3A_485, %dma_start3A_487, %dma_start3A_488] : memref<5x125x64xf32, #tpu.memory_space<vmem>> -> memref<1x125x64xf32, #tpu.memory_space<vmem>>
        %dma_start3A_490 = tpu.memref_squeeze %dma_start3A_489 : memref<1x125x64xf32, #tpu.memory_space<vmem>> -> memref<125x64xf32, #tpu.memory_space<vmem>>
        %dma_start3A_491 = arith.constant 0 : i32
        %dma_start3A_492 = tpu.memref_slice %arg6[%add3A_474, %dma_start3A_491] : memref<80x125xi32, #tpu.memory_space<vmem>> -> memref<1x125xi32, #tpu.memory_space<vmem>>
        %dma_start3A_493 = tpu.memref_squeeze %dma_start3A_492 : memref<1x125xi32, #tpu.memory_space<vmem>> -> memref<125xi32, #tpu.memory_space<vmem>>
        %dma_start3A_494 = arith.constant 0 : i32
        %dma_start3A_495 = arith.constant 0 : i32
        %dma_start3A_496 = tpu.memref_slice %arg2[%dma_start3A_494, %dma_start3A_495] : memref<10000x64xf32, #tpu.memory_space<hbm>> -> memref<10000x64xf32, #tpu.memory_space<hbm>>
        %dma_start3A_497 = tpu.memref_slice %arg12[%dma_start3A_486] : memref<5x!tpu.dma_semaphore, #tpu.memory_space<semaphore_mem>> -> memref<1x!tpu.dma_semaphore, #tpu.memory_space<semaphore_mem>>
        %dma_start3A_498 = tpu.memref_squeeze %dma_start3A_497 : memref<1x!tpu.dma_semaphore, #tpu.memory_space<semaphore_mem>> -> memref<!tpu.dma_semaphore, #tpu.memory_space<semaphore_mem>>
        tpu.enqueue_indirect_dma source(%dma_start3A_496 : memref<10000x64xf32, #tpu.memory_space<hbm>>) target(%dma_start3A_490 : memref<125x64xf32, #tpu.memory_space<vmem>>) offsets(%dma_start3A_493 : memref<125xi32, #tpu.memory_space<vmem>>) semaphore(%dma_start3A_498 : memref<!tpu.dma_semaphore, #tpu.memory_space<semaphore_mem>>)
      } else {
      }
      %scan3A_480 = arith.constant 0 : i32
      scf.yield %scan3A_480 : i32
    }
    %scan3A_61 = arith.constant 16 : i32
    %dma_wait3A = arith.constant 0 : i32
    %dma_wait3A_62 = arith.constant 0 : i32
    %dma_wait3A_63 = arith.constant 0 : i32
    %dma_wait3A_64 = arith.constant 0 : i32
    %dma_wait3A_65 = arith.constant 0 : i32
    %dma_wait3A_66 = tpu.memref_slice %arg8[%dma_wait3A, %dma_wait3A_64, %dma_wait3A_65] : memref<5x125x64xf32, #tpu.memory_space<vmem>> -> memref<1x125x64xf32, #tpu.memory_space<vmem>>
    %dma_wait3A_67 = tpu.memref_squeeze %dma_wait3A_66 : memref<1x125x64xf32, #tpu.memory_space<vmem>> -> memref<125x64xf32, #tpu.memory_space<vmem>>
    %dma_wait3A_68 = arith.constant 0 : i32
    %dma_wait3A_69 = tpu.memref_slice %arg7[%dma_wait3A_62, %dma_wait3A_68] : memref<80x125xi32, #tpu.memory_space<vmem>> -> memref<1x125xi32, #tpu.memory_space<vmem>>
    %dma_wait3A_70 = tpu.memref_squeeze %dma_wait3A_69 : memref<1x125xi32, #tpu.memory_space<vmem>> -> memref<125xi32, #tpu.memory_space<vmem>>
    %dma_wait3A_71 = arith.constant 0 : i32
    %dma_wait3A_72 = arith.constant 0 : i32
    %dma_wait3A_73 = tpu.memref_slice %arg11[%dma_wait3A_71, %dma_wait3A_72] : memref<10000x64xf32, #tpu.memory_space<vmem_shared>> -> memref<10000x64xf32, #tpu.memory_space<vmem_shared>>
    %dma_wait3A_74 = tpu.memref_slice %arg13[%dma_wait3A_63] : memref<5x!tpu.dma_semaphore, #tpu.memory_space<semaphore_mem>> -> memref<1x!tpu.dma_semaphore, #tpu.memory_space<semaphore_mem>>
    %dma_wait3A_75 = tpu.memref_squeeze %dma_wait3A_74 : memref<1x!tpu.dma_semaphore, #tpu.memory_space<semaphore_mem>> -> memref<!tpu.dma_semaphore, #tpu.memory_space<semaphore_mem>>
    tpu.wait_indirect_dma semaphore(%dma_wait3A_75 : memref<!tpu.dma_semaphore, #tpu.memory_space<semaphore_mem>>) src(%dma_wait3A_67 : memref<125x64xf32, #tpu.memory_space<vmem>>) dst(%dma_wait3A_73 : memref<10000x64xf32, #tpu.memory_space<vmem_shared>>)
    %dma_wait3A_76 = arith.constant 1 : i32
    %dma_wait3A_77 = arith.constant 0 : i32
    %dma_wait3A_78 = arith.constant 1 : i32
    %dma_wait3A_79 = arith.constant 0 : i32
    %dma_wait3A_80 = arith.constant 0 : i32
    %dma_wait3A_81 = tpu.memref_slice %arg8[%dma_wait3A_76, %dma_wait3A_79, %dma_wait3A_80] : memref<5x125x64xf32, #tpu.memory_space<vmem>> -> memref<1x125x64xf32, #tpu.memory_space<vmem>>
    %dma_wait3A_82 = tpu.memref_squeeze %dma_wait3A_81 : memref<1x125x64xf32, #tpu.memory_space<vmem>> -> memref<125x64xf32, #tpu.memory_space<vmem>>
    %dma_wait3A_83 = arith.constant 0 : i32
    %dma_wait3A_84 = tpu.memref_slice %arg7[%dma_wait3A_77, %dma_wait3A_83] : memref<80x125xi32, #tpu.memory_space<vmem>> -> memref<1x125xi32, #tpu.memory_space<vmem>>
    %dma_wait3A_85 = tpu.memref_squeeze %dma_wait3A_84 : memref<1x125xi32, #tpu.memory_space<vmem>> -> memref<125xi32, #tpu.memory_space<vmem>>
    %dma_wait3A_86 = arith.constant 0 : i32
    %dma_wait3A_87 = arith.constant 0 : i32
    %dma_wait3A_88 = tpu.memref_slice %arg11[%dma_wait3A_86, %dma_wait3A_87] : memref<10000x64xf32, #tpu.memory_space<vmem_shared>> -> memref<10000x64xf32, #tpu.memory_space<vmem_shared>>
    %dma_wait3A_89 = tpu.memref_slice %arg13[%dma_wait3A_78] : memref<5x!tpu.dma_semaphore, #tpu.memory_space<semaphore_mem>> -> memref<1x!tpu.dma_semaphore, #tpu.memory_space<semaphore_mem>>
    %dma_wait3A_90 = tpu.memref_squeeze %dma_wait3A_89 : memref<1x!tpu.dma_semaphore, #tpu.memory_space<semaphore_mem>> -> memref<!tpu.dma_semaphore, #tpu.memory_space<semaphore_mem>>
    tpu.wait_indirect_dma semaphore(%dma_wait3A_90 : memref<!tpu.dma_semaphore, #tpu.memory_space<semaphore_mem>>) src(%dma_wait3A_82 : memref<125x64xf32, #tpu.memory_space<vmem>>) dst(%dma_wait3A_88 : memref<10000x64xf32, #tpu.memory_space<vmem_shared>>)
    %dma_wait3A_91 = arith.constant 2 : i32
    %dma_wait3A_92 = arith.constant 0 : i32
    %dma_wait3A_93 = arith.constant 2 : i32
    %dma_wait3A_94 = arith.constant 0 : i32
    %dma_wait3A_95 = arith.constant 0 : i32
    %dma_wait3A_96 = tpu.memref_slice %arg8[%dma_wait3A_91, %dma_wait3A_94, %dma_wait3A_95] : memref<5x125x64xf32, #tpu.memory_space<vmem>> -> memref<1x125x64xf32, #tpu.memory_space<vmem>>
    %dma_wait3A_97 = tpu.memref_squeeze %dma_wait3A_96 : memref<1x125x64xf32, #tpu.memory_space<vmem>> -> memref<125x64xf32, #tpu.memory_space<vmem>>
    %dma_wait3A_98 = arith.constant 0 : i32
    %dma_wait3A_99 = tpu.memref_slice %arg7[%dma_wait3A_92, %dma_wait3A_98] : memref<80x125xi32, #tpu.memory_space<vmem>> -> memref<1x125xi32, #tpu.memory_space<vmem>>
    %dma_wait3A_100 = tpu.memref_squeeze %dma_wait3A_99 : memref<1x125xi32, #tpu.memory_space<vmem>> -> memref<125xi32, #tpu.memory_space<vmem>>
    %dma_wait3A_101 = arith.constant 0 : i32
    %dma_wait3A_102 = arith.constant 0 : i32
    %dma_wait3A_103 = tpu.memref_slice %arg11[%dma_wait3A_101, %dma_wait3A_102] : memref<10000x64xf32, #tpu.memory_space<vmem_shared>> -> memref<10000x64xf32, #tpu.memory_space<vmem_shared>>
    %dma_wait3A_104 = tpu.memref_slice %arg13[%dma_wait3A_93] : memref<5x!tpu.dma_semaphore, #tpu.memory_space<semaphore_mem>> -> memref<1x!tpu.dma_semaphore, #tpu.memory_space<semaphore_mem>>
    %dma_wait3A_105 = tpu.memref_squeeze %dma_wait3A_104 : memref<1x!tpu.dma_semaphore, #tpu.memory_space<semaphore_mem>> -> memref<!tpu.dma_semaphore, #tpu.memory_space<semaphore_mem>>
    tpu.wait_indirect_dma semaphore(%dma_wait3A_105 : memref<!tpu.dma_semaphore, #tpu.memory_space<semaphore_mem>>) src(%dma_wait3A_97 : memref<125x64xf32, #tpu.memory_space<vmem>>) dst(%dma_wait3A_103 : memref<10000x64xf32, #tpu.memory_space<vmem_shared>>)
    %dma_wait3A_106 = arith.constant 3 : i32
    %dma_wait3A_107 = arith.constant 0 : i32
    %dma_wait3A_108 = arith.constant 3 : i32
    %dma_wait3A_109 = arith.constant 0 : i32
    %dma_wait3A_110 = arith.constant 0 : i32
    %dma_wait3A_111 = tpu.memref_slice %arg8[%dma_wait3A_106, %dma_wait3A_109, %dma_wait3A_110] : memref<5x125x64xf32, #tpu.memory_space<vmem>> -> memref<1x125x64xf32, #tpu.memory_space<vmem>>
    %dma_wait3A_112 = tpu.memref_squeeze %dma_wait3A_111 : memref<1x125x64xf32, #tpu.memory_space<vmem>> -> memref<125x64xf32, #tpu.memory_space<vmem>>
    %dma_wait3A_113 = arith.constant 0 : i32
    %dma_wait3A_114 = tpu.memref_slice %arg7[%dma_wait3A_107, %dma_wait3A_113] : memref<80x125xi32, #tpu.memory_space<vmem>> -> memref<1x125xi32, #tpu.memory_space<vmem>>
    %dma_wait3A_115 = tpu.memref_squeeze %dma_wait3A_114 : memref<1x125xi32, #tpu.memory_space<vmem>> -> memref<125xi32, #tpu.memory_space<vmem>>
    %dma_wait3A_116 = arith.constant 0 : i32
    %dma_wait3A_117 = arith.constant 0 : i32
    %dma_wait3A_118 = tpu.memref_slice %arg11[%dma_wait3A_116, %dma_wait3A_117] : memref<10000x64xf32, #tpu.memory_space<vmem_shared>> -> memref<10000x64xf32, #tpu.memory_space<vmem_shared>>
    %dma_wait3A_119 = tpu.memref_slice %arg13[%dma_wait3A_108] : memref<5x!tpu.dma_semaphore, #tpu.memory_space<semaphore_mem>> -> memref<1x!tpu.dma_semaphore, #tpu.memory_space<semaphore_mem>>
    %dma_wait3A_120 = tpu.memref_squeeze %dma_wait3A_119 : memref<1x!tpu.dma_semaphore, #tpu.memory_space<semaphore_mem>> -> memref<!tpu.dma_semaphore, #tpu.memory_space<semaphore_mem>>
    tpu.wait_indirect_dma semaphore(%dma_wait3A_120 : memref<!tpu.dma_semaphore, #tpu.memory_space<semaphore_mem>>) src(%dma_wait3A_112 : memref<125x64xf32, #tpu.memory_space<vmem>>) dst(%dma_wait3A_118 : memref<10000x64xf32, #tpu.memory_space<vmem_shared>>)
    %dma_wait3A_121 = arith.constant 4 : i32
    %dma_wait3A_122 = arith.constant 0 : i32
    %dma_wait3A_123 = arith.constant 4 : i32
    %dma_wait3A_124 = arith.constant 0 : i32
    %dma_wait3A_125 = arith.constant 0 : i32
    %dma_wait3A_126 = tpu.memref_slice %arg8[%dma_wait3A_121, %dma_wait3A_124, %dma_wait3A_125] : memref<5x125x64xf32, #tpu.memory_space<vmem>> -> memref<1x125x64xf32, #tpu.memory_space<vmem>>
    %dma_wait3A_127 = tpu.memref_squeeze %dma_wait3A_126 : memref<1x125x64xf32, #tpu.memory_space<vmem>> -> memref<125x64xf32, #tpu.memory_space<vmem>>
    %dma_wait3A_128 = arith.constant 0 : i32
    %dma_wait3A_129 = tpu.memref_slice %arg7[%dma_wait3A_122, %dma_wait3A_128] : memref<80x125xi32, #tpu.memory_space<vmem>> -> memref<1x125xi32, #tpu.memory_space<vmem>>
    %dma_wait3A_130 = tpu.memref_squeeze %dma_wait3A_129 : memref<1x125xi32, #tpu.memory_space<vmem>> -> memref<125xi32, #tpu.memory_space<vmem>>
    %dma_wait3A_131 = arith.constant 0 : i32
    %dma_wait3A_132 = arith.constant 0 : i32
    %dma_wait3A_133 = tpu.memref_slice %arg11[%dma_wait3A_131, %dma_wait3A_132] : memref<10000x64xf32, #tpu.memory_space<vmem_shared>> -> memref<10000x64xf32, #tpu.memory_space<vmem_shared>>
    %dma_wait3A_134 = tpu.memref_slice %arg13[%dma_wait3A_123] : memref<5x!tpu.dma_semaphore, #tpu.memory_space<semaphore_mem>> -> memref<1x!tpu.dma_semaphore, #tpu.memory_space<semaphore_mem>>
    %dma_wait3A_135 = tpu.memref_squeeze %dma_wait3A_134 : memref<1x!tpu.dma_semaphore, #tpu.memory_space<semaphore_mem>> -> memref<!tpu.dma_semaphore, #tpu.memory_space<semaphore_mem>>
    tpu.wait_indirect_dma semaphore(%dma_wait3A_135 : memref<!tpu.dma_semaphore, #tpu.memory_space<semaphore_mem>>) src(%dma_wait3A_127 : memref<125x64xf32, #tpu.memory_space<vmem>>) dst(%dma_wait3A_133 : memref<10000x64xf32, #tpu.memory_space<vmem_shared>>)
    %barrier3A_136 = arith.constant 0 : index
    tpu.barrier barrier_id(%barrier3A_136)
    %lt3A_137 = arith.constant 10 : i32
    %lt3A_138 = arith.cmpi slt, %arg1, %lt3A_137 : i32
    %convert_element_type3A_139 = arith.extui %lt3A_138 : i1 to i32
    %cond3A_140 = arith.constant 0 : i32
    %cond3A_141 = arith.cmpi ne, %convert_element_type3A_139, %cond3A_140 : i32
    scf.if %cond3A_141 {
      %scan3A_283 = arith.constant 0 : i32
      %scan3A_284 = arith.constant 0 : i32
      %scan3A_285 = arith.constant 5 : i32
      %scan3A_286 = arith.addi %scan3A_284, %scan3A_285 : i32
      %scan3A_287 = arith.constant 1 : i32
      %scan3A_288 = scf.for %scan3A_290 = %scan3A_284 to %scan3A_286 step %scan3A_287 iter_args(%scan3A_291 = %scan3A_283) -> (i32)  : i32 {
        %mul3A_292 = arith.constant 1000 : i32
        %mul3A_293 = arith.muli %arg1, %mul3A_292 : i32
        %mul3A_294 = arith.constant 200 : i32
        %mul3A_295 = arith.muli %scan3A_290, %mul3A_294 : i32
        %add3A_296 = arith.addi %mul3A_293, %mul3A_295 : i32
        "tpu.region"() ({
          %run_scoped3A_299 = tpu.sem_alloc : memref<!tpu.dma_semaphore, #tpu.memory_space<semaphore_mem>>
          %dma_start3A_300 = arith.constant 0 : i32
          %dma_start3A_301 = tpu.memref_slice %arg11[%add3A_296, %dma_start3A_300] : memref<10000x64xf32, #tpu.memory_space<vmem_shared>> -> memref<200x64xf32, #tpu.memory_space<vmem_shared>>
          %dma_start3A_302 = arith.constant 0 : i32
          %dma_start3A_303 = tpu.memref_slice %arg11[%add3A_296, %dma_start3A_302] : memref<10000x64xf32, #tpu.memory_space<vmem_shared>> -> memref<200x64xf32, #tpu.memory_space<vmem_shared>>
          tpu.enqueue_dma source(%dma_start3A_303 : memref<200x64xf32, #tpu.memory_space<vmem_shared>>) target(%arg10 : memref<200x64xf32, #tpu.memory_space<vmem>>) target_semaphore(%run_scoped3A_299 : memref<!tpu.dma_semaphore, #tpu.memory_space<semaphore_mem>>)
          %dma_wait3A_304 = arith.constant 0 : i32
          %dma_wait3A_305 = tpu.memref_slice %arg11[%add3A_296, %dma_wait3A_304] : memref<10000x64xf32, #tpu.memory_space<vmem_shared>> -> memref<200x64xf32, #tpu.memory_space<vmem_shared>>
          %dma_wait3A_306 = arith.constant 0 : i32
          %dma_wait3A_307 = tpu.memref_slice %arg11[%add3A_296, %dma_wait3A_306] : memref<10000x64xf32, #tpu.memory_space<vmem_shared>> -> memref<200x64xf32, #tpu.memory_space<vmem_shared>>
          tpu.wait_dma2 semaphore(%run_scoped3A_299 : memref<!tpu.dma_semaphore, #tpu.memory_space<semaphore_mem>>) src(%dma_wait3A_307 : memref<200x64xf32, #tpu.memory_space<vmem_shared>>) dst(%arg10 : memref<200x64xf32, #tpu.memory_space<vmem>>)
          tpu.yield
        }) : () -> ()
        %run_scoped3A_297 = arith.constant 0 : i32
        "tpu.region"() ({
          %run_scoped3A_299 = tpu.sem_alloc : memref<!tpu.dma_semaphore, #tpu.memory_space<semaphore_mem>>
          %dma_start3A_300 = arith.constant 0 : i32
          %dma_start3A_301 = tpu.memref_slice %arg5[%arg0, %run_scoped3A_297, %add3A_296, %dma_start3A_300] : memref<2x2x10000x64xf32, #tpu.memory_space<hbm>> -> memref<1x1x200x64xf32, #tpu.memory_space<hbm>>
          %dma_start3A_302 = tpu.memref_squeeze %dma_start3A_301 : memref<1x1x200x64xf32, #tpu.memory_space<hbm>> -> memref<200x64xf32, #tpu.memory_space<hbm>>
          %dma_start3A_303 = arith.constant 0 : i32
          %dma_start3A_304 = tpu.memref_slice %arg5[%arg0, %run_scoped3A_297, %add3A_296, %dma_start3A_303] : memref<2x2x10000x64xf32, #tpu.memory_space<hbm>> -> memref<1x1x200x64xf32, #tpu.memory_space<hbm>>
          %dma_start3A_305 = tpu.memref_squeeze %dma_start3A_304 : memref<1x1x200x64xf32, #tpu.memory_space<hbm>> -> memref<200x64xf32, #tpu.memory_space<hbm>>
          tpu.enqueue_dma source(%arg10 : memref<200x64xf32, #tpu.memory_space<vmem>>) target(%dma_start3A_305 : memref<200x64xf32, #tpu.memory_space<hbm>>) target_semaphore(%run_scoped3A_299 : memref<!tpu.dma_semaphore, #tpu.memory_space<semaphore_mem>>)
          %dma_wait3A_306 = arith.constant 0 : i32
          %dma_wait3A_307 = tpu.memref_slice %arg5[%arg0, %run_scoped3A_297, %add3A_296, %dma_wait3A_306] : memref<2x2x10000x64xf32, #tpu.memory_space<hbm>> -> memref<1x1x200x64xf32, #tpu.memory_space<hbm>>
          %dma_wait3A_308 = tpu.memref_squeeze %dma_wait3A_307 : memref<1x1x200x64xf32, #tpu.memory_space<hbm>> -> memref<200x64xf32, #tpu.memory_space<hbm>>
          %dma_wait3A_309 = arith.constant 0 : i32
          %dma_wait3A_310 = tpu.memref_slice %arg5[%arg0, %run_scoped3A_297, %add3A_296, %dma_wait3A_309] : memref<2x2x10000x64xf32, #tpu.memory_space<hbm>> -> memref<1x1x200x64xf32, #tpu.memory_space<hbm>>
          %dma_wait3A_311 = tpu.memref_squeeze %dma_wait3A_310 : memref<1x1x200x64xf32, #tpu.memory_space<hbm>> -> memref<200x64xf32, #tpu.memory_space<hbm>>
          tpu.wait_dma2 semaphore(%run_scoped3A_299 : memref<!tpu.dma_semaphore, #tpu.memory_space<semaphore_mem>>) src(%arg10 : memref<200x64xf32, #tpu.memory_space<vmem>>) dst(%dma_wait3A_311 : memref<200x64xf32, #tpu.memory_space<hbm>>)
          tpu.yield
        }) : () -> ()
        %scan3A_298 = arith.constant 0 : i32
        scf.yield %scan3A_298 : i32
      }
      %scan3A_289 = arith.constant 5 : i32
    } else {
    }
    %barrier3A_142 = arith.constant 0 : index
    tpu.barrier barrier_id(%barrier3A_142)
    %lt3A_143 = arith.constant 10 : i32
    %lt3A_144 = arith.cmpi slt, %arg1, %lt3A_143 : i32
    %convert_element_type3A_145 = arith.extui %lt3A_144 : i1 to i32
    %cond3A_146 = arith.constant 0 : i32
    %cond3A_147 = arith.cmpi ne, %convert_element_type3A_145, %cond3A_146 : i32
    scf.if %cond3A_147 {
      %scan3A_283 = arith.constant 0 : i32
      %scan3A_284 = arith.constant 0 : i32
      %scan3A_285 = arith.constant 5 : i32
      %scan3A_286 = arith.addi %scan3A_284, %scan3A_285 : i32
      %scan3A_287 = arith.constant 1 : i32
      %scan3A_288 = scf.for %scan3A_290 = %scan3A_284 to %scan3A_286 step %scan3A_287 iter_args(%scan3A_291 = %scan3A_283) -> (i32)  : i32 {
        %mul3A_292 = arith.constant 1000 : i32
        %mul3A_293 = arith.muli %arg1, %mul3A_292 : i32
        %mul3A_294 = arith.constant 200 : i32
        %mul3A_295 = arith.muli %scan3A_290, %mul3A_294 : i32
        %add3A_296 = arith.addi %mul3A_293, %mul3A_295 : i32
        "tpu.region"() ({
          %run_scoped3A_298 = tpu.sem_alloc : memref<!tpu.dma_semaphore, #tpu.memory_space<semaphore_mem>>
          %dma_start3A_299 = arith.constant 0 : i32
          %dma_start3A_300 = tpu.memref_slice %arg11[%add3A_296, %dma_start3A_299] : memref<10000x64xf32, #tpu.memory_space<vmem_shared>> -> memref<200x64xf32, #tpu.memory_space<vmem_shared>>
          %dma_start3A_301 = arith.constant 0 : i32
          %dma_start3A_302 = tpu.memref_slice %arg11[%add3A_296, %dma_start3A_301] : memref<10000x64xf32, #tpu.memory_space<vmem_shared>> -> memref<200x64xf32, #tpu.memory_space<vmem_shared>>
          tpu.enqueue_dma source(%arg9 : memref<200x64xf32, #tpu.memory_space<vmem>>) target(%dma_start3A_302 : memref<200x64xf32, #tpu.memory_space<vmem_shared>>) target_semaphore(%run_scoped3A_298 : memref<!tpu.dma_semaphore, #tpu.memory_space<semaphore_mem>>)
          %dma_wait3A_303 = arith.constant 0 : i32
          %dma_wait3A_304 = tpu.memref_slice %arg11[%add3A_296, %dma_wait3A_303] : memref<10000x64xf32, #tpu.memory_space<vmem_shared>> -> memref<200x64xf32, #tpu.memory_space<vmem_shared>>
          %dma_wait3A_305 = arith.constant 0 : i32
          %dma_wait3A_306 = tpu.memref_slice %arg11[%add3A_296, %dma_wait3A_305] : memref<10000x64xf32, #tpu.memory_space<vmem_shared>> -> memref<200x64xf32, #tpu.memory_space<vmem_shared>>
          tpu.wait_dma2 semaphore(%run_scoped3A_298 : memref<!tpu.dma_semaphore, #tpu.memory_space<semaphore_mem>>) src(%arg9 : memref<200x64xf32, #tpu.memory_space<vmem>>) dst(%dma_wait3A_306 : memref<200x64xf32, #tpu.memory_space<vmem_shared>>)
          tpu.yield
        }) : () -> ()
        %scan3A_297 = arith.constant 0 : i32
        scf.yield %scan3A_297 : i32
      }
      %scan3A_289 = arith.constant 5 : i32
    } else {
    }
    %barrier3A_148 = arith.constant 0 : index
    tpu.barrier barrier_id(%barrier3A_148)
    %dma_start3A_149 = arith.constant 0 : i32
    %dma_start3A_150 = arith.constant 0 : i32
    %dma_start3A_151 = arith.constant 0 : i32
    %dma_start3A_152 = arith.constant 0 : i32
    %dma_start3A_153 = arith.constant 0 : i32
    %dma_start3A_154 = tpu.memref_slice %arg8[%dma_start3A_150, %dma_start3A_152, %dma_start3A_153] : memref<5x125x64xf32, #tpu.memory_space<vmem>> -> memref<1x125x64xf32, #tpu.memory_space<vmem>>
    %dma_start3A_155 = tpu.memref_squeeze %dma_start3A_154 : memref<1x125x64xf32, #tpu.memory_space<vmem>> -> memref<125x64xf32, #tpu.memory_space<vmem>>
    %dma_start3A_156 = arith.constant 0 : i32
    %dma_start3A_157 = tpu.memref_slice %arg6[%dma_start3A_149, %dma_start3A_156] : memref<80x125xi32, #tpu.memory_space<vmem>> -> memref<1x125xi32, #tpu.memory_space<vmem>>
    %dma_start3A_158 = tpu.memref_squeeze %dma_start3A_157 : memref<1x125xi32, #tpu.memory_space<vmem>> -> memref<125xi32, #tpu.memory_space<vmem>>
    %dma_start3A_159 = arith.constant 0 : i32
    %dma_start3A_160 = arith.constant 0 : i32
    %dma_start3A_161 = tpu.memref_slice %arg3[%dma_start3A_159, %dma_start3A_160] : memref<10000x64xf32, #tpu.memory_space<hbm>> -> memref<10000x64xf32, #tpu.memory_space<hbm>>
    %dma_start3A_162 = tpu.memref_slice %arg12[%dma_start3A_151] : memref<5x!tpu.dma_semaphore, #tpu.memory_space<semaphore_mem>> -> memref<1x!tpu.dma_semaphore, #tpu.memory_space<semaphore_mem>>
    %dma_start3A_163 = tpu.memref_squeeze %dma_start3A_162 : memref<1x!tpu.dma_semaphore, #tpu.memory_space<semaphore_mem>> -> memref<!tpu.dma_semaphore, #tpu.memory_space<semaphore_mem>>
    tpu.enqueue_indirect_dma source(%dma_start3A_161 : memref<10000x64xf32, #tpu.memory_space<hbm>>) target(%dma_start3A_155 : memref<125x64xf32, #tpu.memory_space<vmem>>) offsets(%dma_start3A_158 : memref<125xi32, #tpu.memory_space<vmem>>) semaphore(%dma_start3A_163 : memref<!tpu.dma_semaphore, #tpu.memory_space<semaphore_mem>>)
    %dma_start3A_164 = arith.constant 1 : i32
    %dma_start3A_165 = arith.constant 1 : i32
    %dma_start3A_166 = arith.constant 1 : i32
    %dma_start3A_167 = arith.constant 0 : i32
    %dma_start3A_168 = arith.constant 0 : i32
    %dma_start3A_169 = tpu.memref_slice %arg8[%dma_start3A_165, %dma_start3A_167, %dma_start3A_168] : memref<5x125x64xf32, #tpu.memory_space<vmem>> -> memref<1x125x64xf32, #tpu.memory_space<vmem>>
    %dma_start3A_170 = tpu.memref_squeeze %dma_start3A_169 : memref<1x125x64xf32, #tpu.memory_space<vmem>> -> memref<125x64xf32, #tpu.memory_space<vmem>>
    %dma_start3A_171 = arith.constant 0 : i32
    %dma_start3A_172 = tpu.memref_slice %arg6[%dma_start3A_164, %dma_start3A_171] : memref<80x125xi32, #tpu.memory_space<vmem>> -> memref<1x125xi32, #tpu.memory_space<vmem>>
    %dma_start3A_173 = tpu.memref_squeeze %dma_start3A_172 : memref<1x125xi32, #tpu.memory_space<vmem>> -> memref<125xi32, #tpu.memory_space<vmem>>
    %dma_start3A_174 = arith.constant 0 : i32
    %dma_start3A_175 = arith.constant 0 : i32
    %dma_start3A_176 = tpu.memref_slice %arg3[%dma_start3A_174, %dma_start3A_175] : memref<10000x64xf32, #tpu.memory_space<hbm>> -> memref<10000x64xf32, #tpu.memory_space<hbm>>
    %dma_start3A_177 = tpu.memref_slice %arg12[%dma_start3A_166] : memref<5x!tpu.dma_semaphore, #tpu.memory_space<semaphore_mem>> -> memref<1x!tpu.dma_semaphore, #tpu.memory_space<semaphore_mem>>
    %dma_start3A_178 = tpu.memref_squeeze %dma_start3A_177 : memref<1x!tpu.dma_semaphore, #tpu.memory_space<semaphore_mem>> -> memref<!tpu.dma_semaphore, #tpu.memory_space<semaphore_mem>>
    tpu.enqueue_indirect_dma source(%dma_start3A_176 : memref<10000x64xf32, #tpu.memory_space<hbm>>) target(%dma_start3A_170 : memref<125x64xf32, #tpu.memory_space<vmem>>) offsets(%dma_start3A_173 : memref<125xi32, #tpu.memory_space<vmem>>) semaphore(%dma_start3A_178 : memref<!tpu.dma_semaphore, #tpu.memory_space<semaphore_mem>>)
    %dma_start3A_179 = arith.constant 2 : i32
    %dma_start3A_180 = arith.constant 2 : i32
    %dma_start3A_181 = arith.constant 2 : i32
    %dma_start3A_182 = arith.constant 0 : i32
    %dma_start3A_183 = arith.constant 0 : i32
    %dma_start3A_184 = tpu.memref_slice %arg8[%dma_start3A_180, %dma_start3A_182, %dma_start3A_183] : memref<5x125x64xf32, #tpu.memory_space<vmem>> -> memref<1x125x64xf32, #tpu.memory_space<vmem>>
    %dma_start3A_185 = tpu.memref_squeeze %dma_start3A_184 : memref<1x125x64xf32, #tpu.memory_space<vmem>> -> memref<125x64xf32, #tpu.memory_space<vmem>>
    %dma_start3A_186 = arith.constant 0 : i32
    %dma_start3A_187 = tpu.memref_slice %arg6[%dma_start3A_179, %dma_start3A_186] : memref<80x125xi32, #tpu.memory_space<vmem>> -> memref<1x125xi32, #tpu.memory_space<vmem>>
    %dma_start3A_188 = tpu.memref_squeeze %dma_start3A_187 : memref<1x125xi32, #tpu.memory_space<vmem>> -> memref<125xi32, #tpu.memory_space<vmem>>
    %dma_start3A_189 = arith.constant 0 : i32
    %dma_start3A_190 = arith.constant 0 : i32
    %dma_start3A_191 = tpu.memref_slice %arg3[%dma_start3A_189, %dma_start3A_190] : memref<10000x64xf32, #tpu.memory_space<hbm>> -> memref<10000x64xf32, #tpu.memory_space<hbm>>
    %dma_start3A_192 = tpu.memref_slice %arg12[%dma_start3A_181] : memref<5x!tpu.dma_semaphore, #tpu.memory_space<semaphore_mem>> -> memref<1x!tpu.dma_semaphore, #tpu.memory_space<semaphore_mem>>
    %dma_start3A_193 = tpu.memref_squeeze %dma_start3A_192 : memref<1x!tpu.dma_semaphore, #tpu.memory_space<semaphore_mem>> -> memref<!tpu.dma_semaphore, #tpu.memory_space<semaphore_mem>>
    tpu.enqueue_indirect_dma source(%dma_start3A_191 : memref<10000x64xf32, #tpu.memory_space<hbm>>) target(%dma_start3A_185 : memref<125x64xf32, #tpu.memory_space<vmem>>) offsets(%dma_start3A_188 : memref<125xi32, #tpu.memory_space<vmem>>) semaphore(%dma_start3A_193 : memref<!tpu.dma_semaphore, #tpu.memory_space<semaphore_mem>>)
    %scan3A_194 = arith.constant 0 : i32
    %scan3A_195 = arith.constant 0 : i32
    %scan3A_196 = arith.constant 16 : i32
    %scan3A_197 = arith.addi %scan3A_195, %scan3A_196 : i32
    %scan3A_198 = arith.constant 1 : i32
    %scan3A_199 = scf.for %scan3A_283 = %scan3A_195 to %scan3A_197 step %scan3A_198 iter_args(%scan3A_284 = %scan3A_194) -> (i32)  : i32 {
      %mul3A_285 = arith.constant 5 : i32
      %mul3A_286 = arith.muli %mul3A_285, %scan3A_283 : i32
      %add3A_287 = arith.constant 0 : i32
      %add3A_288 = arith.addi %mul3A_286, %add3A_287 : i32
      %dma_wait3A_289 = arith.constant 0 : i32
      %dma_wait3A_290 = arith.constant 0 : i32
      %dma_wait3A_291 = arith.constant 0 : i32
      %dma_wait3A_292 = arith.constant 0 : i32
      %dma_wait3A_293 = tpu.memref_slice %arg8[%dma_wait3A_289, %dma_wait3A_291, %dma_wait3A_292] : memref<5x125x64xf32, #tpu.memory_space<vmem>> -> memref<1x125x64xf32, #tpu.memory_space<vmem>>
      %dma_wait3A_294 = tpu.memref_squeeze %dma_wait3A_293 : memref<1x125x64xf32, #tpu.memory_space<vmem>> -> memref<125x64xf32, #tpu.memory_space<vmem>>
      %dma_wait3A_295 = arith.constant 0 : i32
      %dma_wait3A_296 = tpu.memref_slice %arg6[%add3A_288, %dma_wait3A_295] : memref<80x125xi32, #tpu.memory_space<vmem>> -> memref<1x125xi32, #tpu.memory_space<vmem>>
      %dma_wait3A_297 = tpu.memref_squeeze %dma_wait3A_296 : memref<1x125xi32, #tpu.memory_space<vmem>> -> memref<125xi32, #tpu.memory_space<vmem>>
      %dma_wait3A_298 = arith.constant 0 : i32
      %dma_wait3A_299 = arith.constant 0 : i32
      %dma_wait3A_300 = tpu.memref_slice %arg3[%dma_wait3A_298, %dma_wait3A_299] : memref<10000x64xf32, #tpu.memory_space<hbm>> -> memref<10000x64xf32, #tpu.memory_space<hbm>>
      %dma_wait3A_301 = tpu.memref_slice %arg12[%dma_wait3A_290] : memref<5x!tpu.dma_semaphore, #tpu.memory_space<semaphore_mem>> -> memref<1x!tpu.dma_semaphore, #tpu.memory_space<semaphore_mem>>
      %dma_wait3A_302 = tpu.memref_squeeze %dma_wait3A_301 : memref<1x!tpu.dma_semaphore, #tpu.memory_space<semaphore_mem>> -> memref<!tpu.dma_semaphore, #tpu.memory_space<semaphore_mem>>
      tpu.wait_indirect_dma semaphore(%dma_wait3A_302 : memref<!tpu.dma_semaphore, #tpu.memory_space<semaphore_mem>>) src(%dma_wait3A_300 : memref<10000x64xf32, #tpu.memory_space<hbm>>) dst(%dma_wait3A_294 : memref<125x64xf32, #tpu.memory_space<vmem>>)
      %dma_start3A_303 = arith.constant 0 : i32
      %dma_start3A_304 = arith.constant 0 : i32
      %dma_start3A_305 = arith.constant 0 : i32
      %dma_start3A_306 = arith.constant 0 : i32
      %dma_start3A_307 = tpu.memref_slice %arg8[%dma_start3A_303, %dma_start3A_305, %dma_start3A_306] : memref<5x125x64xf32, #tpu.memory_space<vmem>> -> memref<1x125x64xf32, #tpu.memory_space<vmem>>
      %dma_start3A_308 = tpu.memref_squeeze %dma_start3A_307 : memref<1x125x64xf32, #tpu.memory_space<vmem>> -> memref<125x64xf32, #tpu.memory_space<vmem>>
      %dma_start3A_309 = arith.constant 0 : i32
      %dma_start3A_310 = tpu.memref_slice %arg7[%add3A_288, %dma_start3A_309] : memref<80x125xi32, #tpu.memory_space<vmem>> -> memref<1x125xi32, #tpu.memory_space<vmem>>
      %dma_start3A_311 = tpu.memref_squeeze %dma_start3A_310 : memref<1x125xi32, #tpu.memory_space<vmem>> -> memref<125xi32, #tpu.memory_space<vmem>>
      %dma_start3A_312 = arith.constant 0 : i32
      %dma_start3A_313 = arith.constant 0 : i32
      %dma_start3A_314 = tpu.memref_slice %arg11[%dma_start3A_312, %dma_start3A_313] : memref<10000x64xf32, #tpu.memory_space<vmem_shared>> -> memref<10000x64xf32, #tpu.memory_space<vmem_shared>>
      %dma_start3A_315 = tpu.memref_slice %arg13[%dma_start3A_304] : memref<5x!tpu.dma_semaphore, #tpu.memory_space<semaphore_mem>> -> memref<1x!tpu.dma_semaphore, #tpu.memory_space<semaphore_mem>>
      %dma_start3A_316 = tpu.memref_squeeze %dma_start3A_315 : memref<1x!tpu.dma_semaphore, #tpu.memory_space<semaphore_mem>> -> memref<!tpu.dma_semaphore, #tpu.memory_space<semaphore_mem>>
      tpu.enqueue_indirect_dma source(%dma_start3A_308 : memref<125x64xf32, #tpu.memory_space<vmem>>) target(%dma_start3A_314 : memref<10000x64xf32, #tpu.memory_space<vmem_shared>>) offsets(%dma_start3A_311 : memref<125xi32, #tpu.memory_space<vmem>>) semaphore(%dma_start3A_316 : memref<!tpu.dma_semaphore, #tpu.memory_space<semaphore_mem>>) {add = true}
      %add3A_317 = arith.constant 3 : i32
      %add3A_318 = arith.addi %add3A_288, %add3A_317 : i32
      %lt3A_319 = arith.constant 80 : i32
      %lt3A_320 = arith.cmpi slt, %add3A_318, %lt3A_319 : i32
      %convert_element_type3A_321 = arith.extui %lt3A_320 : i1 to i32
      %cond3A_322 = arith.constant 0 : i32
      %cond3A_323 = arith.cmpi ne, %convert_element_type3A_321, %cond3A_322 : i32
      scf.if %cond3A_323 {
        %ge3A = arith.constant 5 : i32
        %ge3A_481 = arith.cmpi sge, %add3A_318, %ge3A : i32
        %convert_element_type3A_482 = arith.extui %ge3A_481 : i1 to i32
        %cond3A_483 = arith.constant 0 : i32
        %cond3A_484 = arith.cmpi ne, %convert_element_type3A_482, %cond3A_483 : i32
        scf.if %cond3A_484 {
          %dma_wait3A_499 = arith.constant 3 : i32
          %dma_wait3A_500 = arith.constant 0 : i32
          %dma_wait3A_501 = arith.constant 3 : i32
          %dma_wait3A_502 = arith.constant 0 : i32
          %dma_wait3A_503 = arith.constant 0 : i32
          %dma_wait3A_504 = tpu.memref_slice %arg8[%dma_wait3A_499, %dma_wait3A_502, %dma_wait3A_503] : memref<5x125x64xf32, #tpu.memory_space<vmem>> -> memref<1x125x64xf32, #tpu.memory_space<vmem>>
          %dma_wait3A_505 = tpu.memref_squeeze %dma_wait3A_504 : memref<1x125x64xf32, #tpu.memory_space<vmem>> -> memref<125x64xf32, #tpu.memory_space<vmem>>
          %dma_wait3A_506 = arith.constant 0 : i32
          %dma_wait3A_507 = tpu.memref_slice %arg7[%dma_wait3A_500, %dma_wait3A_506] : memref<80x125xi32, #tpu.memory_space<vmem>> -> memref<1x125xi32, #tpu.memory_space<vmem>>
          %dma_wait3A_508 = tpu.memref_squeeze %dma_wait3A_507 : memref<1x125xi32, #tpu.memory_space<vmem>> -> memref<125xi32, #tpu.memory_space<vmem>>
          %dma_wait3A_509 = arith.constant 0 : i32
          %dma_wait3A_510 = arith.constant 0 : i32
          %dma_wait3A_511 = tpu.memref_slice %arg11[%dma_wait3A_509, %dma_wait3A_510] : memref<10000x64xf32, #tpu.memory_space<vmem_shared>> -> memref<10000x64xf32, #tpu.memory_space<vmem_shared>>
          %dma_wait3A_512 = tpu.memref_slice %arg13[%dma_wait3A_501] : memref<5x!tpu.dma_semaphore, #tpu.memory_space<semaphore_mem>> -> memref<1x!tpu.dma_semaphore, #tpu.memory_space<semaphore_mem>>
          %dma_wait3A_513 = tpu.memref_squeeze %dma_wait3A_512 : memref<1x!tpu.dma_semaphore, #tpu.memory_space<semaphore_mem>> -> memref<!tpu.dma_semaphore, #tpu.memory_space<semaphore_mem>>
          tpu.wait_indirect_dma semaphore(%dma_wait3A_513 : memref<!tpu.dma_semaphore, #tpu.memory_space<semaphore_mem>>) src(%dma_wait3A_505 : memref<125x64xf32, #tpu.memory_space<vmem>>) dst(%dma_wait3A_511 : memref<10000x64xf32, #tpu.memory_space<vmem_shared>>)
        } else {
        }
        %dma_start3A_485 = arith.constant 3 : i32
        %dma_start3A_486 = arith.constant 3 : i32
        %dma_start3A_487 = arith.constant 0 : i32
        %dma_start3A_488 = arith.constant 0 : i32
        %dma_start3A_489 = tpu.memref_slice %arg8[%dma_start3A_485, %dma_start3A_487, %dma_start3A_488] : memref<5x125x64xf32, #tpu.memory_space<vmem>> -> memref<1x125x64xf32, #tpu.memory_space<vmem>>
        %dma_start3A_490 = tpu.memref_squeeze %dma_start3A_489 : memref<1x125x64xf32, #tpu.memory_space<vmem>> -> memref<125x64xf32, #tpu.memory_space<vmem>>
        %dma_start3A_491 = arith.constant 0 : i32
        %dma_start3A_492 = tpu.memref_slice %arg6[%add3A_318, %dma_start3A_491] : memref<80x125xi32, #tpu.memory_space<vmem>> -> memref<1x125xi32, #tpu.memory_space<vmem>>
        %dma_start3A_493 = tpu.memref_squeeze %dma_start3A_492 : memref<1x125xi32, #tpu.memory_space<vmem>> -> memref<125xi32, #tpu.memory_space<vmem>>
        %dma_start3A_494 = arith.constant 0 : i32
        %dma_start3A_495 = arith.constant 0 : i32
        %dma_start3A_496 = tpu.memref_slice %arg3[%dma_start3A_494, %dma_start3A_495] : memref<10000x64xf32, #tpu.memory_space<hbm>> -> memref<10000x64xf32, #tpu.memory_space<hbm>>
        %dma_start3A_497 = tpu.memref_slice %arg12[%dma_start3A_486] : memref<5x!tpu.dma_semaphore, #tpu.memory_space<semaphore_mem>> -> memref<1x!tpu.dma_semaphore, #tpu.memory_space<semaphore_mem>>
        %dma_start3A_498 = tpu.memref_squeeze %dma_start3A_497 : memref<1x!tpu.dma_semaphore, #tpu.memory_space<semaphore_mem>> -> memref<!tpu.dma_semaphore, #tpu.memory_space<semaphore_mem>>
        tpu.enqueue_indirect_dma source(%dma_start3A_496 : memref<10000x64xf32, #tpu.memory_space<hbm>>) target(%dma_start3A_490 : memref<125x64xf32, #tpu.memory_space<vmem>>) offsets(%dma_start3A_493 : memref<125xi32, #tpu.memory_space<vmem>>) semaphore(%dma_start3A_498 : memref<!tpu.dma_semaphore, #tpu.memory_space<semaphore_mem>>)
      } else {
      }
      %mul3A_324 = arith.constant 5 : i32
      %mul3A_325 = arith.muli %mul3A_324, %scan3A_283 : i32
      %add3A_326 = arith.constant 1 : i32
      %add3A_327 = arith.addi %mul3A_325, %add3A_326 : i32
      %dma_wait3A_328 = arith.constant 1 : i32
      %dma_wait3A_329 = arith.constant 1 : i32
      %dma_wait3A_330 = arith.constant 0 : i32
      %dma_wait3A_331 = arith.constant 0 : i32
      %dma_wait3A_332 = tpu.memref_slice %arg8[%dma_wait3A_328, %dma_wait3A_330, %dma_wait3A_331] : memref<5x125x64xf32, #tpu.memory_space<vmem>> -> memref<1x125x64xf32, #tpu.memory_space<vmem>>
      %dma_wait3A_333 = tpu.memref_squeeze %dma_wait3A_332 : memref<1x125x64xf32, #tpu.memory_space<vmem>> -> memref<125x64xf32, #tpu.memory_space<vmem>>
      %dma_wait3A_334 = arith.constant 0 : i32
      %dma_wait3A_335 = tpu.memref_slice %arg6[%add3A_327, %dma_wait3A_334] : memref<80x125xi32, #tpu.memory_space<vmem>> -> memref<1x125xi32, #tpu.memory_space<vmem>>
      %dma_wait3A_336 = tpu.memref_squeeze %dma_wait3A_335 : memref<1x125xi32, #tpu.memory_space<vmem>> -> memref<125xi32, #tpu.memory_space<vmem>>
      %dma_wait3A_337 = arith.constant 0 : i32
      %dma_wait3A_338 = arith.constant 0 : i32
      %dma_wait3A_339 = tpu.memref_slice %arg3[%dma_wait3A_337, %dma_wait3A_338] : memref<10000x64xf32, #tpu.memory_space<hbm>> -> memref<10000x64xf32, #tpu.memory_space<hbm>>
      %dma_wait3A_340 = tpu.memref_slice %arg12[%dma_wait3A_329] : memref<5x!tpu.dma_semaphore, #tpu.memory_space<semaphore_mem>> -> memref<1x!tpu.dma_semaphore, #tpu.memory_space<semaphore_mem>>
      %dma_wait3A_341 = tpu.memref_squeeze %dma_wait3A_340 : memref<1x!tpu.dma_semaphore, #tpu.memory_space<semaphore_mem>> -> memref<!tpu.dma_semaphore, #tpu.memory_space<semaphore_mem>>
      tpu.wait_indirect_dma semaphore(%dma_wait3A_341 : memref<!tpu.dma_semaphore, #tpu.memory_space<semaphore_mem>>) src(%dma_wait3A_339 : memref<10000x64xf32, #tpu.memory_space<hbm>>) dst(%dma_wait3A_333 : memref<125x64xf32, #tpu.memory_space<vmem>>)
      %dma_start3A_342 = arith.constant 1 : i32
      %dma_start3A_343 = arith.constant 1 : i32
      %dma_start3A_344 = arith.constant 0 : i32
      %dma_start3A_345 = arith.constant 0 : i32
      %dma_start3A_346 = tpu.memref_slice %arg8[%dma_start3A_342, %dma_start3A_344, %dma_start3A_345] : memref<5x125x64xf32, #tpu.memory_space<vmem>> -> memref<1x125x64xf32, #tpu.memory_space<vmem>>
      %dma_start3A_347 = tpu.memref_squeeze %dma_start3A_346 : memref<1x125x64xf32, #tpu.memory_space<vmem>> -> memref<125x64xf32, #tpu.memory_space<vmem>>
      %dma_start3A_348 = arith.constant 0 : i32
      %dma_start3A_349 = tpu.memref_slice %arg7[%add3A_327, %dma_start3A_348] : memref<80x125xi32, #tpu.memory_space<vmem>> -> memref<1x125xi32, #tpu.memory_space<vmem>>
      %dma_start3A_350 = tpu.memref_squeeze %dma_start3A_349 : memref<1x125xi32, #tpu.memory_space<vmem>> -> memref<125xi32, #tpu.memory_space<vmem>>
      %dma_start3A_351 = arith.constant 0 : i32
      %dma_start3A_352 = arith.constant 0 : i32
      %dma_start3A_353 = tpu.memref_slice %arg11[%dma_start3A_351, %dma_start3A_352] : memref<10000x64xf32, #tpu.memory_space<vmem_shared>> -> memref<10000x64xf32, #tpu.memory_space<vmem_shared>>
      %dma_start3A_354 = tpu.memref_slice %arg13[%dma_start3A_343] : memref<5x!tpu.dma_semaphore, #tpu.memory_space<semaphore_mem>> -> memref<1x!tpu.dma_semaphore, #tpu.memory_space<semaphore_mem>>
      %dma_start3A_355 = tpu.memref_squeeze %dma_start3A_354 : memref<1x!tpu.dma_semaphore, #tpu.memory_space<semaphore_mem>> -> memref<!tpu.dma_semaphore, #tpu.memory_space<semaphore_mem>>
      tpu.enqueue_indirect_dma source(%dma_start3A_347 : memref<125x64xf32, #tpu.memory_space<vmem>>) target(%dma_start3A_353 : memref<10000x64xf32, #tpu.memory_space<vmem_shared>>) offsets(%dma_start3A_350 : memref<125xi32, #tpu.memory_space<vmem>>) semaphore(%dma_start3A_355 : memref<!tpu.dma_semaphore, #tpu.memory_space<semaphore_mem>>) {add = true}
      %add3A_356 = arith.constant 3 : i32
      %add3A_357 = arith.addi %add3A_327, %add3A_356 : i32
      %lt3A_358 = arith.constant 80 : i32
      %lt3A_359 = arith.cmpi slt, %add3A_357, %lt3A_358 : i32
      %convert_element_type3A_360 = arith.extui %lt3A_359 : i1 to i32
      %cond3A_361 = arith.constant 0 : i32
      %cond3A_362 = arith.cmpi ne, %convert_element_type3A_360, %cond3A_361 : i32
      scf.if %cond3A_362 {
        %ge3A = arith.constant 5 : i32
        %ge3A_481 = arith.cmpi sge, %add3A_357, %ge3A : i32
        %convert_element_type3A_482 = arith.extui %ge3A_481 : i1 to i32
        %cond3A_483 = arith.constant 0 : i32
        %cond3A_484 = arith.cmpi ne, %convert_element_type3A_482, %cond3A_483 : i32
        scf.if %cond3A_484 {
          %dma_wait3A_499 = arith.constant 4 : i32
          %dma_wait3A_500 = arith.constant 0 : i32
          %dma_wait3A_501 = arith.constant 4 : i32
          %dma_wait3A_502 = arith.constant 0 : i32
          %dma_wait3A_503 = arith.constant 0 : i32
          %dma_wait3A_504 = tpu.memref_slice %arg8[%dma_wait3A_499, %dma_wait3A_502, %dma_wait3A_503] : memref<5x125x64xf32, #tpu.memory_space<vmem>> -> memref<1x125x64xf32, #tpu.memory_space<vmem>>
          %dma_wait3A_505 = tpu.memref_squeeze %dma_wait3A_504 : memref<1x125x64xf32, #tpu.memory_space<vmem>> -> memref<125x64xf32, #tpu.memory_space<vmem>>
          %dma_wait3A_506 = arith.constant 0 : i32
          %dma_wait3A_507 = tpu.memref_slice %arg7[%dma_wait3A_500, %dma_wait3A_506] : memref<80x125xi32, #tpu.memory_space<vmem>> -> memref<1x125xi32, #tpu.memory_space<vmem>>
          %dma_wait3A_508 = tpu.memref_squeeze %dma_wait3A_507 : memref<1x125xi32, #tpu.memory_space<vmem>> -> memref<125xi32, #tpu.memory_space<vmem>>
          %dma_wait3A_509 = arith.constant 0 : i32
          %dma_wait3A_510 = arith.constant 0 : i32
          %dma_wait3A_511 = tpu.memref_slice %arg11[%dma_wait3A_509, %dma_wait3A_510] : memref<10000x64xf32, #tpu.memory_space<vmem_shared>> -> memref<10000x64xf32, #tpu.memory_space<vmem_shared>>
          %dma_wait3A_512 = tpu.memref_slice %arg13[%dma_wait3A_501] : memref<5x!tpu.dma_semaphore, #tpu.memory_space<semaphore_mem>> -> memref<1x!tpu.dma_semaphore, #tpu.memory_space<semaphore_mem>>
          %dma_wait3A_513 = tpu.memref_squeeze %dma_wait3A_512 : memref<1x!tpu.dma_semaphore, #tpu.memory_space<semaphore_mem>> -> memref<!tpu.dma_semaphore, #tpu.memory_space<semaphore_mem>>
          tpu.wait_indirect_dma semaphore(%dma_wait3A_513 : memref<!tpu.dma_semaphore, #tpu.memory_space<semaphore_mem>>) src(%dma_wait3A_505 : memref<125x64xf32, #tpu.memory_space<vmem>>) dst(%dma_wait3A_511 : memref<10000x64xf32, #tpu.memory_space<vmem_shared>>)
        } else {
        }
        %dma_start3A_485 = arith.constant 4 : i32
        %dma_start3A_486 = arith.constant 4 : i32
        %dma_start3A_487 = arith.constant 0 : i32
        %dma_start3A_488 = arith.constant 0 : i32
        %dma_start3A_489 = tpu.memref_slice %arg8[%dma_start3A_485, %dma_start3A_487, %dma_start3A_488] : memref<5x125x64xf32, #tpu.memory_space<vmem>> -> memref<1x125x64xf32, #tpu.memory_space<vmem>>
        %dma_start3A_490 = tpu.memref_squeeze %dma_start3A_489 : memref<1x125x64xf32, #tpu.memory_space<vmem>> -> memref<125x64xf32, #tpu.memory_space<vmem>>
        %dma_start3A_491 = arith.constant 0 : i32
        %dma_start3A_492 = tpu.memref_slice %arg6[%add3A_357, %dma_start3A_491] : memref<80x125xi32, #tpu.memory_space<vmem>> -> memref<1x125xi32, #tpu.memory_space<vmem>>
        %dma_start3A_493 = tpu.memref_squeeze %dma_start3A_492 : memref<1x125xi32, #tpu.memory_space<vmem>> -> memref<125xi32, #tpu.memory_space<vmem>>
        %dma_start3A_494 = arith.constant 0 : i32
        %dma_start3A_495 = arith.constant 0 : i32
        %dma_start3A_496 = tpu.memref_slice %arg3[%dma_start3A_494, %dma_start3A_495] : memref<10000x64xf32, #tpu.memory_space<hbm>> -> memref<10000x64xf32, #tpu.memory_space<hbm>>
        %dma_start3A_497 = tpu.memref_slice %arg12[%dma_start3A_486] : memref<5x!tpu.dma_semaphore, #tpu.memory_space<semaphore_mem>> -> memref<1x!tpu.dma_semaphore, #tpu.memory_space<semaphore_mem>>
        %dma_start3A_498 = tpu.memref_squeeze %dma_start3A_497 : memref<1x!tpu.dma_semaphore, #tpu.memory_space<semaphore_mem>> -> memref<!tpu.dma_semaphore, #tpu.memory_space<semaphore_mem>>
        tpu.enqueue_indirect_dma source(%dma_start3A_496 : memref<10000x64xf32, #tpu.memory_space<hbm>>) target(%dma_start3A_490 : memref<125x64xf32, #tpu.memory_space<vmem>>) offsets(%dma_start3A_493 : memref<125xi32, #tpu.memory_space<vmem>>) semaphore(%dma_start3A_498 : memref<!tpu.dma_semaphore, #tpu.memory_space<semaphore_mem>>)
      } else {
      }
      %mul3A_363 = arith.constant 5 : i32
      %mul3A_364 = arith.muli %mul3A_363, %scan3A_283 : i32
      %add3A_365 = arith.constant 2 : i32
      %add3A_366 = arith.addi %mul3A_364, %add3A_365 : i32
      %dma_wait3A_367 = arith.constant 2 : i32
      %dma_wait3A_368 = arith.constant 2 : i32
      %dma_wait3A_369 = arith.constant 0 : i32
      %dma_wait3A_370 = arith.constant 0 : i32
      %dma_wait3A_371 = tpu.memref_slice %arg8[%dma_wait3A_367, %dma_wait3A_369, %dma_wait3A_370] : memref<5x125x64xf32, #tpu.memory_space<vmem>> -> memref<1x125x64xf32, #tpu.memory_space<vmem>>
      %dma_wait3A_372 = tpu.memref_squeeze %dma_wait3A_371 : memref<1x125x64xf32, #tpu.memory_space<vmem>> -> memref<125x64xf32, #tpu.memory_space<vmem>>
      %dma_wait3A_373 = arith.constant 0 : i32
      %dma_wait3A_374 = tpu.memref_slice %arg6[%add3A_366, %dma_wait3A_373] : memref<80x125xi32, #tpu.memory_space<vmem>> -> memref<1x125xi32, #tpu.memory_space<vmem>>
      %dma_wait3A_375 = tpu.memref_squeeze %dma_wait3A_374 : memref<1x125xi32, #tpu.memory_space<vmem>> -> memref<125xi32, #tpu.memory_space<vmem>>
      %dma_wait3A_376 = arith.constant 0 : i32
      %dma_wait3A_377 = arith.constant 0 : i32
      %dma_wait3A_378 = tpu.memref_slice %arg3[%dma_wait3A_376, %dma_wait3A_377] : memref<10000x64xf32, #tpu.memory_space<hbm>> -> memref<10000x64xf32, #tpu.memory_space<hbm>>
      %dma_wait3A_379 = tpu.memref_slice %arg12[%dma_wait3A_368] : memref<5x!tpu.dma_semaphore, #tpu.memory_space<semaphore_mem>> -> memref<1x!tpu.dma_semaphore, #tpu.memory_space<semaphore_mem>>
      %dma_wait3A_380 = tpu.memref_squeeze %dma_wait3A_379 : memref<1x!tpu.dma_semaphore, #tpu.memory_space<semaphore_mem>> -> memref<!tpu.dma_semaphore, #tpu.memory_space<semaphore_mem>>
      tpu.wait_indirect_dma semaphore(%dma_wait3A_380 : memref<!tpu.dma_semaphore, #tpu.memory_space<semaphore_mem>>) src(%dma_wait3A_378 : memref<10000x64xf32, #tpu.memory_space<hbm>>) dst(%dma_wait3A_372 : memref<125x64xf32, #tpu.memory_space<vmem>>)
      %dma_start3A_381 = arith.constant 2 : i32
      %dma_start3A_382 = arith.constant 2 : i32
      %dma_start3A_383 = arith.constant 0 : i32
      %dma_start3A_384 = arith.constant 0 : i32
      %dma_start3A_385 = tpu.memref_slice %arg8[%dma_start3A_381, %dma_start3A_383, %dma_start3A_384] : memref<5x125x64xf32, #tpu.memory_space<vmem>> -> memref<1x125x64xf32, #tpu.memory_space<vmem>>
      %dma_start3A_386 = tpu.memref_squeeze %dma_start3A_385 : memref<1x125x64xf32, #tpu.memory_space<vmem>> -> memref<125x64xf32, #tpu.memory_space<vmem>>
      %dma_start3A_387 = arith.constant 0 : i32
      %dma_start3A_388 = tpu.memref_slice %arg7[%add3A_366, %dma_start3A_387] : memref<80x125xi32, #tpu.memory_space<vmem>> -> memref<1x125xi32, #tpu.memory_space<vmem>>
      %dma_start3A_389 = tpu.memref_squeeze %dma_start3A_388 : memref<1x125xi32, #tpu.memory_space<vmem>> -> memref<125xi32, #tpu.memory_space<vmem>>
      %dma_start3A_390 = arith.constant 0 : i32
      %dma_start3A_391 = arith.constant 0 : i32
      %dma_start3A_392 = tpu.memref_slice %arg11[%dma_start3A_390, %dma_start3A_391] : memref<10000x64xf32, #tpu.memory_space<vmem_shared>> -> memref<10000x64xf32, #tpu.memory_space<vmem_shared>>
      %dma_start3A_393 = tpu.memref_slice %arg13[%dma_start3A_382] : memref<5x!tpu.dma_semaphore, #tpu.memory_space<semaphore_mem>> -> memref<1x!tpu.dma_semaphore, #tpu.memory_space<semaphore_mem>>
      %dma_start3A_394 = tpu.memref_squeeze %dma_start3A_393 : memref<1x!tpu.dma_semaphore, #tpu.memory_space<semaphore_mem>> -> memref<!tpu.dma_semaphore, #tpu.memory_space<semaphore_mem>>
      tpu.enqueue_indirect_dma source(%dma_start3A_386 : memref<125x64xf32, #tpu.memory_space<vmem>>) target(%dma_start3A_392 : memref<10000x64xf32, #tpu.memory_space<vmem_shared>>) offsets(%dma_start3A_389 : memref<125xi32, #tpu.memory_space<vmem>>) semaphore(%dma_start3A_394 : memref<!tpu.dma_semaphore, #tpu.memory_space<semaphore_mem>>) {add = true}
      %add3A_395 = arith.constant 3 : i32
      %add3A_396 = arith.addi %add3A_366, %add3A_395 : i32
      %lt3A_397 = arith.constant 80 : i32
      %lt3A_398 = arith.cmpi slt, %add3A_396, %lt3A_397 : i32
      %convert_element_type3A_399 = arith.extui %lt3A_398 : i1 to i32
      %cond3A_400 = arith.constant 0 : i32
      %cond3A_401 = arith.cmpi ne, %convert_element_type3A_399, %cond3A_400 : i32
      scf.if %cond3A_401 {
        %ge3A = arith.constant 5 : i32
        %ge3A_481 = arith.cmpi sge, %add3A_396, %ge3A : i32
        %convert_element_type3A_482 = arith.extui %ge3A_481 : i1 to i32
        %cond3A_483 = arith.constant 0 : i32
        %cond3A_484 = arith.cmpi ne, %convert_element_type3A_482, %cond3A_483 : i32
        scf.if %cond3A_484 {
          %dma_wait3A_499 = arith.constant 0 : i32
          %dma_wait3A_500 = arith.constant 0 : i32
          %dma_wait3A_501 = arith.constant 0 : i32
          %dma_wait3A_502 = arith.constant 0 : i32
          %dma_wait3A_503 = arith.constant 0 : i32
          %dma_wait3A_504 = tpu.memref_slice %arg8[%dma_wait3A_499, %dma_wait3A_502, %dma_wait3A_503] : memref<5x125x64xf32, #tpu.memory_space<vmem>> -> memref<1x125x64xf32, #tpu.memory_space<vmem>>
          %dma_wait3A_505 = tpu.memref_squeeze %dma_wait3A_504 : memref<1x125x64xf32, #tpu.memory_space<vmem>> -> memref<125x64xf32, #tpu.memory_space<vmem>>
          %dma_wait3A_506 = arith.constant 0 : i32
          %dma_wait3A_507 = tpu.memref_slice %arg7[%dma_wait3A_500, %dma_wait3A_506] : memref<80x125xi32, #tpu.memory_space<vmem>> -> memref<1x125xi32, #tpu.memory_space<vmem>>
          %dma_wait3A_508 = tpu.memref_squeeze %dma_wait3A_507 : memref<1x125xi32, #tpu.memory_space<vmem>> -> memref<125xi32, #tpu.memory_space<vmem>>
          %dma_wait3A_509 = arith.constant 0 : i32
          %dma_wait3A_510 = arith.constant 0 : i32
          %dma_wait3A_511 = tpu.memref_slice %arg11[%dma_wait3A_509, %dma_wait3A_510] : memref<10000x64xf32, #tpu.memory_space<vmem_shared>> -> memref<10000x64xf32, #tpu.memory_space<vmem_shared>>
          %dma_wait3A_512 = tpu.memref_slice %arg13[%dma_wait3A_501] : memref<5x!tpu.dma_semaphore, #tpu.memory_space<semaphore_mem>> -> memref<1x!tpu.dma_semaphore, #tpu.memory_space<semaphore_mem>>
          %dma_wait3A_513 = tpu.memref_squeeze %dma_wait3A_512 : memref<1x!tpu.dma_semaphore, #tpu.memory_space<semaphore_mem>> -> memref<!tpu.dma_semaphore, #tpu.memory_space<semaphore_mem>>
          tpu.wait_indirect_dma semaphore(%dma_wait3A_513 : memref<!tpu.dma_semaphore, #tpu.memory_space<semaphore_mem>>) src(%dma_wait3A_505 : memref<125x64xf32, #tpu.memory_space<vmem>>) dst(%dma_wait3A_511 : memref<10000x64xf32, #tpu.memory_space<vmem_shared>>)
        } else {
        }
        %dma_start3A_485 = arith.constant 0 : i32
        %dma_start3A_486 = arith.constant 0 : i32
        %dma_start3A_487 = arith.constant 0 : i32
        %dma_start3A_488 = arith.constant 0 : i32
        %dma_start3A_489 = tpu.memref_slice %arg8[%dma_start3A_485, %dma_start3A_487, %dma_start3A_488] : memref<5x125x64xf32, #tpu.memory_space<vmem>> -> memref<1x125x64xf32, #tpu.memory_space<vmem>>
        %dma_start3A_490 = tpu.memref_squeeze %dma_start3A_489 : memref<1x125x64xf32, #tpu.memory_space<vmem>> -> memref<125x64xf32, #tpu.memory_space<vmem>>
        %dma_start3A_491 = arith.constant 0 : i32
        %dma_start3A_492 = tpu.memref_slice %arg6[%add3A_396, %dma_start3A_491] : memref<80x125xi32, #tpu.memory_space<vmem>> -> memref<1x125xi32, #tpu.memory_space<vmem>>
        %dma_start3A_493 = tpu.memref_squeeze %dma_start3A_492 : memref<1x125xi32, #tpu.memory_space<vmem>> -> memref<125xi32, #tpu.memory_space<vmem>>
        %dma_start3A_494 = arith.constant 0 : i32
        %dma_start3A_495 = arith.constant 0 : i32
        %dma_start3A_496 = tpu.memref_slice %arg3[%dma_start3A_494, %dma_start3A_495] : memref<10000x64xf32, #tpu.memory_space<hbm>> -> memref<10000x64xf32, #tpu.memory_space<hbm>>
        %dma_start3A_497 = tpu.memref_slice %arg12[%dma_start3A_486] : memref<5x!tpu.dma_semaphore, #tpu.memory_space<semaphore_mem>> -> memref<1x!tpu.dma_semaphore, #tpu.memory_space<semaphore_mem>>
        %dma_start3A_498 = tpu.memref_squeeze %dma_start3A_497 : memref<1x!tpu.dma_semaphore, #tpu.memory_space<semaphore_mem>> -> memref<!tpu.dma_semaphore, #tpu.memory_space<semaphore_mem>>
        tpu.enqueue_indirect_dma source(%dma_start3A_496 : memref<10000x64xf32, #tpu.memory_space<hbm>>) target(%dma_start3A_490 : memref<125x64xf32, #tpu.memory_space<vmem>>) offsets(%dma_start3A_493 : memref<125xi32, #tpu.memory_space<vmem>>) semaphore(%dma_start3A_498 : memref<!tpu.dma_semaphore, #tpu.memory_space<semaphore_mem>>)
      } else {
      }
      %mul3A_402 = arith.constant 5 : i32
      %mul3A_403 = arith.muli %mul3A_402, %scan3A_283 : i32
      %add3A_404 = arith.constant 3 : i32
      %add3A_405 = arith.addi %mul3A_403, %add3A_404 : i32
      %dma_wait3A_406 = arith.constant 3 : i32
      %dma_wait3A_407 = arith.constant 3 : i32
      %dma_wait3A_408 = arith.constant 0 : i32
      %dma_wait3A_409 = arith.constant 0 : i32
      %dma_wait3A_410 = tpu.memref_slice %arg8[%dma_wait3A_406, %dma_wait3A_408, %dma_wait3A_409] : memref<5x125x64xf32, #tpu.memory_space<vmem>> -> memref<1x125x64xf32, #tpu.memory_space<vmem>>
      %dma_wait3A_411 = tpu.memref_squeeze %dma_wait3A_410 : memref<1x125x64xf32, #tpu.memory_space<vmem>> -> memref<125x64xf32, #tpu.memory_space<vmem>>
      %dma_wait3A_412 = arith.constant 0 : i32
      %dma_wait3A_413 = tpu.memref_slice %arg6[%add3A_405, %dma_wait3A_412] : memref<80x125xi32, #tpu.memory_space<vmem>> -> memref<1x125xi32, #tpu.memory_space<vmem>>
      %dma_wait3A_414 = tpu.memref_squeeze %dma_wait3A_413 : memref<1x125xi32, #tpu.memory_space<vmem>> -> memref<125xi32, #tpu.memory_space<vmem>>
      %dma_wait3A_415 = arith.constant 0 : i32
      %dma_wait3A_416 = arith.constant 0 : i32
      %dma_wait3A_417 = tpu.memref_slice %arg3[%dma_wait3A_415, %dma_wait3A_416] : memref<10000x64xf32, #tpu.memory_space<hbm>> -> memref<10000x64xf32, #tpu.memory_space<hbm>>
      %dma_wait3A_418 = tpu.memref_slice %arg12[%dma_wait3A_407] : memref<5x!tpu.dma_semaphore, #tpu.memory_space<semaphore_mem>> -> memref<1x!tpu.dma_semaphore, #tpu.memory_space<semaphore_mem>>
      %dma_wait3A_419 = tpu.memref_squeeze %dma_wait3A_418 : memref<1x!tpu.dma_semaphore, #tpu.memory_space<semaphore_mem>> -> memref<!tpu.dma_semaphore, #tpu.memory_space<semaphore_mem>>
      tpu.wait_indirect_dma semaphore(%dma_wait3A_419 : memref<!tpu.dma_semaphore, #tpu.memory_space<semaphore_mem>>) src(%dma_wait3A_417 : memref<10000x64xf32, #tpu.memory_space<hbm>>) dst(%dma_wait3A_411 : memref<125x64xf32, #tpu.memory_space<vmem>>)
      %dma_start3A_420 = arith.constant 3 : i32
      %dma_start3A_421 = arith.constant 3 : i32
      %dma_start3A_422 = arith.constant 0 : i32
      %dma_start3A_423 = arith.constant 0 : i32
      %dma_start3A_424 = tpu.memref_slice %arg8[%dma_start3A_420, %dma_start3A_422, %dma_start3A_423] : memref<5x125x64xf32, #tpu.memory_space<vmem>> -> memref<1x125x64xf32, #tpu.memory_space<vmem>>
      %dma_start3A_425 = tpu.memref_squeeze %dma_start3A_424 : memref<1x125x64xf32, #tpu.memory_space<vmem>> -> memref<125x64xf32, #tpu.memory_space<vmem>>
      %dma_start3A_426 = arith.constant 0 : i32
      %dma_start3A_427 = tpu.memref_slice %arg7[%add3A_405, %dma_start3A_426] : memref<80x125xi32, #tpu.memory_space<vmem>> -> memref<1x125xi32, #tpu.memory_space<vmem>>
      %dma_start3A_428 = tpu.memref_squeeze %dma_start3A_427 : memref<1x125xi32, #tpu.memory_space<vmem>> -> memref<125xi32, #tpu.memory_space<vmem>>
      %dma_start3A_429 = arith.constant 0 : i32
      %dma_start3A_430 = arith.constant 0 : i32
      %dma_start3A_431 = tpu.memref_slice %arg11[%dma_start3A_429, %dma_start3A_430] : memref<10000x64xf32, #tpu.memory_space<vmem_shared>> -> memref<10000x64xf32, #tpu.memory_space<vmem_shared>>
      %dma_start3A_432 = tpu.memref_slice %arg13[%dma_start3A_421] : memref<5x!tpu.dma_semaphore, #tpu.memory_space<semaphore_mem>> -> memref<1x!tpu.dma_semaphore, #tpu.memory_space<semaphore_mem>>
      %dma_start3A_433 = tpu.memref_squeeze %dma_start3A_432 : memref<1x!tpu.dma_semaphore, #tpu.memory_space<semaphore_mem>> -> memref<!tpu.dma_semaphore, #tpu.memory_space<semaphore_mem>>
      tpu.enqueue_indirect_dma source(%dma_start3A_425 : memref<125x64xf32, #tpu.memory_space<vmem>>) target(%dma_start3A_431 : memref<10000x64xf32, #tpu.memory_space<vmem_shared>>) offsets(%dma_start3A_428 : memref<125xi32, #tpu.memory_space<vmem>>) semaphore(%dma_start3A_433 : memref<!tpu.dma_semaphore, #tpu.memory_space<semaphore_mem>>) {add = true}
      %add3A_434 = arith.constant 3 : i32
      %add3A_435 = arith.addi %add3A_405, %add3A_434 : i32
      %lt3A_436 = arith.constant 80 : i32
      %lt3A_437 = arith.cmpi slt, %add3A_435, %lt3A_436 : i32
      %convert_element_type3A_438 = arith.extui %lt3A_437 : i1 to i32
      %cond3A_439 = arith.constant 0 : i32
      %cond3A_440 = arith.cmpi ne, %convert_element_type3A_438, %cond3A_439 : i32
      scf.if %cond3A_440 {
        %ge3A = arith.constant 5 : i32
        %ge3A_481 = arith.cmpi sge, %add3A_435, %ge3A : i32
        %convert_element_type3A_482 = arith.extui %ge3A_481 : i1 to i32
        %cond3A_483 = arith.constant 0 : i32
        %cond3A_484 = arith.cmpi ne, %convert_element_type3A_482, %cond3A_483 : i32
        scf.if %cond3A_484 {
          %dma_wait3A_499 = arith.constant 1 : i32
          %dma_wait3A_500 = arith.constant 0 : i32
          %dma_wait3A_501 = arith.constant 1 : i32
          %dma_wait3A_502 = arith.constant 0 : i32
          %dma_wait3A_503 = arith.constant 0 : i32
          %dma_wait3A_504 = tpu.memref_slice %arg8[%dma_wait3A_499, %dma_wait3A_502, %dma_wait3A_503] : memref<5x125x64xf32, #tpu.memory_space<vmem>> -> memref<1x125x64xf32, #tpu.memory_space<vmem>>
          %dma_wait3A_505 = tpu.memref_squeeze %dma_wait3A_504 : memref<1x125x64xf32, #tpu.memory_space<vmem>> -> memref<125x64xf32, #tpu.memory_space<vmem>>
          %dma_wait3A_506 = arith.constant 0 : i32
          %dma_wait3A_507 = tpu.memref_slice %arg7[%dma_wait3A_500, %dma_wait3A_506] : memref<80x125xi32, #tpu.memory_space<vmem>> -> memref<1x125xi32, #tpu.memory_space<vmem>>
          %dma_wait3A_508 = tpu.memref_squeeze %dma_wait3A_507 : memref<1x125xi32, #tpu.memory_space<vmem>> -> memref<125xi32, #tpu.memory_space<vmem>>
          %dma_wait3A_509 = arith.constant 0 : i32
          %dma_wait3A_510 = arith.constant 0 : i32
          %dma_wait3A_511 = tpu.memref_slice %arg11[%dma_wait3A_509, %dma_wait3A_510] : memref<10000x64xf32, #tpu.memory_space<vmem_shared>> -> memref<10000x64xf32, #tpu.memory_space<vmem_shared>>
          %dma_wait3A_512 = tpu.memref_slice %arg13[%dma_wait3A_501] : memref<5x!tpu.dma_semaphore, #tpu.memory_space<semaphore_mem>> -> memref<1x!tpu.dma_semaphore, #tpu.memory_space<semaphore_mem>>
          %dma_wait3A_513 = tpu.memref_squeeze %dma_wait3A_512 : memref<1x!tpu.dma_semaphore, #tpu.memory_space<semaphore_mem>> -> memref<!tpu.dma_semaphore, #tpu.memory_space<semaphore_mem>>
          tpu.wait_indirect_dma semaphore(%dma_wait3A_513 : memref<!tpu.dma_semaphore, #tpu.memory_space<semaphore_mem>>) src(%dma_wait3A_505 : memref<125x64xf32, #tpu.memory_space<vmem>>) dst(%dma_wait3A_511 : memref<10000x64xf32, #tpu.memory_space<vmem_shared>>)
        } else {
        }
        %dma_start3A_485 = arith.constant 1 : i32
        %dma_start3A_486 = arith.constant 1 : i32
        %dma_start3A_487 = arith.constant 0 : i32
        %dma_start3A_488 = arith.constant 0 : i32
        %dma_start3A_489 = tpu.memref_slice %arg8[%dma_start3A_485, %dma_start3A_487, %dma_start3A_488] : memref<5x125x64xf32, #tpu.memory_space<vmem>> -> memref<1x125x64xf32, #tpu.memory_space<vmem>>
        %dma_start3A_490 = tpu.memref_squeeze %dma_start3A_489 : memref<1x125x64xf32, #tpu.memory_space<vmem>> -> memref<125x64xf32, #tpu.memory_space<vmem>>
        %dma_start3A_491 = arith.constant 0 : i32
        %dma_start3A_492 = tpu.memref_slice %arg6[%add3A_435, %dma_start3A_491] : memref<80x125xi32, #tpu.memory_space<vmem>> -> memref<1x125xi32, #tpu.memory_space<vmem>>
        %dma_start3A_493 = tpu.memref_squeeze %dma_start3A_492 : memref<1x125xi32, #tpu.memory_space<vmem>> -> memref<125xi32, #tpu.memory_space<vmem>>
        %dma_start3A_494 = arith.constant 0 : i32
        %dma_start3A_495 = arith.constant 0 : i32
        %dma_start3A_496 = tpu.memref_slice %arg3[%dma_start3A_494, %dma_start3A_495] : memref<10000x64xf32, #tpu.memory_space<hbm>> -> memref<10000x64xf32, #tpu.memory_space<hbm>>
        %dma_start3A_497 = tpu.memref_slice %arg12[%dma_start3A_486] : memref<5x!tpu.dma_semaphore, #tpu.memory_space<semaphore_mem>> -> memref<1x!tpu.dma_semaphore, #tpu.memory_space<semaphore_mem>>
        %dma_start3A_498 = tpu.memref_squeeze %dma_start3A_497 : memref<1x!tpu.dma_semaphore, #tpu.memory_space<semaphore_mem>> -> memref<!tpu.dma_semaphore, #tpu.memory_space<semaphore_mem>>
        tpu.enqueue_indirect_dma source(%dma_start3A_496 : memref<10000x64xf32, #tpu.memory_space<hbm>>) target(%dma_start3A_490 : memref<125x64xf32, #tpu.memory_space<vmem>>) offsets(%dma_start3A_493 : memref<125xi32, #tpu.memory_space<vmem>>) semaphore(%dma_start3A_498 : memref<!tpu.dma_semaphore, #tpu.memory_space<semaphore_mem>>)
      } else {
      }
      %mul3A_441 = arith.constant 5 : i32
      %mul3A_442 = arith.muli %mul3A_441, %scan3A_283 : i32
      %add3A_443 = arith.constant 4 : i32
      %add3A_444 = arith.addi %mul3A_442, %add3A_443 : i32
      %dma_wait3A_445 = arith.constant 4 : i32
      %dma_wait3A_446 = arith.constant 4 : i32
      %dma_wait3A_447 = arith.constant 0 : i32
      %dma_wait3A_448 = arith.constant 0 : i32
      %dma_wait3A_449 = tpu.memref_slice %arg8[%dma_wait3A_445, %dma_wait3A_447, %dma_wait3A_448] : memref<5x125x64xf32, #tpu.memory_space<vmem>> -> memref<1x125x64xf32, #tpu.memory_space<vmem>>
      %dma_wait3A_450 = tpu.memref_squeeze %dma_wait3A_449 : memref<1x125x64xf32, #tpu.memory_space<vmem>> -> memref<125x64xf32, #tpu.memory_space<vmem>>
      %dma_wait3A_451 = arith.constant 0 : i32
      %dma_wait3A_452 = tpu.memref_slice %arg6[%add3A_444, %dma_wait3A_451] : memref<80x125xi32, #tpu.memory_space<vmem>> -> memref<1x125xi32, #tpu.memory_space<vmem>>
      %dma_wait3A_453 = tpu.memref_squeeze %dma_wait3A_452 : memref<1x125xi32, #tpu.memory_space<vmem>> -> memref<125xi32, #tpu.memory_space<vmem>>
      %dma_wait3A_454 = arith.constant 0 : i32
      %dma_wait3A_455 = arith.constant 0 : i32
      %dma_wait3A_456 = tpu.memref_slice %arg3[%dma_wait3A_454, %dma_wait3A_455] : memref<10000x64xf32, #tpu.memory_space<hbm>> -> memref<10000x64xf32, #tpu.memory_space<hbm>>
      %dma_wait3A_457 = tpu.memref_slice %arg12[%dma_wait3A_446] : memref<5x!tpu.dma_semaphore, #tpu.memory_space<semaphore_mem>> -> memref<1x!tpu.dma_semaphore, #tpu.memory_space<semaphore_mem>>
      %dma_wait3A_458 = tpu.memref_squeeze %dma_wait3A_457 : memref<1x!tpu.dma_semaphore, #tpu.memory_space<semaphore_mem>> -> memref<!tpu.dma_semaphore, #tpu.memory_space<semaphore_mem>>
      tpu.wait_indirect_dma semaphore(%dma_wait3A_458 : memref<!tpu.dma_semaphore, #tpu.memory_space<semaphore_mem>>) src(%dma_wait3A_456 : memref<10000x64xf32, #tpu.memory_space<hbm>>) dst(%dma_wait3A_450 : memref<125x64xf32, #tpu.memory_space<vmem>>)
      %dma_start3A_459 = arith.constant 4 : i32
      %dma_start3A_460 = arith.constant 4 : i32
      %dma_start3A_461 = arith.constant 0 : i32
      %dma_start3A_462 = arith.constant 0 : i32
      %dma_start3A_463 = tpu.memref_slice %arg8[%dma_start3A_459, %dma_start3A_461, %dma_start3A_462] : memref<5x125x64xf32, #tpu.memory_space<vmem>> -> memref<1x125x64xf32, #tpu.memory_space<vmem>>
      %dma_start3A_464 = tpu.memref_squeeze %dma_start3A_463 : memref<1x125x64xf32, #tpu.memory_space<vmem>> -> memref<125x64xf32, #tpu.memory_space<vmem>>
      %dma_start3A_465 = arith.constant 0 : i32
      %dma_start3A_466 = tpu.memref_slice %arg7[%add3A_444, %dma_start3A_465] : memref<80x125xi32, #tpu.memory_space<vmem>> -> memref<1x125xi32, #tpu.memory_space<vmem>>
      %dma_start3A_467 = tpu.memref_squeeze %dma_start3A_466 : memref<1x125xi32, #tpu.memory_space<vmem>> -> memref<125xi32, #tpu.memory_space<vmem>>
      %dma_start3A_468 = arith.constant 0 : i32
      %dma_start3A_469 = arith.constant 0 : i32
      %dma_start3A_470 = tpu.memref_slice %arg11[%dma_start3A_468, %dma_start3A_469] : memref<10000x64xf32, #tpu.memory_space<vmem_shared>> -> memref<10000x64xf32, #tpu.memory_space<vmem_shared>>
      %dma_start3A_471 = tpu.memref_slice %arg13[%dma_start3A_460] : memref<5x!tpu.dma_semaphore, #tpu.memory_space<semaphore_mem>> -> memref<1x!tpu.dma_semaphore, #tpu.memory_space<semaphore_mem>>
      %dma_start3A_472 = tpu.memref_squeeze %dma_start3A_471 : memref<1x!tpu.dma_semaphore, #tpu.memory_space<semaphore_mem>> -> memref<!tpu.dma_semaphore, #tpu.memory_space<semaphore_mem>>
      tpu.enqueue_indirect_dma source(%dma_start3A_464 : memref<125x64xf32, #tpu.memory_space<vmem>>) target(%dma_start3A_470 : memref<10000x64xf32, #tpu.memory_space<vmem_shared>>) offsets(%dma_start3A_467 : memref<125xi32, #tpu.memory_space<vmem>>) semaphore(%dma_start3A_472 : memref<!tpu.dma_semaphore, #tpu.memory_space<semaphore_mem>>) {add = true}
      %add3A_473 = arith.constant 3 : i32
      %add3A_474 = arith.addi %add3A_444, %add3A_473 : i32
      %lt3A_475 = arith.constant 80 : i32
      %lt3A_476 = arith.cmpi slt, %add3A_474, %lt3A_475 : i32
      %convert_element_type3A_477 = arith.extui %lt3A_476 : i1 to i32
      %cond3A_478 = arith.constant 0 : i32
      %cond3A_479 = arith.cmpi ne, %convert_element_type3A_477, %cond3A_478 : i32
      scf.if %cond3A_479 {
        %ge3A = arith.constant 5 : i32
        %ge3A_481 = arith.cmpi sge, %add3A_474, %ge3A : i32
        %convert_element_type3A_482 = arith.extui %ge3A_481 : i1 to i32
        %cond3A_483 = arith.constant 0 : i32
        %cond3A_484 = arith.cmpi ne, %convert_element_type3A_482, %cond3A_483 : i32
        scf.if %cond3A_484 {
          %dma_wait3A_499 = arith.constant 2 : i32
          %dma_wait3A_500 = arith.constant 0 : i32
          %dma_wait3A_501 = arith.constant 2 : i32
          %dma_wait3A_502 = arith.constant 0 : i32
          %dma_wait3A_503 = arith.constant 0 : i32
          %dma_wait3A_504 = tpu.memref_slice %arg8[%dma_wait3A_499, %dma_wait3A_502, %dma_wait3A_503] : memref<5x125x64xf32, #tpu.memory_space<vmem>> -> memref<1x125x64xf32, #tpu.memory_space<vmem>>
          %dma_wait3A_505 = tpu.memref_squeeze %dma_wait3A_504 : memref<1x125x64xf32, #tpu.memory_space<vmem>> -> memref<125x64xf32, #tpu.memory_space<vmem>>
          %dma_wait3A_506 = arith.constant 0 : i32
          %dma_wait3A_507 = tpu.memref_slice %arg7[%dma_wait3A_500, %dma_wait3A_506] : memref<80x125xi32, #tpu.memory_space<vmem>> -> memref<1x125xi32, #tpu.memory_space<vmem>>
          %dma_wait3A_508 = tpu.memref_squeeze %dma_wait3A_507 : memref<1x125xi32, #tpu.memory_space<vmem>> -> memref<125xi32, #tpu.memory_space<vmem>>
          %dma_wait3A_509 = arith.constant 0 : i32
          %dma_wait3A_510 = arith.constant 0 : i32
          %dma_wait3A_511 = tpu.memref_slice %arg11[%dma_wait3A_509, %dma_wait3A_510] : memref<10000x64xf32, #tpu.memory_space<vmem_shared>> -> memref<10000x64xf32, #tpu.memory_space<vmem_shared>>
          %dma_wait3A_512 = tpu.memref_slice %arg13[%dma_wait3A_501] : memref<5x!tpu.dma_semaphore, #tpu.memory_space<semaphore_mem>> -> memref<1x!tpu.dma_semaphore, #tpu.memory_space<semaphore_mem>>
          %dma_wait3A_513 = tpu.memref_squeeze %dma_wait3A_512 : memref<1x!tpu.dma_semaphore, #tpu.memory_space<semaphore_mem>> -> memref<!tpu.dma_semaphore, #tpu.memory_space<semaphore_mem>>
          tpu.wait_indirect_dma semaphore(%dma_wait3A_513 : memref<!tpu.dma_semaphore, #tpu.memory_space<semaphore_mem>>) src(%dma_wait3A_505 : memref<125x64xf32, #tpu.memory_space<vmem>>) dst(%dma_wait3A_511 : memref<10000x64xf32, #tpu.memory_space<vmem_shared>>)
        } else {
        }
        %dma_start3A_485 = arith.constant 2 : i32
        %dma_start3A_486 = arith.constant 2 : i32
        %dma_start3A_487 = arith.constant 0 : i32
        %dma_start3A_488 = arith.constant 0 : i32
        %dma_start3A_489 = tpu.memref_slice %arg8[%dma_start3A_485, %dma_start3A_487, %dma_start3A_488] : memref<5x125x64xf32, #tpu.memory_space<vmem>> -> memref<1x125x64xf32, #tpu.memory_space<vmem>>
        %dma_start3A_490 = tpu.memref_squeeze %dma_start3A_489 : memref<1x125x64xf32, #tpu.memory_space<vmem>> -> memref<125x64xf32, #tpu.memory_space<vmem>>
        %dma_start3A_491 = arith.constant 0 : i32
        %dma_start3A_492 = tpu.memref_slice %arg6[%add3A_474, %dma_start3A_491] : memref<80x125xi32, #tpu.memory_space<vmem>> -> memref<1x125xi32, #tpu.memory_space<vmem>>
        %dma_start3A_493 = tpu.memref_squeeze %dma_start3A_492 : memref<1x125xi32, #tpu.memory_space<vmem>> -> memref<125xi32, #tpu.memory_space<vmem>>
        %dma_start3A_494 = arith.constant 0 : i32
        %dma_start3A_495 = arith.constant 0 : i32
        %dma_start3A_496 = tpu.memref_slice %arg3[%dma_start3A_494, %dma_start3A_495] : memref<10000x64xf32, #tpu.memory_space<hbm>> -> memref<10000x64xf32, #tpu.memory_space<hbm>>
        %dma_start3A_497 = tpu.memref_slice %arg12[%dma_start3A_486] : memref<5x!tpu.dma_semaphore, #tpu.memory_space<semaphore_mem>> -> memref<1x!tpu.dma_semaphore, #tpu.memory_space<semaphore_mem>>
        %dma_start3A_498 = tpu.memref_squeeze %dma_start3A_497 : memref<1x!tpu.dma_semaphore, #tpu.memory_space<semaphore_mem>> -> memref<!tpu.dma_semaphore, #tpu.memory_space<semaphore_mem>>
        tpu.enqueue_indirect_dma source(%dma_start3A_496 : memref<10000x64xf32, #tpu.memory_space<hbm>>) target(%dma_start3A_490 : memref<125x64xf32, #tpu.memory_space<vmem>>) offsets(%dma_start3A_493 : memref<125xi32, #tpu.memory_space<vmem>>) semaphore(%dma_start3A_498 : memref<!tpu.dma_semaphore, #tpu.memory_space<semaphore_mem>>)
      } else {
      }
      %scan3A_480 = arith.constant 0 : i32
      scf.yield %scan3A_480 : i32
    }
    %scan3A_200 = arith.constant 16 : i32
    %dma_wait3A_201 = arith.constant 0 : i32
    %dma_wait3A_202 = arith.constant 0 : i32
    %dma_wait3A_203 = arith.constant 0 : i32
    %dma_wait3A_204 = arith.constant 0 : i32
    %dma_wait3A_205 = arith.constant 0 : i32
    %dma_wait3A_206 = tpu.memref_slice %arg8[%dma_wait3A_201, %dma_wait3A_204, %dma_wait3A_205] : memref<5x125x64xf32, #tpu.memory_space<vmem>> -> memref<1x125x64xf32, #tpu.memory_space<vmem>>
    %dma_wait3A_207 = tpu.memref_squeeze %dma_wait3A_206 : memref<1x125x64xf32, #tpu.memory_space<vmem>> -> memref<125x64xf32, #tpu.memory_space<vmem>>
    %dma_wait3A_208 = arith.constant 0 : i32
    %dma_wait3A_209 = tpu.memref_slice %arg7[%dma_wait3A_202, %dma_wait3A_208] : memref<80x125xi32, #tpu.memory_space<vmem>> -> memref<1x125xi32, #tpu.memory_space<vmem>>
    %dma_wait3A_210 = tpu.memref_squeeze %dma_wait3A_209 : memref<1x125xi32, #tpu.memory_space<vmem>> -> memref<125xi32, #tpu.memory_space<vmem>>
    %dma_wait3A_211 = arith.constant 0 : i32
    %dma_wait3A_212 = arith.constant 0 : i32
    %dma_wait3A_213 = tpu.memref_slice %arg11[%dma_wait3A_211, %dma_wait3A_212] : memref<10000x64xf32, #tpu.memory_space<vmem_shared>> -> memref<10000x64xf32, #tpu.memory_space<vmem_shared>>
    %dma_wait3A_214 = tpu.memref_slice %arg13[%dma_wait3A_203] : memref<5x!tpu.dma_semaphore, #tpu.memory_space<semaphore_mem>> -> memref<1x!tpu.dma_semaphore, #tpu.memory_space<semaphore_mem>>
    %dma_wait3A_215 = tpu.memref_squeeze %dma_wait3A_214 : memref<1x!tpu.dma_semaphore, #tpu.memory_space<semaphore_mem>> -> memref<!tpu.dma_semaphore, #tpu.memory_space<semaphore_mem>>
    tpu.wait_indirect_dma semaphore(%dma_wait3A_215 : memref<!tpu.dma_semaphore, #tpu.memory_space<semaphore_mem>>) src(%dma_wait3A_207 : memref<125x64xf32, #tpu.memory_space<vmem>>) dst(%dma_wait3A_213 : memref<10000x64xf32, #tpu.memory_space<vmem_shared>>)
    %dma_wait3A_216 = arith.constant 1 : i32
    %dma_wait3A_217 = arith.constant 0 : i32
    %dma_wait3A_218 = arith.constant 1 : i32
    %dma_wait3A_219 = arith.constant 0 : i32
    %dma_wait3A_220 = arith.constant 0 : i32
    %dma_wait3A_221 = tpu.memref_slice %arg8[%dma_wait3A_216, %dma_wait3A_219, %dma_wait3A_220] : memref<5x125x64xf32, #tpu.memory_space<vmem>> -> memref<1x125x64xf32, #tpu.memory_space<vmem>>
    %dma_wait3A_222 = tpu.memref_squeeze %dma_wait3A_221 : memref<1x125x64xf32, #tpu.memory_space<vmem>> -> memref<125x64xf32, #tpu.memory_space<vmem>>
    %dma_wait3A_223 = arith.constant 0 : i32
    %dma_wait3A_224 = tpu.memref_slice %arg7[%dma_wait3A_217, %dma_wait3A_223] : memref<80x125xi32, #tpu.memory_space<vmem>> -> memref<1x125xi32, #tpu.memory_space<vmem>>
    %dma_wait3A_225 = tpu.memref_squeeze %dma_wait3A_224 : memref<1x125xi32, #tpu.memory_space<vmem>> -> memref<125xi32, #tpu.memory_space<vmem>>
    %dma_wait3A_226 = arith.constant 0 : i32
    %dma_wait3A_227 = arith.constant 0 : i32
    %dma_wait3A_228 = tpu.memref_slice %arg11[%dma_wait3A_226, %dma_wait3A_227] : memref<10000x64xf32, #tpu.memory_space<vmem_shared>> -> memref<10000x64xf32, #tpu.memory_space<vmem_shared>>
    %dma_wait3A_229 = tpu.memref_slice %arg13[%dma_wait3A_218] : memref<5x!tpu.dma_semaphore, #tpu.memory_space<semaphore_mem>> -> memref<1x!tpu.dma_semaphore, #tpu.memory_space<semaphore_mem>>
    %dma_wait3A_230 = tpu.memref_squeeze %dma_wait3A_229 : memref<1x!tpu.dma_semaphore, #tpu.memory_space<semaphore_mem>> -> memref<!tpu.dma_semaphore, #tpu.memory_space<semaphore_mem>>
    tpu.wait_indirect_dma semaphore(%dma_wait3A_230 : memref<!tpu.dma_semaphore, #tpu.memory_space<semaphore_mem>>) src(%dma_wait3A_222 : memref<125x64xf32, #tpu.memory_space<vmem>>) dst(%dma_wait3A_228 : memref<10000x64xf32, #tpu.memory_space<vmem_shared>>)
    %dma_wait3A_231 = arith.constant 2 : i32
    %dma_wait3A_232 = arith.constant 0 : i32
    %dma_wait3A_233 = arith.constant 2 : i32
    %dma_wait3A_234 = arith.constant 0 : i32
    %dma_wait3A_235 = arith.constant 0 : i32
    %dma_wait3A_236 = tpu.memref_slice %arg8[%dma_wait3A_231, %dma_wait3A_234, %dma_wait3A_235] : memref<5x125x64xf32, #tpu.memory_space<vmem>> -> memref<1x125x64xf32, #tpu.memory_space<vmem>>
    %dma_wait3A_237 = tpu.memref_squeeze %dma_wait3A_236 : memref<1x125x64xf32, #tpu.memory_space<vmem>> -> memref<125x64xf32, #tpu.memory_space<vmem>>
    %dma_wait3A_238 = arith.constant 0 : i32
    %dma_wait3A_239 = tpu.memref_slice %arg7[%dma_wait3A_232, %dma_wait3A_238] : memref<80x125xi32, #tpu.memory_space<vmem>> -> memref<1x125xi32, #tpu.memory_space<vmem>>
    %dma_wait3A_240 = tpu.memref_squeeze %dma_wait3A_239 : memref<1x125xi32, #tpu.memory_space<vmem>> -> memref<125xi32, #tpu.memory_space<vmem>>
    %dma_wait3A_241 = arith.constant 0 : i32
    %dma_wait3A_242 = arith.constant 0 : i32
    %dma_wait3A_243 = tpu.memref_slice %arg11[%dma_wait3A_241, %dma_wait3A_242] : memref<10000x64xf32, #tpu.memory_space<vmem_shared>> -> memref<10000x64xf32, #tpu.memory_space<vmem_shared>>
    %dma_wait3A_244 = tpu.memref_slice %arg13[%dma_wait3A_233] : memref<5x!tpu.dma_semaphore, #tpu.memory_space<semaphore_mem>> -> memref<1x!tpu.dma_semaphore, #tpu.memory_space<semaphore_mem>>
    %dma_wait3A_245 = tpu.memref_squeeze %dma_wait3A_244 : memref<1x!tpu.dma_semaphore, #tpu.memory_space<semaphore_mem>> -> memref<!tpu.dma_semaphore, #tpu.memory_space<semaphore_mem>>
    tpu.wait_indirect_dma semaphore(%dma_wait3A_245 : memref<!tpu.dma_semaphore, #tpu.memory_space<semaphore_mem>>) src(%dma_wait3A_237 : memref<125x64xf32, #tpu.memory_space<vmem>>) dst(%dma_wait3A_243 : memref<10000x64xf32, #tpu.memory_space<vmem_shared>>)
    %dma_wait3A_246 = arith.constant 3 : i32
    %dma_wait3A_247 = arith.constant 0 : i32
    %dma_wait3A_248 = arith.constant 3 : i32
    %dma_wait3A_249 = arith.constant 0 : i32
    %dma_wait3A_250 = arith.constant 0 : i32
    %dma_wait3A_251 = tpu.memref_slice %arg8[%dma_wait3A_246, %dma_wait3A_249, %dma_wait3A_250] : memref<5x125x64xf32, #tpu.memory_space<vmem>> -> memref<1x125x64xf32, #tpu.memory_space<vmem>>
    %dma_wait3A_252 = tpu.memref_squeeze %dma_wait3A_251 : memref<1x125x64xf32, #tpu.memory_space<vmem>> -> memref<125x64xf32, #tpu.memory_space<vmem>>
    %dma_wait3A_253 = arith.constant 0 : i32
    %dma_wait3A_254 = tpu.memref_slice %arg7[%dma_wait3A_247, %dma_wait3A_253] : memref<80x125xi32, #tpu.memory_space<vmem>> -> memref<1x125xi32, #tpu.memory_space<vmem>>
    %dma_wait3A_255 = tpu.memref_squeeze %dma_wait3A_254 : memref<1x125xi32, #tpu.memory_space<vmem>> -> memref<125xi32, #tpu.memory_space<vmem>>
    %dma_wait3A_256 = arith.constant 0 : i32
    %dma_wait3A_257 = arith.constant 0 : i32
    %dma_wait3A_258 = tpu.memref_slice %arg11[%dma_wait3A_256, %dma_wait3A_257] : memref<10000x64xf32, #tpu.memory_space<vmem_shared>> -> memref<10000x64xf32, #tpu.memory_space<vmem_shared>>
    %dma_wait3A_259 = tpu.memref_slice %arg13[%dma_wait3A_248] : memref<5x!tpu.dma_semaphore, #tpu.memory_space<semaphore_mem>> -> memref<1x!tpu.dma_semaphore, #tpu.memory_space<semaphore_mem>>
    %dma_wait3A_260 = tpu.memref_squeeze %dma_wait3A_259 : memref<1x!tpu.dma_semaphore, #tpu.memory_space<semaphore_mem>> -> memref<!tpu.dma_semaphore, #tpu.memory_space<semaphore_mem>>
    tpu.wait_indirect_dma semaphore(%dma_wait3A_260 : memref<!tpu.dma_semaphore, #tpu.memory_space<semaphore_mem>>) src(%dma_wait3A_252 : memref<125x64xf32, #tpu.memory_space<vmem>>) dst(%dma_wait3A_258 : memref<10000x64xf32, #tpu.memory_space<vmem_shared>>)
    %dma_wait3A_261 = arith.constant 4 : i32
    %dma_wait3A_262 = arith.constant 0 : i32
    %dma_wait3A_263 = arith.constant 4 : i32
    %dma_wait3A_264 = arith.constant 0 : i32
    %dma_wait3A_265 = arith.constant 0 : i32
    %dma_wait3A_266 = tpu.memref_slice %arg8[%dma_wait3A_261, %dma_wait3A_264, %dma_wait3A_265] : memref<5x125x64xf32, #tpu.memory_space<vmem>> -> memref<1x125x64xf32, #tpu.memory_space<vmem>>
    %dma_wait3A_267 = tpu.memref_squeeze %dma_wait3A_266 : memref<1x125x64xf32, #tpu.memory_space<vmem>> -> memref<125x64xf32, #tpu.memory_space<vmem>>
    %dma_wait3A_268 = arith.constant 0 : i32
    %dma_wait3A_269 = tpu.memref_slice %arg7[%dma_wait3A_262, %dma_wait3A_268] : memref<80x125xi32, #tpu.memory_space<vmem>> -> memref<1x125xi32, #tpu.memory_space<vmem>>
    %dma_wait3A_270 = tpu.memref_squeeze %dma_wait3A_269 : memref<1x125xi32, #tpu.memory_space<vmem>> -> memref<125xi32, #tpu.memory_space<vmem>>
    %dma_wait3A_271 = arith.constant 0 : i32
    %dma_wait3A_272 = arith.constant 0 : i32
    %dma_wait3A_273 = tpu.memref_slice %arg11[%dma_wait3A_271, %dma_wait3A_272] : memref<10000x64xf32, #tpu.memory_space<vmem_shared>> -> memref<10000x64xf32, #tpu.memory_space<vmem_shared>>
    %dma_wait3A_274 = tpu.memref_slice %arg13[%dma_wait3A_263] : memref<5x!tpu.dma_semaphore, #tpu.memory_space<semaphore_mem>> -> memref<1x!tpu.dma_semaphore, #tpu.memory_space<semaphore_mem>>
    %dma_wait3A_275 = tpu.memref_squeeze %dma_wait3A_274 : memref<1x!tpu.dma_semaphore, #tpu.memory_space<semaphore_mem>> -> memref<!tpu.dma_semaphore, #tpu.memory_space<semaphore_mem>>
    tpu.wait_indirect_dma semaphore(%dma_wait3A_275 : memref<!tpu.dma_semaphore, #tpu.memory_space<semaphore_mem>>) src(%dma_wait3A_267 : memref<125x64xf32, #tpu.memory_space<vmem>>) dst(%dma_wait3A_273 : memref<10000x64xf32, #tpu.memory_space<vmem_shared>>)
    %barrier3A_276 = arith.constant 0 : index
    tpu.barrier barrier_id(%barrier3A_276)
    %lt3A_277 = arith.constant 10 : i32
    %lt3A_278 = arith.cmpi slt, %arg1, %lt3A_277 : i32
    %convert_element_type3A_279 = arith.extui %lt3A_278 : i1 to i32
    %cond3A_280 = arith.constant 0 : i32
    %cond3A_281 = arith.cmpi ne, %convert_element_type3A_279, %cond3A_280 : i32
    scf.if %cond3A_281 {
      %scan3A_283 = arith.constant 0 : i32
      %scan3A_284 = arith.constant 0 : i32
      %scan3A_285 = arith.constant 5 : i32
      %scan3A_286 = arith.addi %scan3A_284, %scan3A_285 : i32
      %scan3A_287 = arith.constant 1 : i32
      %scan3A_288 = scf.for %scan3A_290 = %scan3A_284 to %scan3A_286 step %scan3A_287 iter_args(%scan3A_291 = %scan3A_283) -> (i32)  : i32 {
        %mul3A_292 = arith.constant 1000 : i32
        %mul3A_293 = arith.muli %arg1, %mul3A_292 : i32
        %mul3A_294 = arith.constant 200 : i32
        %mul3A_295 = arith.muli %scan3A_290, %mul3A_294 : i32
        %add3A_296 = arith.addi %mul3A_293, %mul3A_295 : i32
        "tpu.region"() ({
          %run_scoped3A_299 = tpu.sem_alloc : memref<!tpu.dma_semaphore, #tpu.memory_space<semaphore_mem>>
          %dma_start3A_300 = arith.constant 0 : i32
          %dma_start3A_301 = tpu.memref_slice %arg11[%add3A_296, %dma_start3A_300] : memref<10000x64xf32, #tpu.memory_space<vmem_shared>> -> memref<200x64xf32, #tpu.memory_space<vmem_shared>>
          %dma_start3A_302 = arith.constant 0 : i32
          %dma_start3A_303 = tpu.memref_slice %arg11[%add3A_296, %dma_start3A_302] : memref<10000x64xf32, #tpu.memory_space<vmem_shared>> -> memref<200x64xf32, #tpu.memory_space<vmem_shared>>
          tpu.enqueue_dma source(%dma_start3A_303 : memref<200x64xf32, #tpu.memory_space<vmem_shared>>) target(%arg10 : memref<200x64xf32, #tpu.memory_space<vmem>>) target_semaphore(%run_scoped3A_299 : memref<!tpu.dma_semaphore, #tpu.memory_space<semaphore_mem>>)
          %dma_wait3A_304 = arith.constant 0 : i32
          %dma_wait3A_305 = tpu.memref_slice %arg11[%add3A_296, %dma_wait3A_304] : memref<10000x64xf32, #tpu.memory_space<vmem_shared>> -> memref<200x64xf32, #tpu.memory_space<vmem_shared>>
          %dma_wait3A_306 = arith.constant 0 : i32
          %dma_wait3A_307 = tpu.memref_slice %arg11[%add3A_296, %dma_wait3A_306] : memref<10000x64xf32, #tpu.memory_space<vmem_shared>> -> memref<200x64xf32, #tpu.memory_space<vmem_shared>>
          tpu.wait_dma2 semaphore(%run_scoped3A_299 : memref<!tpu.dma_semaphore, #tpu.memory_space<semaphore_mem>>) src(%dma_wait3A_307 : memref<200x64xf32, #tpu.memory_space<vmem_shared>>) dst(%arg10 : memref<200x64xf32, #tpu.memory_space<vmem>>)
          tpu.yield
        }) : () -> ()
        %run_scoped3A_297 = arith.constant 1 : i32
        "tpu.region"() ({
          %run_scoped3A_299 = tpu.sem_alloc : memref<!tpu.dma_semaphore, #tpu.memory_space<semaphore_mem>>
          %dma_start3A_300 = arith.constant 0 : i32
          %dma_start3A_301 = tpu.memref_slice %arg5[%arg0, %run_scoped3A_297, %add3A_296, %dma_start3A_300] : memref<2x2x10000x64xf32, #tpu.memory_space<hbm>> -> memref<1x1x200x64xf32, #tpu.memory_space<hbm>>
          %dma_start3A_302 = tpu.memref_squeeze %dma_start3A_301 : memref<1x1x200x64xf32, #tpu.memory_space<hbm>> -> memref<200x64xf32, #tpu.memory_space<hbm>>
          %dma_start3A_303 = arith.constant 0 : i32
          %dma_start3A_304 = tpu.memref_slice %arg5[%arg0, %run_scoped3A_297, %add3A_296, %dma_start3A_303] : memref<2x2x10000x64xf32, #tpu.memory_space<hbm>> -> memref<1x1x200x64xf32, #tpu.memory_space<hbm>>
          %dma_start3A_305 = tpu.memref_squeeze %dma_start3A_304 : memref<1x1x200x64xf32, #tpu.memory_space<hbm>> -> memref<200x64xf32, #tpu.memory_space<hbm>>
          tpu.enqueue_dma source(%arg10 : memref<200x64xf32, #tpu.memory_space<vmem>>) target(%dma_start3A_305 : memref<200x64xf32, #tpu.memory_space<hbm>>) target_semaphore(%run_scoped3A_299 : memref<!tpu.dma_semaphore, #tpu.memory_space<semaphore_mem>>)
          %dma_wait3A_306 = arith.constant 0 : i32
          %dma_wait3A_307 = tpu.memref_slice %arg5[%arg0, %run_scoped3A_297, %add3A_296, %dma_wait3A_306] : memref<2x2x10000x64xf32, #tpu.memory_space<hbm>> -> memref<1x1x200x64xf32, #tpu.memory_space<hbm>>
          %dma_wait3A_308 = tpu.memref_squeeze %dma_wait3A_307 : memref<1x1x200x64xf32, #tpu.memory_space<hbm>> -> memref<200x64xf32, #tpu.memory_space<hbm>>
          %dma_wait3A_309 = arith.constant 0 : i32
          %dma_wait3A_310 = tpu.memref_slice %arg5[%arg0, %run_scoped3A_297, %add3A_296, %dma_wait3A_309] : memref<2x2x10000x64xf32, #tpu.memory_space<hbm>> -> memref<1x1x200x64xf32, #tpu.memory_space<hbm>>
          %dma_wait3A_311 = tpu.memref_squeeze %dma_wait3A_310 : memref<1x1x200x64xf32, #tpu.memory_space<hbm>> -> memref<200x64xf32, #tpu.memory_space<hbm>>
          tpu.wait_dma2 semaphore(%run_scoped3A_299 : memref<!tpu.dma_semaphore, #tpu.memory_space<semaphore_mem>>) src(%arg10 : memref<200x64xf32, #tpu.memory_space<vmem>>) dst(%dma_wait3A_311 : memref<200x64xf32, #tpu.memory_space<hbm>>)
          tpu.yield
        }) : () -> ()
        %scan3A_298 = arith.constant 0 : i32
        scf.yield %scan3A_298 : i32
      }
      %scan3A_289 = arith.constant 5 : i32
    } else {
    }
    %barrier3A_282 = arith.constant 0 : index
    tpu.barrier barrier_id(%barrier3A_282)
    return
  }
}

module attributes {stable_mosaic.version = 14 : i64} {
  func.func @_y1_body(%arg0: i32, %arg1: memref<1000x128xf32, #tpu.memory_space<vmem>>, %arg2: memref<128x128xf32, #tpu.memory_space<vmem>>, %arg3: memref<2x1x1x1000xf32, #tpu.memory_space<vmem>>, %arg4: memref<1000x128xf32, #tpu.memory_space<vmem>>, %arg5: memref<2x1000x64xf32, #tpu.memory_space<vmem>>) attributes {dimension_semantics = [#tpu.dimension_semantics<arbitrary>], iteration_bounds = array<i64: 10>, scalar_prefetch = 0 : i64, scratch_operands = 0 : i64, tpu.core_type = #tpu.core_type<tc>, window_params = [{transform_indices = @transform_0, window_bounds = array<i64: 1000, 128>}, {pipeline_mode = #tpu.pipeline_mode<synchronous>, transform_indices = @transform_1, window_bounds = array<i64: 128, 128>}, {transform_indices = @transform_2, window_bounds = array<i64: 2, 1, 1, 1000>}, {transform_indices = @transform_3, window_bounds = array<i64: 1000, 128>}, {transform_indices = @transform_4, window_bounds = array<i64: 2, 1000, 64>}]} {
    %get3A = arith.constant 0 : index
    %get3A_0 = arith.constant 0 : index
    %get3A_1 = arith.constant 0 : index
    %get3A_2 = arith.constant 0 : index
    %get3A_3 = vector.load %arg3[%get3A, %get3A_0, %get3A_1, %get3A_2] : memref<2x1x1x1000xf32, #tpu.memory_space<vmem>>, vector<2x1x1x1000xf32>
    %slice3A = vector.extract_strided_slice %get3A_3 {offsets = [0, 0, 0, 0], sizes = [1, 1, 1, 1000], strides = [1, 1, 1, 1]} : vector<2x1x1x1000xf32> to vector<1x1x1x1000xf32>
    %squeeze3A = vector.shape_cast %slice3A : vector<1x1x1x1000xf32> to vector<1000xf32>
    %add3A = arith.constant 1.000000e+00 : f32
    %add3A_4 = vector.broadcast %add3A : f32 to vector<1000xf32>
    %add3A_5 = arith.addf %add3A_4, %squeeze3A : vector<1000xf32>
    %slice3A_6 = vector.extract_strided_slice %get3A_3 {offsets = [1, 0, 0, 0], sizes = [1, 1, 1, 1000], strides = [1, 1, 1, 1]} : vector<2x1x1x1000xf32> to vector<1x1x1x1000xf32>
    %squeeze3A_7 = vector.shape_cast %slice3A_6 : vector<1x1x1x1000xf32> to vector<1000xf32>
    %add3A_8 = arith.addf %add3A_5, %squeeze3A_7 : vector<1000xf32>
    %rsqrt3A = math.rsqrt %add3A_8 : vector<1000xf32>
    %broadcast_in_dim3A = vector.shape_cast %rsqrt3A : vector<1000xf32> to vector<1000x1xf32>
    %get3A_9 = arith.constant 0 : index
    %get3A_10 = arith.constant 0 : index
    %get3A_11 = vector.load %arg1[%get3A_9, %get3A_10] : memref<1000x128xf32, #tpu.memory_space<vmem>>, vector<1000x128xf32>
    %get3A_12 = arith.constant 0 : index
    %get3A_13 = arith.constant 0 : index
    %get3A_14 = vector.load %arg2[%get3A_12, %get3A_13] : memref<128x128xf32, #tpu.memory_space<vmem>>, vector<128x128xf32>
    %dot_general3A = arith.constant dense<0.000000e+00> : vector<1000x128xf32>
    %dot_general3A_15 = tpu.matmul %get3A_11, %get3A_14, %dot_general3A {dimension_numbers = #tpu.dot_dimension_numbers<[1], [0], [0], [1], [0, 0, 1, 1], [], []>, transpose_lhs_hint = false} : vector<1000x128xf32>, vector<128x128xf32>, vector<1000x128xf32> -> vector<1000x128xf32>
    %mul3A = vector.broadcast %broadcast_in_dim3A : vector<1000x1xf32> to vector<1000x128xf32>
    %mul3A_16 = arith.mulf %dot_general3A_15, %mul3A : vector<1000x128xf32>
    %swap3A = arith.constant 0 : index
    %swap3A_17 = arith.constant 0 : index
    %swap3A_18 = vector.load %arg4[%swap3A, %swap3A_17] : memref<1000x128xf32, #tpu.memory_space<vmem>>, vector<1000x128xf32>
    tpu.vector_store %arg4[%swap3A, %swap3A_17], %mul3A_16 {strides = array<i32>} : memref<1000x128xf32, #tpu.memory_space<vmem>>, vector<1000x128xf32>,
    %slice3A_19 = vector.extract_strided_slice %mul3A_16 {offsets = [0, 0], sizes = [1000, 64], strides = [1, 1]} : vector<1000x128xf32> to vector<1000x64xf32>
    %swap3A_20 = arith.constant 0 : index
    %swap3A_21 = arith.constant 0 : index
    %swap3A_22 = arith.constant 0 : index
    %swap3A_23 = vector.load %arg5[%swap3A_20, %swap3A_21, %swap3A_22] : memref<2x1000x64xf32, #tpu.memory_space<vmem>>, vector<1x1000x64xf32>
    %swap3A_24 = vector.shape_cast %swap3A_23 : vector<1x1000x64xf32> to vector<1000x64xf32>
    %swap3A_25 = vector.shape_cast %slice3A_19 : vector<1000x64xf32> to vector<1x1000x64xf32>
    tpu.vector_store %arg5[%swap3A_20, %swap3A_21, %swap3A_22], %swap3A_25 {strides = array<i32>} : memref<2x1000x64xf32, #tpu.memory_space<vmem>>, vector<1x1000x64xf32>,
    %slice3A_26 = vector.extract_strided_slice %mul3A_16 {offsets = [0, 64], sizes = [1000, 64], strides = [1, 1]} : vector<1000x128xf32> to vector<1000x64xf32>
    %swap3A_27 = arith.constant 1 : index
    %swap3A_28 = arith.constant 0 : index
    %swap3A_29 = arith.constant 0 : index
    %swap3A_30 = vector.load %arg5[%swap3A_27, %swap3A_28, %swap3A_29] : memref<2x1000x64xf32, #tpu.memory_space<vmem>>, vector<1x1000x64xf32>
    %swap3A_31 = vector.shape_cast %swap3A_30 : vector<1x1000x64xf32> to vector<1000x64xf32>
    %swap3A_32 = vector.shape_cast %slice3A_26 : vector<1000x64xf32> to vector<1x1000x64xf32>
    tpu.vector_store %arg5[%swap3A_27, %swap3A_28, %swap3A_29], %swap3A_32 {strides = array<i32>} : memref<2x1000x64xf32, #tpu.memory_space<vmem>>, vector<1x1000x64xf32>,
    return
  }
  func.func @transform_0(%arg0: i32) -> (i32, i32) {
    %c0_i32 = arith.constant 0 : i32
    %c0_i32_0 = arith.constant 0 : i32
    return %arg0, %c0_i32 : i32, i32
  }
  func.func @transform_1(%arg0: i32) -> (i32, i32) {
    %c0_i32 = arith.constant 0 : i32
    %c0_i32_0 = arith.constant 0 : i32
    %c0_i32_1 = arith.constant 0 : i32
    return %c0_i32, %c0_i32_0 : i32, i32
  }
  func.func @transform_2(%arg0: i32) -> (i32, i32, i32, i32) {
    %c0_i32 = arith.constant 0 : i32
    %c0_i32_0 = arith.constant 0 : i32
    %c0_i32_1 = arith.constant 0 : i32
    %c0_i32_2 = arith.constant 0 : i32
    return %c0_i32, %arg0, %c0_i32_0, %c0_i32_1 : i32, i32, i32, i32
  }
  func.func @transform_3(%arg0: i32) -> (i32, i32) {
    %c0_i32 = arith.constant 0 : i32
    %c0_i32_0 = arith.constant 0 : i32
    return %arg0, %c0_i32 : i32, i32
  }
  func.func @transform_4(%arg0: i32) -> (i32, i32, i32) {
    %c0_i32 = arith.constant 0 : i32
    %c0_i32_0 = arith.constant 0 : i32
    %c0_i32_1 = arith.constant 0 : i32
    return %c0_i32, %arg0, %c0_i32_0 : i32, i32, i32
  }
}

module attributes {stable_mosaic.version = 14 : i64} {
  func.func @_y2_body(%arg0: i32, %arg1: memref<2x2x1000x64xf32, #tpu.memory_space<vmem>>, %arg2: memref<1000x128xf32, #tpu.memory_space<vmem>>, %arg3: memref<128x128xf32, #tpu.memory_space<vmem>>, %arg4: memref<2x1x1x1000xf32, #tpu.memory_space<vmem>>, %arg5: memref<1000x128xf32, #tpu.memory_space<vmem>>, %arg6: memref<2x1000x64xf32, #tpu.memory_space<vmem>>) attributes {dimension_semantics = [#tpu.dimension_semantics<arbitrary>], iteration_bounds = array<i64: 10>, scalar_prefetch = 0 : i64, scratch_operands = 0 : i64, tpu.core_type = #tpu.core_type<tc>, window_params = [{transform_indices = @transform_0, window_bounds = array<i64: 2, 2, 1000, 64>}, {transform_indices = @transform_1, window_bounds = array<i64: 1000, 128>}, {pipeline_mode = #tpu.pipeline_mode<synchronous>, transform_indices = @transform_2, window_bounds = array<i64: 128, 128>}, {transform_indices = @transform_3, window_bounds = array<i64: 2, 1, 1, 1000>}, {transform_indices = @transform_4, window_bounds = array<i64: 1000, 128>}, {transform_indices = @transform_5, window_bounds = array<i64: 2, 1000, 64>}]} {
    %get3A = arith.constant 0 : index
    %get3A_0 = arith.constant 0 : index
    %get3A_1 = arith.constant 0 : index
    %get3A_2 = arith.constant 0 : index
    %get3A_3 = vector.load %arg4[%get3A, %get3A_0, %get3A_1, %get3A_2] : memref<2x1x1x1000xf32, #tpu.memory_space<vmem>>, vector<2x1x1x1000xf32>
    %slice3A = vector.extract_strided_slice %get3A_3 {offsets = [0, 0, 0, 0], sizes = [1, 1, 1, 1000], strides = [1, 1, 1, 1]} : vector<2x1x1x1000xf32> to vector<1x1x1x1000xf32>
    %squeeze3A = vector.shape_cast %slice3A : vector<1x1x1x1000xf32> to vector<1000xf32>
    %add3A = arith.constant 1.000000e+00 : f32
    %add3A_4 = vector.broadcast %add3A : f32 to vector<1000xf32>
    %add3A_5 = arith.addf %add3A_4, %squeeze3A : vector<1000xf32>
    %slice3A_6 = vector.extract_strided_slice %get3A_3 {offsets = [1, 0, 0, 0], sizes = [1, 1, 1, 1000], strides = [1, 1, 1, 1]} : vector<2x1x1x1000xf32> to vector<1x1x1x1000xf32>
    %squeeze3A_7 = vector.shape_cast %slice3A_6 : vector<1x1x1x1000xf32> to vector<1000xf32>
    %add3A_8 = arith.addf %add3A_5, %squeeze3A_7 : vector<1000xf32>
    %rsqrt3A = math.rsqrt %add3A_8 : vector<1000xf32>
    %broadcast_in_dim3A = vector.shape_cast %rsqrt3A : vector<1000xf32> to vector<1000x1xf32>
    %get3A_9 = arith.constant 0 : index
    %get3A_10 = arith.constant 0 : index
    %get3A_11 = arith.constant 0 : index
    %get3A_12 = arith.constant 0 : index
    %get3A_13 = vector.load %arg1[%get3A_9, %get3A_10, %get3A_11, %get3A_12] : memref<2x2x1000x64xf32, #tpu.memory_space<vmem>>, vector<2x2x1000x64xf32>
    %slice3A_14 = vector.extract_strided_slice %get3A_13 {offsets = [0, 0, 0, 0], sizes = [1, 1, 1000, 64], strides = [1, 1, 1, 1]} : vector<2x2x1000x64xf32> to vector<1x1x1000x64xf32>
    %squeeze3A_15 = vector.shape_cast %slice3A_14 : vector<1x1x1000x64xf32> to vector<1000x64xf32>
    %slice3A_16 = vector.extract_strided_slice %get3A_13 {offsets = [1, 0, 0, 0], sizes = [1, 1, 1000, 64], strides = [1, 1, 1, 1]} : vector<2x2x1000x64xf32> to vector<1x1x1000x64xf32>
    %squeeze3A_17 = vector.shape_cast %slice3A_16 : vector<1x1x1000x64xf32> to vector<1000x64xf32>
    %add3A_18 = arith.addf %squeeze3A_15, %squeeze3A_17 : vector<1000x64xf32>
    %slice3A_19 = vector.extract_strided_slice %get3A_13 {offsets = [0, 1, 0, 0], sizes = [1, 1, 1000, 64], strides = [1, 1, 1, 1]} : vector<2x2x1000x64xf32> to vector<1x1x1000x64xf32>
    %squeeze3A_20 = vector.shape_cast %slice3A_19 : vector<1x1x1000x64xf32> to vector<1000x64xf32>
    %slice3A_21 = vector.extract_strided_slice %get3A_13 {offsets = [1, 1, 0, 0], sizes = [1, 1, 1000, 64], strides = [1, 1, 1, 1]} : vector<2x2x1000x64xf32> to vector<1x1x1000x64xf32>
    %squeeze3A_22 = vector.shape_cast %slice3A_21 : vector<1x1x1000x64xf32> to vector<1000x64xf32>
    %add3A_23 = arith.addf %squeeze3A_20, %squeeze3A_22 : vector<1000x64xf32>
    %concatenate3A = tpu.concatenate %add3A_18, %add3A_23 in 1 : vector<1000x64xf32>, vector<1000x64xf32> -> vector<1000x128xf32>
    %get3A_24 = arith.constant 0 : index
    %get3A_25 = arith.constant 0 : index
    %get3A_26 = vector.load %arg2[%get3A_24, %get3A_25] : memref<1000x128xf32, #tpu.memory_space<vmem>>, vector<1000x128xf32>
    %add3A_27 = arith.addf %concatenate3A, %get3A_26 : vector<1000x128xf32>
    %mul3A = vector.broadcast %broadcast_in_dim3A : vector<1000x1xf32> to vector<1000x128xf32>
    %mul3A_28 = arith.mulf %add3A_27, %mul3A : vector<1000x128xf32>
    %max3A = arith.constant 0.000000e+00 : f32
    %max3A_29 = vector.broadcast %max3A : f32 to vector<1000x128xf32>
    %max3A_30 = arith.maximumf %mul3A_28, %max3A_29 : vector<1000x128xf32>
    %get3A_31 = arith.constant 0 : index
    %get3A_32 = arith.constant 0 : index
    %get3A_33 = vector.load %arg3[%get3A_31, %get3A_32] : memref<128x128xf32, #tpu.memory_space<vmem>>, vector<128x128xf32>
    %dot_general3A = arith.constant dense<0.000000e+00> : vector<1000x128xf32>
    %dot_general3A_34 = tpu.matmul %max3A_30, %get3A_33, %dot_general3A {dimension_numbers = #tpu.dot_dimension_numbers<[1], [0], [0], [1], [0, 0, 1, 1], [], []>, transpose_lhs_hint = false} : vector<1000x128xf32>, vector<128x128xf32>, vector<1000x128xf32> -> vector<1000x128xf32>
    %mul3A_35 = vector.broadcast %broadcast_in_dim3A : vector<1000x1xf32> to vector<1000x128xf32>
    %mul3A_36 = arith.mulf %dot_general3A_34, %mul3A_35 : vector<1000x128xf32>
    %swap3A = arith.constant 0 : index
    %swap3A_37 = arith.constant 0 : index
    %swap3A_38 = vector.load %arg5[%swap3A, %swap3A_37] : memref<1000x128xf32, #tpu.memory_space<vmem>>, vector<1000x128xf32>
    tpu.vector_store %arg5[%swap3A, %swap3A_37], %mul3A_36 {strides = array<i32>} : memref<1000x128xf32, #tpu.memory_space<vmem>>, vector<1000x128xf32>,
    %slice3A_39 = vector.extract_strided_slice %mul3A_36 {offsets = [0, 0], sizes = [1000, 64], strides = [1, 1]} : vector<1000x128xf32> to vector<1000x64xf32>
    %swap3A_40 = arith.constant 0 : index
    %swap3A_41 = arith.constant 0 : index
    %swap3A_42 = arith.constant 0 : index
    %swap3A_43 = vector.load %arg6[%swap3A_40, %swap3A_41, %swap3A_42] : memref<2x1000x64xf32, #tpu.memory_space<vmem>>, vector<1x1000x64xf32>
    %swap3A_44 = vector.shape_cast %swap3A_43 : vector<1x1000x64xf32> to vector<1000x64xf32>
    %swap3A_45 = vector.shape_cast %slice3A_39 : vector<1000x64xf32> to vector<1x1000x64xf32>
    tpu.vector_store %arg6[%swap3A_40, %swap3A_41, %swap3A_42], %swap3A_45 {strides = array<i32>} : memref<2x1000x64xf32, #tpu.memory_space<vmem>>, vector<1x1000x64xf32>,
    %slice3A_46 = vector.extract_strided_slice %mul3A_36 {offsets = [0, 64], sizes = [1000, 64], strides = [1, 1]} : vector<1000x128xf32> to vector<1000x64xf32>
    %swap3A_47 = arith.constant 1 : index
    %swap3A_48 = arith.constant 0 : index
    %swap3A_49 = arith.constant 0 : index
    %swap3A_50 = vector.load %arg6[%swap3A_47, %swap3A_48, %swap3A_49] : memref<2x1000x64xf32, #tpu.memory_space<vmem>>, vector<1x1000x64xf32>
    %swap3A_51 = vector.shape_cast %swap3A_50 : vector<1x1000x64xf32> to vector<1000x64xf32>
    %swap3A_52 = vector.shape_cast %slice3A_46 : vector<1000x64xf32> to vector<1x1000x64xf32>
    tpu.vector_store %arg6[%swap3A_47, %swap3A_48, %swap3A_49], %swap3A_52 {strides = array<i32>} : memref<2x1000x64xf32, #tpu.memory_space<vmem>>, vector<1x1000x64xf32>,
    return
  }
  func.func @transform_0(%arg0: i32) -> (i32, i32, i32, i32) {
    %c0_i32 = arith.constant 0 : i32
    %c0_i32_0 = arith.constant 0 : i32
    %c0_i32_1 = arith.constant 0 : i32
    %c0_i32_2 = arith.constant 0 : i32
    return %c0_i32, %c0_i32_0, %arg0, %c0_i32_1 : i32, i32, i32, i32
  }
  func.func @transform_1(%arg0: i32) -> (i32, i32) {
    %c0_i32 = arith.constant 0 : i32
    %c0_i32_0 = arith.constant 0 : i32
    return %arg0, %c0_i32 : i32, i32
  }
  func.func @transform_2(%arg0: i32) -> (i32, i32) {
    %c0_i32 = arith.constant 0 : i32
    %c0_i32_0 = arith.constant 0 : i32
    %c0_i32_1 = arith.constant 0 : i32
    return %c0_i32, %c0_i32_0 : i32, i32
  }
  func.func @transform_3(%arg0: i32) -> (i32, i32, i32, i32) {
    %c0_i32 = arith.constant 0 : i32
    %c0_i32_0 = arith.constant 0 : i32
    %c0_i32_1 = arith.constant 0 : i32
    %c0_i32_2 = arith.constant 0 : i32
    return %c0_i32, %arg0, %c0_i32_0, %c0_i32_1 : i32, i32, i32, i32
  }
  func.func @transform_4(%arg0: i32) -> (i32, i32) {
    %c0_i32 = arith.constant 0 : i32
    %c0_i32_0 = arith.constant 0 : i32
    return %arg0, %c0_i32 : i32, i32
  }
  func.func @transform_5(%arg0: i32) -> (i32, i32, i32) {
    %c0_i32 = arith.constant 0 : i32
    %c0_i32_0 = arith.constant 0 : i32
    %c0_i32_1 = arith.constant 0 : i32
    return %c0_i32, %arg0, %c0_i32_0 : i32, i32, i32
  }
}

module attributes {stable_mosaic.version = 14 : i64} {
  func.func @_out_body(%arg0: i32, %arg1: memref<2x2x1000x64xf32, #tpu.memory_space<vmem>>, %arg2: memref<1000x128xf32, #tpu.memory_space<vmem>>, %arg3: memref<2x1x1x1000xf32, #tpu.memory_space<vmem>>, %arg4: memref<1000x128xf32, #tpu.memory_space<vmem>>) attributes {dimension_semantics = [#tpu.dimension_semantics<arbitrary>], iteration_bounds = array<i64: 10>, scalar_prefetch = 0 : i64, scratch_operands = 0 : i64, tpu.core_type = #tpu.core_type<tc>, window_params = [{transform_indices = @transform_0, window_bounds = array<i64: 2, 2, 1000, 64>}, {transform_indices = @transform_1, window_bounds = array<i64: 1000, 128>}, {transform_indices = @transform_2, window_bounds = array<i64: 2, 1, 1, 1000>}, {transform_indices = @transform_3, window_bounds = array<i64: 1000, 128>}]} {
    %get3A = arith.constant 0 : index
    %get3A_0 = arith.constant 0 : index
    %get3A_1 = arith.constant 0 : index
    %get3A_2 = arith.constant 0 : index
    %get3A_3 = vector.load %arg3[%get3A, %get3A_0, %get3A_1, %get3A_2] : memref<2x1x1x1000xf32, #tpu.memory_space<vmem>>, vector<2x1x1x1000xf32>
    %slice3A = vector.extract_strided_slice %get3A_3 {offsets = [0, 0, 0, 0], sizes = [1, 1, 1, 1000], strides = [1, 1, 1, 1]} : vector<2x1x1x1000xf32> to vector<1x1x1x1000xf32>
    %squeeze3A = vector.shape_cast %slice3A : vector<1x1x1x1000xf32> to vector<1000xf32>
    %add3A = arith.constant 1.000000e+00 : f32
    %add3A_4 = vector.broadcast %add3A : f32 to vector<1000xf32>
    %add3A_5 = arith.addf %add3A_4, %squeeze3A : vector<1000xf32>
    %slice3A_6 = vector.extract_strided_slice %get3A_3 {offsets = [1, 0, 0, 0], sizes = [1, 1, 1, 1000], strides = [1, 1, 1, 1]} : vector<2x1x1x1000xf32> to vector<1x1x1x1000xf32>
    %squeeze3A_7 = vector.shape_cast %slice3A_6 : vector<1x1x1x1000xf32> to vector<1000xf32>
    %add3A_8 = arith.addf %add3A_5, %squeeze3A_7 : vector<1000xf32>
    %rsqrt3A = math.rsqrt %add3A_8 : vector<1000xf32>
    %broadcast_in_dim3A = vector.shape_cast %rsqrt3A : vector<1000xf32> to vector<1000x1xf32>
    %get3A_9 = arith.constant 0 : index
    %get3A_10 = arith.constant 0 : index
    %get3A_11 = arith.constant 0 : index
    %get3A_12 = arith.constant 0 : index
    %get3A_13 = vector.load %arg1[%get3A_9, %get3A_10, %get3A_11, %get3A_12] : memref<2x2x1000x64xf32, #tpu.memory_space<vmem>>, vector<2x2x1000x64xf32>
    %slice3A_14 = vector.extract_strided_slice %get3A_13 {offsets = [0, 0, 0, 0], sizes = [1, 1, 1000, 64], strides = [1, 1, 1, 1]} : vector<2x2x1000x64xf32> to vector<1x1x1000x64xf32>
    %squeeze3A_15 = vector.shape_cast %slice3A_14 : vector<1x1x1000x64xf32> to vector<1000x64xf32>
    %slice3A_16 = vector.extract_strided_slice %get3A_13 {offsets = [1, 0, 0, 0], sizes = [1, 1, 1000, 64], strides = [1, 1, 1, 1]} : vector<2x2x1000x64xf32> to vector<1x1x1000x64xf32>
    %squeeze3A_17 = vector.shape_cast %slice3A_16 : vector<1x1x1000x64xf32> to vector<1000x64xf32>
    %add3A_18 = arith.addf %squeeze3A_15, %squeeze3A_17 : vector<1000x64xf32>
    %slice3A_19 = vector.extract_strided_slice %get3A_13 {offsets = [0, 1, 0, 0], sizes = [1, 1, 1000, 64], strides = [1, 1, 1, 1]} : vector<2x2x1000x64xf32> to vector<1x1x1000x64xf32>
    %squeeze3A_20 = vector.shape_cast %slice3A_19 : vector<1x1x1000x64xf32> to vector<1000x64xf32>
    %slice3A_21 = vector.extract_strided_slice %get3A_13 {offsets = [1, 1, 0, 0], sizes = [1, 1, 1000, 64], strides = [1, 1, 1, 1]} : vector<2x2x1000x64xf32> to vector<1x1x1000x64xf32>
    %squeeze3A_22 = vector.shape_cast %slice3A_21 : vector<1x1x1000x64xf32> to vector<1000x64xf32>
    %add3A_23 = arith.addf %squeeze3A_20, %squeeze3A_22 : vector<1000x64xf32>
    %concatenate3A = tpu.concatenate %add3A_18, %add3A_23 in 1 : vector<1000x64xf32>, vector<1000x64xf32> -> vector<1000x128xf32>
    %get3A_24 = arith.constant 0 : index
    %get3A_25 = arith.constant 0 : index
    %get3A_26 = vector.load %arg2[%get3A_24, %get3A_25] : memref<1000x128xf32, #tpu.memory_space<vmem>>, vector<1000x128xf32>
    %add3A_27 = arith.addf %concatenate3A, %get3A_26 : vector<1000x128xf32>
    %mul3A = vector.broadcast %broadcast_in_dim3A : vector<1000x1xf32> to vector<1000x128xf32>
    %mul3A_28 = arith.mulf %add3A_27, %mul3A : vector<1000x128xf32>
    %swap3A = arith.constant 0 : index
    %swap3A_29 = arith.constant 0 : index
    %swap3A_30 = vector.load %arg4[%swap3A, %swap3A_29] : memref<1000x128xf32, #tpu.memory_space<vmem>>, vector<1000x128xf32>
    tpu.vector_store %arg4[%swap3A, %swap3A_29], %mul3A_28 {strides = array<i32>} : memref<1000x128xf32, #tpu.memory_space<vmem>>, vector<1000x128xf32>,
    return
  }
  func.func @transform_0(%arg0: i32) -> (i32, i32, i32, i32) {
    %c0_i32 = arith.constant 0 : i32
    %c0_i32_0 = arith.constant 0 : i32
    %c0_i32_1 = arith.constant 0 : i32
    %c0_i32_2 = arith.constant 0 : i32
    return %c0_i32, %c0_i32_0, %arg0, %c0_i32_1 : i32, i32, i32, i32
  }
  func.func @transform_1(%arg0: i32) -> (i32, i32) {
    %c0_i32 = arith.constant 0 : i32
    %c0_i32_0 = arith.constant 0 : i32
    return %arg0, %c0_i32 : i32, i32
  }
  func.func @transform_2(%arg0: i32) -> (i32, i32, i32, i32) {
    %c0_i32 = arith.constant 0 : i32
    %c0_i32_0 = arith.constant 0 : i32
    %c0_i32_1 = arith.constant 0 : i32
    %c0_i32_2 = arith.constant 0 : i32
    return %c0_i32, %arg0, %c0_i32_0, %c0_i32_1 : i32, i32, i32, i32
  }
  func.func @transform_3(%arg0: i32) -> (i32, i32) {
    %c0_i32 = arith.constant 0 : i32
    %c0_i32_0 = arith.constant 0 : i32
    return %arg0, %c0_i32 : i32, i32
  }
}

</mosaic_0001>

<sc_bundles>
// kernel: kernel.11.cloned.1.call-start
scs
__scs_entry_jumppad:
0x0: {  	(pc) =	sbr.rel $0x88, $3  }
0x1: {  	(tag) =	ssettag $0x0;
	lr =	simm.s32 $0x1  }
0x2: {  	[smem:$0x3F9D] =	sst lr;
	_ =	strace $0xD0000000  }
0x3: {  	_ = 	snop  }
0x4: {  	_ = 	snop  }
0x5: {  	_ = 	snop  }
0x6: {  	_ = 	snop  }
0x7: {  	_ = 	snop  }
__scs_overlays_trampoline_lowered:
0x8: {  	[smem:$0x3FAC] =	sst s0  }
0x9: {  	[smem:$0x3FAD] =	sst s1  }
0xa: {  	[smem:$0x3FAE] =	sst s2  }
0xb: {  	[smem:$0x3FAF] =	sst s3  }
0xc: {  	[smem:$0x3FB0] =	sst s4  }
0xd: {  	[smem:$0x3FB1] =	sst s5  }
0xe: {  	[smem:$0x3FB2] =	sst s6  }
0xf: {  	[smem:$0x3FB3] =	sst s7  }
0x10: {  	[smem:$0x3FB4] =	sst s8  }
0x11: {  	[smem:$0x3FB5] =	sst s9;
	s0 =	simm.s32 @!p0 $0x0  }
0x12: {  	s1 =	sld [smem:$0x3F9B];
	s0 =	simm.s32 @p0 $0x1  }
0x13: {  	[smem:$0x3FB6] =	sst s0;
	s0 =	simm.s32 @!p1 $0x0  }
0x14: {  	s2 =	sld [smem:$0x3F9A];
	s0 =	simm.s32 @p1 $0x1  }
0x15: {  	[smem:$0x3FB7] =	sst s0;
	s0 =	simm.s32 @!p2 $0x0  }
0x16: {  	s3 =	sld [smem:$0x3FDB];
	s0 =	simm.s32 @p2 $0x1  }
0x17: {  	s4 =	simm.s32 $0x1BF5;
	[smem:$0x3FB9] =	sst s0  }
0x18: {  	s0 =	sld [smem:$0x3F9C];
	_ =	swait.ge [sflag:s4], $0x0  }
0x19: {  	s7 =	sld [smem:$0x3F9D]  }
0x1a: {  	s8 =	sadd.s32 $0xFFFFE003, lr  }
0x1b: {  	s9 =	sadd.s32 $0xFFFFFEF7, lr;
	s5 =	simm.s32 $0xFFFFFFFF;
	p2 =	slt.u32 s8, $0xFFFFF086  }
0x1c: {  	p1 =	slt.u32 s9, $0xF7A;
	s5 =	simm.s32 @!p2 $0x0  }
0x1d: {  	s5 =	simm.s32 @p1 $0x1;
	p0 =	seq.s32 s7, s2  }
0x1e: {  	s7 =	smul.u32 @!p0 $0xF7A, s2;
	p2 =	seq.s32 @!p0 s5, $0x0  }
0x1f: {  	s9 =	smul.u32 $0xF7A, s1;
	s8 =	simm.s32 @!p0 $0x1BF5;
	p2 =	por !p2, p0  }
0x20: {  	[sflag:s8] =	ssyncset.s32 @!p0 $0xFFFFF086;
	s6 =	sadd.s32 @!p0 s3, s7;
	s7 =	simm.s32 @!p0 $0x108  }
0x21: {  	s3 =	sadd.s32 s3, s9;
	s6 =	sadd.s32 @!p0 $0x88, s6;
	s7 =	simm.s32 @p2 $0x1082  }
0x22: {  	[simem:s7], [sflag:s8] =	dma.local @!p0 [hbm:s6], $0xF7A  }
0x23: {  	s9 =	sor.u32 $0xD0000000, s2;
	s6 =	simm.s32 $0x108;
	_ =	swait.ge @!p0 [sflag:s8], $0x0  }
0x24: {  	s3 =	sadd.s32 $0x88, s3;
	s6 =	simm.s32 @!p1 $0x1082;
	[sflag:s4] =	ssyncset.s32 $0xFFFFF086  }
0x25: {  	[simem:s6], [sflag:s4] =	dma.local [hbm:s3], $0xF7A  }
0x26: {  	[smem:$0x3F9D] =	sst s1;
	(tag) =	ssettag s2;
	_ =	strace s9  }
0x27: {  	s1 =	sld [smem:$0x3FAD]  }
0x28: {  	s2 =	sld [smem:$0x3FAE]  }
0x29: {  	s4 =	sld [smem:$0x3FB0]  }
0x2a: {  	p0 =	seq.s32 s5, $0x0;
	s5 =	sld [smem:$0x3FB1]  }
0x2b: {  	s6 =	sld [smem:$0x3FB2]  }
0x2c: {  	s7 =	sld [smem:$0x3FB3]  }
0x2d: {  	s3 =	simm.s32 $0x108;
	s8 =	sld [smem:$0x3FB4]  }
0x2e: {  	s3 =	simm.s32 @!p0 $0x1082;
	s9 =	sld [smem:$0x3FB5]  }
0x2f: {  	lr =	sadd.s32 s0, s3;
	s0 =	sld [smem:$0x3FAC]  }
0x30: {  	s3 =	sld [smem:$0x3FAF]  }
0x31: {  	[smem:$0x3FB8] =	sst s10  }
0x32: {  	s10 =	sld [smem:$0x3FB6];
	_ =	sdelay $0x3  }
0x33: {  	p0 =	seq.s32 s10, $0x1;
	s10 =	sld [smem:$0x3FB8];
	_ =	sdelay $0x3  }
0x34: {  	[smem:$0x3FB8] =	sst s10  }
0x35: {  	s10 =	sld [smem:$0x3FB7];
	_ =	sdelay $0x3  }
0x36: {  	p1 =	seq.s32 s10, $0x1;
	s10 =	sld [smem:$0x3FB8];
	_ =	sdelay $0x3  }
0x37: {  	[smem:$0x3FB8] =	sst s10  }
0x38: {  	s10 =	sld [smem:$0x3FB9]  }
0x39: {  	_ = 	snop;
	(pc) =	sbr.ind lr, $3  }
0x3a: {  	_ = 	snop  }
0x3b: {  	_ = 	snop  }
0x3c: {  	p2 =	seq.s32 s10, $0x1;
	s10 =	sld [smem:$0x3FB8]  }
0x3d: {  	_ =	shalt  }
0x3e: {  	_ =	shalt  }
0x3f: {  	_ =	shalt  }
0x40: {  	_ =	shalt  }
0x41: {  	_ =	shalt  }
0x42: {  	_ =	shalt  }
0x43: {  	_ =	shalt  }
0x44: {  	_ =	shalt  }
0x45: {  	_ =	shalt  }
0x46: {  	_ =	shalt  }
0x47: {  	_ =	shalt  }
0x48: {  	_ =	shalt  }
0x49: {  	_ =	shalt  }
0x4a: {  	_ =	shalt  }
0x4b: {  	_ =	shalt  }
0x4c: {  	_ =	shalt  }
0x4d: {  	_ =	shalt  }
0x4e: {  	_ =	shalt  }
0x4f: {  	_ =	shalt  }
0x50: {  	_ =	shalt  }
0x51: {  	_ =	shalt  }
0x52: {  	_ =	shalt  }
0x53: {  	_ =	shalt  }
0x54: {  	_ =	shalt  }
0x55: {  	_ =	shalt  }
0x56: {  	_ =	shalt  }
0x57: {  	_ =	shalt  }
0x58: {  	_ =	shalt  }
0x59: {  	_ =	shalt  }
0x5a: {  	_ =	shalt  }
0x5b: {  	_ =	shalt  }
0x5c: {  	_ =	shalt  }
0x5d: {  	_ =	shalt  }
0x5e: {  	_ =	shalt  }
0x5f: {  	_ =	shalt  }
0x60: {  	_ =	shalt  }
0x61: {  	_ =	shalt  }
0x62: {  	_ =	shalt  }
0x63: {  	_ =	shalt  }
0x64: {  	_ =	shalt  }
0x65: {  	_ =	shalt  }
0x66: {  	_ =	shalt  }
0x67: {  	_ =	shalt  }
0x68: {  	_ =	shalt  }
0x69: {  	_ =	shalt  }
0x6a: {  	_ =	shalt  }
0x6b: {  	_ =	shalt  }
0x6c: {  	_ =	shalt  }
0x6d: {  	_ =	shalt  }
0x6e: {  	_ =	shalt  }
0x6f: {  	_ =	shalt  }
0x70: {  	_ =	shalt  }
0x71: {  	_ =	shalt  }
0x72: {  	_ =	shalt  }
0x73: {  	_ =	shalt  }
0x74: {  	_ =	shalt  }
0x75: {  	_ =	shalt  }
0x76: {  	_ =	shalt  }
0x77: {  	_ =	shalt  }
0x78: {  	_ =	shalt  }
0x79: {  	_ =	shalt  }
0x7a: {  	_ =	shalt  }
0x7b: {  	_ =	shalt  }
0x7c: {  	_ =	shalt  }
0x7d: {  	_ =	shalt  }
0x7e: {  	_ =	shalt  }
0x7f: {  	_ =	shalt  }
0x80: {  	_ =	shalt  }
0x81: {  	_ =	shalt  }
0x82: {  	_ =	shalt  }
0x83: {  	_ =	shalt  }
0x84: {  	_ =	shalt  }
0x85: {  	_ =	shalt  }
0x86: {  	_ =	shalt  }
0x87: {  	_ =	shalt  }
.Lfunc_end0:
.L_simem_size_0:
called_computation.1_lowered:
.L_overlay_start_0:
0x88: {  	s2 =	sld [smem:$0x3FD9]  }
0x89: {  	s3 =	sld [smem:$0x3FFE];
	_ =	sdelay $0x1  }
0x8a: {  	s1 =	srdreg.scid  }
0x8b: {  	s0 =	sand.u32 $0x1, s1  }
0x8c: {  	s17 =	sshll.u32 s0, $0xA;
	s2 =	sadd.s32 s3, s2  }
0x8d: {  	s2 =	sadd.s32 s2, s17  }
0x8e: {  	[smem:$0x3FC4] =	sst s2  }
0x8f: {  	_ = 	snop  }
0x90: {  	s2 =	sld [smem:$0x3FD0];
	(tm) =	ssettm $0x1  }
0x91: {  	s18 =	sld [smem:$0x3FFB];
	_ =	sdelay $0x3  }
0x92: {  	_ =	strace s18  }
0x93: {  	s3 =	sld [smem:$0x3FFC];
	_ =	sdelay $0x3  }
0x94: {  	_ =	strace s3  }
0x95: {  	s3 =	sld [smem:$0x3FFD];
	_ =	sdelay $0x3  }
0x96: {  	_ =	strace s3  }
0x97: {  	_ =	strace $0x8FFFFFFF  }
0x98: {  	s19 =	sld [smem:$0x3FDB];
	_ =	sdelay $0x1  }
0x99: {  	s4 =	simm.s32 $_scs_section_size  }
0x9a: {  	s5 =	simm.s32 $_size__tile_overlayer_lowered;
	s6 =	simm.s32 $_tile_overlayer_lowered  }
0x9b: {  	s22 =	simm.s32 $0x1BFF;
	s21 =	sshll.u32 s6, $0x1;
	s3 =	sadd.s32 s4, s19  }
0x9c: {  	s7 =	simm.s32 $0x0;
	s20 =	sshll.u32 s5, $0x1;
	s5 =	sadd.s32 s21, s3  }
0x9d: {  	[timem:s7], [sflag:s22] =	dma.local [hbm:s5], s20  }
0x9e: {  	_ =	swait.ge [sflag:s22], s20  }
0x9f: {  	s4 =	ssub.s32 $0x0, s20;
	[sflag:s22] =	ssyncset.done $0x0  }
0xa0: {  	[sflag:s22] =	ssyncadd.s32 s4;
	_ =	sdelay $0x1  }
0xa1: {  	s23 =	simm.s32 $0x1B8B  }
0xa2: {  	_ =	swait.ge [sflag:s23], $0x1  }
0xa3: {  	[sflag:s23] =	ssyncset.done $0x0  }
0xa4: {  	s25 =	simm.s32 $0x1B8E;
	s24 =	sld [smem:$0x3FFE];
	[sflag:s23] =	ssyncadd.s32 $0xFFFFFFFF  }
0xa5: {  	s26 =	simm.s32 $execute0_lowered;
	[smem:$0x3FD2] =	sst s25  }
0xa6: {  	s5 =	sshll.u32 s26, $0x1;
	_ =	strace $0x80000049;
	[dreg:$0x1] =	wrdreg $0xFFFFFFFF  }
0xa7: {  	s28 =	simm.s32 $_size_execute0_lowered;
	s3 =	sadd.s32 s3, s5;
	[dreg:$0x0] =	wrdreg $0x0  }
0xa8: {  	s5 =	sshll.u32 s28, $0x1;
	[dreg:$0x2] =	wrdreg s3  }
0xa9: {  	[dreg:$0x3] =	wrdreg s5  }
0xaa: {  	[dreg:$0x4] =	wrdreg $0xC0  }
0xab: {  	_ =	task [dreg:s7], $0x5FFFF  }
0xac: {  	[dreg:$0x1] =	wrdreg $0xFFFFFFFF  }
0xad: {  	[dreg:$0x0] =	wrdreg $0x60  }
0xae: {  	[dreg:$0x2] =	wrdreg s24  }
0xaf: {  	[dreg:$0x3] =	wrdreg s2  }
0xb0: {  	[dreg:$0x4] =	wrdreg $0x150400  }
0xb1: {  	[dreg:$0x5] =	wrdreg $0x9  }
0xb2: {  	_ =	task.clear_ibuf [dreg:s7], $0x6FFFF;
	_ =	strace $0x90000049  }
0xb3: {  	s29 =	simm.s32 $0x9;
	_ =	strace $0x8000004B  }
0xb4: {  	_ =	swait.ge [sflag:s29], $0x1  }
0xb5: {  	[sflag:s29] =	ssyncadd.s32 $0xFFFFFFFF  }
0xb6: {  	_ =	strace $0x9000004B  }
0xb7: {  	_ =	sfence  }
0xb8: {  	s30 =	sld [smem:$0x0];
	_ =	sdelay $0x2  }
0xb9: {  	s31 =	sshll.u32 s1, $0xD;
	s1 =	sshrl.u32 s1, $0x2  }
0xba: {  	s3 =	sand.u32 $0x4000, s31;
	s1 =	sadd.s32 s1, s30  }
0xbb: {  	s0 =	sor.u32 s3, s0;
	s1 =	sshll.u32 s1, $0x11  }
0xbc: {  	s0 =	sor.u32 s1, s0  }
0xbd: {  	s0 =	sadd.s32 $0x8F2B, s0  }
0xbe: {  	[sflag:s0] =	ssyncadd.remote.s32 $0x1  }
0xbf: {  	_ =	sfence.sel $0xFFFF  }
0xc0: {  	[dreg:$0x0] =	wrdreg $0xFFFFFFFF;
	(pc) =	sbr.abs _section_cstart, $3  }
0xc1: {  	[dreg:$0x1] =	wrdreg $0xFFFFFFFF  }
0xc2: {  	_ =	task.clear_ibuf [dreg:s7], $0x2FFFF;
	_ =	strace $0x9FFFFFFF  }
0xc3: {  	(tm) =	ssettm $0x7FFFFFFF  }
tec
execute0_lowered:
.L_overlay_start_1:
0x0: {  	(tag) =	ssettag $0x1  }
0x1: {  	s0 =	rddreg [dreg:$0x0]  }
0x2: {  	s2 =	rddreg [dreg:$0x1]  }
0x3: {  	s1 =	rddreg [dreg:$0x2];
	s4 =	srdreg.scid  }
0x4: {  	s3 =	simm.s32 $0x0;
	s15 =	stileid.u32;
	s30 =	simm.s32 $0xB  }
0x5: {  	s28 =	simm.s32 $0xA;
	s29 =	simm.s32 $0x11E40;
	s6 =	sand.u32 $0x1, s4  }
0x6: {  	[smem:$0x7FF] =	sst s3;
	s5 =	sadd.s32 $0x2000, s0;
	s10 =	smul.u32 $0xFA00, s15  }
0x7: {  	s17 =	smul.u32 $0x3E800, s15;
	p0 =	sgt.u32 s15, $0x9;
	s4 =	sshll.u32 s6, $0x4  }
0x8: {  	_ =	strace $0x8000004A;
	s8 =	ssub.s32 $0x2, s6;
	s6 =	smul.u32 $0x138800, s6  }
0x9: {  	s7 =	sor.u32 s15, s4;
	s4 =	sadd.s32 $0x15A00, s0;
	s0 =	sadd.s32 $0x29400, s0  }
0xa: {  	s9 =	sshrl.u32 s8, $0x1;
	s11 =	sadd.s32 $0x6400, s10;
	s12 =	sadd.s32 $0x9600, s10  }
0xb: {  	s25 =	sadd.s32 $0xC800, s10;
	s7 =	smul.u32 $0x2800, s7;
	s8 =	ssub.s32 s8, s9  }
0xc: {  	s18 =	sadd.s32 s6, s10;
	s13 =	sadd.s32 s6, s11;
	s14 =	sadd.s32 s6, s12  }
0xd: {  	s8 =	smax.u32 s8, $0x1;
	s19 =	sshrl.u32 s18, $0x3;
	s22 =	sshrl.u32 s13, $0x3  }
0xe: {  	s23 =	sshrl.u32 s14, $0x3;
	[dreg:$0x6] =	wrdreg s8;
	s20 =	sadd.s32 s0, s19  }
0xf: {  	s7 =	sshrl.u32 s7, $0x3;
	s24 =	sadd.s32 s0, s23;
	[dreg:$0x8] =	wrdreg s20  }
0x10: {  	s23 =	sadd.s32 s12, s1;
	s7 =	sadd.s32 s2, s7;
	[dreg:$0xb] =	wrdreg s24  }
0x11: {  	s2 =	sshrl.u32 s17, $0x2;
	s20 =	sadd.s32 s10, s1;
	[dreg:$0x19] =	wrdreg s23  }
0x12: {  	[dreg:$0x4] =	wrdreg s7;
	s7 =	sadd.s32 $0xA000, s7;
	s9 =	sadd.s32 s2, s1  }
0x13: {  	s2 =	sadd.s32 $0x3200, s10;
	[dreg:$0x13] =	wrdreg s20;
	s20 =	simm.s32 $0x6  }
0x14: {  	[dreg:$0x5] =	wrdreg s7;
	s7 =	sadd.s32 $0x9C400, s6;
	s21 =	sadd.s32 s6, s2  }
0x15: {  	s6 =	sadd.s32 s6, s25;
	s19 =	sadd.s32 $0x3200, s9;
	s24 =	sadd.s32 $0x6400, s9  }
0x16: {  	[dreg:$0x7] =	wrdreg s9;
	s8 =	sshrl.u32 s21, $0x3;
	s26 =	sadd.s32 s10, s7  }
0x17: {  	s31 =	sadd.s32 s2, s7;
	s6 =	sshrl.u32 s6, $0x3;
	s16 =	sadd.s32 s11, s7  }
0x18: {  	s17 =	sadd.s32 s12, s7;
	s7 =	sadd.s32 s25, s7;
	[dreg:$0x12] =	wrdreg s19  }
0x19: {  	s21 =	sadd.s32 s2, s1;
	s25 =	sadd.s32 s25, s1;
	[dreg:$0x16] =	wrdreg s24  }
0x1a: {  	s2 =	simm.s32 $0x5000;
	s12 =	simm.s32 $0x7;
	s10 =	simm.s32 $0x9  }
0x1b: {  	s19 =	simm.s32 $0x0;
	s24 =	simm.s32 $0x2800;
	s8 =	sadd.s32 s0, s8  }
0x1c: {  	s13 =	sshrl.u32 s26, $0x3;
	s14 =	sshrl.u32 s31, $0x3;
	[dreg:$0x14] =	wrdreg s21  }
0x1d: {  	s6 =	sadd.s32 s0, s6;
	s7 =	sshrl.u32 s7, $0x3;
	[dreg:$0x9] =	wrdreg s8  }
0x1e: {  	s26 =	sadd.s32 $0x9600, s9;
	s31 =	sadd.s32 $0xC800, s9;
	[dreg:$0xc] =	wrdreg s6  }
0x1f: {  	s8 =	sadd.s32 s0, s22;
	s13 =	sadd.s32 s0, s13;
	[dreg:$0x17] =	wrdreg s26  }
0x20: {  	s14 =	sadd.s32 s0, s14;
	s6 =	sshrl.u32 s16, $0x3;
	[dreg:$0x18] =	wrdreg s31  }
0x21: {  	s22 =	sadd.s32 s11, s1;
	s11 =	simm.s32 $0x6F40;
	[dreg:$0xa] =	wrdreg s8  }
0x22: {  	s26 =	simm.s32 $0x4;
	s16 =	simm.s32 $0x8;
	[dreg:$0xd] =	wrdreg s13  }
0x23: {  	[dreg:$0xe] =	wrdreg s14;
	s13 =	sshrl.u32 s17, $0x3;
	s6 =	sadd.s32 s0, s6  }
.Ltmp0:
0x24: {  	[dreg:$0x15] =	wrdreg s22;
	s14 =	simm.s32 $0x1;
	(pc) =	sbr.rel .LBB2_1-.Ltmp0, $4  }
0x25: {  	s8 =	simm.s32 $0xADC0;
	s17 =	simm.s32 $0xCD00;
	[dreg:$0xf] =	wrdreg s6  }
0x26: {  	s18 =	sadd.s32 s0, s13;
	s0 =	sadd.s32 s0, s7;
	s13 =	simm.s32 $0x8E80  }
0x27: {  	s6 =	simm.s32 $0x2;
	s7 =	simm.s32 $0x5;
	[dreg:$0x10] =	wrdreg s18  }
0x28: {  	v0 =	vimm.f32 $0.0e+00;
	[dreg:$0x11] =	wrdreg s0;
	s0 =	simm.s32 $0x7D;
	s18 =	simm.s32 $0x3  }
.LBB2_12:
0x29: {  	_ =	swait.ge [sflag:s20], $0x1F40  }
0x2a: {  	[sflag:s20] =	ssyncset.done $0x0  }
0x2b: {  	[sflag:s20] =	ssyncadd.s32 $0xFFFFE0C0  }
0x2c: {  	_ =	swait.ge [sflag:s12], $0x1F40  }
0x2d: {  	[sflag:s12] =	ssyncset.done $0x0  }
0x2e: {  	[sflag:s12] =	ssyncadd.s32 $0xFFFFE0C0  }
0x2f: {  	_ =	swait.ge [sflag:s16], $0x1F40  }
0x30: {  	[sflag:s16] =	ssyncset.done $0x0  }
0x31: {  	[sflag:s16] =	ssyncadd.s32 $0xFFFFE0C0  }
0x32: {  	_ =	swait.ge [sflag:s10], $0x1F40  }
0x33: {  	[sflag:s10] =	ssyncset.done $0x0  }
0x34: {  	[sflag:s10] =	ssyncadd.s32 $0xFFFFE0C0  }
0x35: {  	_ =	swait.ge [sflag:s28], $0x1F40  }
0x36: {  	[sflag:s28] =	ssyncset.done $0x0  }
0x37: {  	[sflag:s28] =	ssyncadd.s32 $0xFFFFE0C0  }
0x38: {  	[bflag:$0x0] =	sbarrier.arrive $0xFFFF  }
0x39: {  	s9 =	simm.s32 @!p0 $0x11E40;
	s15 =	rddreg [dreg:$0x13]  }
0x3a: {  	[tilespmem:s9], [sflag:$0xB] =	stream.linear.gather @!p0 [spmem:s15], $0x3200, $0x38;
	[tilespmem:$0x1EC80] =	vst v63  }
0x3b: {  	s15 =	simm.s32 @!p0 $0xB  }
0x3c: {  	_ =	swait.ge @!p0 [sflag:s15], $0x3200  }
0x3d: {  	[sflag:s15] =	ssyncset.done @!p0 $0x0  }
0x3e: {  	s21 =	simm.s32 @!p0 $0x0;
	s22 =	rddreg [dreg:$0xd];
	[sflag:s15] =	ssyncadd.s32 @!p0 $0xFFFFCE00  }
0x3f: {  	[hbm4b:s22+s21] =	stream.linear.scatter @!p0 [tilespmem:s9], [sflag:$0xB], $0x3200, $0x38;
	[tilespmem:$0x1EC80] =	vst v63  }
0x40: {  	_ =	swait.ge @!p0 [sflag:s15], $0x3200  }
0x41: {  	[sflag:s15] =	ssyncset.done @!p0 $0x0  }
0x42: {  	s22 =	rddreg [dreg:$0x14];
	[sflag:s15] =	ssyncadd.s32 @!p0 $0xFFFFCE00  }
0x43: {  	[tilespmem:s9], [sflag:$0xB] =	stream.linear.gather @!p0 [spmem:s22], $0x3200, $0x38;
	[tilespmem:$0x1EC80] =	vst v63  }
0x44: {  	_ =	swait.ge @!p0 [sflag:s15], $0x3200  }
0x45: {  	[sflag:s15] =	ssyncset.done @!p0 $0x0  }
0x46: {  	s22 =	rddreg [dreg:$0xe];
	[sflag:s15] =	ssyncadd.s32 @!p0 $0xFFFFCE00  }
0x47: {  	[hbm4b:s22+s21] =	stream.linear.scatter @!p0 [tilespmem:s9], [sflag:$0xB], $0x3200, $0x38;
	[tilespmem:$0x1EC80] =	vst v63  }
0x48: {  	_ =	swait.ge @!p0 [sflag:s15], $0x3200  }
0x49: {  	[sflag:s15] =	ssyncset.done @!p0 $0x0  }
0x4a: {  	s22 =	rddreg [dreg:$0x15];
	[sflag:s15] =	ssyncadd.s32 @!p0 $0xFFFFCE00  }
0x4b: {  	[tilespmem:s9], [sflag:$0xB] =	stream.linear.gather @!p0 [spmem:s22], $0x3200, $0x38;
	[tilespmem:$0x1EC80] =	vst v63  }
0x4c: {  	_ =	swait.ge @!p0 [sflag:s15], $0x3200  }
0x4d: {  	[sflag:s15] =	ssyncset.done @!p0 $0x0  }
0x4e: {  	s22 =	rddreg [dreg:$0xf];
	[sflag:s15] =	ssyncadd.s32 @!p0 $0xFFFFCE00  }
0x4f: {  	[hbm4b:s22+s21] =	stream.linear.scatter @!p0 [tilespmem:s9], [sflag:$0xB], $0x3200, $0x38;
	[tilespmem:$0x1EC80] =	vst v63  }
0x50: {  	_ =	swait.ge @!p0 [sflag:s15], $0x3200  }
0x51: {  	[sflag:s15] =	ssyncset.done @!p0 $0x0  }
0x52: {  	s22 =	rddreg [dreg:$0x19];
	[sflag:s15] =	ssyncadd.s32 @!p0 $0xFFFFCE00  }
0x53: {  	[tilespmem:s9], [sflag:$0xB] =	stream.linear.gather @!p0 [spmem:s22], $0x3200, $0x38;
	[tilespmem:$0x1EC80] =	vst v63  }
0x54: {  	_ =	swait.ge @!p0 [sflag:s15], $0x3200  }
0x55: {  	[sflag:s15] =	ssyncset.done @!p0 $0x0  }
0x56: {  	s22 =	rddreg [dreg:$0x10];
	[sflag:s15] =	ssyncadd.s32 @!p0 $0xFFFFCE00  }
0x57: {  	[hbm4b:s22+s21] =	stream.linear.scatter @!p0 [tilespmem:s9], [sflag:$0xB], $0x3200, $0x38;
	[tilespmem:$0x1EC80] =	vst v63  }
0x58: {  	_ =	swait.ge @!p0 [sflag:s15], $0x3200  }
0x59: {  	[sflag:s15] =	ssyncset.done @!p0 $0x0  }
0x5a: {  	[sflag:s15] =	ssyncadd.s32 @!p0 $0xFFFFCE00  }
0x5b: {  	[tilespmem:s9], [sflag:$0xB] =	stream.linear.gather @!p0 [spmem:s25], $0x3200, $0x38;
	[tilespmem:$0x1EC80] =	vst v63  }
0x5c: {  	_ =	swait.ge @!p0 [sflag:s15], $0x3200  }
0x5d: {  	[sflag:s15] =	ssyncset.done @!p0 $0x0  }
0x5e: {  	s22 =	rddreg [dreg:$0x11];
	[sflag:s15] =	ssyncadd.s32 @!p0 $0xFFFFCE00  }
0x5f: {  	[hbm4b:s22+s21] =	stream.linear.scatter @!p0 [tilespmem:s9], [sflag:$0xB], $0x3200, $0x38;
	[tilespmem:$0x1EC80] =	vst v63  }
0x60: {  	_ =	swait.ge @!p0 [sflag:s15], $0x3200  }
0x61: {  	s19 =	sadd.s32 $0x1, s19;
	s31 =	rddreg [dreg:$0x6]  }
0x62: {  	p1 =	sne.s32 s19, s31  }
.Ltmp1:
0x63: {  	_ = 	snop;
	(pc) =	sbr.rel @!p1 .LBB2_13-.Ltmp1, $3  }
0x64: {  	[sflag:s15] =	ssyncset.done @!p0 $0x0  }
0x65: {  	[sflag:s15] =	ssyncadd.s32 @!p0 $0xFFFFCE00  }
0x66: {  	[bflag:$0x0] =	sbarrier.arrive $0xFFFF;
	_ =	sdelay $0x1  }
.LBB2_1:
0x67: {  	s15 =	sand.u32 $0xFF00, s3  }
0x68: {  	s21 =	sand.u32 $0x30, s3;
	s31 =	sshrl.u32 s15, $0x2  }
0x69: {  	s15 =	simm.s32 $0x40;
	s31 =	sor.u32 s21, s31;
	s21 =	simm.s32 $0x0  }
.LBB2_2:
0x6a: {  	p1 =	sne.s32 s15, $0xC7C0  }
0x6b: {  	[tilespmem:s31+$0xEC40] =	vst v0;
	s21 =	sadd.s32 $0x10, s21;
	s31 =	smov.u32 s15;
	s15 =	sadd.s32 $0x40, s15  }
.Ltmp2:
0x6c: {  	(pc) =	sbr.rel @p1 .LBB2_2-.Ltmp2, $4  }
0x6d: {  	_ = 	snop  }
0x6e: {  	s31 =	sand.u32 $0xFF00, s31  }
0x6f: {  	s9 =	sand.u32 $0x30, s21;
	s31 =	sshrl.u32 s31, $0x2  }
0x70: {  	s31 =	sor.u32 s9, s31  }
0x71: {  	[tilespmem:s31+$0xEC40] =	vst v0;
	s9 =	rddreg [dreg:$0x4]  }
0x72: {  	[tilespmem:s3], [sflag:$0xB] =	stream.linear.gather [hbm4b:s9+s3], $0x2800, $0x38;
	[tilespmem:$0x1EC80] =	vst v63  }
0x73: {  	_ =	swait.ge [sflag:s30], $0x2800  }
0x74: {  	[sflag:s30] =	ssyncset.done $0x0  }
0x75: {  	s22 =	simm.s32 $0x2800;
	s15 =	rddreg [dreg:$0x5];
	[sflag:s30] =	ssyncadd.s32 $0xFFFFD800  }
0x76: {  	[tilespmem:s22], [sflag:$0xB] =	stream.linear.gather [hbm4b:s15+s3], $0x2800, $0x38;
	[tilespmem:$0x1EC80] =	vst v63  }
0x77: {  	_ =	swait.ge [sflag:s30], $0x2800  }
0x78: {  	[sflag:s30] =	ssyncset.done $0x0  }
0x79: {  	s9 =	simm.s32 @!p0 $0xEC40;
	s15 =	rddreg [dreg:$0x7];
	[sflag:s30] =	ssyncadd.s32 $0xFFFFD800  }
0x7a: {  	[spmem:s15] =	stream.linear.scatter @!p0 [tilespmem:s9], [sflag:$0xB], $0x3200, $0x38;
	[tilespmem:$0x1EC80] =	vst v63  }
0x7b: {  	s15 =	simm.s32 @!p0 $0xB  }
0x7c: {  	_ =	swait.ge @!p0 [sflag:s15], $0x3200  }
0x7d: {  	[sflag:s15] =	ssyncset.done @!p0 $0x0  }
0x7e: {  	s21 =	rddreg [dreg:$0x12];
	[sflag:s15] =	ssyncadd.s32 @!p0 $0xFFFFCE00  }
0x7f: {  	[spmem:s21] =	stream.linear.scatter @!p0 [tilespmem:s9], [sflag:$0xB], $0x3200, $0x38;
	[tilespmem:$0x1EC80] =	vst v63  }
0x80: {  	_ =	swait.ge @!p0 [sflag:s15], $0x3200  }
0x81: {  	[sflag:s15] =	ssyncset.done @!p0 $0x0  }
0x82: {  	s21 =	rddreg [dreg:$0x16];
	[sflag:s15] =	ssyncadd.s32 @!p0 $0xFFFFCE00  }
0x83: {  	[spmem:s21] =	stream.linear.scatter @!p0 [tilespmem:s9], [sflag:$0xB], $0x3200, $0x38;
	[tilespmem:$0x1EC80] =	vst v63  }
0x84: {  	_ =	swait.ge @!p0 [sflag:s15], $0x3200  }
0x85: {  	[sflag:s15] =	ssyncset.done @!p0 $0x0  }
0x86: {  	s21 =	rddreg [dreg:$0x17];
	[sflag:s15] =	ssyncadd.s32 @!p0 $0xFFFFCE00  }
0x87: {  	[spmem:s21] =	stream.linear.scatter @!p0 [tilespmem:s9], [sflag:$0xB], $0x3200, $0x38;
	[tilespmem:$0x1EC80] =	vst v63  }
0x88: {  	_ =	swait.ge @!p0 [sflag:s15], $0x3200  }
0x89: {  	[sflag:s15] =	ssyncset.done @!p0 $0x0  }
0x8a: {  	s21 =	rddreg [dreg:$0x18];
	[sflag:s15] =	ssyncadd.s32 @!p0 $0xFFFFCE00  }
0x8b: {  	[spmem:s21] =	stream.linear.scatter @!p0 [tilespmem:s9], [sflag:$0xB], $0x3200, $0x38;
	[tilespmem:$0x1EC80] =	vst v63  }
0x8c: {  	_ =	swait.ge @!p0 [sflag:s15], $0x3200  }
0x8d: {  	[sflag:s15] =	ssyncset.done @!p0 $0x0  }
0x8e: {  	[sflag:s15] =	ssyncadd.s32 @!p0 $0xFFFFCE00  }
0x8f: {  	s15 =	simm.s32 $0x0;
	[bflag:$0x0] =	sbarrier.arrive $0xFFFF  }
0x90: {  	[tilespmem:s2], [sflag:$0x1] =	stream.indirect.gather [hbm4b:s4+s0], $0x40, s15, s0, $0xb8;
	[tilespmem:$0x1EC80] =	vst v63  }
0x91: {  	s21 =	simm.s32 $0x80  }
0x92: {  	[tilespmem:s11], [sflag:$0x2] =	stream.indirect.gather [hbm4b:s4+s0], $0x40, s21, s0, $0xb8;
	[tilespmem:$0x1EC80] =	vst v63  }
0x93: {  	s23 =	simm.s32 $0x100  }
0x94: {  	[tilespmem:s13], [sflag:$0x3] =	stream.indirect.gather [hbm4b:s4+s0], $0x40, s23, s0, $0xb8;
	[tilespmem:$0x1EC80] =	vst v63  }
0x95: {  	_ =	swait.ge [sflag:s14], $0x1F40  }
0x96: {  	[sflag:s14] =	ssyncset.done $0x0  }
0x97: {  	[sflag:s14] =	ssyncadd.s32 $0xFFFFE0C0  }
0x98: {  	[spmem:s1] =	stream.indirect.scatter.add.f32 [tilespmem:s2], [sflag:$0x6], $0x40, s22, s0, $0xb8;
	[tilespmem:$0x1EC80] =	vst v63  }
0x99: {  	s31 =	simm.s32 $0x180  }
0x9a: {  	[tilespmem:s8], [sflag:$0x4] =	stream.indirect.gather [hbm4b:s4+s0], $0x40, s31, s0, $0xb8;
	[tilespmem:$0x1EC80] =	vst v63  }
0x9b: {  	_ =	swait.ge [sflag:s6], $0x1F40  }
0x9c: {  	[sflag:s6] =	ssyncset.done $0x0  }
0x9d: {  	s21 =	simm.s32 $0x2880;
	[sflag:s6] =	ssyncadd.s32 $0xFFFFE0C0  }
0x9e: {  	[spmem:s1] =	stream.indirect.scatter.add.f32 [tilespmem:s11], [sflag:$0x7], $0x40, s21, s0, $0xb8;
	[tilespmem:$0x1EC80] =	vst v63  }
0x9f: {  	s22 =	simm.s32 $0x200  }
0xa0: {  	[tilespmem:s17], [sflag:$0x5] =	stream.indirect.gather [hbm4b:s4+s0], $0x40, s22, s0, $0xb8;
	[tilespmem:$0x1EC80] =	vst v63  }
0xa1: {  	_ =	swait.ge [sflag:s18], $0x1F40  }
0xa2: {  	[sflag:s18] =	ssyncset.done $0x0  }
0xa3: {  	s23 =	simm.s32 $0x2900;
	[sflag:s18] =	ssyncadd.s32 $0xFFFFE0C0  }
0xa4: {  	[spmem:s1] =	stream.indirect.scatter.add.f32 [tilespmem:s13], [sflag:$0x8], $0x40, s23, s0, $0xb8;
	[tilespmem:$0x1EC80] =	vst v63  }
0xa5: {  	_ =	swait.ge [sflag:s20], $0x1F40  }
0xa6: {  	[sflag:s20] =	ssyncset.done $0x0  }
0xa7: {  	s31 =	simm.s32 $0x280;
	[sflag:s20] =	ssyncadd.s32 $0xFFFFE0C0  }
0xa8: {  	[tilespmem:s2], [sflag:$0x1] =	stream.indirect.gather [hbm4b:s4+s0], $0x40, s31, s0, $0xb8;
	[tilespmem:$0x1EC80] =	vst v63  }
0xa9: {  	_ =	swait.ge [sflag:s26], $0x1F40  }
0xaa: {  	[sflag:s26] =	ssyncset.done $0x0  }
0xab: {  	s21 =	simm.s32 $0x2980;
	[sflag:s26] =	ssyncadd.s32 $0xFFFFE0C0  }
0xac: {  	[spmem:s1] =	stream.indirect.scatter.add.f32 [tilespmem:s8], [sflag:$0x9], $0x40, s21, s0, $0xb8;
	[tilespmem:$0x1EC80] =	vst v63  }
0xad: {  	_ =	swait.ge [sflag:s12], $0x1F40  }
0xae: {  	[sflag:s12] =	ssyncset.done $0x0  }
0xaf: {  	s22 =	simm.s32 $0x300;
	[sflag:s12] =	ssyncadd.s32 $0xFFFFE0C0  }
0xb0: {  	[tilespmem:s11], [sflag:$0x2] =	stream.indirect.gather [hbm4b:s4+s0], $0x40, s22, s0, $0xb8;
	[tilespmem:$0x1EC80] =	vst v63  }
0xb1: {  	_ =	swait.ge [sflag:s7], $0x1F40  }
0xb2: {  	[sflag:s7] =	ssyncset.done $0x0  }
0xb3: {  	s23 =	simm.s32 $0x2A00;
	[sflag:s7] =	ssyncadd.s32 $0xFFFFE0C0  }
0xb4: {  	[spmem:s1] =	stream.indirect.scatter.add.f32 [tilespmem:s17], [sflag:$0xA], $0x40, s23, s0, $0xb8;
	[tilespmem:$0x1EC80] =	vst v63  }
0xb5: {  	_ =	swait.ge [sflag:s16], $0x1F40  }
0xb6: {  	[sflag:s16] =	ssyncset.done $0x0  }
0xb7: {  	s31 =	simm.s32 $0x380;
	[sflag:s16] =	ssyncadd.s32 $0xFFFFE0C0  }
0xb8: {  	[tilespmem:s13], [sflag:$0x3] =	stream.indirect.gather [hbm4b:s4+s0], $0x40, s31, s0, $0xb8;
	[tilespmem:$0x1EC80] =	vst v63  }
.LBB2_4:
0xb9: {  	_ =	swait.ge [sflag:s14], $0x1F40  }
0xba: {  	s21 =	sshra.s32 s15, $0x2;
	[sflag:s14] =	ssyncset.done $0x0  }
0xbb: {  	s9 =	sadd.s32 $0x2A80, s21;
	[sflag:s14] =	ssyncadd.s32 $0xFFFFE0C0  }
0xbc: {  	[spmem:s1] =	stream.indirect.scatter.add.f32 [tilespmem:s2], [sflag:$0x6], $0x40, s9, s0, $0xb8;
	[tilespmem:$0x1EC80] =	vst v63  }
0xbd: {  	_ =	swait.ge [sflag:s10], $0x1F40  }
0xbe: {  	[sflag:s10] =	ssyncset.done $0x0  }
0xbf: {  	s23 =	sadd.s32 $0x400, s21;
	[sflag:s10] =	ssyncadd.s32 $0xFFFFE0C0  }
0xc0: {  	[tilespmem:s8], [sflag:$0x4] =	stream.indirect.gather [hbm4b:s4+s0], $0x40, s23, s0, $0xb8;
	[tilespmem:$0x1EC80] =	vst v63  }
0xc1: {  	_ =	swait.ge [sflag:s6], $0x1F40  }
0xc2: {  	[sflag:s6] =	ssyncset.done $0x0  }
0xc3: {  	s31 =	sadd.s32 $0x2B00, s21;
	[sflag:s6] =	ssyncadd.s32 $0xFFFFE0C0  }
0xc4: {  	[spmem:s1] =	stream.indirect.scatter.add.f32 [tilespmem:s11], [sflag:$0x7], $0x40, s31, s0, $0xb8;
	[tilespmem:$0x1EC80] =	vst v63  }
0xc5: {  	_ =	swait.ge [sflag:s28], $0x1F40  }
0xc6: {  	[sflag:s28] =	ssyncset.done $0x0  }
0xc7: {  	s22 =	sadd.s32 $0x480, s21;
	[sflag:s28] =	ssyncadd.s32 $0xFFFFE0C0  }
0xc8: {  	[tilespmem:s17], [sflag:$0x5] =	stream.indirect.gather [hbm4b:s4+s0], $0x40, s22, s0, $0xb8;
	[tilespmem:$0x1EC80] =	vst v63  }
0xc9: {  	_ =	swait.ge [sflag:s18], $0x1F40  }
0xca: {  	p1 =	seq.s32 s15, $0x8C00;
	[sflag:s18] =	ssyncset.done $0x0  }
0xcb: {  	s9 =	simm.s32 @p1 $0x4;
	s23 =	sadd.s32 $0x2B80, s21;
	[sflag:s18] =	ssyncadd.s32 $0xFFFFE0C0  }
0xcc: {  	[spmem:s1] =	stream.indirect.scatter.add.f32 [tilespmem:s13], [sflag:$0x8], $0x40, s23, s0, $0xb8;
	[tilespmem:$0x1EC80] =	vst v63  }
0xcd: {  	_ =	swait.ge @p1 [sflag:s9], $0x1F40  }
0xce: {  	[sflag:s9] =	ssyncset.done @p1 $0x0  }
0xcf: {  	[sflag:s9] =	ssyncadd.s32 @p1 $0xFFFFE0C0;
	s9 =	sshra.s32 @p1 s15, $0x2  }
0xd0: {  	s31 =	simm.s32 @p1 $0x7D;
	s22 =	simm.s32 @p1 $0xADC0;
	s9 =	sadd.s32 @p1 $0x2C00, s9  }
0xd1: {  	[spmem:s1] =	stream.indirect.scatter.add.f32 @p1 [tilespmem:s22], [sflag:$0x9], $0x40, s9, s31, $0xb8;
	[tilespmem:$0x1EC80] =	vst v63  }
0xd2: {  	s9 =	simm.s32 @!p1 $0x6  }
0xd3: {  	_ =	swait.ge @!p1 [sflag:s9], $0x1F40  }
0xd4: {  	[sflag:s9] =	ssyncset.done @!p1 $0x0  }
0xd5: {  	[sflag:s9] =	ssyncadd.s32 @!p1 $0xFFFFE0C0;
	s9 =	sshra.s32 @!p1 s15, $0x2  }
0xd6: {  	s23 =	simm.s32 @!p1 $0x5000;
	s31 =	simm.s32 @!p1 $0x7D;
	s22 =	sadd.s32 @!p1 $0x500, s9  }
0xd7: {  	[tilespmem:s23], [sflag:$0x1] =	stream.indirect.gather @!p1 [hbm4b:s4+s31], $0x40, s22, s31, $0xb8;
	[tilespmem:$0x1EC80] =	vst v63  }
0xd8: {  	s22 =	simm.s32 @!p1 $0x4  }
0xd9: {  	_ =	swait.ge @!p1 [sflag:s22], $0x1F40  }
0xda: {  	[sflag:s22] =	ssyncset.done @!p1 $0x0  }
0xdb: {  	s23 =	simm.s32 @!p1 $0xADC0;
	[sflag:s22] =	ssyncadd.s32 @!p1 $0xFFFFE0C0;
	s22 =	sadd.s32 @!p1 $0x2C00, s9  }
0xdc: {  	[spmem:s1] =	stream.indirect.scatter.add.f32 @!p1 [tilespmem:s23], [sflag:$0x9], $0x40, s22, s31, $0xb8;
	[tilespmem:$0x1EC80] =	vst v63  }
0xdd: {  	s22 =	simm.s32 @!p1 $0x7  }
0xde: {  	_ =	swait.ge @!p1 [sflag:s22], $0x1F40  }
0xdf: {  	[sflag:s22] =	ssyncset.done @!p1 $0x0  }
0xe0: {  	s9 =	sadd.s32 @!p1 $0x580, s9;
	[sflag:s22] =	ssyncadd.s32 @!p1 $0xFFFFE0C0;
	s22 =	simm.s32 @!p1 $0x6F40  }
0xe1: {  	[tilespmem:s22], [sflag:$0x2] =	stream.indirect.gather @!p1 [hbm4b:s4+s31], $0x40, s9, s31, $0xb8;
	[tilespmem:$0x1EC80] =	vst v63  }
.Ltmp3:
0xe2: {  	_ = 	snop;
	(pc) =	sbr.rel @p1 .LBB2_6-.Ltmp3, $4  }
0xe3: {  	_ =	swait.ge [sflag:s7], $0x1F40  }
0xe4: {  	[sflag:s7] =	ssyncset.done $0x0  }
0xe5: {  	s31 =	sadd.s32 $0x2C80, s21;
	[sflag:s7] =	ssyncadd.s32 $0xFFFFE0C0  }
0xe6: {  	[spmem:s1] =	stream.indirect.scatter.add.f32 [tilespmem:s17], [sflag:$0xA], $0x40, s31, s0, $0xb8;
	[tilespmem:$0x1EC80] =	vst v63  }
.Ltmp4:
0xe7: {  	(pc) =	sbr.rel .LBB2_4-.Ltmp4, $4  }
0xe8: {  	_ =	swait.ge [sflag:s16], $0x1F40  }
0xe9: {  	[sflag:s16] =	ssyncset.done $0x0  }
0xea: {  	s9 =	sadd.s32 $0x600, s21;
	s15 =	sadd.s32 $0xA00, s15;
	[sflag:s16] =	ssyncadd.s32 $0xFFFFE0C0  }
0xeb: {  	[tilespmem:s13], [sflag:$0x3] =	stream.indirect.gather [hbm4b:s4+s0], $0x40, s9, s0, $0xb8;
	[tilespmem:$0x1EC80] =	vst v63  }
.LBB2_6:
0xec: {  	_ =	swait.ge [sflag:s20], $0x1F40  }
0xed: {  	[sflag:s20] =	ssyncset.done $0x0  }
0xee: {  	[sflag:s20] =	ssyncadd.s32 $0xFFFFE0C0  }
0xef: {  	_ =	swait.ge [sflag:s12], $0x1F40  }
0xf0: {  	[sflag:s12] =	ssyncset.done $0x0  }
0xf1: {  	[sflag:s12] =	ssyncadd.s32 $0xFFFFE0C0  }
0xf2: {  	_ =	swait.ge [sflag:s16], $0x1F40  }
0xf3: {  	[sflag:s16] =	ssyncset.done $0x0  }
0xf4: {  	[sflag:s16] =	ssyncadd.s32 $0xFFFFE0C0  }
0xf5: {  	_ =	swait.ge [sflag:s10], $0x1F40  }
0xf6: {  	[sflag:s10] =	ssyncset.done $0x0  }
0xf7: {  	[sflag:s10] =	ssyncadd.s32 $0xFFFFE0C0  }
.Ltmp5:
0xf8: {  	_ =	swait.ge [sflag:s28], $0x1F40;
	(pc) =	sbr.rel @p0 .LBB2_8-.Ltmp5, $3  }
0xf9: {  	[sflag:s28] =	ssyncset.done $0x0  }
0xfa: {  	[sflag:s28] =	ssyncadd.s32 $0xFFFFE0C0  }
0xfb: {  	[bflag:$0x0] =	sbarrier.arrive $0xFFFF;
	_ =	sdelay $0x1  }
0xfc: {  	s9 =	rddreg [dreg:$0x13]  }
0xfd: {  	[tilespmem:s29], [sflag:$0xB] =	stream.linear.gather [spmem:s9], $0x3200, $0x38;
	[tilespmem:$0x1EC80] =	vst v63  }
0xfe: {  	_ =	swait.ge [sflag:s30], $0x3200  }
0xff: {  	[sflag:s30] =	ssyncset.done $0x0  }
0x100: {  	s21 =	rddreg [dreg:$0x8];
	[sflag:s30] =	ssyncadd.s32 $0xFFFFCE00  }
0x101: {  	[hbm4b:s21+s3] =	stream.linear.scatter [tilespmem:s29], [sflag:$0xB], $0x3200, $0x38;
	[tilespmem:$0x1EC80] =	vst v63  }
0x102: {  	_ =	swait.ge [sflag:s30], $0x3200  }
0x103: {  	[sflag:s30] =	ssyncset.done $0x0  }
0x104: {  	s15 =	rddreg [dreg:$0x14];
	[sflag:s30] =	ssyncadd.s32 $0xFFFFCE00  }
0x105: {  	[tilespmem:s29], [sflag:$0xB] =	stream.linear.gather [spmem:s15], $0x3200, $0x38;
	[tilespmem:$0x1EC80] =	vst v63  }
0x106: {  	_ =	swait.ge [sflag:s30], $0x3200  }
0x107: {  	[sflag:s30] =	ssyncset.done $0x0  }
0x108: {  	s22 =	rddreg [dreg:$0x9];
	[sflag:s30] =	ssyncadd.s32 $0xFFFFCE00  }
0x109: {  	[hbm4b:s22+s3] =	stream.linear.scatter [tilespmem:s29], [sflag:$0xB], $0x3200, $0x38;
	[tilespmem:$0x1EC80] =	vst v63  }
0x10a: {  	_ =	swait.ge [sflag:s30], $0x3200  }
0x10b: {  	[sflag:s30] =	ssyncset.done $0x0  }
0x10c: {  	s21 =	rddreg [dreg:$0x15];
	[sflag:s30] =	ssyncadd.s32 $0xFFFFCE00  }
0x10d: {  	[tilespmem:s29], [sflag:$0xB] =	stream.linear.gather [spmem:s21], $0x3200, $0x38;
	[tilespmem:$0x1EC80] =	vst v63  }
0x10e: {  	_ =	swait.ge [sflag:s30], $0x3200  }
0x10f: {  	[sflag:s30] =	ssyncset.done $0x0  }
0x110: {  	s23 =	rddreg [dreg:$0xa];
	[sflag:s30] =	ssyncadd.s32 $0xFFFFCE00  }
0x111: {  	[hbm4b:s23+s3] =	stream.linear.scatter [tilespmem:s29], [sflag:$0xB], $0x3200, $0x38;
	[tilespmem:$0x1EC80] =	vst v63  }
0x112: {  	_ =	swait.ge [sflag:s30], $0x3200  }
0x113: {  	[sflag:s30] =	ssyncset.done $0x0  }
0x114: {  	s22 =	rddreg [dreg:$0x19];
	[sflag:s30] =	ssyncadd.s32 $0xFFFFCE00  }
0x115: {  	[tilespmem:s29], [sflag:$0xB] =	stream.linear.gather [spmem:s22], $0x3200, $0x38;
	[tilespmem:$0x1EC80] =	vst v63  }
0x116: {  	_ =	swait.ge [sflag:s30], $0x3200  }
0x117: {  	[sflag:s30] =	ssyncset.done $0x0  }
0x118: {  	s31 =	rddreg [dreg:$0xb];
	[sflag:s30] =	ssyncadd.s32 $0xFFFFCE00  }
0x119: {  	[hbm4b:s31+s3] =	stream.linear.scatter [tilespmem:s29], [sflag:$0xB], $0x3200, $0x38;
	[tilespmem:$0x1EC80] =	vst v63  }
0x11a: {  	_ =	swait.ge [sflag:s30], $0x3200  }
0x11b: {  	[sflag:s30] =	ssyncset.done $0x0  }
0x11c: {  	[sflag:s30] =	ssyncadd.s32 $0xFFFFCE00  }
0x11d: {  	[tilespmem:s29], [sflag:$0xB] =	stream.linear.gather [spmem:s25], $0x3200, $0x38;
	[tilespmem:$0x1EC80] =	vst v63  }
0x11e: {  	_ =	swait.ge [sflag:s30], $0x3200  }
0x11f: {  	[sflag:s30] =	ssyncset.done $0x0  }
0x120: {  	s23 =	rddreg [dreg:$0xc];
	[sflag:s30] =	ssyncadd.s32 $0xFFFFCE00  }
0x121: {  	[hbm4b:s23+s3] =	stream.linear.scatter [tilespmem:s29], [sflag:$0xB], $0x3200, $0x38;
	[tilespmem:$0x1EC80] =	vst v63  }
0x122: {  	_ =	swait.ge [sflag:s30], $0x3200  }
0x123: {  	[sflag:s30] =	ssyncset.done $0x0  }
0x124: {  	[sflag:s30] =	ssyncadd.s32 $0xFFFFCE00  }
0x125: {  	[bflag:$0x0] =	sbarrier.arrive $0xFFFF  }
0x126: {  	s23 =	simm.s32 $0xEC40;
	s31 =	rddreg [dreg:$0x7]  }
0x127: {  	[spmem:s31] =	stream.linear.scatter [tilespmem:s23], [sflag:$0xB], $0x3200, $0x38;
	[tilespmem:$0x1EC80] =	vst v63  }
0x128: {  	_ =	swait.ge [sflag:s30], $0x3200  }
0x129: {  	[sflag:s30] =	ssyncset.done $0x0  }
0x12a: {  	[sflag:s30] =	ssyncadd.s32 $0xFFFFCE00  }
0x12b: {  	[spmem:s15] =	stream.linear.scatter [tilespmem:s23], [sflag:$0xB], $0x3200, $0x38;
	[tilespmem:$0x1EC80] =	vst v63  }
0x12c: {  	_ =	swait.ge [sflag:s30], $0x3200  }
0x12d: {  	[sflag:s30] =	ssyncset.done $0x0  }
0x12e: {  	[sflag:s30] =	ssyncadd.s32 $0xFFFFCE00  }
0x12f: {  	[spmem:s21] =	stream.linear.scatter [tilespmem:s23], [sflag:$0xB], $0x3200, $0x38;
	[tilespmem:$0x1EC80] =	vst v63  }
0x130: {  	_ =	swait.ge [sflag:s30], $0x3200  }
0x131: {  	[sflag:s30] =	ssyncset.done $0x0  }
0x132: {  	[sflag:s30] =	ssyncadd.s32 $0xFFFFCE00  }
0x133: {  	[spmem:s22] =	stream.linear.scatter [tilespmem:s23], [sflag:$0xB], $0x3200, $0x38;
	[tilespmem:$0x1EC80] =	vst v63  }
0x134: {  	_ =	swait.ge [sflag:s30], $0x3200  }
0x135: {  	[sflag:s30] =	ssyncset.done $0x0  }
.Ltmp6:
0x136: {  	[sflag:s30] =	ssyncadd.s32 $0xFFFFCE00;
	(pc) =	sbr.rel .LBB2_9-.Ltmp6, $4  }
0x137: {  	[spmem:s25] =	stream.linear.scatter [tilespmem:s23], [sflag:$0xB], $0x3200, $0x38;
	[tilespmem:$0x1EC80] =	vst v63  }
0x138: {  	_ =	swait.ge [sflag:s30], $0x3200  }
0x139: {  	[sflag:s30] =	ssyncset.done $0x0  }
0x13a: {  	[sflag:s30] =	ssyncadd.s32 $0xFFFFCE00  }
.LBB2_8:
0x13b: {  	[bflag:$0x0] =	sbarrier.arrive $0xFFFF  }
.LBB2_9:
0x13c: {  	[bflag:$0x0] =	sbarrier.arrive $0xFFFF;
	s15 =	simm.s32 $0x0  }
0x13d: {  	[tilespmem:s2], [sflag:$0x1] =	stream.indirect.gather [hbm4b:s5+s0], $0x40, s15, s0, $0xb8;
	[tilespmem:$0x1EC80] =	vst v63  }
0x13e: {  	s9 =	simm.s32 $0x80  }
0x13f: {  	[tilespmem:s11], [sflag:$0x2] =	stream.indirect.gather [hbm4b:s5+s0], $0x40, s9, s0, $0xb8;
	[tilespmem:$0x1EC80] =	vst v63  }
0x140: {  	s23 =	simm.s32 $0x100  }
0x141: {  	[tilespmem:s13], [sflag:$0x3] =	stream.indirect.gather [hbm4b:s5+s0], $0x40, s23, s0, $0xb8;
	[tilespmem:$0x1EC80] =	vst v63  }
0x142: {  	_ =	swait.ge [sflag:s14], $0x1F40  }
0x143: {  	[sflag:s14] =	ssyncset.done $0x0  }
0x144: {  	[sflag:s14] =	ssyncadd.s32 $0xFFFFE0C0  }
0x145: {  	[spmem:s1] =	stream.indirect.scatter.add.f32 [tilespmem:s2], [sflag:$0x6], $0x40, s24, s0, $0xb8;
	[tilespmem:$0x1EC80] =	vst v63  }
0x146: {  	s31 =	simm.s32 $0x180  }
0x147: {  	[tilespmem:s8], [sflag:$0x4] =	stream.indirect.gather [hbm4b:s5+s0], $0x40, s31, s0, $0xb8;
	[tilespmem:$0x1EC80] =	vst v63  }
0x148: {  	_ =	swait.ge [sflag:s6], $0x1F40  }
0x149: {  	[sflag:s6] =	ssyncset.done $0x0  }
0x14a: {  	s21 =	simm.s32 $0x2880;
	[sflag:s6] =	ssyncadd.s32 $0xFFFFE0C0  }
0x14b: {  	[spmem:s1] =	stream.indirect.scatter.add.f32 [tilespmem:s11], [sflag:$0x7], $0x40, s21, s0, $0xb8;
	[tilespmem:$0x1EC80] =	vst v63  }
0x14c: {  	s22 =	simm.s32 $0x200  }
0x14d: {  	[tilespmem:s17], [sflag:$0x5] =	stream.indirect.gather [hbm4b:s5+s0], $0x40, s22, s0, $0xb8;
	[tilespmem:$0x1EC80] =	vst v63  }
0x14e: {  	_ =	swait.ge [sflag:s18], $0x1F40  }
0x14f: {  	[sflag:s18] =	ssyncset.done $0x0  }
0x150: {  	s23 =	simm.s32 $0x2900;
	[sflag:s18] =	ssyncadd.s32 $0xFFFFE0C0  }
0x151: {  	[spmem:s1] =	stream.indirect.scatter.add.f32 [tilespmem:s13], [sflag:$0x8], $0x40, s23, s0, $0xb8;
	[tilespmem:$0x1EC80] =	vst v63  }
0x152: {  	_ =	swait.ge [sflag:s20], $0x1F40  }
0x153: {  	[sflag:s20] =	ssyncset.done $0x0  }
0x154: {  	s31 =	simm.s32 $0x280;
	[sflag:s20] =	ssyncadd.s32 $0xFFFFE0C0  }
0x155: {  	[tilespmem:s2], [sflag:$0x1] =	stream.indirect.gather [hbm4b:s5+s0], $0x40, s31, s0, $0xb8;
	[tilespmem:$0x1EC80] =	vst v63  }
0x156: {  	_ =	swait.ge [sflag:s26], $0x1F40  }
0x157: {  	[sflag:s26] =	ssyncset.done $0x0  }
0x158: {  	s21 =	simm.s32 $0x2980;
	[sflag:s26] =	ssyncadd.s32 $0xFFFFE0C0  }
0x159: {  	[spmem:s1] =	stream.indirect.scatter.add.f32 [tilespmem:s8], [sflag:$0x9], $0x40, s21, s0, $0xb8;
	[tilespmem:$0x1EC80] =	vst v63  }
0x15a: {  	_ =	swait.ge [sflag:s12], $0x1F40  }
0x15b: {  	[sflag:s12] =	ssyncset.done $0x0  }
0x15c: {  	s22 =	simm.s32 $0x300;
	[sflag:s12] =	ssyncadd.s32 $0xFFFFE0C0  }
0x15d: {  	[tilespmem:s11], [sflag:$0x2] =	stream.indirect.gather [hbm4b:s5+s0], $0x40, s22, s0, $0xb8;
	[tilespmem:$0x1EC80] =	vst v63  }
0x15e: {  	_ =	swait.ge [sflag:s7], $0x1F40  }
0x15f: {  	[sflag:s7] =	ssyncset.done $0x0  }
0x160: {  	s23 =	simm.s32 $0x2A00;
	[sflag:s7] =	ssyncadd.s32 $0xFFFFE0C0  }
0x161: {  	[spmem:s1] =	stream.indirect.scatter.add.f32 [tilespmem:s17], [sflag:$0xA], $0x40, s23, s0, $0xb8;
	[tilespmem:$0x1EC80] =	vst v63  }
0x162: {  	_ =	swait.ge [sflag:s16], $0x1F40  }
0x163: {  	[sflag:s16] =	ssyncset.done $0x0  }
0x164: {  	s31 =	simm.s32 $0x380;
	[sflag:s16] =	ssyncadd.s32 $0xFFFFE0C0  }
0x165: {  	[tilespmem:s13], [sflag:$0x3] =	stream.indirect.gather [hbm4b:s5+s0], $0x40, s31, s0, $0xb8;
	[tilespmem:$0x1EC80] =	vst v63  }
.LBB2_10:
0x166: {  	_ =	swait.ge [sflag:s14], $0x1F40  }
0x167: {  	s21 =	sshra.s32 s15, $0x2;
	[sflag:s14] =	ssyncset.done $0x0  }
0x168: {  	s9 =	sadd.s32 $0x2A80, s21;
	[sflag:s14] =	ssyncadd.s32 $0xFFFFE0C0  }
0x169: {  	[spmem:s1] =	stream.indirect.scatter.add.f32 [tilespmem:s2], [sflag:$0x6], $0x40, s9, s0, $0xb8;
	[tilespmem:$0x1EC80] =	vst v63  }
0x16a: {  	_ =	swait.ge [sflag:s10], $0x1F40  }
0x16b: {  	[sflag:s10] =	ssyncset.done $0x0  }
0x16c: {  	s23 =	sadd.s32 $0x400, s21;
	[sflag:s10] =	ssyncadd.s32 $0xFFFFE0C0  }
0x16d: {  	[tilespmem:s8], [sflag:$0x4] =	stream.indirect.gather [hbm4b:s5+s0], $0x40, s23, s0, $0xb8;
	[tilespmem:$0x1EC80] =	vst v63  }
0x16e: {  	_ =	swait.ge [sflag:s6], $0x1F40  }
0x16f: {  	[sflag:s6] =	ssyncset.done $0x0  }
0x170: {  	s31 =	sadd.s32 $0x2B00, s21;
	[sflag:s6] =	ssyncadd.s32 $0xFFFFE0C0  }
0x171: {  	[spmem:s1] =	stream.indirect.scatter.add.f32 [tilespmem:s11], [sflag:$0x7], $0x40, s31, s0, $0xb8;
	[tilespmem:$0x1EC80] =	vst v63  }
0x172: {  	_ =	swait.ge [sflag:s28], $0x1F40  }
0x173: {  	[sflag:s28] =	ssyncset.done $0x0  }
0x174: {  	s22 =	sadd.s32 $0x480, s21;
	[sflag:s28] =	ssyncadd.s32 $0xFFFFE0C0  }
0x175: {  	[tilespmem:s17], [sflag:$0x5] =	stream.indirect.gather [hbm4b:s5+s0], $0x40, s22, s0, $0xb8;
	[tilespmem:$0x1EC80] =	vst v63  }
0x176: {  	_ =	swait.ge [sflag:s18], $0x1F40  }
0x177: {  	p1 =	seq.s32 s15, $0x8C00;
	[sflag:s18] =	ssyncset.done $0x0  }
0x178: {  	s9 =	simm.s32 @p1 $0x4;
	s23 =	sadd.s32 $0x2B80, s21;
	[sflag:s18] =	ssyncadd.s32 $0xFFFFE0C0  }
0x179: {  	[spmem:s1] =	stream.indirect.scatter.add.f32 [tilespmem:s13], [sflag:$0x8], $0x40, s23, s0, $0xb8;
	[tilespmem:$0x1EC80] =	vst v63  }
0x17a: {  	_ =	swait.ge @p1 [sflag:s9], $0x1F40  }
0x17b: {  	[sflag:s9] =	ssyncset.done @p1 $0x0  }
0x17c: {  	[sflag:s9] =	ssyncadd.s32 @p1 $0xFFFFE0C0;
	s9 =	sshra.s32 @p1 s15, $0x2  }
0x17d: {  	s22 =	simm.s32 @p1 $0x7D;
	s23 =	simm.s32 @p1 $0xADC0;
	s9 =	sadd.s32 @p1 $0x2C00, s9  }
0x17e: {  	[spmem:s1] =	stream.indirect.scatter.add.f32 @p1 [tilespmem:s23], [sflag:$0x9], $0x40, s9, s22, $0xb8;
	[tilespmem:$0x1EC80] =	vst v63  }
0x17f: {  	s9 =	simm.s32 @!p1 $0x6  }
0x180: {  	_ =	swait.ge @!p1 [sflag:s9], $0x1F40  }
0x181: {  	[sflag:s9] =	ssyncset.done @!p1 $0x0  }
0x182: {  	[sflag:s9] =	ssyncadd.s32 @!p1 $0xFFFFE0C0;
	s9 =	sshra.s32 @!p1 s15, $0x2  }
0x183: {  	s31 =	simm.s32 @!p1 $0x5000;
	s23 =	simm.s32 @!p1 $0x7D;
	s22 =	sadd.s32 @!p1 $0x500, s9  }
0x184: {  	[tilespmem:s31], [sflag:$0x1] =	stream.indirect.gather @!p1 [hbm4b:s5+s23], $0x40, s22, s23, $0xb8;
	[tilespmem:$0x1EC80] =	vst v63  }
0x185: {  	s22 =	simm.s32 @!p1 $0x4  }
0x186: {  	_ =	swait.ge @!p1 [sflag:s22], $0x1F40  }
0x187: {  	[sflag:s22] =	ssyncset.done @!p1 $0x0  }
0x188: {  	s31 =	simm.s32 @!p1 $0xADC0;
	[sflag:s22] =	ssyncadd.s32 @!p1 $0xFFFFE0C0;
	s22 =	sadd.s32 @!p1 $0x2C00, s9  }
0x189: {  	[spmem:s1] =	stream.indirect.scatter.add.f32 @!p1 [tilespmem:s31], [sflag:$0x9], $0x40, s22, s23, $0xb8;
	[tilespmem:$0x1EC80] =	vst v63  }
0x18a: {  	s22 =	simm.s32 @!p1 $0x7  }
0x18b: {  	_ =	swait.ge @!p1 [sflag:s22], $0x1F40  }
0x18c: {  	[sflag:s22] =	ssyncset.done @!p1 $0x0  }
0x18d: {  	s9 =	sadd.s32 @!p1 $0x580, s9;
	[sflag:s22] =	ssyncadd.s32 @!p1 $0xFFFFE0C0;
	s22 =	simm.s32 @!p1 $0x6F40  }
0x18e: {  	[tilespmem:s22], [sflag:$0x2] =	stream.indirect.gather @!p1 [hbm4b:s5+s23], $0x40, s9, s23, $0xb8;
	[tilespmem:$0x1EC80] =	vst v63  }
.Ltmp7:
0x18f: {  	_ = 	snop;
	(pc) =	sbr.rel @p1 .LBB2_12-.Ltmp7, $4  }
0x190: {  	_ =	swait.ge [sflag:s7], $0x1F40  }
0x191: {  	[sflag:s7] =	ssyncset.done $0x0  }
0x192: {  	s31 =	sadd.s32 $0x2C80, s21;
	[sflag:s7] =	ssyncadd.s32 $0xFFFFE0C0  }
0x193: {  	[spmem:s1] =	stream.indirect.scatter.add.f32 [tilespmem:s17], [sflag:$0xA], $0x40, s31, s0, $0xb8;
	[tilespmem:$0x1EC80] =	vst v63  }
.Ltmp8:
0x194: {  	(pc) =	sbr.rel .LBB2_10-.Ltmp8, $4  }
0x195: {  	_ =	swait.ge [sflag:s16], $0x1F40  }
0x196: {  	[sflag:s16] =	ssyncset.done $0x0  }
0x197: {  	s9 =	sadd.s32 $0x600, s21;
	s15 =	sadd.s32 $0xA00, s15;
	[sflag:s16] =	ssyncadd.s32 $0xFFFFE0C0  }
0x198: {  	[tilespmem:s13], [sflag:$0x3] =	stream.indirect.gather [hbm4b:s5+s0], $0x40, s9, s0, $0xb8;
	[tilespmem:$0x1EC80] =	vst v63  }
.LBB2_13:
0x199: {  	_ =	sfence.sel $0x180000  }
0x19a: {  	[bflag:$0x0] =	sbarrier.arrive $0xFFFF  }
0x19b: {  	_ =	strace $0x9000004A  }
0x19c: {  	s0 =	stileid.u32;
	[bflag:$0x2] =	sbarrier.arrive $0xFFFF  }
0x19d: {  	p0 =	sne.s32 s0, $0x0;
	s0 =	rddreg [dreg:$0x3]  }
0x19e: {  	s0 =	sadd.s32 @!p0 $0x100000, s0  }
0x19f: {  	[sflag:s0] =	ssyncadd.tile.s32 @!p0 $0x1;
	_ =	shalt  }
.Lfunc_end2:
_tile_overlayer_lowered:
.L_overlay_start_2:
0x1a0: {  	(tag) =	ssettag $0x2  }
0x1a1: {  	s0 =	rddreg [dreg:$0x0];
	s2 =	stileid.u32  }
0x1a2: {  	s1 =	rddreg [dreg:$0x1];
	p0 =	sne.s32 s2, $0x0  }
0x1a3: {  	s3 =	rddreg [dreg:$0x2];
	[bflag:$0x3] =	sbarrier.arrive $0xFFFF;
	s2 =	simm.s32 @!p0 $0x1C0B  }
0x1a4: {  	[timem:s3], [sflag:s2] =	dma.local @!p0 [hbm:s0], s1  }
0x1a5: {  	s0 =	simm.s32 @!p0 $0xB  }
0x1a6: {  	_ =	swait.ge @!p0 [sflag:s0], s1  }
0x1a7: {  	s1 =	ssub.s32 @!p0 $0x0, s1;
	[sflag:s0] =	ssyncset.done @!p0 $0x0  }
0x1a8: {  	[sflag:s0] =	ssyncadd.s32 @!p0 s1  }
0x1a9: {  	[bflag:$0x3] =	sbarrier.arrive $0xFFFF  }
0x1aa: {  	_ =	shalt  }

// kernel: kernel.14.cloned.1.call-start
scs
__scs_entry_jumppad:
0x0: {  	(pc) =	sbr.rel $0x88, $3  }
0x1: {  	(tag) =	ssettag $0x0;
	lr =	simm.s32 $0x1  }
0x2: {  	[smem:$0x3F9D] =	sst lr;
	_ =	strace $0xD0000000  }
0x3: {  	_ = 	snop  }
0x4: {  	_ = 	snop  }
0x5: {  	_ = 	snop  }
0x6: {  	_ = 	snop  }
0x7: {  	_ = 	snop  }
__scs_overlays_trampoline_lowered:
0x8: {  	[smem:$0x3FAC] =	sst s0  }
0x9: {  	[smem:$0x3FAD] =	sst s1  }
0xa: {  	[smem:$0x3FAE] =	sst s2  }
0xb: {  	[smem:$0x3FAF] =	sst s3  }
0xc: {  	[smem:$0x3FB0] =	sst s4  }
0xd: {  	[smem:$0x3FB1] =	sst s5  }
0xe: {  	[smem:$0x3FB2] =	sst s6  }
0xf: {  	[smem:$0x3FB3] =	sst s7  }
0x10: {  	[smem:$0x3FB4] =	sst s8  }
0x11: {  	[smem:$0x3FB5] =	sst s9;
	s0 =	simm.s32 @!p0 $0x0  }
0x12: {  	s1 =	sld [smem:$0x3F9B];
	s0 =	simm.s32 @p0 $0x1  }
0x13: {  	[smem:$0x3FB6] =	sst s0;
	s0 =	simm.s32 @!p1 $0x0  }
0x14: {  	s2 =	sld [smem:$0x3F9A];
	s0 =	simm.s32 @p1 $0x1  }
0x15: {  	[smem:$0x3FB7] =	sst s0;
	s0 =	simm.s32 @!p2 $0x0  }
0x16: {  	s3 =	sld [smem:$0x3FDB];
	s0 =	simm.s32 @p2 $0x1  }
0x17: {  	s4 =	simm.s32 $0x1BF5;
	[smem:$0x3FB9] =	sst s0  }
0x18: {  	s0 =	sld [smem:$0x3F9C];
	_ =	swait.ge [sflag:s4], $0x0  }
0x19: {  	s7 =	sld [smem:$0x3F9D]  }
0x1a: {  	s8 =	sadd.s32 $0xFFFFE003, lr  }
0x1b: {  	s9 =	sadd.s32 $0xFFFFFEF7, lr;
	s5 =	simm.s32 $0xFFFFFFFF;
	p2 =	slt.u32 s8, $0xFFFFF086  }
0x1c: {  	p1 =	slt.u32 s9, $0xF7A;
	s5 =	simm.s32 @!p2 $0x0  }
0x1d: {  	s5 =	simm.s32 @p1 $0x1;
	p0 =	seq.s32 s7, s2  }
0x1e: {  	s7 =	smul.u32 @!p0 $0xF7A, s2;
	p2 =	seq.s32 @!p0 s5, $0x0  }
0x1f: {  	s9 =	smul.u32 $0xF7A, s1;
	s8 =	simm.s32 @!p0 $0x1BF5;
	p2 =	por !p2, p0  }
0x20: {  	[sflag:s8] =	ssyncset.s32 @!p0 $0xFFFFF086;
	s6 =	sadd.s32 @!p0 s3, s7;
	s7 =	simm.s32 @!p0 $0x108  }
0x21: {  	s3 =	sadd.s32 s3, s9;
	s6 =	sadd.s32 @!p0 $0x88, s6;
	s7 =	simm.s32 @p2 $0x1082  }
0x22: {  	[simem:s7], [sflag:s8] =	dma.local @!p0 [hbm:s6], $0xF7A  }
0x23: {  	s9 =	sor.u32 $0xD0000000, s2;
	s6 =	simm.s32 $0x108;
	_ =	swait.ge @!p0 [sflag:s8], $0x0  }
0x24: {  	s3 =	sadd.s32 $0x88, s3;
	s6 =	simm.s32 @!p1 $0x1082;
	[sflag:s4] =	ssyncset.s32 $0xFFFFF086  }
0x25: {  	[simem:s6], [sflag:s4] =	dma.local [hbm:s3], $0xF7A  }
0x26: {  	[smem:$0x3F9D] =	sst s1;
	(tag) =	ssettag s2;
	_ =	strace s9  }
0x27: {  	s1 =	sld [smem:$0x3FAD]  }
0x28: {  	s2 =	sld [smem:$0x3FAE]  }
0x29: {  	s4 =	sld [smem:$0x3FB0]  }
0x2a: {  	p0 =	seq.s32 s5, $0x0;
	s5 =	sld [smem:$0x3FB1]  }
0x2b: {  	s6 =	sld [smem:$0x3FB2]  }
0x2c: {  	s7 =	sld [smem:$0x3FB3]  }
0x2d: {  	s3 =	simm.s32 $0x108;
	s8 =	sld [smem:$0x3FB4]  }
0x2e: {  	s3 =	simm.s32 @!p0 $0x1082;
	s9 =	sld [smem:$0x3FB5]  }
0x2f: {  	lr =	sadd.s32 s0, s3;
	s0 =	sld [smem:$0x3FAC]  }
0x30: {  	s3 =	sld [smem:$0x3FAF]  }
0x31: {  	[smem:$0x3FB8] =	sst s10  }
0x32: {  	s10 =	sld [smem:$0x3FB6];
	_ =	sdelay $0x3  }
0x33: {  	p0 =	seq.s32 s10, $0x1;
	s10 =	sld [smem:$0x3FB8];
	_ =	sdelay $0x3  }
0x34: {  	[smem:$0x3FB8] =	sst s10  }
0x35: {  	s10 =	sld [smem:$0x3FB7];
	_ =	sdelay $0x3  }
0x36: {  	p1 =	seq.s32 s10, $0x1;
	s10 =	sld [smem:$0x3FB8];
	_ =	sdelay $0x3  }
0x37: {  	[smem:$0x3FB8] =	sst s10  }
0x38: {  	s10 =	sld [smem:$0x3FB9]  }
0x39: {  	_ = 	snop;
	(pc) =	sbr.ind lr, $3  }
0x3a: {  	_ = 	snop  }
0x3b: {  	_ = 	snop  }
0x3c: {  	p2 =	seq.s32 s10, $0x1;
	s10 =	sld [smem:$0x3FB8]  }
0x3d: {  	_ =	shalt  }
0x3e: {  	_ =	shalt  }
0x3f: {  	_ =	shalt  }
0x40: {  	_ =	shalt  }
0x41: {  	_ =	shalt  }
0x42: {  	_ =	shalt  }
0x43: {  	_ =	shalt  }
0x44: {  	_ =	shalt  }
0x45: {  	_ =	shalt  }
0x46: {  	_ =	shalt  }
0x47: {  	_ =	shalt  }
0x48: {  	_ =	shalt  }
0x49: {  	_ =	shalt  }
0x4a: {  	_ =	shalt  }
0x4b: {  	_ =	shalt  }
0x4c: {  	_ =	shalt  }
0x4d: {  	_ =	shalt  }
0x4e: {  	_ =	shalt  }
0x4f: {  	_ =	shalt  }
0x50: {  	_ =	shalt  }
0x51: {  	_ =	shalt  }
0x52: {  	_ =	shalt  }
0x53: {  	_ =	shalt  }
0x54: {  	_ =	shalt  }
0x55: {  	_ =	shalt  }
0x56: {  	_ =	shalt  }
0x57: {  	_ =	shalt  }
0x58: {  	_ =	shalt  }
0x59: {  	_ =	shalt  }
0x5a: {  	_ =	shalt  }
0x5b: {  	_ =	shalt  }
0x5c: {  	_ =	shalt  }
0x5d: {  	_ =	shalt  }
0x5e: {  	_ =	shalt  }
0x5f: {  	_ =	shalt  }
0x60: {  	_ =	shalt  }
0x61: {  	_ =	shalt  }
0x62: {  	_ =	shalt  }
0x63: {  	_ =	shalt  }
0x64: {  	_ =	shalt  }
0x65: {  	_ =	shalt  }
0x66: {  	_ =	shalt  }
0x67: {  	_ =	shalt  }
0x68: {  	_ =	shalt  }
0x69: {  	_ =	shalt  }
0x6a: {  	_ =	shalt  }
0x6b: {  	_ =	shalt  }
0x6c: {  	_ =	shalt  }
0x6d: {  	_ =	shalt  }
0x6e: {  	_ =	shalt  }
0x6f: {  	_ =	shalt  }
0x70: {  	_ =	shalt  }
0x71: {  	_ =	shalt  }
0x72: {  	_ =	shalt  }
0x73: {  	_ =	shalt  }
0x74: {  	_ =	shalt  }
0x75: {  	_ =	shalt  }
0x76: {  	_ =	shalt  }
0x77: {  	_ =	shalt  }
0x78: {  	_ =	shalt  }
0x79: {  	_ =	shalt  }
0x7a: {  	_ =	shalt  }
0x7b: {  	_ =	shalt  }
0x7c: {  	_ =	shalt  }
0x7d: {  	_ =	shalt  }
0x7e: {  	_ =	shalt  }
0x7f: {  	_ =	shalt  }
0x80: {  	_ =	shalt  }
0x81: {  	_ =	shalt  }
0x82: {  	_ =	shalt  }
0x83: {  	_ =	shalt  }
0x84: {  	_ =	shalt  }
0x85: {  	_ =	shalt  }
0x86: {  	_ =	shalt  }
0x87: {  	_ =	shalt  }
.Lfunc_end0:
.L_simem_size_0:
called_computation.2_lowered:
.L_overlay_start_0:
0x88: {  	s2 =	sld [smem:$0x3FD9]  }
0x89: {  	s3 =	sld [smem:$0x3FFE];
	_ =	sdelay $0x1  }
0x8a: {  	s1 =	srdreg.scid  }
0x8b: {  	s0 =	sand.u32 $0x1, s1  }
0x8c: {  	s17 =	sshll.u32 s0, $0xA;
	s2 =	sadd.s32 s3, s2  }
0x8d: {  	s2 =	sadd.s32 s2, s17  }
0x8e: {  	[smem:$0x3FC4] =	sst s2  }
0x8f: {  	_ = 	snop  }
0x90: {  	s2 =	sld [smem:$0x3FD0];
	(tm) =	ssettm $0x1  }
0x91: {  	s18 =	sld [smem:$0x3FFB];
	_ =	sdelay $0x3  }
0x92: {  	_ =	strace s18  }
0x93: {  	s3 =	sld [smem:$0x3FFC];
	_ =	sdelay $0x3  }
0x94: {  	_ =	strace s3  }
0x95: {  	s3 =	sld [smem:$0x3FFD];
	_ =	sdelay $0x3  }
0x96: {  	_ =	strace s3  }
0x97: {  	_ =	strace $0x8FFFFFFF  }
0x98: {  	s19 =	sld [smem:$0x3FDB];
	_ =	sdelay $0x1  }
0x99: {  	s4 =	simm.s32 $_scs_section_size  }
0x9a: {  	s5 =	simm.s32 $_size__tile_overlayer_lowered;
	s6 =	simm.s32 $_tile_overlayer_lowered  }
0x9b: {  	s22 =	simm.s32 $0x1BFF;
	s21 =	sshll.u32 s6, $0x1;
	s3 =	sadd.s32 s4, s19  }
0x9c: {  	s7 =	simm.s32 $0x0;
	s20 =	sshll.u32 s5, $0x1;
	s5 =	sadd.s32 s21, s3  }
0x9d: {  	[timem:s7], [sflag:s22] =	dma.local [hbm:s5], s20  }
0x9e: {  	_ =	swait.ge [sflag:s22], s20  }
0x9f: {  	s4 =	ssub.s32 $0x0, s20;
	[sflag:s22] =	ssyncset.done $0x0  }
0xa0: {  	[sflag:s22] =	ssyncadd.s32 s4;
	_ =	sdelay $0x1  }
0xa1: {  	s23 =	simm.s32 $0x1B8B  }
0xa2: {  	_ =	swait.ge [sflag:s23], $0x1  }
0xa3: {  	[sflag:s23] =	ssyncset.done $0x0  }
0xa4: {  	s25 =	simm.s32 $0x1B8E;
	s24 =	sld [smem:$0x3FFE];
	[sflag:s23] =	ssyncadd.s32 $0xFFFFFFFF  }
0xa5: {  	s26 =	simm.s32 $execute0_lowered;
	[smem:$0x3FD2] =	sst s25  }
0xa6: {  	s5 =	sshll.u32 s26, $0x1;
	_ =	strace $0x8000004C;
	[dreg:$0x1] =	wrdreg $0xFFFFFFFF  }
0xa7: {  	s28 =	simm.s32 $_size_execute0_lowered;
	s3 =	sadd.s32 s3, s5;
	[dreg:$0x0] =	wrdreg $0x0  }
0xa8: {  	s5 =	sshll.u32 s28, $0x1;
	[dreg:$0x2] =	wrdreg s3  }
0xa9: {  	[dreg:$0x3] =	wrdreg s5  }
0xaa: {  	[dreg:$0x4] =	wrdreg $0xC0  }
0xab: {  	_ =	task [dreg:s7], $0x5FFFF  }
0xac: {  	[dreg:$0x1] =	wrdreg $0xFFFFFFFF  }
0xad: {  	[dreg:$0x0] =	wrdreg $0x60  }
0xae: {  	[dreg:$0x2] =	wrdreg s24  }
0xaf: {  	[dreg:$0x3] =	wrdreg s2  }
0xb0: {  	[dreg:$0x4] =	wrdreg $0x150400  }
0xb1: {  	[dreg:$0x5] =	wrdreg $0x9  }
0xb2: {  	_ =	task.clear_ibuf [dreg:s7], $0x6FFFF;
	_ =	strace $0x9000004C  }
0xb3: {  	s29 =	simm.s32 $0x9;
	_ =	strace $0x8000004E  }
0xb4: {  	_ =	swait.ge [sflag:s29], $0x1  }
0xb5: {  	[sflag:s29] =	ssyncadd.s32 $0xFFFFFFFF  }
0xb6: {  	_ =	strace $0x9000004E  }
0xb7: {  	_ =	sfence  }
0xb8: {  	s30 =	sld [smem:$0x0];
	_ =	sdelay $0x2  }
0xb9: {  	s31 =	sshll.u32 s1, $0xD;
	s1 =	sshrl.u32 s1, $0x2  }
0xba: {  	s3 =	sand.u32 $0x4000, s31;
	s1 =	sadd.s32 s1, s30  }
0xbb: {  	s0 =	sor.u32 s3, s0;
	s1 =	sshll.u32 s1, $0x11  }
0xbc: {  	s0 =	sor.u32 s1, s0  }
0xbd: {  	s0 =	sadd.s32 $0x8F2B, s0  }
0xbe: {  	[sflag:s0] =	ssyncadd.remote.s32 $0x1  }
0xbf: {  	_ =	sfence.sel $0xFFFF  }
0xc0: {  	[dreg:$0x0] =	wrdreg $0xFFFFFFFF;
	(pc) =	sbr.abs _section_cstart, $3  }
0xc1: {  	[dreg:$0x1] =	wrdreg $0xFFFFFFFF  }
0xc2: {  	_ =	task.clear_ibuf [dreg:s7], $0x2FFFF;
	_ =	strace $0x9FFFFFFF  }
0xc3: {  	(tm) =	ssettm $0x7FFFFFFF  }
tec
execute0_lowered:
.L_overlay_start_1:
0x0: {  	(tag) =	ssettag $0x1  }
0x1: {  	s0 =	rddreg [dreg:$0x0]  }
0x2: {  	s2 =	rddreg [dreg:$0x1]  }
0x3: {  	s1 =	rddreg [dreg:$0x2];
	s4 =	srdreg.scid  }
0x4: {  	s3 =	simm.s32 $0x0;
	s15 =	stileid.u32;
	s30 =	simm.s32 $0xB  }
0x5: {  	s28 =	simm.s32 $0xA;
	s29 =	simm.s32 $0x11E40;
	s6 =	sand.u32 $0x1, s4  }
0x6: {  	[smem:$0x7FF] =	sst s3;
	s5 =	sadd.s32 $0x2000, s0;
	s10 =	smul.u32 $0xFA00, s15  }
0x7: {  	s17 =	smul.u32 $0x3E800, s15;
	p0 =	sgt.u32 s15, $0x9;
	s4 =	sshll.u32 s6, $0x4  }
0x8: {  	_ =	strace $0x8000004D;
	s8 =	ssub.s32 $0x2, s6;
	s6 =	smul.u32 $0x138800, s6  }
0x9: {  	s7 =	sor.u32 s15, s4;
	s4 =	sadd.s32 $0x15A00, s0;
	s0 =	sadd.s32 $0x29400, s0  }
0xa: {  	s9 =	sshrl.u32 s8, $0x1;
	s11 =	sadd.s32 $0x6400, s10;
	s12 =	sadd.s32 $0x9600, s10  }
0xb: {  	s25 =	sadd.s32 $0xC800, s10;
	s7 =	smul.u32 $0x2800, s7;
	s8 =	ssub.s32 s8, s9  }
0xc: {  	s18 =	sadd.s32 s6, s10;
	s13 =	sadd.s32 s6, s11;
	s14 =	sadd.s32 s6, s12  }
0xd: {  	s8 =	smax.u32 s8, $0x1;
	s19 =	sshrl.u32 s18, $0x3;
	s22 =	sshrl.u32 s13, $0x3  }
0xe: {  	s23 =	sshrl.u32 s14, $0x3;
	[dreg:$0x6] =	wrdreg s8;
	s20 =	sadd.s32 s0, s19  }
0xf: {  	s7 =	sshrl.u32 s7, $0x3;
	s24 =	sadd.s32 s0, s23;
	[dreg:$0x8] =	wrdreg s20  }
0x10: {  	s23 =	sadd.s32 s12, s1;
	s7 =	sadd.s32 s2, s7;
	[dreg:$0xb] =	wrdreg s24  }
0x11: {  	s2 =	sshrl.u32 s17, $0x2;
	s20 =	sadd.s32 s10, s1;
	[dreg:$0x19] =	wrdreg s23  }
0x12: {  	[dreg:$0x4] =	wrdreg s7;
	s7 =	sadd.s32 $0xA000, s7;
	s9 =	sadd.s32 s2, s1  }
0x13: {  	s2 =	sadd.s32 $0x3200, s10;
	[dreg:$0x13] =	wrdreg s20;
	s20 =	simm.s32 $0x6  }
0x14: {  	[dreg:$0x5] =	wrdreg s7;
	s7 =	sadd.s32 $0x9C400, s6;
	s21 =	sadd.s32 s6, s2  }
0x15: {  	s6 =	sadd.s32 s6, s25;
	s19 =	sadd.s32 $0x3200, s9;
	s24 =	sadd.s32 $0x6400, s9  }
0x16: {  	[dreg:$0x7] =	wrdreg s9;
	s8 =	sshrl.u32 s21, $0x3;
	s26 =	sadd.s32 s10, s7  }
0x17: {  	s31 =	sadd.s32 s2, s7;
	s6 =	sshrl.u32 s6, $0x3;
	s16 =	sadd.s32 s11, s7  }
0x18: {  	s17 =	sadd.s32 s12, s7;
	s7 =	sadd.s32 s25, s7;
	[dreg:$0x12] =	wrdreg s19  }
0x19: {  	s21 =	sadd.s32 s2, s1;
	s25 =	sadd.s32 s25, s1;
	[dreg:$0x16] =	wrdreg s24  }
0x1a: {  	s2 =	simm.s32 $0x5000;
	s12 =	simm.s32 $0x7;
	s10 =	simm.s32 $0x9  }
0x1b: {  	s19 =	simm.s32 $0x0;
	s24 =	simm.s32 $0x2800;
	s8 =	sadd.s32 s0, s8  }
0x1c: {  	s13 =	sshrl.u32 s26, $0x3;
	s14 =	sshrl.u32 s31, $0x3;
	[dreg:$0x14] =	wrdreg s21  }
0x1d: {  	s6 =	sadd.s32 s0, s6;
	s7 =	sshrl.u32 s7, $0x3;
	[dreg:$0x9] =	wrdreg s8  }
0x1e: {  	s26 =	sadd.s32 $0x9600, s9;
	s31 =	sadd.s32 $0xC800, s9;
	[dreg:$0xc] =	wrdreg s6  }
0x1f: {  	s8 =	sadd.s32 s0, s22;
	s13 =	sadd.s32 s0, s13;
	[dreg:$0x17] =	wrdreg s26  }
0x20: {  	s14 =	sadd.s32 s0, s14;
	s6 =	sshrl.u32 s16, $0x3;
	[dreg:$0x18] =	wrdreg s31  }
0x21: {  	s22 =	sadd.s32 s11, s1;
	s11 =	simm.s32 $0x6F40;
	[dreg:$0xa] =	wrdreg s8  }
0x22: {  	s26 =	simm.s32 $0x4;
	s16 =	simm.s32 $0x8;
	[dreg:$0xd] =	wrdreg s13  }
0x23: {  	[dreg:$0xe] =	wrdreg s14;
	s13 =	sshrl.u32 s17, $0x3;
	s6 =	sadd.s32 s0, s6  }
.Ltmp0:
0x24: {  	[dreg:$0x15] =	wrdreg s22;
	s14 =	simm.s32 $0x1;
	(pc) =	sbr.rel .LBB2_1-.Ltmp0, $4  }
0x25: {  	s8 =	simm.s32 $0xADC0;
	s17 =	simm.s32 $0xCD00;
	[dreg:$0xf] =	wrdreg s6  }
0x26: {  	s18 =	sadd.s32 s0, s13;
	s0 =	sadd.s32 s0, s7;
	s13 =	simm.s32 $0x8E80  }
0x27: {  	s6 =	simm.s32 $0x2;
	s7 =	simm.s32 $0x5;
	[dreg:$0x10] =	wrdreg s18  }
0x28: {  	v0 =	vimm.f32 $0.0e+00;
	[dreg:$0x11] =	wrdreg s0;
	s0 =	simm.s32 $0x7D;
	s18 =	simm.s32 $0x3  }
.LBB2_12:
0x29: {  	_ =	swait.ge [sflag:s20], $0x1F40  }
0x2a: {  	[sflag:s20] =	ssyncset.done $0x0  }
0x2b: {  	[sflag:s20] =	ssyncadd.s32 $0xFFFFE0C0  }
0x2c: {  	_ =	swait.ge [sflag:s12], $0x1F40  }
0x2d: {  	[sflag:s12] =	ssyncset.done $0x0  }
0x2e: {  	[sflag:s12] =	ssyncadd.s32 $0xFFFFE0C0  }
0x2f: {  	_ =	swait.ge [sflag:s16], $0x1F40  }
0x30: {  	[sflag:s16] =	ssyncset.done $0x0  }
0x31: {  	[sflag:s16] =	ssyncadd.s32 $0xFFFFE0C0  }
0x32: {  	_ =	swait.ge [sflag:s10], $0x1F40  }
0x33: {  	[sflag:s10] =	ssyncset.done $0x0  }
0x34: {  	[sflag:s10] =	ssyncadd.s32 $0xFFFFE0C0  }
0x35: {  	_ =	swait.ge [sflag:s28], $0x1F40  }
0x36: {  	[sflag:s28] =	ssyncset.done $0x0  }
0x37: {  	[sflag:s28] =	ssyncadd.s32 $0xFFFFE0C0  }
0x38: {  	[bflag:$0x0] =	sbarrier.arrive $0xFFFF  }
0x39: {  	s9 =	simm.s32 @!p0 $0x11E40;
	s15 =	rddreg [dreg:$0x13]  }
0x3a: {  	[tilespmem:s9], [sflag:$0xB] =	stream.linear.gather @!p0 [spmem:s15], $0x3200, $0x38;
	[tilespmem:$0x1EC80] =	vst v63  }
0x3b: {  	s15 =	simm.s32 @!p0 $0xB  }
0x3c: {  	_ =	swait.ge @!p0 [sflag:s15], $0x3200  }
0x3d: {  	[sflag:s15] =	ssyncset.done @!p0 $0x0  }
0x3e: {  	s21 =	simm.s32 @!p0 $0x0;
	s22 =	rddreg [dreg:$0xd];
	[sflag:s15] =	ssyncadd.s32 @!p0 $0xFFFFCE00  }
0x3f: {  	[hbm4b:s22+s21] =	stream.linear.scatter @!p0 [tilespmem:s9], [sflag:$0xB], $0x3200, $0x38;
	[tilespmem:$0x1EC80] =	vst v63  }
0x40: {  	_ =	swait.ge @!p0 [sflag:s15], $0x3200  }
0x41: {  	[sflag:s15] =	ssyncset.done @!p0 $0x0  }
0x42: {  	s22 =	rddreg [dreg:$0x14];
	[sflag:s15] =	ssyncadd.s32 @!p0 $0xFFFFCE00  }
0x43: {  	[tilespmem:s9], [sflag:$0xB] =	stream.linear.gather @!p0 [spmem:s22], $0x3200, $0x38;
	[tilespmem:$0x1EC80] =	vst v63  }
0x44: {  	_ =	swait.ge @!p0 [sflag:s15], $0x3200  }
0x45: {  	[sflag:s15] =	ssyncset.done @!p0 $0x0  }
0x46: {  	s22 =	rddreg [dreg:$0xe];
	[sflag:s15] =	ssyncadd.s32 @!p0 $0xFFFFCE00  }
0x47: {  	[hbm4b:s22+s21] =	stream.linear.scatter @!p0 [tilespmem:s9], [sflag:$0xB], $0x3200, $0x38;
	[tilespmem:$0x1EC80] =	vst v63  }
0x48: {  	_ =	swait.ge @!p0 [sflag:s15], $0x3200  }
0x49: {  	[sflag:s15] =	ssyncset.done @!p0 $0x0  }
0x4a: {  	s22 =	rddreg [dreg:$0x15];
	[sflag:s15] =	ssyncadd.s32 @!p0 $0xFFFFCE00  }
0x4b: {  	[tilespmem:s9], [sflag:$0xB] =	stream.linear.gather @!p0 [spmem:s22], $0x3200, $0x38;
	[tilespmem:$0x1EC80] =	vst v63  }
0x4c: {  	_ =	swait.ge @!p0 [sflag:s15], $0x3200  }
0x4d: {  	[sflag:s15] =	ssyncset.done @!p0 $0x0  }
0x4e: {  	s22 =	rddreg [dreg:$0xf];
	[sflag:s15] =	ssyncadd.s32 @!p0 $0xFFFFCE00  }
0x4f: {  	[hbm4b:s22+s21] =	stream.linear.scatter @!p0 [tilespmem:s9], [sflag:$0xB], $0x3200, $0x38;
	[tilespmem:$0x1EC80] =	vst v63  }
0x50: {  	_ =	swait.ge @!p0 [sflag:s15], $0x3200  }
0x51: {  	[sflag:s15] =	ssyncset.done @!p0 $0x0  }
0x52: {  	s22 =	rddreg [dreg:$0x19];
	[sflag:s15] =	ssyncadd.s32 @!p0 $0xFFFFCE00  }
0x53: {  	[tilespmem:s9], [sflag:$0xB] =	stream.linear.gather @!p0 [spmem:s22], $0x3200, $0x38;
	[tilespmem:$0x1EC80] =	vst v63  }
0x54: {  	_ =	swait.ge @!p0 [sflag:s15], $0x3200  }
0x55: {  	[sflag:s15] =	ssyncset.done @!p0 $0x0  }
0x56: {  	s22 =	rddreg [dreg:$0x10];
	[sflag:s15] =	ssyncadd.s32 @!p0 $0xFFFFCE00  }
0x57: {  	[hbm4b:s22+s21] =	stream.linear.scatter @!p0 [tilespmem:s9], [sflag:$0xB], $0x3200, $0x38;
	[tilespmem:$0x1EC80] =	vst v63  }
0x58: {  	_ =	swait.ge @!p0 [sflag:s15], $0x3200  }
0x59: {  	[sflag:s15] =	ssyncset.done @!p0 $0x0  }
0x5a: {  	[sflag:s15] =	ssyncadd.s32 @!p0 $0xFFFFCE00  }
0x5b: {  	[tilespmem:s9], [sflag:$0xB] =	stream.linear.gather @!p0 [spmem:s25], $0x3200, $0x38;
	[tilespmem:$0x1EC80] =	vst v63  }
0x5c: {  	_ =	swait.ge @!p0 [sflag:s15], $0x3200  }
0x5d: {  	[sflag:s15] =	ssyncset.done @!p0 $0x0  }
0x5e: {  	s22 =	rddreg [dreg:$0x11];
	[sflag:s15] =	ssyncadd.s32 @!p0 $0xFFFFCE00  }
0x5f: {  	[hbm4b:s22+s21] =	stream.linear.scatter @!p0 [tilespmem:s9], [sflag:$0xB], $0x3200, $0x38;
	[tilespmem:$0x1EC80] =	vst v63  }
0x60: {  	_ =	swait.ge @!p0 [sflag:s15], $0x3200  }
0x61: {  	s19 =	sadd.s32 $0x1, s19;
	s31 =	rddreg [dreg:$0x6]  }
0x62: {  	p1 =	sne.s32 s19, s31  }
.Ltmp1:
0x63: {  	_ = 	snop;
	(pc) =	sbr.rel @!p1 .LBB2_13-.Ltmp1, $3  }
0x64: {  	[sflag:s15] =	ssyncset.done @!p0 $0x0  }
0x65: {  	[sflag:s15] =	ssyncadd.s32 @!p0 $0xFFFFCE00  }
0x66: {  	[bflag:$0x0] =	sbarrier.arrive $0xFFFF;
	_ =	sdelay $0x1  }
.LBB2_1:
0x67: {  	s15 =	sand.u32 $0xFF00, s3  }
0x68: {  	s21 =	sand.u32 $0x30, s3;
	s31 =	sshrl.u32 s15, $0x2  }
0x69: {  	s15 =	simm.s32 $0x40;
	s31 =	sor.u32 s21, s31;
	s21 =	simm.s32 $0x0  }
.LBB2_2:
0x6a: {  	p1 =	sne.s32 s15, $0xC7C0  }
0x6b: {  	[tilespmem:s31+$0xEC40] =	vst v0;
	s21 =	sadd.s32 $0x10, s21;
	s31 =	smov.u32 s15;
	s15 =	sadd.s32 $0x40, s15  }
.Ltmp2:
0x6c: {  	(pc) =	sbr.rel @p1 .LBB2_2-.Ltmp2, $4  }
0x6d: {  	_ = 	snop  }
0x6e: {  	s31 =	sand.u32 $0xFF00, s31  }
0x6f: {  	s9 =	sand.u32 $0x30, s21;
	s31 =	sshrl.u32 s31, $0x2  }
0x70: {  	s31 =	sor.u32 s9, s31  }
0x71: {  	[tilespmem:s31+$0xEC40] =	vst v0;
	s9 =	rddreg [dreg:$0x4]  }
0x72: {  	[tilespmem:s3], [sflag:$0xB] =	stream.linear.gather [hbm4b:s9+s3], $0x2800, $0x38;
	[tilespmem:$0x1EC80] =	vst v63  }
0x73: {  	_ =	swait.ge [sflag:s30], $0x2800  }
0x74: {  	[sflag:s30] =	ssyncset.done $0x0  }
0x75: {  	s22 =	simm.s32 $0x2800;
	s15 =	rddreg [dreg:$0x5];
	[sflag:s30] =	ssyncadd.s32 $0xFFFFD800  }
0x76: {  	[tilespmem:s22], [sflag:$0xB] =	stream.linear.gather [hbm4b:s15+s3], $0x2800, $0x38;
	[tilespmem:$0x1EC80] =	vst v63  }
0x77: {  	_ =	swait.ge [sflag:s30], $0x2800  }
0x78: {  	[sflag:s30] =	ssyncset.done $0x0  }
0x79: {  	s9 =	simm.s32 @!p0 $0xEC40;
	s15 =	rddreg [dreg:$0x7];
	[sflag:s30] =	ssyncadd.s32 $0xFFFFD800  }
0x7a: {  	[spmem:s15] =	stream.linear.scatter @!p0 [tilespmem:s9], [sflag:$0xB], $0x3200, $0x38;
	[tilespmem:$0x1EC80] =	vst v63  }
0x7b: {  	s15 =	simm.s32 @!p0 $0xB  }
0x7c: {  	_ =	swait.ge @!p0 [sflag:s15], $0x3200  }
0x7d: {  	[sflag:s15] =	ssyncset.done @!p0 $0x0  }
0x7e: {  	s21 =	rddreg [dreg:$0x12];
	[sflag:s15] =	ssyncadd.s32 @!p0 $0xFFFFCE00  }
0x7f: {  	[spmem:s21] =	stream.linear.scatter @!p0 [tilespmem:s9], [sflag:$0xB], $0x3200, $0x38;
	[tilespmem:$0x1EC80] =	vst v63  }
0x80: {  	_ =	swait.ge @!p0 [sflag:s15], $0x3200  }
0x81: {  	[sflag:s15] =	ssyncset.done @!p0 $0x0  }
0x82: {  	s21 =	rddreg [dreg:$0x16];
	[sflag:s15] =	ssyncadd.s32 @!p0 $0xFFFFCE00  }
0x83: {  	[spmem:s21] =	stream.linear.scatter @!p0 [tilespmem:s9], [sflag:$0xB], $0x3200, $0x38;
	[tilespmem:$0x1EC80] =	vst v63  }
0x84: {  	_ =	swait.ge @!p0 [sflag:s15], $0x3200  }
0x85: {  	[sflag:s15] =	ssyncset.done @!p0 $0x0  }
0x86: {  	s21 =	rddreg [dreg:$0x17];
	[sflag:s15] =	ssyncadd.s32 @!p0 $0xFFFFCE00  }
0x87: {  	[spmem:s21] =	stream.linear.scatter @!p0 [tilespmem:s9], [sflag:$0xB], $0x3200, $0x38;
	[tilespmem:$0x1EC80] =	vst v63  }
0x88: {  	_ =	swait.ge @!p0 [sflag:s15], $0x3200  }
0x89: {  	[sflag:s15] =	ssyncset.done @!p0 $0x0  }
0x8a: {  	s21 =	rddreg [dreg:$0x18];
	[sflag:s15] =	ssyncadd.s32 @!p0 $0xFFFFCE00  }
0x8b: {  	[spmem:s21] =	stream.linear.scatter @!p0 [tilespmem:s9], [sflag:$0xB], $0x3200, $0x38;
	[tilespmem:$0x1EC80] =	vst v63  }
0x8c: {  	_ =	swait.ge @!p0 [sflag:s15], $0x3200  }
0x8d: {  	[sflag:s15] =	ssyncset.done @!p0 $0x0  }
0x8e: {  	[sflag:s15] =	ssyncadd.s32 @!p0 $0xFFFFCE00  }
0x8f: {  	s15 =	simm.s32 $0x0;
	[bflag:$0x0] =	sbarrier.arrive $0xFFFF  }
0x90: {  	[tilespmem:s2], [sflag:$0x1] =	stream.indirect.gather [hbm4b:s4+s0], $0x40, s15, s0, $0xb8;
	[tilespmem:$0x1EC80] =	vst v63  }
0x91: {  	s21 =	simm.s32 $0x80  }
0x92: {  	[tilespmem:s11], [sflag:$0x2] =	stream.indirect.gather [hbm4b:s4+s0], $0x40, s21, s0, $0xb8;
	[tilespmem:$0x1EC80] =	vst v63  }
0x93: {  	s23 =	simm.s32 $0x100  }
0x94: {  	[tilespmem:s13], [sflag:$0x3] =	stream.indirect.gather [hbm4b:s4+s0], $0x40, s23, s0, $0xb8;
	[tilespmem:$0x1EC80] =	vst v63  }
0x95: {  	_ =	swait.ge [sflag:s14], $0x1F40  }
0x96: {  	[sflag:s14] =	ssyncset.done $0x0  }
0x97: {  	[sflag:s14] =	ssyncadd.s32 $0xFFFFE0C0  }
0x98: {  	[spmem:s1] =	stream.indirect.scatter.add.f32 [tilespmem:s2], [sflag:$0x6], $0x40, s22, s0, $0xb8;
	[tilespmem:$0x1EC80] =	vst v63  }
0x99: {  	s31 =	simm.s32 $0x180  }
0x9a: {  	[tilespmem:s8], [sflag:$0x4] =	stream.indirect.gather [hbm4b:s4+s0], $0x40, s31, s0, $0xb8;
	[tilespmem:$0x1EC80] =	vst v63  }
0x9b: {  	_ =	swait.ge [sflag:s6], $0x1F40  }
0x9c: {  	[sflag:s6] =	ssyncset.done $0x0  }
0x9d: {  	s21 =	simm.s32 $0x2880;
	[sflag:s6] =	ssyncadd.s32 $0xFFFFE0C0  }
0x9e: {  	[spmem:s1] =	stream.indirect.scatter.add.f32 [tilespmem:s11], [sflag:$0x7], $0x40, s21, s0, $0xb8;
	[tilespmem:$0x1EC80] =	vst v63  }
0x9f: {  	s22 =	simm.s32 $0x200  }
0xa0: {  	[tilespmem:s17], [sflag:$0x5] =	stream.indirect.gather [hbm4b:s4+s0], $0x40, s22, s0, $0xb8;
	[tilespmem:$0x1EC80] =	vst v63  }
0xa1: {  	_ =	swait.ge [sflag:s18], $0x1F40  }
0xa2: {  	[sflag:s18] =	ssyncset.done $0x0  }
0xa3: {  	s23 =	simm.s32 $0x2900;
	[sflag:s18] =	ssyncadd.s32 $0xFFFFE0C0  }
0xa4: {  	[spmem:s1] =	stream.indirect.scatter.add.f32 [tilespmem:s13], [sflag:$0x8], $0x40, s23, s0, $0xb8;
	[tilespmem:$0x1EC80] =	vst v63  }
0xa5: {  	_ =	swait.ge [sflag:s20], $0x1F40  }
0xa6: {  	[sflag:s20] =	ssyncset.done $0x0  }
0xa7: {  	s31 =	simm.s32 $0x280;
	[sflag:s20] =	ssyncadd.s32 $0xFFFFE0C0  }
0xa8: {  	[tilespmem:s2], [sflag:$0x1] =	stream.indirect.gather [hbm4b:s4+s0], $0x40, s31, s0, $0xb8;
	[tilespmem:$0x1EC80] =	vst v63  }
0xa9: {  	_ =	swait.ge [sflag:s26], $0x1F40  }
0xaa: {  	[sflag:s26] =	ssyncset.done $0x0  }
0xab: {  	s21 =	simm.s32 $0x2980;
	[sflag:s26] =	ssyncadd.s32 $0xFFFFE0C0  }
0xac: {  	[spmem:s1] =	stream.indirect.scatter.add.f32 [tilespmem:s8], [sflag:$0x9], $0x40, s21, s0, $0xb8;
	[tilespmem:$0x1EC80] =	vst v63  }
0xad: {  	_ =	swait.ge [sflag:s12], $0x1F40  }
0xae: {  	[sflag:s12] =	ssyncset.done $0x0  }
0xaf: {  	s22 =	simm.s32 $0x300;
	[sflag:s12] =	ssyncadd.s32 $0xFFFFE0C0  }
0xb0: {  	[tilespmem:s11], [sflag:$0x2] =	stream.indirect.gather [hbm4b:s4+s0], $0x40, s22, s0, $0xb8;
	[tilespmem:$0x1EC80] =	vst v63  }
0xb1: {  	_ =	swait.ge [sflag:s7], $0x1F40  }
0xb2: {  	[sflag:s7] =	ssyncset.done $0x0  }
0xb3: {  	s23 =	simm.s32 $0x2A00;
	[sflag:s7] =	ssyncadd.s32 $0xFFFFE0C0  }
0xb4: {  	[spmem:s1] =	stream.indirect.scatter.add.f32 [tilespmem:s17], [sflag:$0xA], $0x40, s23, s0, $0xb8;
	[tilespmem:$0x1EC80] =	vst v63  }
0xb5: {  	_ =	swait.ge [sflag:s16], $0x1F40  }
0xb6: {  	[sflag:s16] =	ssyncset.done $0x0  }
0xb7: {  	s31 =	simm.s32 $0x380;
	[sflag:s16] =	ssyncadd.s32 $0xFFFFE0C0  }
0xb8: {  	[tilespmem:s13], [sflag:$0x3] =	stream.indirect.gather [hbm4b:s4+s0], $0x40, s31, s0, $0xb8;
	[tilespmem:$0x1EC80] =	vst v63  }
.LBB2_4:
0xb9: {  	_ =	swait.ge [sflag:s14], $0x1F40  }
0xba: {  	s21 =	sshra.s32 s15, $0x2;
	[sflag:s14] =	ssyncset.done $0x0  }
0xbb: {  	s9 =	sadd.s32 $0x2A80, s21;
	[sflag:s14] =	ssyncadd.s32 $0xFFFFE0C0  }
0xbc: {  	[spmem:s1] =	stream.indirect.scatter.add.f32 [tilespmem:s2], [sflag:$0x6], $0x40, s9, s0, $0xb8;
	[tilespmem:$0x1EC80] =	vst v63  }
0xbd: {  	_ =	swait.ge [sflag:s10], $0x1F40  }
0xbe: {  	[sflag:s10] =	ssyncset.done $0x0  }
0xbf: {  	s23 =	sadd.s32 $0x400, s21;
	[sflag:s10] =	ssyncadd.s32 $0xFFFFE0C0  }
0xc0: {  	[tilespmem:s8], [sflag:$0x4] =	stream.indirect.gather [hbm4b:s4+s0], $0x40, s23, s0, $0xb8;
	[tilespmem:$0x1EC80] =	vst v63  }
0xc1: {  	_ =	swait.ge [sflag:s6], $0x1F40  }
0xc2: {  	[sflag:s6] =	ssyncset.done $0x0  }
0xc3: {  	s31 =	sadd.s32 $0x2B00, s21;
	[sflag:s6] =	ssyncadd.s32 $0xFFFFE0C0  }
0xc4: {  	[spmem:s1] =	stream.indirect.scatter.add.f32 [tilespmem:s11], [sflag:$0x7], $0x40, s31, s0, $0xb8;
	[tilespmem:$0x1EC80] =	vst v63  }
0xc5: {  	_ =	swait.ge [sflag:s28], $0x1F40  }
0xc6: {  	[sflag:s28] =	ssyncset.done $0x0  }
0xc7: {  	s22 =	sadd.s32 $0x480, s21;
	[sflag:s28] =	ssyncadd.s32 $0xFFFFE0C0  }
0xc8: {  	[tilespmem:s17], [sflag:$0x5] =	stream.indirect.gather [hbm4b:s4+s0], $0x40, s22, s0, $0xb8;
	[tilespmem:$0x1EC80] =	vst v63  }
0xc9: {  	_ =	swait.ge [sflag:s18], $0x1F40  }
0xca: {  	p1 =	seq.s32 s15, $0x8C00;
	[sflag:s18] =	ssyncset.done $0x0  }
0xcb: {  	s9 =	simm.s32 @p1 $0x4;
	s23 =	sadd.s32 $0x2B80, s21;
	[sflag:s18] =	ssyncadd.s32 $0xFFFFE0C0  }
0xcc: {  	[spmem:s1] =	stream.indirect.scatter.add.f32 [tilespmem:s13], [sflag:$0x8], $0x40, s23, s0, $0xb8;
	[tilespmem:$0x1EC80] =	vst v63  }
0xcd: {  	_ =	swait.ge @p1 [sflag:s9], $0x1F40  }
0xce: {  	[sflag:s9] =	ssyncset.done @p1 $0x0  }
0xcf: {  	[sflag:s9] =	ssyncadd.s32 @p1 $0xFFFFE0C0;
	s9 =	sshra.s32 @p1 s15, $0x2  }
0xd0: {  	s31 =	simm.s32 @p1 $0x7D;
	s22 =	simm.s32 @p1 $0xADC0;
	s9 =	sadd.s32 @p1 $0x2C00, s9  }
0xd1: {  	[spmem:s1] =	stream.indirect.scatter.add.f32 @p1 [tilespmem:s22], [sflag:$0x9], $0x40, s9, s31, $0xb8;
	[tilespmem:$0x1EC80] =	vst v63  }
0xd2: {  	s9 =	simm.s32 @!p1 $0x6  }
0xd3: {  	_ =	swait.ge @!p1 [sflag:s9], $0x1F40  }
0xd4: {  	[sflag:s9] =	ssyncset.done @!p1 $0x0  }
0xd5: {  	[sflag:s9] =	ssyncadd.s32 @!p1 $0xFFFFE0C0;
	s9 =	sshra.s32 @!p1 s15, $0x2  }
0xd6: {  	s23 =	simm.s32 @!p1 $0x5000;
	s31 =	simm.s32 @!p1 $0x7D;
	s22 =	sadd.s32 @!p1 $0x500, s9  }
0xd7: {  	[tilespmem:s23], [sflag:$0x1] =	stream.indirect.gather @!p1 [hbm4b:s4+s31], $0x40, s22, s31, $0xb8;
	[tilespmem:$0x1EC80] =	vst v63  }
0xd8: {  	s22 =	simm.s32 @!p1 $0x4  }
0xd9: {  	_ =	swait.ge @!p1 [sflag:s22], $0x1F40  }
0xda: {  	[sflag:s22] =	ssyncset.done @!p1 $0x0  }
0xdb: {  	s23 =	simm.s32 @!p1 $0xADC0;
	[sflag:s22] =	ssyncadd.s32 @!p1 $0xFFFFE0C0;
	s22 =	sadd.s32 @!p1 $0x2C00, s9  }
0xdc: {  	[spmem:s1] =	stream.indirect.scatter.add.f32 @!p1 [tilespmem:s23], [sflag:$0x9], $0x40, s22, s31, $0xb8;
	[tilespmem:$0x1EC80] =	vst v63  }
0xdd: {  	s22 =	simm.s32 @!p1 $0x7  }
0xde: {  	_ =	swait.ge @!p1 [sflag:s22], $0x1F40  }
0xdf: {  	[sflag:s22] =	ssyncset.done @!p1 $0x0  }
0xe0: {  	s9 =	sadd.s32 @!p1 $0x580, s9;
	[sflag:s22] =	ssyncadd.s32 @!p1 $0xFFFFE0C0;
	s22 =	simm.s32 @!p1 $0x6F40  }
0xe1: {  	[tilespmem:s22], [sflag:$0x2] =	stream.indirect.gather @!p1 [hbm4b:s4+s31], $0x40, s9, s31, $0xb8;
	[tilespmem:$0x1EC80] =	vst v63  }
.Ltmp3:
0xe2: {  	_ = 	snop;
	(pc) =	sbr.rel @p1 .LBB2_6-.Ltmp3, $4  }
0xe3: {  	_ =	swait.ge [sflag:s7], $0x1F40  }
0xe4: {  	[sflag:s7] =	ssyncset.done $0x0  }
0xe5: {  	s31 =	sadd.s32 $0x2C80, s21;
	[sflag:s7] =	ssyncadd.s32 $0xFFFFE0C0  }
0xe6: {  	[spmem:s1] =	stream.indirect.scatter.add.f32 [tilespmem:s17], [sflag:$0xA], $0x40, s31, s0, $0xb8;
	[tilespmem:$0x1EC80] =	vst v63  }
.Ltmp4:
0xe7: {  	(pc) =	sbr.rel .LBB2_4-.Ltmp4, $4  }
0xe8: {  	_ =	swait.ge [sflag:s16], $0x1F40  }
0xe9: {  	[sflag:s16] =	ssyncset.done $0x0  }
0xea: {  	s9 =	sadd.s32 $0x600, s21;
	s15 =	sadd.s32 $0xA00, s15;
	[sflag:s16] =	ssyncadd.s32 $0xFFFFE0C0  }
0xeb: {  	[tilespmem:s13], [sflag:$0x3] =	stream.indirect.gather [hbm4b:s4+s0], $0x40, s9, s0, $0xb8;
	[tilespmem:$0x1EC80] =	vst v63  }
.LBB2_6:
0xec: {  	_ =	swait.ge [sflag:s20], $0x1F40  }
0xed: {  	[sflag:s20] =	ssyncset.done $0x0  }
0xee: {  	[sflag:s20] =	ssyncadd.s32 $0xFFFFE0C0  }
0xef: {  	_ =	swait.ge [sflag:s12], $0x1F40  }
0xf0: {  	[sflag:s12] =	ssyncset.done $0x0  }
0xf1: {  	[sflag:s12] =	ssyncadd.s32 $0xFFFFE0C0  }
0xf2: {  	_ =	swait.ge [sflag:s16], $0x1F40  }
0xf3: {  	[sflag:s16] =	ssyncset.done $0x0  }
0xf4: {  	[sflag:s16] =	ssyncadd.s32 $0xFFFFE0C0  }
0xf5: {  	_ =	swait.ge [sflag:s10], $0x1F40  }
0xf6: {  	[sflag:s10] =	ssyncset.done $0x0  }
0xf7: {  	[sflag:s10] =	ssyncadd.s32 $0xFFFFE0C0  }
.Ltmp5:
0xf8: {  	_ =	swait.ge [sflag:s28], $0x1F40;
	(pc) =	sbr.rel @p0 .LBB2_8-.Ltmp5, $3  }
0xf9: {  	[sflag:s28] =	ssyncset.done $0x0  }
0xfa: {  	[sflag:s28] =	ssyncadd.s32 $0xFFFFE0C0  }
0xfb: {  	[bflag:$0x0] =	sbarrier.arrive $0xFFFF;
	_ =	sdelay $0x1  }
0xfc: {  	s9 =	rddreg [dreg:$0x13]  }
0xfd: {  	[tilespmem:s29], [sflag:$0xB] =	stream.linear.gather [spmem:s9], $0x3200, $0x38;
	[tilespmem:$0x1EC80] =	vst v63  }
0xfe: {  	_ =	swait.ge [sflag:s30], $0x3200  }
0xff: {  	[sflag:s30] =	ssyncset.done $0x0  }
0x100: {  	s21 =	rddreg [dreg:$0x8];
	[sflag:s30] =	ssyncadd.s32 $0xFFFFCE00  }
0x101: {  	[hbm4b:s21+s3] =	stream.linear.scatter [tilespmem:s29], [sflag:$0xB], $0x3200, $0x38;
	[tilespmem:$0x1EC80] =	vst v63  }
0x102: {  	_ =	swait.ge [sflag:s30], $0x3200  }
0x103: {  	[sflag:s30] =	ssyncset.done $0x0  }
0x104: {  	s15 =	rddreg [dreg:$0x14];
	[sflag:s30] =	ssyncadd.s32 $0xFFFFCE00  }
0x105: {  	[tilespmem:s29], [sflag:$0xB] =	stream.linear.gather [spmem:s15], $0x3200, $0x38;
	[tilespmem:$0x1EC80] =	vst v63  }
0x106: {  	_ =	swait.ge [sflag:s30], $0x3200  }
0x107: {  	[sflag:s30] =	ssyncset.done $0x0  }
0x108: {  	s22 =	rddreg [dreg:$0x9];
	[sflag:s30] =	ssyncadd.s32 $0xFFFFCE00  }
0x109: {  	[hbm4b:s22+s3] =	stream.linear.scatter [tilespmem:s29], [sflag:$0xB], $0x3200, $0x38;
	[tilespmem:$0x1EC80] =	vst v63  }
0x10a: {  	_ =	swait.ge [sflag:s30], $0x3200  }
0x10b: {  	[sflag:s30] =	ssyncset.done $0x0  }
0x10c: {  	s21 =	rddreg [dreg:$0x15];
	[sflag:s30] =	ssyncadd.s32 $0xFFFFCE00  }
0x10d: {  	[tilespmem:s29], [sflag:$0xB] =	stream.linear.gather [spmem:s21], $0x3200, $0x38;
	[tilespmem:$0x1EC80] =	vst v63  }
0x10e: {  	_ =	swait.ge [sflag:s30], $0x3200  }
0x10f: {  	[sflag:s30] =	ssyncset.done $0x0  }
0x110: {  	s23 =	rddreg [dreg:$0xa];
	[sflag:s30] =	ssyncadd.s32 $0xFFFFCE00  }
0x111: {  	[hbm4b:s23+s3] =	stream.linear.scatter [tilespmem:s29], [sflag:$0xB], $0x3200, $0x38;
	[tilespmem:$0x1EC80] =	vst v63  }
0x112: {  	_ =	swait.ge [sflag:s30], $0x3200  }
0x113: {  	[sflag:s30] =	ssyncset.done $0x0  }
0x114: {  	s22 =	rddreg [dreg:$0x19];
	[sflag:s30] =	ssyncadd.s32 $0xFFFFCE00  }
0x115: {  	[tilespmem:s29], [sflag:$0xB] =	stream.linear.gather [spmem:s22], $0x3200, $0x38;
	[tilespmem:$0x1EC80] =	vst v63  }
0x116: {  	_ =	swait.ge [sflag:s30], $0x3200  }
0x117: {  	[sflag:s30] =	ssyncset.done $0x0  }
0x118: {  	s31 =	rddreg [dreg:$0xb];
	[sflag:s30] =	ssyncadd.s32 $0xFFFFCE00  }
0x119: {  	[hbm4b:s31+s3] =	stream.linear.scatter [tilespmem:s29], [sflag:$0xB], $0x3200, $0x38;
	[tilespmem:$0x1EC80] =	vst v63  }
0x11a: {  	_ =	swait.ge [sflag:s30], $0x3200  }
0x11b: {  	[sflag:s30] =	ssyncset.done $0x0  }
0x11c: {  	[sflag:s30] =	ssyncadd.s32 $0xFFFFCE00  }
0x11d: {  	[tilespmem:s29], [sflag:$0xB] =	stream.linear.gather [spmem:s25], $0x3200, $0x38;
	[tilespmem:$0x1EC80] =	vst v63  }
0x11e: {  	_ =	swait.ge [sflag:s30], $0x3200  }
0x11f: {  	[sflag:s30] =	ssyncset.done $0x0  }
0x120: {  	s23 =	rddreg [dreg:$0xc];
	[sflag:s30] =	ssyncadd.s32 $0xFFFFCE00  }
0x121: {  	[hbm4b:s23+s3] =	stream.linear.scatter [tilespmem:s29], [sflag:$0xB], $0x3200, $0x38;
	[tilespmem:$0x1EC80] =	vst v63  }
0x122: {  	_ =	swait.ge [sflag:s30], $0x3200  }
0x123: {  	[sflag:s30] =	ssyncset.done $0x0  }
0x124: {  	[sflag:s30] =	ssyncadd.s32 $0xFFFFCE00  }
0x125: {  	[bflag:$0x0] =	sbarrier.arrive $0xFFFF  }
0x126: {  	s23 =	simm.s32 $0xEC40;
	s31 =	rddreg [dreg:$0x7]  }
0x127: {  	[spmem:s31] =	stream.linear.scatter [tilespmem:s23], [sflag:$0xB], $0x3200, $0x38;
	[tilespmem:$0x1EC80] =	vst v63  }
0x128: {  	_ =	swait.ge [sflag:s30], $0x3200  }
0x129: {  	[sflag:s30] =	ssyncset.done $0x0  }
0x12a: {  	[sflag:s30] =	ssyncadd.s32 $0xFFFFCE00  }
0x12b: {  	[spmem:s15] =	stream.linear.scatter [tilespmem:s23], [sflag:$0xB], $0x3200, $0x38;
	[tilespmem:$0x1EC80] =	vst v63  }
0x12c: {  	_ =	swait.ge [sflag:s30], $0x3200  }
0x12d: {  	[sflag:s30] =	ssyncset.done $0x0  }
0x12e: {  	[sflag:s30] =	ssyncadd.s32 $0xFFFFCE00  }
0x12f: {  	[spmem:s21] =	stream.linear.scatter [tilespmem:s23], [sflag:$0xB], $0x3200, $0x38;
	[tilespmem:$0x1EC80] =	vst v63  }
0x130: {  	_ =	swait.ge [sflag:s30], $0x3200  }
0x131: {  	[sflag:s30] =	ssyncset.done $0x0  }
0x132: {  	[sflag:s30] =	ssyncadd.s32 $0xFFFFCE00  }
0x133: {  	[spmem:s22] =	stream.linear.scatter [tilespmem:s23], [sflag:$0xB], $0x3200, $0x38;
	[tilespmem:$0x1EC80] =	vst v63  }
0x134: {  	_ =	swait.ge [sflag:s30], $0x3200  }
0x135: {  	[sflag:s30] =	ssyncset.done $0x0  }
.Ltmp6:
0x136: {  	[sflag:s30] =	ssyncadd.s32 $0xFFFFCE00;
	(pc) =	sbr.rel .LBB2_9-.Ltmp6, $4  }
0x137: {  	[spmem:s25] =	stream.linear.scatter [tilespmem:s23], [sflag:$0xB], $0x3200, $0x38;
	[tilespmem:$0x1EC80] =	vst v63  }
0x138: {  	_ =	swait.ge [sflag:s30], $0x3200  }
0x139: {  	[sflag:s30] =	ssyncset.done $0x0  }
0x13a: {  	[sflag:s30] =	ssyncadd.s32 $0xFFFFCE00  }
.LBB2_8:
0x13b: {  	[bflag:$0x0] =	sbarrier.arrive $0xFFFF  }
.LBB2_9:
0x13c: {  	[bflag:$0x0] =	sbarrier.arrive $0xFFFF;
	s15 =	simm.s32 $0x0  }
0x13d: {  	[tilespmem:s2], [sflag:$0x1] =	stream.indirect.gather [hbm4b:s5+s0], $0x40, s15, s0, $0xb8;
	[tilespmem:$0x1EC80] =	vst v63  }
0x13e: {  	s9 =	simm.s32 $0x80  }
0x13f: {  	[tilespmem:s11], [sflag:$0x2] =	stream.indirect.gather [hbm4b:s5+s0], $0x40, s9, s0, $0xb8;
	[tilespmem:$0x1EC80] =	vst v63  }
0x140: {  	s23 =	simm.s32 $0x100  }
0x141: {  	[tilespmem:s13], [sflag:$0x3] =	stream.indirect.gather [hbm4b:s5+s0], $0x40, s23, s0, $0xb8;
	[tilespmem:$0x1EC80] =	vst v63  }
0x142: {  	_ =	swait.ge [sflag:s14], $0x1F40  }
0x143: {  	[sflag:s14] =	ssyncset.done $0x0  }
0x144: {  	[sflag:s14] =	ssyncadd.s32 $0xFFFFE0C0  }
0x145: {  	[spmem:s1] =	stream.indirect.scatter.add.f32 [tilespmem:s2], [sflag:$0x6], $0x40, s24, s0, $0xb8;
	[tilespmem:$0x1EC80] =	vst v63  }
0x146: {  	s31 =	simm.s32 $0x180  }
0x147: {  	[tilespmem:s8], [sflag:$0x4] =	stream.indirect.gather [hbm4b:s5+s0], $0x40, s31, s0, $0xb8;
	[tilespmem:$0x1EC80] =	vst v63  }
0x148: {  	_ =	swait.ge [sflag:s6], $0x1F40  }
0x149: {  	[sflag:s6] =	ssyncset.done $0x0  }
0x14a: {  	s21 =	simm.s32 $0x2880;
	[sflag:s6] =	ssyncadd.s32 $0xFFFFE0C0  }
0x14b: {  	[spmem:s1] =	stream.indirect.scatter.add.f32 [tilespmem:s11], [sflag:$0x7], $0x40, s21, s0, $0xb8;
	[tilespmem:$0x1EC80] =	vst v63  }
0x14c: {  	s22 =	simm.s32 $0x200  }
0x14d: {  	[tilespmem:s17], [sflag:$0x5] =	stream.indirect.gather [hbm4b:s5+s0], $0x40, s22, s0, $0xb8;
	[tilespmem:$0x1EC80] =	vst v63  }
0x14e: {  	_ =	swait.ge [sflag:s18], $0x1F40  }
0x14f: {  	[sflag:s18] =	ssyncset.done $0x0  }
0x150: {  	s23 =	simm.s32 $0x2900;
	[sflag:s18] =	ssyncadd.s32 $0xFFFFE0C0  }
0x151: {  	[spmem:s1] =	stream.indirect.scatter.add.f32 [tilespmem:s13], [sflag:$0x8], $0x40, s23, s0, $0xb8;
	[tilespmem:$0x1EC80] =	vst v63  }
0x152: {  	_ =	swait.ge [sflag:s20], $0x1F40  }
0x153: {  	[sflag:s20] =	ssyncset.done $0x0  }
0x154: {  	s31 =	simm.s32 $0x280;
	[sflag:s20] =	ssyncadd.s32 $0xFFFFE0C0  }
0x155: {  	[tilespmem:s2], [sflag:$0x1] =	stream.indirect.gather [hbm4b:s5+s0], $0x40, s31, s0, $0xb8;
	[tilespmem:$0x1EC80] =	vst v63  }
0x156: {  	_ =	swait.ge [sflag:s26], $0x1F40  }
0x157: {  	[sflag:s26] =	ssyncset.done $0x0  }
0x158: {  	s21 =	simm.s32 $0x2980;
	[sflag:s26] =	ssyncadd.s32 $0xFFFFE0C0  }
0x159: {  	[spmem:s1] =	stream.indirect.scatter.add.f32 [tilespmem:s8], [sflag:$0x9], $0x40, s21, s0, $0xb8;
	[tilespmem:$0x1EC80] =	vst v63  }
0x15a: {  	_ =	swait.ge [sflag:s12], $0x1F40  }
0x15b: {  	[sflag:s12] =	ssyncset.done $0x0  }
0x15c: {  	s22 =	simm.s32 $0x300;
	[sflag:s12] =	ssyncadd.s32 $0xFFFFE0C0  }
0x15d: {  	[tilespmem:s11], [sflag:$0x2] =	stream.indirect.gather [hbm4b:s5+s0], $0x40, s22, s0, $0xb8;
	[tilespmem:$0x1EC80] =	vst v63  }
0x15e: {  	_ =	swait.ge [sflag:s7], $0x1F40  }
0x15f: {  	[sflag:s7] =	ssyncset.done $0x0  }
0x160: {  	s23 =	simm.s32 $0x2A00;
	[sflag:s7] =	ssyncadd.s32 $0xFFFFE0C0  }
0x161: {  	[spmem:s1] =	stream.indirect.scatter.add.f32 [tilespmem:s17], [sflag:$0xA], $0x40, s23, s0, $0xb8;
	[tilespmem:$0x1EC80] =	vst v63  }
0x162: {  	_ =	swait.ge [sflag:s16], $0x1F40  }
0x163: {  	[sflag:s16] =	ssyncset.done $0x0  }
0x164: {  	s31 =	simm.s32 $0x380;
	[sflag:s16] =	ssyncadd.s32 $0xFFFFE0C0  }
0x165: {  	[tilespmem:s13], [sflag:$0x3] =	stream.indirect.gather [hbm4b:s5+s0], $0x40, s31, s0, $0xb8;
	[tilespmem:$0x1EC80] =	vst v63  }
.LBB2_10:
0x166: {  	_ =	swait.ge [sflag:s14], $0x1F40  }
0x167: {  	s21 =	sshra.s32 s15, $0x2;
	[sflag:s14] =	ssyncset.done $0x0  }
0x168: {  	s9 =	sadd.s32 $0x2A80, s21;
	[sflag:s14] =	ssyncadd.s32 $0xFFFFE0C0  }
0x169: {  	[spmem:s1] =	stream.indirect.scatter.add.f32 [tilespmem:s2], [sflag:$0x6], $0x40, s9, s0, $0xb8;
	[tilespmem:$0x1EC80] =	vst v63  }
0x16a: {  	_ =	swait.ge [sflag:s10], $0x1F40  }
0x16b: {  	[sflag:s10] =	ssyncset.done $0x0  }
0x16c: {  	s23 =	sadd.s32 $0x400, s21;
	[sflag:s10] =	ssyncadd.s32 $0xFFFFE0C0  }
0x16d: {  	[tilespmem:s8], [sflag:$0x4] =	stream.indirect.gather [hbm4b:s5+s0], $0x40, s23, s0, $0xb8;
	[tilespmem:$0x1EC80] =	vst v63  }
0x16e: {  	_ =	swait.ge [sflag:s6], $0x1F40  }
0x16f: {  	[sflag:s6] =	ssyncset.done $0x0  }
0x170: {  	s31 =	sadd.s32 $0x2B00, s21;
	[sflag:s6] =	ssyncadd.s32 $0xFFFFE0C0  }
0x171: {  	[spmem:s1] =	stream.indirect.scatter.add.f32 [tilespmem:s11], [sflag:$0x7], $0x40, s31, s0, $0xb8;
	[tilespmem:$0x1EC80] =	vst v63  }
0x172: {  	_ =	swait.ge [sflag:s28], $0x1F40  }
0x173: {  	[sflag:s28] =	ssyncset.done $0x0  }
0x174: {  	s22 =	sadd.s32 $0x480, s21;
	[sflag:s28] =	ssyncadd.s32 $0xFFFFE0C0  }
0x175: {  	[tilespmem:s17], [sflag:$0x5] =	stream.indirect.gather [hbm4b:s5+s0], $0x40, s22, s0, $0xb8;
	[tilespmem:$0x1EC80] =	vst v63  }
0x176: {  	_ =	swait.ge [sflag:s18], $0x1F40  }
0x177: {  	p1 =	seq.s32 s15, $0x8C00;
	[sflag:s18] =	ssyncset.done $0x0  }
0x178: {  	s9 =	simm.s32 @p1 $0x4;
	s23 =	sadd.s32 $0x2B80, s21;
	[sflag:s18] =	ssyncadd.s32 $0xFFFFE0C0  }
0x179: {  	[spmem:s1] =	stream.indirect.scatter.add.f32 [tilespmem:s13], [sflag:$0x8], $0x40, s23, s0, $0xb8;
	[tilespmem:$0x1EC80] =	vst v63  }
0x17a: {  	_ =	swait.ge @p1 [sflag:s9], $0x1F40  }
0x17b: {  	[sflag:s9] =	ssyncset.done @p1 $0x0  }
0x17c: {  	[sflag:s9] =	ssyncadd.s32 @p1 $0xFFFFE0C0;
	s9 =	sshra.s32 @p1 s15, $0x2  }
0x17d: {  	s22 =	simm.s32 @p1 $0x7D;
	s23 =	simm.s32 @p1 $0xADC0;
	s9 =	sadd.s32 @p1 $0x2C00, s9  }
0x17e: {  	[spmem:s1] =	stream.indirect.scatter.add.f32 @p1 [tilespmem:s23], [sflag:$0x9], $0x40, s9, s22, $0xb8;
	[tilespmem:$0x1EC80] =	vst v63  }
0x17f: {  	s9 =	simm.s32 @!p1 $0x6  }
0x180: {  	_ =	swait.ge @!p1 [sflag:s9], $0x1F40  }
0x181: {  	[sflag:s9] =	ssyncset.done @!p1 $0x0  }
0x182: {  	[sflag:s9] =	ssyncadd.s32 @!p1 $0xFFFFE0C0;
	s9 =	sshra.s32 @!p1 s15, $0x2  }
0x183: {  	s31 =	simm.s32 @!p1 $0x5000;
	s23 =	simm.s32 @!p1 $0x7D;
	s22 =	sadd.s32 @!p1 $0x500, s9  }
0x184: {  	[tilespmem:s31], [sflag:$0x1] =	stream.indirect.gather @!p1 [hbm4b:s5+s23], $0x40, s22, s23, $0xb8;
	[tilespmem:$0x1EC80] =	vst v63  }
0x185: {  	s22 =	simm.s32 @!p1 $0x4  }
0x186: {  	_ =	swait.ge @!p1 [sflag:s22], $0x1F40  }
0x187: {  	[sflag:s22] =	ssyncset.done @!p1 $0x0  }
0x188: {  	s31 =	simm.s32 @!p1 $0xADC0;
	[sflag:s22] =	ssyncadd.s32 @!p1 $0xFFFFE0C0;
	s22 =	sadd.s32 @!p1 $0x2C00, s9  }
0x189: {  	[spmem:s1] =	stream.indirect.scatter.add.f32 @!p1 [tilespmem:s31], [sflag:$0x9], $0x40, s22, s23, $0xb8;
	[tilespmem:$0x1EC80] =	vst v63  }
0x18a: {  	s22 =	simm.s32 @!p1 $0x7  }
0x18b: {  	_ =	swait.ge @!p1 [sflag:s22], $0x1F40  }
0x18c: {  	[sflag:s22] =	ssyncset.done @!p1 $0x0  }
0x18d: {  	s9 =	sadd.s32 @!p1 $0x580, s9;
	[sflag:s22] =	ssyncadd.s32 @!p1 $0xFFFFE0C0;
	s22 =	simm.s32 @!p1 $0x6F40  }
0x18e: {  	[tilespmem:s22], [sflag:$0x2] =	stream.indirect.gather @!p1 [hbm4b:s5+s23], $0x40, s9, s23, $0xb8;
	[tilespmem:$0x1EC80] =	vst v63  }
.Ltmp7:
0x18f: {  	_ = 	snop;
	(pc) =	sbr.rel @p1 .LBB2_12-.Ltmp7, $4  }
0x190: {  	_ =	swait.ge [sflag:s7], $0x1F40  }
0x191: {  	[sflag:s7] =	ssyncset.done $0x0  }
0x192: {  	s31 =	sadd.s32 $0x2C80, s21;
	[sflag:s7] =	ssyncadd.s32 $0xFFFFE0C0  }
0x193: {  	[spmem:s1] =	stream.indirect.scatter.add.f32 [tilespmem:s17], [sflag:$0xA], $0x40, s31, s0, $0xb8;
	[tilespmem:$0x1EC80] =	vst v63  }
.Ltmp8:
0x194: {  	(pc) =	sbr.rel .LBB2_10-.Ltmp8, $4  }
0x195: {  	_ =	swait.ge [sflag:s16], $0x1F40  }
0x196: {  	[sflag:s16] =	ssyncset.done $0x0  }
0x197: {  	s9 =	sadd.s32 $0x600, s21;
	s15 =	sadd.s32 $0xA00, s15;
	[sflag:s16] =	ssyncadd.s32 $0xFFFFE0C0  }
0x198: {  	[tilespmem:s13], [sflag:$0x3] =	stream.indirect.gather [hbm4b:s5+s0], $0x40, s9, s0, $0xb8;
	[tilespmem:$0x1EC80] =	vst v63  }
.LBB2_13:
0x199: {  	_ =	sfence.sel $0x180000  }
0x19a: {  	[bflag:$0x0] =	sbarrier.arrive $0xFFFF  }
0x19b: {  	_ =	strace $0x9000004D  }
0x19c: {  	s0 =	stileid.u32;
	[bflag:$0x2] =	sbarrier.arrive $0xFFFF  }
0x19d: {  	p0 =	sne.s32 s0, $0x0;
	s0 =	rddreg [dreg:$0x3]  }
0x19e: {  	s0 =	sadd.s32 @!p0 $0x100000, s0  }
0x19f: {  	[sflag:s0] =	ssyncadd.tile.s32 @!p0 $0x1;
	_ =	shalt  }
.Lfunc_end2:
_tile_overlayer_lowered:
.L_overlay_start_2:
0x1a0: {  	(tag) =	ssettag $0x2  }
0x1a1: {  	s0 =	rddreg [dreg:$0x0];
	s2 =	stileid.u32  }
0x1a2: {  	s1 =	rddreg [dreg:$0x1];
	p0 =	sne.s32 s2, $0x0  }
0x1a3: {  	s3 =	rddreg [dreg:$0x2];
	[bflag:$0x3] =	sbarrier.arrive $0xFFFF;
	s2 =	simm.s32 @!p0 $0x1C0B  }
0x1a4: {  	[timem:s3], [sflag:s2] =	dma.local @!p0 [hbm:s0], s1  }
0x1a5: {  	s0 =	simm.s32 @!p0 $0xB  }
0x1a6: {  	_ =	swait.ge @!p0 [sflag:s0], s1  }
0x1a7: {  	s1 =	ssub.s32 @!p0 $0x0, s1;
	[sflag:s0] =	ssyncset.done @!p0 $0x0  }
0x1a8: {  	[sflag:s0] =	ssyncadd.s32 @!p0 s1  }
0x1a9: {  	[bflag:$0x3] =	sbarrier.arrive $0xFFFF  }
0x1aa: {  	_ =	shalt  }

// kernel: kernel.8.cloned.1.call-start
scs
__scs_entry_jumppad:
0x0: {  	(pc) =	sbr.rel $0x88, $3  }
0x1: {  	(tag) =	ssettag $0x0;
	lr =	simm.s32 $0x1  }
0x2: {  	[smem:$0x3F9D] =	sst lr;
	_ =	strace $0xD0000000  }
0x3: {  	_ = 	snop  }
0x4: {  	_ = 	snop  }
0x5: {  	_ = 	snop  }
0x6: {  	_ = 	snop  }
0x7: {  	_ = 	snop  }
__scs_overlays_trampoline_lowered:
0x8: {  	[smem:$0x3FAC] =	sst s0  }
0x9: {  	[smem:$0x3FAD] =	sst s1  }
0xa: {  	[smem:$0x3FAE] =	sst s2  }
0xb: {  	[smem:$0x3FAF] =	sst s3  }
0xc: {  	[smem:$0x3FB0] =	sst s4  }
0xd: {  	[smem:$0x3FB1] =	sst s5  }
0xe: {  	[smem:$0x3FB2] =	sst s6  }
0xf: {  	[smem:$0x3FB3] =	sst s7  }
0x10: {  	[smem:$0x3FB4] =	sst s8  }
0x11: {  	[smem:$0x3FB5] =	sst s9;
	s0 =	simm.s32 @!p0 $0x0  }
0x12: {  	s1 =	sld [smem:$0x3F9B];
	s0 =	simm.s32 @p0 $0x1  }
0x13: {  	[smem:$0x3FB6] =	sst s0;
	s0 =	simm.s32 @!p1 $0x0  }
0x14: {  	s2 =	sld [smem:$0x3F9A];
	s0 =	simm.s32 @p1 $0x1  }
0x15: {  	[smem:$0x3FB7] =	sst s0;
	s0 =	simm.s32 @!p2 $0x0  }
0x16: {  	s3 =	sld [smem:$0x3FDB];
	s0 =	simm.s32 @p2 $0x1  }
0x17: {  	s4 =	simm.s32 $0x1BF5;
	[smem:$0x3FB9] =	sst s0  }
0x18: {  	s0 =	sld [smem:$0x3F9C];
	_ =	swait.ge [sflag:s4], $0x0  }
0x19: {  	s7 =	sld [smem:$0x3F9D]  }
0x1a: {  	s8 =	sadd.s32 $0xFFFFE003, lr  }
0x1b: {  	s9 =	sadd.s32 $0xFFFFFEF7, lr;
	s5 =	simm.s32 $0xFFFFFFFF;
	p2 =	slt.u32 s8, $0xFFFFF086  }
0x1c: {  	p1 =	slt.u32 s9, $0xF7A;
	s5 =	simm.s32 @!p2 $0x0  }
0x1d: {  	s5 =	simm.s32 @p1 $0x1;
	p0 =	seq.s32 s7, s2  }
0x1e: {  	s7 =	smul.u32 @!p0 $0xF7A, s2;
	p2 =	seq.s32 @!p0 s5, $0x0  }
0x1f: {  	s9 =	smul.u32 $0xF7A, s1;
	s8 =	simm.s32 @!p0 $0x1BF5;
	p2 =	por !p2, p0  }
0x20: {  	[sflag:s8] =	ssyncset.s32 @!p0 $0xFFFFF086;
	s6 =	sadd.s32 @!p0 s3, s7;
	s7 =	simm.s32 @!p0 $0x108  }
0x21: {  	s3 =	sadd.s32 s3, s9;
	s6 =	sadd.s32 @!p0 $0x88, s6;
	s7 =	simm.s32 @p2 $0x1082  }
0x22: {  	[simem:s7], [sflag:s8] =	dma.local @!p0 [hbm:s6], $0xF7A  }
0x23: {  	s9 =	sor.u32 $0xD0000000, s2;
	s6 =	simm.s32 $0x108;
	_ =	swait.ge @!p0 [sflag:s8], $0x0  }
0x24: {  	s3 =	sadd.s32 $0x88, s3;
	s6 =	simm.s32 @!p1 $0x1082;
	[sflag:s4] =	ssyncset.s32 $0xFFFFF086  }
0x25: {  	[simem:s6], [sflag:s4] =	dma.local [hbm:s3], $0xF7A  }
0x26: {  	[smem:$0x3F9D] =	sst s1;
	(tag) =	ssettag s2;
	_ =	strace s9  }
0x27: {  	s1 =	sld [smem:$0x3FAD]  }
0x28: {  	s2 =	sld [smem:$0x3FAE]  }
0x29: {  	s4 =	sld [smem:$0x3FB0]  }
0x2a: {  	p0 =	seq.s32 s5, $0x0;
	s5 =	sld [smem:$0x3FB1]  }
0x2b: {  	s6 =	sld [smem:$0x3FB2]  }
0x2c: {  	s7 =	sld [smem:$0x3FB3]  }
0x2d: {  	s3 =	simm.s32 $0x108;
	s8 =	sld [smem:$0x3FB4]  }
0x2e: {  	s3 =	simm.s32 @!p0 $0x1082;
	s9 =	sld [smem:$0x3FB5]  }
0x2f: {  	lr =	sadd.s32 s0, s3;
	s0 =	sld [smem:$0x3FAC]  }
0x30: {  	s3 =	sld [smem:$0x3FAF]  }
0x31: {  	[smem:$0x3FB8] =	sst s10  }
0x32: {  	s10 =	sld [smem:$0x3FB6];
	_ =	sdelay $0x3  }
0x33: {  	p0 =	seq.s32 s10, $0x1;
	s10 =	sld [smem:$0x3FB8];
	_ =	sdelay $0x3  }
0x34: {  	[smem:$0x3FB8] =	sst s10  }
0x35: {  	s10 =	sld [smem:$0x3FB7];
	_ =	sdelay $0x3  }
0x36: {  	p1 =	seq.s32 s10, $0x1;
	s10 =	sld [smem:$0x3FB8];
	_ =	sdelay $0x3  }
0x37: {  	[smem:$0x3FB8] =	sst s10  }
0x38: {  	s10 =	sld [smem:$0x3FB9]  }
0x39: {  	_ = 	snop;
	(pc) =	sbr.ind lr, $3  }
0x3a: {  	_ = 	snop  }
0x3b: {  	_ = 	snop  }
0x3c: {  	p2 =	seq.s32 s10, $0x1;
	s10 =	sld [smem:$0x3FB8]  }
0x3d: {  	_ =	shalt  }
0x3e: {  	_ =	shalt  }
0x3f: {  	_ =	shalt  }
0x40: {  	_ =	shalt  }
0x41: {  	_ =	shalt  }
0x42: {  	_ =	shalt  }
0x43: {  	_ =	shalt  }
0x44: {  	_ =	shalt  }
0x45: {  	_ =	shalt  }
0x46: {  	_ =	shalt  }
0x47: {  	_ =	shalt  }
0x48: {  	_ =	shalt  }
0x49: {  	_ =	shalt  }
0x4a: {  	_ =	shalt  }
0x4b: {  	_ =	shalt  }
0x4c: {  	_ =	shalt  }
0x4d: {  	_ =	shalt  }
0x4e: {  	_ =	shalt  }
0x4f: {  	_ =	shalt  }
0x50: {  	_ =	shalt  }
0x51: {  	_ =	shalt  }
0x52: {  	_ =	shalt  }
0x53: {  	_ =	shalt  }
0x54: {  	_ =	shalt  }
0x55: {  	_ =	shalt  }
0x56: {  	_ =	shalt  }
0x57: {  	_ =	shalt  }
0x58: {  	_ =	shalt  }
0x59: {  	_ =	shalt  }
0x5a: {  	_ =	shalt  }
0x5b: {  	_ =	shalt  }
0x5c: {  	_ =	shalt  }
0x5d: {  	_ =	shalt  }
0x5e: {  	_ =	shalt  }
0x5f: {  	_ =	shalt  }
0x60: {  	_ =	shalt  }
0x61: {  	_ =	shalt  }
0x62: {  	_ =	shalt  }
0x63: {  	_ =	shalt  }
0x64: {  	_ =	shalt  }
0x65: {  	_ =	shalt  }
0x66: {  	_ =	shalt  }
0x67: {  	_ =	shalt  }
0x68: {  	_ =	shalt  }
0x69: {  	_ =	shalt  }
0x6a: {  	_ =	shalt  }
0x6b: {  	_ =	shalt  }
0x6c: {  	_ =	shalt  }
0x6d: {  	_ =	shalt  }
0x6e: {  	_ =	shalt  }
0x6f: {  	_ =	shalt  }
0x70: {  	_ =	shalt  }
0x71: {  	_ =	shalt  }
0x72: {  	_ =	shalt  }
0x73: {  	_ =	shalt  }
0x74: {  	_ =	shalt  }
0x75: {  	_ =	shalt  }
0x76: {  	_ =	shalt  }
0x77: {  	_ =	shalt  }
0x78: {  	_ =	shalt  }
0x79: {  	_ =	shalt  }
0x7a: {  	_ =	shalt  }
0x7b: {  	_ =	shalt  }
0x7c: {  	_ =	shalt  }
0x7d: {  	_ =	shalt  }
0x7e: {  	_ =	shalt  }
0x7f: {  	_ =	shalt  }
0x80: {  	_ =	shalt  }
0x81: {  	_ =	shalt  }
0x82: {  	_ =	shalt  }
0x83: {  	_ =	shalt  }
0x84: {  	_ =	shalt  }
0x85: {  	_ =	shalt  }
0x86: {  	_ =	shalt  }
0x87: {  	_ =	shalt  }
.Lfunc_end0:
.L_simem_size_0:
called_computation_lowered:
.L_overlay_start_0:
0x88: {  	s2 =	sld [smem:$0x3FD9]  }
0x89: {  	s3 =	sld [smem:$0x3FFE];
	_ =	sdelay $0x1  }
0x8a: {  	s1 =	srdreg.scid  }
0x8b: {  	s0 =	sand.u32 $0x1, s1  }
0x8c: {  	s17 =	sshll.u32 s0, $0xA;
	s2 =	sadd.s32 s3, s2  }
0x8d: {  	s2 =	sadd.s32 s2, s17  }
0x8e: {  	[smem:$0x3FC4] =	sst s2  }
0x8f: {  	_ = 	snop  }
0x90: {  	s2 =	sld [smem:$0x3FD0];
	(tm) =	ssettm $0x1  }
0x91: {  	s18 =	sld [smem:$0x3FFB];
	_ =	sdelay $0x3  }
0x92: {  	_ =	strace s18  }
0x93: {  	s3 =	sld [smem:$0x3FFC];
	_ =	sdelay $0x3  }
0x94: {  	_ =	strace s3  }
0x95: {  	s3 =	sld [smem:$0x3FFD];
	_ =	sdelay $0x3  }
0x96: {  	_ =	strace s3  }
0x97: {  	_ =	strace $0x8FFFFFFF  }
0x98: {  	s19 =	sld [smem:$0x3FDB];
	_ =	sdelay $0x1  }
0x99: {  	s4 =	simm.s32 $_scs_section_size  }
0x9a: {  	s5 =	simm.s32 $_size__tile_overlayer_lowered;
	s6 =	simm.s32 $_tile_overlayer_lowered  }
0x9b: {  	s22 =	simm.s32 $0x1BFF;
	s21 =	sshll.u32 s6, $0x1;
	s3 =	sadd.s32 s4, s19  }
0x9c: {  	s7 =	simm.s32 $0x0;
	s20 =	sshll.u32 s5, $0x1;
	s5 =	sadd.s32 s21, s3  }
0x9d: {  	[timem:s7], [sflag:s22] =	dma.local [hbm:s5], s20  }
0x9e: {  	_ =	swait.ge [sflag:s22], s20  }
0x9f: {  	s4 =	ssub.s32 $0x0, s20;
	[sflag:s22] =	ssyncset.done $0x0  }
0xa0: {  	[sflag:s22] =	ssyncadd.s32 s4;
	_ =	sdelay $0x1  }
0xa1: {  	s23 =	simm.s32 $0x1B8B  }
0xa2: {  	_ =	swait.ge [sflag:s23], $0x1  }
0xa3: {  	[sflag:s23] =	ssyncset.done $0x0  }
0xa4: {  	s25 =	simm.s32 $0x1B8E;
	s24 =	sld [smem:$0x3FFE];
	[sflag:s23] =	ssyncadd.s32 $0xFFFFFFFF  }
0xa5: {  	s26 =	simm.s32 $execute0_lowered;
	[smem:$0x3FD2] =	sst s25  }
0xa6: {  	s5 =	sshll.u32 s26, $0x1;
	_ =	strace $0x80000046;
	[dreg:$0x1] =	wrdreg $0xFFFFFFFF  }
0xa7: {  	s28 =	simm.s32 $_size_execute0_lowered;
	s3 =	sadd.s32 s3, s5;
	[dreg:$0x0] =	wrdreg $0x0  }
0xa8: {  	s5 =	sshll.u32 s28, $0x1;
	[dreg:$0x2] =	wrdreg s3  }
0xa9: {  	[dreg:$0x3] =	wrdreg s5  }
0xaa: {  	[dreg:$0x4] =	wrdreg $0xC0  }
0xab: {  	_ =	task [dreg:s7], $0x5FFFF  }
0xac: {  	[dreg:$0x1] =	wrdreg $0xFFFFFFFF  }
0xad: {  	[dreg:$0x0] =	wrdreg $0x60  }
0xae: {  	[dreg:$0x2] =	wrdreg s2  }
0xaf: {  	[dreg:$0x3] =	wrdreg s24  }
0xb0: {  	[dreg:$0x4] =	wrdreg $0x2C680  }
0xb1: {  	[dreg:$0x5] =	wrdreg $0x9  }
0xb2: {  	_ =	task.clear_ibuf [dreg:s7], $0x6FFFF;
	_ =	strace $0x90000046  }
0xb3: {  	s29 =	simm.s32 $0x9;
	_ =	strace $0x80000048  }
0xb4: {  	_ =	swait.ge [sflag:s29], $0x1  }
0xb5: {  	[sflag:s29] =	ssyncadd.s32 $0xFFFFFFFF  }
0xb6: {  	_ =	strace $0x90000048  }
0xb7: {  	_ =	sfence  }
0xb8: {  	s30 =	sld [smem:$0x0];
	_ =	sdelay $0x2  }
0xb9: {  	s31 =	sshll.u32 s1, $0xD;
	s1 =	sshrl.u32 s1, $0x2  }
0xba: {  	s3 =	sand.u32 $0x4000, s31;
	s1 =	sadd.s32 s1, s30  }
0xbb: {  	s0 =	sor.u32 s3, s0;
	s1 =	sshll.u32 s1, $0x11  }
0xbc: {  	s0 =	sor.u32 s1, s0  }
0xbd: {  	s0 =	sadd.s32 $0x8F2B, s0  }
0xbe: {  	[sflag:s0] =	ssyncadd.remote.s32 $0x1  }
0xbf: {  	_ =	sfence.sel $0xFFFF  }
0xc0: {  	[dreg:$0x0] =	wrdreg $0xFFFFFFFF;
	(pc) =	sbr.abs _section_cstart, $3  }
0xc1: {  	[dreg:$0x1] =	wrdreg $0xFFFFFFFF  }
0xc2: {  	_ =	task.clear_ibuf [dreg:s7], $0x2FFFF;
	_ =	strace $0x9FFFFFFF  }
0xc3: {  	(tm) =	ssettm $0x7FFFFFFF  }
tec
execute0_lowered:
.L_overlay_start_1:
0x0: {  	(tag) =	ssettag $0x1  }
0x1: {  	s4 =	rddreg [dreg:$0x0]  }
0x2: {  	s5 =	rddreg [dreg:$0x1]  }
0x3: {  	s2 =	rddreg [dreg:$0x2]  }
0x4: {  	s3 =	srdreg.scid;
	s1 =	stileid.u32  }
0x5: {  	s0 =	rddreg [dreg:$0x3];
	s7 =	smul.u32 $0x3E8, s1  }
0x6: {  	s6 =	sand.u32 $0x1, s3;
	s3 =	simm.s32 $0x0;
	s10 =	smul.u32 $0xFA0, s1  }
0x7: {  	p0 =	sgt.u32 s1, $0x9;
	s8 =	smul.u32 $0x2710, s6;
	s9 =	sshll.u32 s6, $0x4  }
0x8: {  	[smem:$0x7FF] =	sst s3;
	s6 =	ssub.s32 $0x2, s6;
	s9 =	sor.u32 s1, s9  }
0x9: {  	_ =	strace $0x80000047;
	s29 =	sshrl.u32 s6, $0x1;
	s9 =	smul.u32 $0x2800, s9  }
0xa: {  	s30 =	sshrl.u32 s10, $0x2;
	s10 =	simm.s32 $0x7D;
	s8 =	sadd.s32 s7, s8  }
0xb: {  	s11 =	ssub.s32 s6, s29;
	s8 =	sshrl.u32 s8, $0x3;
	s9 =	sshrl.u32 s9, $0x3  }
0xc: {  	s6 =	sadd.s32 s7, s2;
	s8 =	sadd.s32 s8, s5;
	s31 =	sadd.s32 s4, s9  }
0xd: {  	s4 =	sadd.s32 s30, s2;
	s7 =	sadd.s32 $0x2000, s8;
	s8 =	smax.u32 s11, $0x1  }
0xe: {  	v0 =	vimm.f32 $1.000000000e+00;
	v1 =	vimm.f32 $0.0e+00;
	s9 =	simm.s32 $0x1;
	s11 =	simm.s32 $0x2800;
	s5 =	sadd.s32 $0xA000, s31  }
.LBB2_1:
0xf: {  	[tilespmem:$0x2800] =	vst v0  }
0x10: {  	[tilespmem:$0x2810] =	vst v0  }
0x11: {  	[tilespmem:$0x2820] =	vst v0  }
0x12: {  	[tilespmem:$0x2830] =	vst v0  }
0x13: {  	[tilespmem:$0x2840] =	vst v0  }
0x14: {  	[tilespmem:$0x2850] =	vst v0  }
0x15: {  	[tilespmem:$0x2860] =	vst v0  }
0x16: {  	[tilespmem:$0x2870] =	vst v0;
	s12 =	simm.s32 $0x40;
	s13 =	simm.s32 $0x0  }
.LBB2_2:
0x17: {  	p1 =	sne.s32 s12, $0xF40;
	[tilespmem:s13+$0x2880] =	vst v1;
	s13 =	smov.u32 s12;
	s12 =	sadd.s32 $0x40, s12  }
.Ltmp0:
0x18: {  	(pc) =	sbr.rel @p1 .LBB2_2-.Ltmp0, $2  }
0x19: {  	_ =	sdelay $0x2  }
0x1a: {  	s13 =	sshra.s32 s13, $0x2  }
0x1b: {  	[tilespmem:s13+$0x2880] =	vst v1;
	s12 =	simm.s32 @!p0 $0x2880  }
0x1c: {  	[spmem:s4] =	stream.linear.scatter @!p0 [tilespmem:s12], [sflag:$0x1], $0x3E8, $0x38;
	[tilespmem:$0x2EE0] =	vst v63  }
0x1d: {  	s12 =	simm.s32 @!p0 $0x1  }
0x1e: {  	_ =	swait.ge @!p0 [sflag:s12], $0x3E8  }
0x1f: {  	[sflag:s12] =	ssyncset.done @!p0 $0x0  }
0x20: {  	s30 =	simm.s32 $0x0;
	[sflag:s12] =	ssyncadd.s32 @!p0 $0xFFFFFC18  }
0x21: {  	[tilespmem:s30], [sflag:$0x1] =	stream.linear.gather [hbm4b:s5+s30], $0x2800, $0x38;
	[tilespmem:$0x2EE0] =	vst v63  }
0x22: {  	_ =	swait.ge [sflag:s9], $0x2800  }
0x23: {  	[sflag:s9] =	ssyncset.done $0x0  }
0x24: {  	[sflag:s9] =	ssyncadd.s32 $0xFFFFD800  }
0x25: {  	s31 =	simm.s32 $0x0;
	[bflag:$0x0] =	sbarrier.arrive $0xFFFF  }
0x26: {  	[spmem:s2] =	stream.indirect.scatter.add.f32 [tilespmem:s11], [sflag:$0x1], $0x1, s31, s10, $0xb8;
	[tilespmem:$0x2EE0] =	vst v63  }
0x27: {  	_ =	swait.ge [sflag:s9], $0x7D  }
0x28: {  	s12 =	simm.s32 $0x200;
	[sflag:s9] =	ssyncset.done $0x0  }
.LBB2_4:
0x29: {  	s13 =	sshra.s32 s12, $0x2;
	[sflag:s9] =	ssyncadd.s32 $0xFFFFFF83;
	p1 =	sne.s32 s12, $0x9E00  }
0x2a: {  	[spmem:s2] =	stream.indirect.scatter.add.f32 [tilespmem:s11], [sflag:$0x1], $0x1, s13, s10, $0xb8;
	[tilespmem:$0x2EE0] =	vst v63  }
.Ltmp1:
0x2b: {  	_ = 	snop;
	(pc) =	sbr.rel @p1 .LBB2_4-.Ltmp1, $4  }
0x2c: {  	_ = 	snop  }
0x2d: {  	s12 =	sadd.s32 $0x200, s12  }
0x2e: {  	_ =	swait.ge [sflag:s9], $0x7D  }
0x2f: {  	[sflag:s9] =	ssyncset.done $0x0  }
0x30: {  	[sflag:s9] =	ssyncadd.s32 $0xFFFFFF83  }
0x31: {  	s12 =	simm.s32 @!p0 $0x2880;
	s13 =	simm.s32 @!p0 $0x1;
	[bflag:$0x0] =	sbarrier.arrive $0xFFFF  }
0x32: {  	[tilespmem:s12], [sflag:$0x1] =	stream.linear.gather @!p0 [spmem:s6], $0x3E8, $0x38;
	[tilespmem:$0x2EE0] =	vst v63  }
0x33: {  	s3 =	sadd.s32 $0x1, s3;
	_ =	swait.ge @!p0 [sflag:s13], $0x3E8  }
0x34: {  	p1 =	sne.s32 s3, s8;
	[sflag:s13] =	ssyncset.done @!p0 $0x0  }
.Ltmp2:
0x35: {  	s14 =	simm.s32 @!p0 $0x0;
	[sflag:s13] =	ssyncadd.s32 @!p0 $0xFFFFFC18;
	(pc) =	sbr.rel @p1 .LBB2_1-.Ltmp2, $4  }
0x36: {  	[hbm4b:s7+s14] =	stream.linear.scatter @!p0 [tilespmem:s12], [sflag:$0x1], $0x3E8, $0x38;
	[tilespmem:$0x2EE0] =	vst v63  }
0x37: {  	_ =	swait.ge @!p0 [sflag:s13], $0x3E8  }
0x38: {  	[sflag:s13] =	ssyncset.done @!p0 $0x0  }
0x39: {  	[sflag:s13] =	ssyncadd.s32 @!p0 $0xFFFFFC18  }
0x3a: {  	_ =	sfence.sel $0x180000  }
0x3b: {  	[bflag:$0x0] =	sbarrier.arrive $0xFFFF  }
0x3c: {  	p0 =	sne.s32 s1, $0x0;
	_ =	strace $0x90000047  }
0x3d: {  	s0 =	sadd.s32 @!p0 $0x100000, s0;
	[bflag:$0x2] =	sbarrier.arrive $0xFFFF  }
0x3e: {  	[sflag:s0] =	ssyncadd.tile.s32 @!p0 $0x1;
	_ =	shalt  }
.Lfunc_end2:
_tile_overlayer_lowered:
.L_overlay_start_2:
0x3f: {  	(tag) =	ssettag $0x2  }
0x40: {  	s0 =	rddreg [dreg:$0x0];
	s2 =	stileid.u32  }
0x41: {  	s1 =	rddreg [dreg:$0x1];
	p0 =	sne.s32 s2, $0x0  }
0x42: {  	s3 =	rddreg [dreg:$0x2];
	[bflag:$0x3] =	sbarrier.arrive $0xFFFF;
	s2 =	simm.s32 @!p0 $0x1C01  }
0x43: {  	[timem:s3], [sflag:s2] =	dma.local @!p0 [hbm:s0], s1  }
0x44: {  	s0 =	simm.s32 @!p0 $0x1  }
0x45: {  	_ =	swait.ge @!p0 [sflag:s0], s1  }
0x46: {  	s1 =	ssub.s32 @!p0 $0x0, s1;
	[sflag:s0] =	ssyncset.done @!p0 $0x0  }
0x47: {  	[sflag:s0] =	ssyncadd.s32 @!p0 s1  }
0x48: {  	[bflag:$0x3] =	sbarrier.arrive $0xFFFF  }
0x49: {  	_ =	shalt  }

</sc_bundles>
